<compile_context>
chip_gen: v7x
topology: tpu7x:2x2x1
jax: 0.10.2.dev20260603
libtpu: 0.0.44.dev20260713+nightly
codegen_flags: <defaults>
</compile_context>

<pallas_src>
import functools

import jax
import jax.numpy as jnp
from jax import lax
from jax.experimental import pallas as pl
from jax.experimental.pallas import tpu as pltpu
from jax.experimental.pallas import tpu_sc as plsc

N = 10000
E = 320000
H = 128

NC = 2
NS = 16
NW = NC * NS

RPW = 320
SCROWS = NS * RPW
ACC_N = 5248
ZR = ACC_N // NS

INC = 4096
NIC = (E + INC - 1) // INC
E_IN = NIC * INC
PAD_DST = 16383

FB = 4096
SB = FB + 256 + 16
SEL_CAP = (NIC + 1) * INC

K = 128

_sc_mesh = plsc.VectorSubcoreMesh(core_axis_name="c", subcore_axis_name="s")


@functools.partial(
    pl.kernel,
    out_type=[
        jax.ShapeDtypeStruct((NW * SEL_CAP,), jnp.int32),
        jax.ShapeDtypeStruct((NW * 16,), jnp.int32),
    ],
    mesh=_sc_mesh,
    compiler_params=pltpu.CompilerParams(needs_layout_passes=False),
    scratch_types=[
        pltpu.VMEM((2 * INC,), jnp.int32),
        pltpu.VMEM((SB,), jnp.int32),
        pltpu.VMEM((16,), jnp.int32),
        pltpu.SemaphoreType.DMA,
    ],
)
def _select(edges_in, tr_pack, sel_pack, counts,
            in_p, sb_p, cnt_v, sem_a):
    cid = lax.axis_index("c")
    sid = lax.axis_index("s")
    wid = cid * NS + sid
    off = cid * SCROWS
    glo = wid * RPW
    ghi = glo + RPW

    selbase = wid * SEL_CAP

    pltpu.sync_copy(tr_pack.at[pl.ds(wid * SB, SB)], sb_p)

    pltpu.async_copy(edges_in.at[pl.ds(0, INC)], in_p.at[pl.ds(0, INC)], sem_a)

    def chunk_body(c, carry):
        bc0, ct0 = carry
        cb = lax.rem(c, 2)
        pltpu.make_async_copy(edges_in.at[pl.ds(c * INC, INC)], in_p.at[pl.ds(cb * INC, INC)], sem_a).wait()

        @pl.when(c + 1 < NIC)
        def _():
            nb = lax.rem(c + 1, 2)
            pltpu.async_copy(edges_in.at[pl.ds((c + 1) * INC, INC)], in_p.at[pl.ds(nb * INC, INC)], sem_a)

        def grp_body(g, carry2):
            bc, ct = carry2
            base = cb * INC + g * 256
            for v in range(16):
                o = base + v * 16
                p = in_p[pl.ds(o, 16)]
                pd = p & 16383
                m = (pd >= glo) & (pd < ghi)
                mi = jnp.where(m, 1, 0)
                cs = jnp.cumsum(mi)
                pos = (bc - 1) + cs
                packed = ((p >> 14) << 13) | (pd - off)
                plsc.store_scatter(sb_p, [pos], packed, mask=m)
                bc = bc + cs[15]

            need = bc >= FB

            @pl.when(need)
            def _():
                cta = pl.multiple_of(selbase + ct, FB)
                pltpu.sync_copy(sb_p.at[pl.ds(0, FB)], sel_pack.at[pl.ds(cta, FB)])
                for t in range(17):
                    sb_p[pl.ds(16 * t, 16)] = sb_p[pl.ds(FB + 16 * t, 16)]
                pltpu.sync_copy(tr_pack.at[pl.ds(wid * SB + 272, SB - 272)],
                                sb_p.at[pl.ds(272, SB - 272)])

            bc = jnp.where(need, bc - FB, bc)
            ct = jnp.where(need, ct + FB, ct)
            return (bc, ct)

        return lax.fori_loop(0, 16, grp_body, (bc0, ct0))

    bc, ct = lax.fori_loop(0, NIC, chunk_body,
                           (jnp.int32(0), jnp.int32(0)))

    cta = pl.multiple_of(selbase + ct, FB)
    pltpu.sync_copy(sb_p.at[pl.ds(0, FB)], sel_pack.at[pl.ds(cta, FB)])

    total = ct + bc
    cnt_v[...] = total * jnp.ones((16,), jnp.int32)
    pltpu.sync_copy(cnt_v, counts.at[pl.ds(wid * 16, 16)])


@functools.partial(
    pl.kernel,
    out_type=jax.ShapeDtypeStruct((NC, SCROWS, H), jnp.float32),
    mesh=_sc_mesh,
    compiler_params=pltpu.CompilerParams(needs_layout_passes=False),
    scratch_types=[
        pltpu.VMEM((K,), jnp.int32),
        pltpu.VMEM((K,), jnp.int32),
        pltpu.VMEM((1, K), jnp.int32),
        pltpu.VMEM((1, K), jnp.int32),
        pltpu.VMEM((1, K), jnp.int32),
        pltpu.VMEM((1, K), jnp.int32),
        pltpu.VMEM((K, H), jnp.float32),
        pltpu.VMEM((K, H), jnp.float32),
        pltpu.VMEM((16,), jnp.int32),
        pltpu.VMEM_SHARED((ACC_N, H), jnp.float32),
        pltpu.SemaphoreType.DMA,
        pltpu.SemaphoreType.DMA,
    ],
)
def _segsum(h_hbm, sel_pack, counts, zero_hbm, out_hbm,
            pk0, pk1, si0, si1, di0, di1, rows0, rows1, cnt_v, acc, sem0, sem1):
    cid = lax.axis_index("c")
    sid = lax.axis_index("s")
    wid = cid * NS + sid

    pltpu.sync_copy(zero_hbm, acc.at[pl.ds(sid * ZR, ZR)])
    plsc.subcore_barrier()

    selbase = wid * SEL_CAP
    pltpu.sync_copy(counts.at[pl.ds(wid * 16, 16)], cnt_v)
    n_chunks = lax.div(jnp.max(cnt_v[...]) + (K - 1), K)
    npairs = lax.div(n_chunks + 1, 2)

    pk = (pk0, pk1)
    si = (si0, si1)
    di = (di0, di1)
    rows = (rows0, rows1)
    sems = (sem0, sem1)

    def load_unpack(o, b):
        pltpu.sync_copy(sel_pack.at[pl.ds(o, K)], pk[b])
        for t in range(K // 16):
            p = pk[b][pl.ds(16 * t, 16)]
            si[b][0, pl.ds(16 * t, 16)] = p >> 13
            di[b][0, pl.ds(16 * t, 16)] = p & 8191

    @pl.when(n_chunks > 0)
    def _():
        load_unpack(pl.multiple_of(selbase, K), 0)
        pltpu.async_copy(h_hbm.at[si0.at[0]], rows0, sem0)

    def step(j, b):
        @pl.when(j < n_chunks)
        def _():
            pltpu.make_async_copy(h_hbm.at[si[b].at[0]], rows[b], sems[b]).wait()

            @pl.when(j + 1 < n_chunks)
            def _():
                nb = 1 - b
                load_unpack(pl.multiple_of(selbase + (j + 1) * K, K), nb)
                pltpu.async_copy(h_hbm.at[si[nb].at[0]], rows[nb], sems[nb])

            pltpu.sync_copy(rows[b], acc.at[di[b].at[0]], add=True)

    def pair_body(p, carry):
        step(2 * p, 0)
        step(2 * p + 1, 1)
        return carry

    lax.fori_loop(0, npairs, pair_body, jnp.int32(0))
    plsc.subcore_barrier()

    pltpu.sync_copy(
        acc.at[pl.ds(sid * RPW, RPW)],
        out_hbm.at[cid, pl.ds(sid * RPW, RPW)],
    )


R = 2000
NB = N // R


def _dense_a_body(h_ref, a_ref, w1_ref, b1_ref, w2_ref, b2_ref, u_ref, st_ref):
    i = pl.program_id(0)
    hs = h_ref[...] + a_ref[...]
    t = jnp.maximum(
        jnp.dot(hs, w1_ref[...], preferred_element_type=jnp.float32) + b1_ref[...], 0.0
    )
    u = jnp.dot(t, w2_ref[...], preferred_element_type=jnp.float32) + b2_ref[...]
    u_ref[...] = u
    st = jnp.sum(u, 0, keepdims=True)

    @pl.when(i == 0)
    def _():
        st_ref[...] = st

    @pl.when(i != 0)
    def _():
        st_ref[...] = st_ref[...] + st


_dense_a = pl.pallas_call(
    _dense_a_body,
    grid=(NB,),
    in_specs=[
        pl.BlockSpec((R, H), lambda i: (i, 0)),
        pl.BlockSpec((R, H), lambda i: (i, 0)),
        pl.BlockSpec((H, H), lambda i: (0, 0)),
        pl.BlockSpec((1, H), lambda i: (0, 0)),
        pl.BlockSpec((H, H), lambda i: (0, 0)),
        pl.BlockSpec((1, H), lambda i: (0, 0)),
    ],
    out_specs=[
        pl.BlockSpec((R, H), lambda i: (i, 0)),
        pl.BlockSpec((1, H), lambda i: (0, 0)),
    ],
    out_shape=[
        jax.ShapeDtypeStruct((N, H), jnp.float32),
        jax.ShapeDtypeStruct((1, H), jnp.float32),
    ],
)


def _dense_v_body(u_ref, st_ref, v_ref):
    i = pl.program_id(0)
    d = u_ref[...] - st_ref[...] / N
    v = jnp.sum(d * d, 0, keepdims=True)

    @pl.when(i == 0)
    def _():
        v_ref[...] = v

    @pl.when(i != 0)
    def _():
        v_ref[...] = v_ref[...] + v


_dense_v = pl.pallas_call(
    _dense_v_body,
    grid=(NB,),
    in_specs=[
        pl.BlockSpec((R, H), lambda i: (i, 0)),
        pl.BlockSpec((1, H), lambda i: (0, 0)),
    ],
    out_specs=pl.BlockSpec((1, H), lambda i: (0, 0)),
    out_shape=jax.ShapeDtypeStruct((1, H), jnp.float32),
)


def _dense_b_body(u_ref, st_ref, v_ref, g_ref, be_ref, h_ref):
    mean = st_ref[...] / N
    var = v_ref[...] / N
    h_ref[...] = jnp.maximum(
        (u_ref[...] - mean) / jnp.sqrt(var + 1e-5) * g_ref[...] + be_ref[...], 0.0
    )


_dense_b = pl.pallas_call(
    _dense_b_body,
    grid=(NB,),
    in_specs=[
        pl.BlockSpec((R, H), lambda i: (i, 0)),
        pl.BlockSpec((1, H), lambda i: (0, 0)),
        pl.BlockSpec((1, H), lambda i: (0, 0)),
        pl.BlockSpec((1, H), lambda i: (0, 0)),
        pl.BlockSpec((1, H), lambda i: (0, 0)),
    ],
    out_specs=pl.BlockSpec((R, H), lambda i: (i, 0)),
    out_shape=jax.ShapeDtypeStruct((N, H), jnp.float32),
)


def _dense_bf_body(u_ref, st_ref, v_ref, g_ref, be_ref, wf_ref, bf_ref, o_ref):
    mean = st_ref[...] / N
    var = v_ref[...] / N
    hn = jnp.maximum((u_ref[...] - mean) / jnp.sqrt(var + 1e-5) * g_ref[...] + be_ref[...], 0.0)
    o_ref[...] = (
        jnp.dot(hn, wf_ref[...], preferred_element_type=jnp.float32) + bf_ref[...]
    )


_dense_bf = pl.pallas_call(
    _dense_bf_body,
    grid=(NB,),
    in_specs=[
        pl.BlockSpec((R, H), lambda i: (i, 0)),
        pl.BlockSpec((1, H), lambda i: (0, 0)),
        pl.BlockSpec((1, H), lambda i: (0, 0)),
        pl.BlockSpec((1, H), lambda i: (0, 0)),
        pl.BlockSpec((1, H), lambda i: (0, 0)),
        pl.BlockSpec((H, 1), lambda i: (0, 0)),
        pl.BlockSpec((1, 1), lambda i: (0, 0)),
    ],
    out_specs=pl.BlockSpec((R, 1), lambda i: (i, 0)),
    out_shape=jax.ShapeDtypeStruct((N, 1), jnp.float32),
)


def kernel(x, edge_index, w1_0, b1_0, w2_0, b2_0, g_0, be_0, w1_1, b1_1, w2_1, b2_1,
           g_1, be_1, w1_2, b1_2, w2_2, b2_2, g_2, be_2, wf, bf):
    src = edge_index[0].astype(jnp.int32)
    dst = edge_index[1].astype(jnp.int32)
    pad_in = E_IN - E
    packed_edges = (src << 14) | dst
    edges_in = jnp.concatenate([packed_edges, jnp.full((pad_in,), PAD_DST, jnp.int32)])

    widv = jnp.arange(NW, dtype=jnp.int32)
    tr_s = (widv * 311) % N
    tr_d = SCROWS + (widv % NS)
    tr_pack = jnp.broadcast_to(((tr_s << 13) | tr_d)[:, None], (NW, SB)).reshape(-1)
    zeros = jnp.zeros((ZR, H), jnp.float32)

    sel_pack, counts = _select(edges_in, tr_pack)

    params = [
        (w1_0, b1_0, w2_0, b2_0, g_0, be_0),
        (w1_1, b1_1, w2_1, b2_1, g_1, be_1),
        (w1_2, b1_2, w2_2, b2_2, g_2, be_2),
    ]

    h = x
    out = None
    for l, (w1, b1, w2, b2, g, be) in enumerate(params):
        p = _segsum(h, sel_pack, counts, zeros)
        agg = jnp.concatenate([p[0], p[1][: N - SCROWS]], axis=0)
        u, st = _dense_a(h, agg, w1, b1.reshape(1, H), w2, b2.reshape(1, H))
        v = _dense_v(u, st)
        if l < 2:
            h = _dense_b(u, st, v, g.reshape(1, H), be.reshape(1, H))
        else:
            out = _dense_bf(u, st, v, g.reshape(1, H), be.reshape(1, H),
                            wf, bf.reshape(1, 1))
    return out

# --- scband reference (transcript-rebuilt; emitter-appended) ---
"""Pipeline reference for scband-customer-actor-15040975470999 (READ-ONLY COPY).

The authoritative reference and input builder live on the scoring server;
editing this copy changes nothing except your own understanding.
"""

import jax, jax.numpy as jnp
import numpy as np

N = 10000
E = 320000
D = 128
H = 128
L = 3

def setup_inputs(seed: int = 0):
    key = jax.random.key(seed)
    ks = jax.random.split(key, 32)
    inp = {}
    inp['x'] = jax.random.normal(ks[0], (N, D), dtype=jnp.float32)
    inp['edge_index'] = jax.random.randint(ks[1], (2, E), 0, N)
    for l in range(L):
        din = D if l == 0 else H
        base = 2 + 2 * l
        inp[f'w1_{l}'] = jax.random.normal(ks[base + 0], (din, H), dtype=jnp.float32) * (1.0 / np.sqrt(din))
        inp[f'b1_{l}'] = jnp.zeros((H,), dtype=jnp.float32)
        inp[f'w2_{l}'] = jax.random.normal(ks[base + 1], (H, H), dtype=jnp.float32) * (1.0 / np.sqrt(H))
        inp[f'b2_{l}'] = jnp.zeros((H,), dtype=jnp.float32)
        inp[f'g_{l}'] = jnp.ones((H,), dtype=jnp.float32)
        inp[f'be_{l}'] = jnp.zeros((H,), dtype=jnp.float32)
    inp['wf'] = jax.random.normal(ks[30], (H, 1), dtype=jnp.float32) * (1.0 / np.sqrt(H))
    inp['bf'] = jnp.zeros((1,), dtype=jnp.float32)
    return inp

def _gin_layer(x, edge_index, w1, b1, w2, b2, g, be):
    # GINConv(mlp) with default eps=0: h = mlp((1+eps)*x + sum_{j in N(i)} x_j)
    src = edge_index[0]
    dst = edge_index[1]
    agg = jax.ops.segment_sum(x[src], dst, num_segments=x.shape[0])
    h = x + agg
    h = h @ w1 + b1
    h = jax.nn.relu(h)
    h = h @ w2 + b2
    # BatchNorm1d in training mode: batch statistics over node dim, biased var
    mean = jnp.mean(h, axis=0)
    var = jnp.var(h, axis=0)
    h = (h - mean) / jnp.sqrt(var + 1e-5) * g + be
    return jax.nn.relu(h)

def reference(x, edge_index, w1_0, b1_0, w2_0, b2_0, g_0, be_0, w1_1, b1_1, w2_1, b2_1, g_1, be_1, w1_2, b1_2, w2_2, b2_2, g_2, be_2, wf, bf):
    params = [(w1_0, b1_0, w2_0, b2_0, g_0, be_0), (w1_1, b1_1, w2_1, b2_1, g_1, be_1), (w1_2, b1_2, w2_2, b2_2, g_2, be_2)]
    h = x
    for (w1, b1, w2, b2, g, be) in params:
        h = _gin_layer(h, edge_index, w1, b1, w2, b2, g, be)
    return h @ wf + bf

if __name__ == "__main__":
    import jax
    _d = setup_inputs()
    print(jax.jit(kernel)(*tuple(_d.values())))

</pallas_src>

<mosaic_0001>
#map = affine_map<(d0, d1) -> (0, 0)>
#map1 = affine_map<(d0, d1) -> (0)>
#map2 = affine_map<(d0, d1) -> (0, 0, 0)>
module attributes {stable_mosaic.version = 14 : i64} {
  func.func @_segsum(%arg0: i32, %arg1: i32, %arg2: memref<10000x128xf32, #tpu.memory_space<hbm>>, %arg3: memref<10485760xi32, #tpu.memory_space<hbm>>, %arg4: memref<512xi32, #tpu.memory_space<hbm>>, %arg5: memref<328x128xf32, #tpu.memory_space<hbm>>, %arg6: memref<2x5120x128xf32, #tpu.memory_space<hbm>>, %arg7: memref<128xi32, #tpu.memory_space<vmem>>, %arg8: memref<128xi32, #tpu.memory_space<vmem>>, %arg9: memref<1x128xi32, #tpu.memory_space<vmem>>, %arg10: memref<1x128xi32, #tpu.memory_space<vmem>>, %arg11: memref<1x128xi32, #tpu.memory_space<vmem>>, %arg12: memref<1x128xi32, #tpu.memory_space<vmem>>, %arg13: memref<128x128xf32, #tpu.memory_space<vmem>>, %arg14: memref<128x128xf32, #tpu.memory_space<vmem>>, %arg15: memref<16xi32, #tpu.memory_space<vmem>>, %arg16: memref<5248x128xf32, #tpu.memory_space<vmem_shared>>, %arg17: memref<!tpu.dma_semaphore, #tpu.memory_space<semaphore_mem>>, %arg18: memref<!tpu.dma_semaphore, #tpu.memory_space<semaphore_mem>>) attributes {dimension_semantics = [#tpu.dimension_semantics<core_parallel>, #tpu.dimension_semantics<subcore_parallel>], iteration_bounds = array<i64: 2, 16>, scalar_prefetch = 0 : i64, scratch_operands = 12 : i64, tpu.core_type = #tpu.core_type<sc_vector_subcore>, window_params = [{transform_indices = #map}, {transform_indices = #map1}, {transform_indices = #map1}, {transform_indices = #map}, {transform_indices = #map2}]} {
    %mul3A = arith.constant 16 : i32
    %mul3A_0 = arith.muli %arg0, %mul3A : i32
    %add3A = arith.addi %mul3A_0, %arg1 : i32
    %mul3A_1 = arith.constant 328 : i32
    %mul3A_2 = arith.muli %arg1, %mul3A_1 : i32
    "tpu.region"() ({
      %run_scoped3A = tpu.sem_alloc : memref<!tpu.dma_semaphore, #tpu.memory_space<semaphore_mem>>
      %dma_start3A = arith.constant 0 : i32
      %dma_start3A_38 = tpu.memref_slice %arg16[%mul3A_2, %dma_start3A] : memref<5248x128xf32, #tpu.memory_space<vmem_shared>> -> memref<328x128xf32, #tpu.memory_space<vmem_shared>>
      tpu.enqueue_dma source(%arg5 : memref<328x128xf32, #tpu.memory_space<hbm>>) target(%dma_start3A_38 : memref<328x128xf32, #tpu.memory_space<vmem_shared>>) target_semaphore(%run_scoped3A : memref<!tpu.dma_semaphore, #tpu.memory_space<semaphore_mem>>)
      %dma_wait3A = arith.constant 0 : i32
      %dma_wait3A_39 = tpu.memref_slice %arg16[%mul3A_2, %dma_wait3A] : memref<5248x128xf32, #tpu.memory_space<vmem_shared>> -> memref<328x128xf32, #tpu.memory_space<vmem_shared>>
      tpu.wait_dma2 semaphore(%run_scoped3A : memref<!tpu.dma_semaphore, #tpu.memory_space<semaphore_mem>>) src(%arg5 : memref<328x128xf32, #tpu.memory_space<hbm>>) dst(%dma_wait3A_39 : memref<328x128xf32, #tpu.memory_space<vmem_shared>>)
      tpu.yield
    }) : () -> ()
    %barrier3A = arith.constant 0 : index
    tpu.barrier barrier_id(%barrier3A)
    %mul3A_3 = arith.constant 327680 : i32
    %mul3A_4 = arith.muli %add3A, %mul3A_3 : i32
    %mul3A_5 = arith.constant 16 : i32
    %mul3A_6 = arith.muli %add3A, %mul3A_5 : i32
    "tpu.region"() ({
      %run_scoped3A = tpu.sem_alloc : memref<!tpu.dma_semaphore, #tpu.memory_space<semaphore_mem>>
      %dma_start3A = tpu.memref_slice %arg4[%mul3A_6] : memref<512xi32, #tpu.memory_space<hbm>> -> memref<16xi32, #tpu.memory_space<hbm>>
      %dma_start3A_38 = tpu.memref_slice %arg4[%mul3A_6] : memref<512xi32, #tpu.memory_space<hbm>> -> memref<16xi32, #tpu.memory_space<hbm>>
      tpu.enqueue_dma source(%dma_start3A_38 : memref<16xi32, #tpu.memory_space<hbm>>) target(%arg15 : memref<16xi32, #tpu.memory_space<vmem>>) target_semaphore(%run_scoped3A : memref<!tpu.dma_semaphore, #tpu.memory_space<semaphore_mem>>)
      %dma_wait3A = tpu.memref_slice %arg4[%mul3A_6] : memref<512xi32, #tpu.memory_space<hbm>> -> memref<16xi32, #tpu.memory_space<hbm>>
      %dma_wait3A_39 = tpu.memref_slice %arg4[%mul3A_6] : memref<512xi32, #tpu.memory_space<hbm>> -> memref<16xi32, #tpu.memory_space<hbm>>
      tpu.wait_dma2 semaphore(%run_scoped3A : memref<!tpu.dma_semaphore, #tpu.memory_space<semaphore_mem>>) src(%dma_wait3A_39 : memref<16xi32, #tpu.memory_space<hbm>>) dst(%arg15 : memref<16xi32, #tpu.memory_space<vmem>>)
      tpu.yield
    }) : () -> ()
    %get3A = arith.constant 0 : index
    %get3A_7 = tpu.vector_load %arg15[%get3A] {strides = array<i32>} : memref<16xi32, #tpu.memory_space<vmem>>, vector<16xi32>,
    %reduce_max3A = arith.constant true
    %reduce_max3A_8 = vector.broadcast %reduce_max3A : i1 to vector<16xi1>
    %reduce_max3A_9 = arith.constant -2147483648 : i32
    %reduce_max3A_10 = vector.broadcast %reduce_max3A_9 : i32 to vector<16xi32>
    %reduce_max3A_11 = arith.xori %get3A_7, %reduce_max3A_10 : vector<16xi32>
    %reduce_max3A_12 = tpu.scan <max>, %reduce_max3A_11 masked %reduce_max3A_8 : vector<16xi32>, vector<16xi1> -> vector<16xi32>
    %reduce_max3A_13 = arith.xori %reduce_max3A_12, %reduce_max3A_10 : vector<16xi32>
    %reduce_max3A_14 = vector.extract %reduce_max3A_13[15] : i32 from vector<16xi32>
    %add3A_15 = arith.constant 127 : i32
    %add3A_16 = arith.addi %reduce_max3A_14, %add3A_15 : i32
    %div3A = arith.constant 128 : i32
    %div3A_17 = arith.divsi %add3A_16, %div3A : i32
    %add3A_18 = arith.constant 1 : i32
    %add3A_19 = arith.addi %div3A_17, %add3A_18 : i32
    %div3A_20 = arith.constant 2 : i32
    %div3A_21 = arith.divsi %add3A_19, %div3A_20 : i32
    %gt3A = arith.constant 0 : i32
    %gt3A_22 = arith.cmpi sgt, %div3A_17, %gt3A : i32
    %convert_element_type3A = arith.extui %gt3A_22 : i1 to i32
    %cond3A = arith.constant 0 : i32
    %cond3A_23 = arith.cmpi ne, %convert_element_type3A, %cond3A : i32
    scf.if %cond3A_23 {
      %multiple_of3A = tpu.assume_multiple %mul3A_4, 128 : i32
      "tpu.region"() ({
        %run_scoped3A = tpu.sem_alloc : memref<!tpu.dma_semaphore, #tpu.memory_space<semaphore_mem>>
        %dma_start3A_169 = tpu.memref_slice %arg3[%multiple_of3A] : memref<10485760xi32, #tpu.memory_space<hbm>> -> memref<128xi32, #tpu.memory_space<hbm>>
        %dma_start3A_170 = tpu.memref_slice %arg3[%multiple_of3A] : memref<10485760xi32, #tpu.memory_space<hbm>> -> memref<128xi32, #tpu.memory_space<hbm>>
        tpu.enqueue_dma source(%dma_start3A_170 : memref<128xi32, #tpu.memory_space<hbm>>) target(%arg7 : memref<128xi32, #tpu.memory_space<vmem>>) target_semaphore(%run_scoped3A : memref<!tpu.dma_semaphore, #tpu.memory_space<semaphore_mem>>)
        %dma_wait3A = tpu.memref_slice %arg3[%multiple_of3A] : memref<10485760xi32, #tpu.memory_space<hbm>> -> memref<128xi32, #tpu.memory_space<hbm>>
        %dma_wait3A_171 = tpu.memref_slice %arg3[%multiple_of3A] : memref<10485760xi32, #tpu.memory_space<hbm>> -> memref<128xi32, #tpu.memory_space<hbm>>
        tpu.wait_dma2 semaphore(%run_scoped3A : memref<!tpu.dma_semaphore, #tpu.memory_space<semaphore_mem>>) src(%dma_wait3A_171 : memref<128xi32, #tpu.memory_space<hbm>>) dst(%arg7 : memref<128xi32, #tpu.memory_space<vmem>>)
        tpu.yield
      }) : () -> ()
      %get3A_38 = arith.constant 0 : index
      %get3A_39 = tpu.vector_load %arg7[%get3A_38] {strides = array<i32>} : memref<128xi32, #tpu.memory_space<vmem>>, vector<16xi32>,
      %shift_right_arithmetic3A = arith.constant 13 : i32
      %shift_right_arithmetic3A_40 = vector.broadcast %shift_right_arithmetic3A : i32 to vector<16xi32>
      %shift_right_arithmetic3A_41 = arith.shrsi %get3A_39, %shift_right_arithmetic3A_40 : vector<16xi32>
      %swap3A = arith.constant 0 : i32
      %swap3A_42 = arith.index_cast %swap3A : i32 to index
      %swap3A_43 = arith.constant 0 : index
      %swap3A_44 = tpu.vector_load %arg9[%swap3A_42, %swap3A_43] {strides = array<i32>} : memref<1x128xi32, #tpu.memory_space<vmem>>, vector<16xi32>,
      tpu.vector_store %arg9[%swap3A_42, %swap3A_43], %shift_right_arithmetic3A_41 {strides = array<i32>} : memref<1x128xi32, #tpu.memory_space<vmem>>, vector<16xi32>,
      %and3A = arith.constant 8191 : i32
      %and3A_45 = vector.broadcast %and3A : i32 to vector<16xi32>
      %and3A_46 = arith.andi %get3A_39, %and3A_45 : vector<16xi32>
      %swap3A_47 = arith.constant 0 : i32
      %swap3A_48 = arith.index_cast %swap3A_47 : i32 to index
      %swap3A_49 = arith.constant 0 : index
      %swap3A_50 = tpu.vector_load %arg11[%swap3A_48, %swap3A_49] {strides = array<i32>} : memref<1x128xi32, #tpu.memory_space<vmem>>, vector<16xi32>,
      tpu.vector_store %arg11[%swap3A_48, %swap3A_49], %and3A_46 {strides = array<i32>} : memref<1x128xi32, #tpu.memory_space<vmem>>, vector<16xi32>,
      %get3A_51 = arith.constant 16 : index
      %get3A_52 = tpu.vector_load %arg7[%get3A_51] {strides = array<i32>} : memref<128xi32, #tpu.memory_space<vmem>>, vector<16xi32>,
      %shift_right_arithmetic3A_53 = arith.constant 13 : i32
      %shift_right_arithmetic3A_54 = vector.broadcast %shift_right_arithmetic3A_53 : i32 to vector<16xi32>
      %shift_right_arithmetic3A_55 = arith.shrsi %get3A_52, %shift_right_arithmetic3A_54 : vector<16xi32>
      %swap3A_56 = arith.constant 0 : i32
      %swap3A_57 = arith.index_cast %swap3A_56 : i32 to index
      %swap3A_58 = arith.constant 16 : index
      %swap3A_59 = tpu.vector_load %arg9[%swap3A_57, %swap3A_58] {strides = array<i32>} : memref<1x128xi32, #tpu.memory_space<vmem>>, vector<16xi32>,
      tpu.vector_store %arg9[%swap3A_57, %swap3A_58], %shift_right_arithmetic3A_55 {strides = array<i32>} : memref<1x128xi32, #tpu.memory_space<vmem>>, vector<16xi32>,
      %and3A_60 = arith.constant 8191 : i32
      %and3A_61 = vector.broadcast %and3A_60 : i32 to vector<16xi32>
      %and3A_62 = arith.andi %get3A_52, %and3A_61 : vector<16xi32>
      %swap3A_63 = arith.constant 0 : i32
      %swap3A_64 = arith.index_cast %swap3A_63 : i32 to index
      %swap3A_65 = arith.constant 16 : index
      %swap3A_66 = tpu.vector_load %arg11[%swap3A_64, %swap3A_65] {strides = array<i32>} : memref<1x128xi32, #tpu.memory_space<vmem>>, vector<16xi32>,
      tpu.vector_store %arg11[%swap3A_64, %swap3A_65], %and3A_62 {strides = array<i32>} : memref<1x128xi32, #tpu.memory_space<vmem>>, vector<16xi32>,
      %get3A_67 = arith.constant 32 : index
      %get3A_68 = tpu.vector_load %arg7[%get3A_67] {strides = array<i32>} : memref<128xi32, #tpu.memory_space<vmem>>, vector<16xi32>,
      %shift_right_arithmetic3A_69 = arith.constant 13 : i32
      %shift_right_arithmetic3A_70 = vector.broadcast %shift_right_arithmetic3A_69 : i32 to vector<16xi32>
      %shift_right_arithmetic3A_71 = arith.shrsi %get3A_68, %shift_right_arithmetic3A_70 : vector<16xi32>
      %swap3A_72 = arith.constant 0 : i32
      %swap3A_73 = arith.index_cast %swap3A_72 : i32 to index
      %swap3A_74 = arith.constant 32 : index
      %swap3A_75 = tpu.vector_load %arg9[%swap3A_73, %swap3A_74] {strides = array<i32>} : memref<1x128xi32, #tpu.memory_space<vmem>>, vector<16xi32>,
      tpu.vector_store %arg9[%swap3A_73, %swap3A_74], %shift_right_arithmetic3A_71 {strides = array<i32>} : memref<1x128xi32, #tpu.memory_space<vmem>>, vector<16xi32>,
      %and3A_76 = arith.constant 8191 : i32
      %and3A_77 = vector.broadcast %and3A_76 : i32 to vector<16xi32>
      %and3A_78 = arith.andi %get3A_68, %and3A_77 : vector<16xi32>
      %swap3A_79 = arith.constant 0 : i32
      %swap3A_80 = arith.index_cast %swap3A_79 : i32 to index
      %swap3A_81 = arith.constant 32 : index
      %swap3A_82 = tpu.vector_load %arg11[%swap3A_80, %swap3A_81] {strides = array<i32>} : memref<1x128xi32, #tpu.memory_space<vmem>>, vector<16xi32>,
      tpu.vector_store %arg11[%swap3A_80, %swap3A_81], %and3A_78 {strides = array<i32>} : memref<1x128xi32, #tpu.memory_space<vmem>>, vector<16xi32>,
      %get3A_83 = arith.constant 48 : index
      %get3A_84 = tpu.vector_load %arg7[%get3A_83] {strides = array<i32>} : memref<128xi32, #tpu.memory_space<vmem>>, vector<16xi32>,
      %shift_right_arithmetic3A_85 = arith.constant 13 : i32
      %shift_right_arithmetic3A_86 = vector.broadcast %shift_right_arithmetic3A_85 : i32 to vector<16xi32>
      %shift_right_arithmetic3A_87 = arith.shrsi %get3A_84, %shift_right_arithmetic3A_86 : vector<16xi32>
      %swap3A_88 = arith.constant 0 : i32
      %swap3A_89 = arith.index_cast %swap3A_88 : i32 to index
      %swap3A_90 = arith.constant 48 : index
      %swap3A_91 = tpu.vector_load %arg9[%swap3A_89, %swap3A_90] {strides = array<i32>} : memref<1x128xi32, #tpu.memory_space<vmem>>, vector<16xi32>,
      tpu.vector_store %arg9[%swap3A_89, %swap3A_90], %shift_right_arithmetic3A_87 {strides = array<i32>} : memref<1x128xi32, #tpu.memory_space<vmem>>, vector<16xi32>,
      %and3A_92 = arith.constant 8191 : i32
      %and3A_93 = vector.broadcast %and3A_92 : i32 to vector<16xi32>
      %and3A_94 = arith.andi %get3A_84, %and3A_93 : vector<16xi32>
      %swap3A_95 = arith.constant 0 : i32
      %swap3A_96 = arith.index_cast %swap3A_95 : i32 to index
      %swap3A_97 = arith.constant 48 : index
      %swap3A_98 = tpu.vector_load %arg11[%swap3A_96, %swap3A_97] {strides = array<i32>} : memref<1x128xi32, #tpu.memory_space<vmem>>, vector<16xi32>,
      tpu.vector_store %arg11[%swap3A_96, %swap3A_97], %and3A_94 {strides = array<i32>} : memref<1x128xi32, #tpu.memory_space<vmem>>, vector<16xi32>,
      %get3A_99 = arith.constant 64 : index
      %get3A_100 = tpu.vector_load %arg7[%get3A_99] {strides = array<i32>} : memref<128xi32, #tpu.memory_space<vmem>>, vector<16xi32>,
      %shift_right_arithmetic3A_101 = arith.constant 13 : i32
      %shift_right_arithmetic3A_102 = vector.broadcast %shift_right_arithmetic3A_101 : i32 to vector<16xi32>
      %shift_right_arithmetic3A_103 = arith.shrsi %get3A_100, %shift_right_arithmetic3A_102 : vector<16xi32>
      %swap3A_104 = arith.constant 0 : i32
      %swap3A_105 = arith.index_cast %swap3A_104 : i32 to index
      %swap3A_106 = arith.constant 64 : index
      %swap3A_107 = tpu.vector_load %arg9[%swap3A_105, %swap3A_106] {strides = array<i32>} : memref<1x128xi32, #tpu.memory_space<vmem>>, vector<16xi32>,
      tpu.vector_store %arg9[%swap3A_105, %swap3A_106], %shift_right_arithmetic3A_103 {strides = array<i32>} : memref<1x128xi32, #tpu.memory_space<vmem>>, vector<16xi32>,
      %and3A_108 = arith.constant 8191 : i32
      %and3A_109 = vector.broadcast %and3A_108 : i32 to vector<16xi32>
      %and3A_110 = arith.andi %get3A_100, %and3A_109 : vector<16xi32>
      %swap3A_111 = arith.constant 0 : i32
      %swap3A_112 = arith.index_cast %swap3A_111 : i32 to index
      %swap3A_113 = arith.constant 64 : index
      %swap3A_114 = tpu.vector_load %arg11[%swap3A_112, %swap3A_113] {strides = array<i32>} : memref<1x128xi32, #tpu.memory_space<vmem>>, vector<16xi32>,
      tpu.vector_store %arg11[%swap3A_112, %swap3A_113], %and3A_110 {strides = array<i32>} : memref<1x128xi32, #tpu.memory_space<vmem>>, vector<16xi32>,
      %get3A_115 = arith.constant 80 : index
      %get3A_116 = tpu.vector_load %arg7[%get3A_115] {strides = array<i32>} : memref<128xi32, #tpu.memory_space<vmem>>, vector<16xi32>,
      %shift_right_arithmetic3A_117 = arith.constant 13 : i32
      %shift_right_arithmetic3A_118 = vector.broadcast %shift_right_arithmetic3A_117 : i32 to vector<16xi32>
      %shift_right_arithmetic3A_119 = arith.shrsi %get3A_116, %shift_right_arithmetic3A_118 : vector<16xi32>
      %swap3A_120 = arith.constant 0 : i32
      %swap3A_121 = arith.index_cast %swap3A_120 : i32 to index
      %swap3A_122 = arith.constant 80 : index
      %swap3A_123 = tpu.vector_load %arg9[%swap3A_121, %swap3A_122] {strides = array<i32>} : memref<1x128xi32, #tpu.memory_space<vmem>>, vector<16xi32>,
      tpu.vector_store %arg9[%swap3A_121, %swap3A_122], %shift_right_arithmetic3A_119 {strides = array<i32>} : memref<1x128xi32, #tpu.memory_space<vmem>>, vector<16xi32>,
      %and3A_124 = arith.constant 8191 : i32
      %and3A_125 = vector.broadcast %and3A_124 : i32 to vector<16xi32>
      %and3A_126 = arith.andi %get3A_116, %and3A_125 : vector<16xi32>
      %swap3A_127 = arith.constant 0 : i32
      %swap3A_128 = arith.index_cast %swap3A_127 : i32 to index
      %swap3A_129 = arith.constant 80 : index
      %swap3A_130 = tpu.vector_load %arg11[%swap3A_128, %swap3A_129] {strides = array<i32>} : memref<1x128xi32, #tpu.memory_space<vmem>>, vector<16xi32>,
      tpu.vector_store %arg11[%swap3A_128, %swap3A_129], %and3A_126 {strides = array<i32>} : memref<1x128xi32, #tpu.memory_space<vmem>>, vector<16xi32>,
      %get3A_131 = arith.constant 96 : index
      %get3A_132 = tpu.vector_load %arg7[%get3A_131] {strides = array<i32>} : memref<128xi32, #tpu.memory_space<vmem>>, vector<16xi32>,
      %shift_right_arithmetic3A_133 = arith.constant 13 : i32
      %shift_right_arithmetic3A_134 = vector.broadcast %shift_right_arithmetic3A_133 : i32 to vector<16xi32>
      %shift_right_arithmetic3A_135 = arith.shrsi %get3A_132, %shift_right_arithmetic3A_134 : vector<16xi32>
      %swap3A_136 = arith.constant 0 : i32
      %swap3A_137 = arith.index_cast %swap3A_136 : i32 to index
      %swap3A_138 = arith.constant 96 : index
      %swap3A_139 = tpu.vector_load %arg9[%swap3A_137, %swap3A_138] {strides = array<i32>} : memref<1x128xi32, #tpu.memory_space<vmem>>, vector<16xi32>,
      tpu.vector_store %arg9[%swap3A_137, %swap3A_138], %shift_right_arithmetic3A_135 {strides = array<i32>} : memref<1x128xi32, #tpu.memory_space<vmem>>, vector<16xi32>,
      %and3A_140 = arith.constant 8191 : i32
      %and3A_141 = vector.broadcast %and3A_140 : i32 to vector<16xi32>
      %and3A_142 = arith.andi %get3A_132, %and3A_141 : vector<16xi32>
      %swap3A_143 = arith.constant 0 : i32
      %swap3A_144 = arith.index_cast %swap3A_143 : i32 to index
      %swap3A_145 = arith.constant 96 : index
      %swap3A_146 = tpu.vector_load %arg11[%swap3A_144, %swap3A_145] {strides = array<i32>} : memref<1x128xi32, #tpu.memory_space<vmem>>, vector<16xi32>,
      tpu.vector_store %arg11[%swap3A_144, %swap3A_145], %and3A_142 {strides = array<i32>} : memref<1x128xi32, #tpu.memory_space<vmem>>, vector<16xi32>,
      %get3A_147 = arith.constant 112 : index
      %get3A_148 = tpu.vector_load %arg7[%get3A_147] {strides = array<i32>} : memref<128xi32, #tpu.memory_space<vmem>>, vector<16xi32>,
      %shift_right_arithmetic3A_149 = arith.constant 13 : i32
      %shift_right_arithmetic3A_150 = vector.broadcast %shift_right_arithmetic3A_149 : i32 to vector<16xi32>
      %shift_right_arithmetic3A_151 = arith.shrsi %get3A_148, %shift_right_arithmetic3A_150 : vector<16xi32>
      %swap3A_152 = arith.constant 0 : i32
      %swap3A_153 = arith.index_cast %swap3A_152 : i32 to index
      %swap3A_154 = arith.constant 112 : index
      %swap3A_155 = tpu.vector_load %arg9[%swap3A_153, %swap3A_154] {strides = array<i32>} : memref<1x128xi32, #tpu.memory_space<vmem>>, vector<16xi32>,
      tpu.vector_store %arg9[%swap3A_153, %swap3A_154], %shift_right_arithmetic3A_151 {strides = array<i32>} : memref<1x128xi32, #tpu.memory_space<vmem>>, vector<16xi32>,
      %and3A_156 = arith.constant 8191 : i32
      %and3A_157 = vector.broadcast %and3A_156 : i32 to vector<16xi32>
      %and3A_158 = arith.andi %get3A_148, %and3A_157 : vector<16xi32>
      %swap3A_159 = arith.constant 0 : i32
      %swap3A_160 = arith.index_cast %swap3A_159 : i32 to index
      %swap3A_161 = arith.constant 112 : index
      %swap3A_162 = tpu.vector_load %arg11[%swap3A_160, %swap3A_161] {strides = array<i32>} : memref<1x128xi32, #tpu.memory_space<vmem>>, vector<16xi32>,
      tpu.vector_store %arg11[%swap3A_160, %swap3A_161], %and3A_158 {strides = array<i32>} : memref<1x128xi32, #tpu.memory_space<vmem>>, vector<16xi32>,
      %dma_start3A = arith.constant 0 : i32
      %dma_start3A_163 = arith.constant 0 : i32
      %dma_start3A_164 = tpu.memref_slice %arg9[%dma_start3A, %dma_start3A_163] : memref<1x128xi32, #tpu.memory_space<vmem>> -> memref<1x128xi32, #tpu.memory_space<vmem>>
      %dma_start3A_165 = tpu.memref_squeeze %dma_start3A_164 : memref<1x128xi32, #tpu.memory_space<vmem>> -> memref<128xi32, #tpu.memory_space<vmem>>
      %dma_start3A_166 = arith.constant 0 : i32
      %dma_start3A_167 = arith.constant 0 : i32
      %dma_start3A_168 = tpu.memref_slice %arg2[%dma_start3A_166, %dma_start3A_167] : memref<10000x128xf32, #tpu.memory_space<hbm>> -> memref<10000x128xf32, #tpu.memory_space<hbm>>
      tpu.enqueue_indirect_dma source(%dma_start3A_168 : memref<10000x128xf32, #tpu.memory_space<hbm>>) target(%arg13 : memref<128x128xf32, #tpu.memory_space<vmem>>) offsets(%dma_start3A_165 : memref<128xi32, #tpu.memory_space<vmem>>) semaphore(%arg17 : memref<!tpu.dma_semaphore, #tpu.memory_space<semaphore_mem>>)
    } else {
    }
    %while3A = arith.constant 0 : i32
    %while3A_24 = arith.constant 0 : i32
    %while3A_25 = arith.subi %div3A_21, %while3A_24 : i32
    %while3A_26 = arith.addi %while3A_24, %while3A_25 : i32
    %while3A_27 = arith.constant 1 : i32
    %while3A_28 = arith.divsi %while3A_25, %while3A_27 : i32
    %while3A_29 = arith.muli %while3A_28, %while3A_27 : i32
    %while3A_30 = arith.addi %while3A_24, %while3A_29 : i32
    %while3A_31 = arith.constant 1 : i32
    scf.for %while3A_38 = %while3A_24 to %while3A_30 step %while3A_31  : i32 {
      %mul3A_39 = arith.constant 2 : i32
      %mul3A_40 = arith.muli %mul3A_39, %while3A_38 : i32
      %lt3A = arith.cmpi slt, %mul3A_40, %div3A_17 : i32
      %convert_element_type3A_41 = arith.extui %lt3A : i1 to i32
      %cond3A_42 = arith.constant 0 : i32
      %cond3A_43 = arith.cmpi ne, %convert_element_type3A_41, %cond3A_42 : i32
      scf.if %cond3A_43 {
        %dma_wait3A = arith.constant 0 : i32
        %dma_wait3A_52 = arith.constant 0 : i32
        %dma_wait3A_53 = tpu.memref_slice %arg9[%dma_wait3A, %dma_wait3A_52] : memref<1x128xi32, #tpu.memory_space<vmem>> -> memref<1x128xi32, #tpu.memory_space<vmem>>
        %dma_wait3A_54 = tpu.memref_squeeze %dma_wait3A_53 : memref<1x128xi32, #tpu.memory_space<vmem>> -> memref<128xi32, #tpu.memory_space<vmem>>
        %dma_wait3A_55 = arith.constant 0 : i32
        %dma_wait3A_56 = arith.constant 0 : i32
        %dma_wait3A_57 = tpu.memref_slice %arg2[%dma_wait3A_55, %dma_wait3A_56] : memref<10000x128xf32, #tpu.memory_space<hbm>> -> memref<10000x128xf32, #tpu.memory_space<hbm>>
        tpu.wait_indirect_dma semaphore(%arg17 : memref<!tpu.dma_semaphore, #tpu.memory_space<semaphore_mem>>) src(%dma_wait3A_57 : memref<10000x128xf32, #tpu.memory_space<hbm>>) dst(%arg13 : memref<128x128xf32, #tpu.memory_space<vmem>>)
        %add3A_58 = arith.constant 1 : i32
        %add3A_59 = arith.addi %mul3A_40, %add3A_58 : i32
        %lt3A_60 = arith.cmpi slt, %add3A_59, %div3A_17 : i32
        %convert_element_type3A_61 = arith.extui %lt3A_60 : i1 to i32
        %cond3A_62 = arith.constant 0 : i32
        %cond3A_63 = arith.cmpi ne, %convert_element_type3A_61, %cond3A_62 : i32
        scf.if %cond3A_63 {
          %add3A_64 = arith.constant 1 : i32
          %add3A_65 = arith.addi %mul3A_40, %add3A_64 : i32
          %mul3A_66 = arith.constant 128 : i32
          %mul3A_67 = arith.muli %add3A_65, %mul3A_66 : i32
          %add3A_68 = arith.addi %mul3A_4, %mul3A_67 : i32
          %multiple_of3A = tpu.assume_multiple %add3A_68, 128 : i32
          "tpu.region"() ({
            %run_scoped3A_200 = tpu.sem_alloc : memref<!tpu.dma_semaphore, #tpu.memory_space<semaphore_mem>>
            %dma_start3A_201 = tpu.memref_slice %arg3[%multiple_of3A] : memref<10485760xi32, #tpu.memory_space<hbm>> -> memref<128xi32, #tpu.memory_space<hbm>>
            %dma_start3A_202 = tpu.memref_slice %arg3[%multiple_of3A] : memref<10485760xi32, #tpu.memory_space<hbm>> -> memref<128xi32, #tpu.memory_space<hbm>>
            tpu.enqueue_dma source(%dma_start3A_202 : memref<128xi32, #tpu.memory_space<hbm>>) target(%arg8 : memref<128xi32, #tpu.memory_space<vmem>>) target_semaphore(%run_scoped3A_200 : memref<!tpu.dma_semaphore, #tpu.memory_space<semaphore_mem>>)
            %dma_wait3A_203 = tpu.memref_slice %arg3[%multiple_of3A] : memref<10485760xi32, #tpu.memory_space<hbm>> -> memref<128xi32, #tpu.memory_space<hbm>>
            %dma_wait3A_204 = tpu.memref_slice %arg3[%multiple_of3A] : memref<10485760xi32, #tpu.memory_space<hbm>> -> memref<128xi32, #tpu.memory_space<hbm>>
            tpu.wait_dma2 semaphore(%run_scoped3A_200 : memref<!tpu.dma_semaphore, #tpu.memory_space<semaphore_mem>>) src(%dma_wait3A_204 : memref<128xi32, #tpu.memory_space<hbm>>) dst(%arg8 : memref<128xi32, #tpu.memory_space<vmem>>)
            tpu.yield
          }) : () -> ()
          %get3A_69 = arith.constant 0 : index
          %get3A_70 = tpu.vector_load %arg8[%get3A_69] {strides = array<i32>} : memref<128xi32, #tpu.memory_space<vmem>>, vector<16xi32>,
          %shift_right_arithmetic3A = arith.constant 13 : i32
          %shift_right_arithmetic3A_71 = vector.broadcast %shift_right_arithmetic3A : i32 to vector<16xi32>
          %shift_right_arithmetic3A_72 = arith.shrsi %get3A_70, %shift_right_arithmetic3A_71 : vector<16xi32>
          %swap3A = arith.constant 0 : i32
          %swap3A_73 = arith.index_cast %swap3A : i32 to index
          %swap3A_74 = arith.constant 0 : index
          %swap3A_75 = tpu.vector_load %arg10[%swap3A_73, %swap3A_74] {strides = array<i32>} : memref<1x128xi32, #tpu.memory_space<vmem>>, vector<16xi32>,
          tpu.vector_store %arg10[%swap3A_73, %swap3A_74], %shift_right_arithmetic3A_72 {strides = array<i32>} : memref<1x128xi32, #tpu.memory_space<vmem>>, vector<16xi32>,
          %and3A = arith.constant 8191 : i32
          %and3A_76 = vector.broadcast %and3A : i32 to vector<16xi32>
          %and3A_77 = arith.andi %get3A_70, %and3A_76 : vector<16xi32>
          %swap3A_78 = arith.constant 0 : i32
          %swap3A_79 = arith.index_cast %swap3A_78 : i32 to index
          %swap3A_80 = arith.constant 0 : index
          %swap3A_81 = tpu.vector_load %arg12[%swap3A_79, %swap3A_80] {strides = array<i32>} : memref<1x128xi32, #tpu.memory_space<vmem>>, vector<16xi32>,
          tpu.vector_store %arg12[%swap3A_79, %swap3A_80], %and3A_77 {strides = array<i32>} : memref<1x128xi32, #tpu.memory_space<vmem>>, vector<16xi32>,
          %get3A_82 = arith.constant 16 : index
          %get3A_83 = tpu.vector_load %arg8[%get3A_82] {strides = array<i32>} : memref<128xi32, #tpu.memory_space<vmem>>, vector<16xi32>,
          %shift_right_arithmetic3A_84 = arith.constant 13 : i32
          %shift_right_arithmetic3A_85 = vector.broadcast %shift_right_arithmetic3A_84 : i32 to vector<16xi32>
          %shift_right_arithmetic3A_86 = arith.shrsi %get3A_83, %shift_right_arithmetic3A_85 : vector<16xi32>
          %swap3A_87 = arith.constant 0 : i32
          %swap3A_88 = arith.index_cast %swap3A_87 : i32 to index
          %swap3A_89 = arith.constant 16 : index
          %swap3A_90 = tpu.vector_load %arg10[%swap3A_88, %swap3A_89] {strides = array<i32>} : memref<1x128xi32, #tpu.memory_space<vmem>>, vector<16xi32>,
          tpu.vector_store %arg10[%swap3A_88, %swap3A_89], %shift_right_arithmetic3A_86 {strides = array<i32>} : memref<1x128xi32, #tpu.memory_space<vmem>>, vector<16xi32>,
          %and3A_91 = arith.constant 8191 : i32
          %and3A_92 = vector.broadcast %and3A_91 : i32 to vector<16xi32>
          %and3A_93 = arith.andi %get3A_83, %and3A_92 : vector<16xi32>
          %swap3A_94 = arith.constant 0 : i32
          %swap3A_95 = arith.index_cast %swap3A_94 : i32 to index
          %swap3A_96 = arith.constant 16 : index
          %swap3A_97 = tpu.vector_load %arg12[%swap3A_95, %swap3A_96] {strides = array<i32>} : memref<1x128xi32, #tpu.memory_space<vmem>>, vector<16xi32>,
          tpu.vector_store %arg12[%swap3A_95, %swap3A_96], %and3A_93 {strides = array<i32>} : memref<1x128xi32, #tpu.memory_space<vmem>>, vector<16xi32>,
          %get3A_98 = arith.constant 32 : index
          %get3A_99 = tpu.vector_load %arg8[%get3A_98] {strides = array<i32>} : memref<128xi32, #tpu.memory_space<vmem>>, vector<16xi32>,
          %shift_right_arithmetic3A_100 = arith.constant 13 : i32
          %shift_right_arithmetic3A_101 = vector.broadcast %shift_right_arithmetic3A_100 : i32 to vector<16xi32>
          %shift_right_arithmetic3A_102 = arith.shrsi %get3A_99, %shift_right_arithmetic3A_101 : vector<16xi32>
          %swap3A_103 = arith.constant 0 : i32
          %swap3A_104 = arith.index_cast %swap3A_103 : i32 to index
          %swap3A_105 = arith.constant 32 : index
          %swap3A_106 = tpu.vector_load %arg10[%swap3A_104, %swap3A_105] {strides = array<i32>} : memref<1x128xi32, #tpu.memory_space<vmem>>, vector<16xi32>,
          tpu.vector_store %arg10[%swap3A_104, %swap3A_105], %shift_right_arithmetic3A_102 {strides = array<i32>} : memref<1x128xi32, #tpu.memory_space<vmem>>, vector<16xi32>,
          %and3A_107 = arith.constant 8191 : i32
          %and3A_108 = vector.broadcast %and3A_107 : i32 to vector<16xi32>
          %and3A_109 = arith.andi %get3A_99, %and3A_108 : vector<16xi32>
          %swap3A_110 = arith.constant 0 : i32
          %swap3A_111 = arith.index_cast %swap3A_110 : i32 to index
          %swap3A_112 = arith.constant 32 : index
          %swap3A_113 = tpu.vector_load %arg12[%swap3A_111, %swap3A_112] {strides = array<i32>} : memref<1x128xi32, #tpu.memory_space<vmem>>, vector<16xi32>,
          tpu.vector_store %arg12[%swap3A_111, %swap3A_112], %and3A_109 {strides = array<i32>} : memref<1x128xi32, #tpu.memory_space<vmem>>, vector<16xi32>,
          %get3A_114 = arith.constant 48 : index
          %get3A_115 = tpu.vector_load %arg8[%get3A_114] {strides = array<i32>} : memref<128xi32, #tpu.memory_space<vmem>>, vector<16xi32>,
          %shift_right_arithmetic3A_116 = arith.constant 13 : i32
          %shift_right_arithmetic3A_117 = vector.broadcast %shift_right_arithmetic3A_116 : i32 to vector<16xi32>
          %shift_right_arithmetic3A_118 = arith.shrsi %get3A_115, %shift_right_arithmetic3A_117 : vector<16xi32>
          %swap3A_119 = arith.constant 0 : i32
          %swap3A_120 = arith.index_cast %swap3A_119 : i32 to index
          %swap3A_121 = arith.constant 48 : index
          %swap3A_122 = tpu.vector_load %arg10[%swap3A_120, %swap3A_121] {strides = array<i32>} : memref<1x128xi32, #tpu.memory_space<vmem>>, vector<16xi32>,
          tpu.vector_store %arg10[%swap3A_120, %swap3A_121], %shift_right_arithmetic3A_118 {strides = array<i32>} : memref<1x128xi32, #tpu.memory_space<vmem>>, vector<16xi32>,
          %and3A_123 = arith.constant 8191 : i32
          %and3A_124 = vector.broadcast %and3A_123 : i32 to vector<16xi32>
          %and3A_125 = arith.andi %get3A_115, %and3A_124 : vector<16xi32>
          %swap3A_126 = arith.constant 0 : i32
          %swap3A_127 = arith.index_cast %swap3A_126 : i32 to index
          %swap3A_128 = arith.constant 48 : index
          %swap3A_129 = tpu.vector_load %arg12[%swap3A_127, %swap3A_128] {strides = array<i32>} : memref<1x128xi32, #tpu.memory_space<vmem>>, vector<16xi32>,
          tpu.vector_store %arg12[%swap3A_127, %swap3A_128], %and3A_125 {strides = array<i32>} : memref<1x128xi32, #tpu.memory_space<vmem>>, vector<16xi32>,
          %get3A_130 = arith.constant 64 : index
          %get3A_131 = tpu.vector_load %arg8[%get3A_130] {strides = array<i32>} : memref<128xi32, #tpu.memory_space<vmem>>, vector<16xi32>,
          %shift_right_arithmetic3A_132 = arith.constant 13 : i32
          %shift_right_arithmetic3A_133 = vector.broadcast %shift_right_arithmetic3A_132 : i32 to vector<16xi32>
          %shift_right_arithmetic3A_134 = arith.shrsi %get3A_131, %shift_right_arithmetic3A_133 : vector<16xi32>
          %swap3A_135 = arith.constant 0 : i32
          %swap3A_136 = arith.index_cast %swap3A_135 : i32 to index
          %swap3A_137 = arith.constant 64 : index
          %swap3A_138 = tpu.vector_load %arg10[%swap3A_136, %swap3A_137] {strides = array<i32>} : memref<1x128xi32, #tpu.memory_space<vmem>>, vector<16xi32>,
          tpu.vector_store %arg10[%swap3A_136, %swap3A_137], %shift_right_arithmetic3A_134 {strides = array<i32>} : memref<1x128xi32, #tpu.memory_space<vmem>>, vector<16xi32>,
          %and3A_139 = arith.constant 8191 : i32
          %and3A_140 = vector.broadcast %and3A_139 : i32 to vector<16xi32>
          %and3A_141 = arith.andi %get3A_131, %and3A_140 : vector<16xi32>
          %swap3A_142 = arith.constant 0 : i32
          %swap3A_143 = arith.index_cast %swap3A_142 : i32 to index
          %swap3A_144 = arith.constant 64 : index
          %swap3A_145 = tpu.vector_load %arg12[%swap3A_143, %swap3A_144] {strides = array<i32>} : memref<1x128xi32, #tpu.memory_space<vmem>>, vector<16xi32>,
          tpu.vector_store %arg12[%swap3A_143, %swap3A_144], %and3A_141 {strides = array<i32>} : memref<1x128xi32, #tpu.memory_space<vmem>>, vector<16xi32>,
          %get3A_146 = arith.constant 80 : index
          %get3A_147 = tpu.vector_load %arg8[%get3A_146] {strides = array<i32>} : memref<128xi32, #tpu.memory_space<vmem>>, vector<16xi32>,
          %shift_right_arithmetic3A_148 = arith.constant 13 : i32
          %shift_right_arithmetic3A_149 = vector.broadcast %shift_right_arithmetic3A_148 : i32 to vector<16xi32>
          %shift_right_arithmetic3A_150 = arith.shrsi %get3A_147, %shift_right_arithmetic3A_149 : vector<16xi32>
          %swap3A_151 = arith.constant 0 : i32
          %swap3A_152 = arith.index_cast %swap3A_151 : i32 to index
          %swap3A_153 = arith.constant 80 : index
          %swap3A_154 = tpu.vector_load %arg10[%swap3A_152, %swap3A_153] {strides = array<i32>} : memref<1x128xi32, #tpu.memory_space<vmem>>, vector<16xi32>,
          tpu.vector_store %arg10[%swap3A_152, %swap3A_153], %shift_right_arithmetic3A_150 {strides = array<i32>} : memref<1x128xi32, #tpu.memory_space<vmem>>, vector<16xi32>,
          %and3A_155 = arith.constant 8191 : i32
          %and3A_156 = vector.broadcast %and3A_155 : i32 to vector<16xi32>
          %and3A_157 = arith.andi %get3A_147, %and3A_156 : vector<16xi32>
          %swap3A_158 = arith.constant 0 : i32
          %swap3A_159 = arith.index_cast %swap3A_158 : i32 to index
          %swap3A_160 = arith.constant 80 : index
          %swap3A_161 = tpu.vector_load %arg12[%swap3A_159, %swap3A_160] {strides = array<i32>} : memref<1x128xi32, #tpu.memory_space<vmem>>, vector<16xi32>,
          tpu.vector_store %arg12[%swap3A_159, %swap3A_160], %and3A_157 {strides = array<i32>} : memref<1x128xi32, #tpu.memory_space<vmem>>, vector<16xi32>,
          %get3A_162 = arith.constant 96 : index
          %get3A_163 = tpu.vector_load %arg8[%get3A_162] {strides = array<i32>} : memref<128xi32, #tpu.memory_space<vmem>>, vector<16xi32>,
          %shift_right_arithmetic3A_164 = arith.constant 13 : i32
          %shift_right_arithmetic3A_165 = vector.broadcast %shift_right_arithmetic3A_164 : i32 to vector<16xi32>
          %shift_right_arithmetic3A_166 = arith.shrsi %get3A_163, %shift_right_arithmetic3A_165 : vector<16xi32>
          %swap3A_167 = arith.constant 0 : i32
          %swap3A_168 = arith.index_cast %swap3A_167 : i32 to index
          %swap3A_169 = arith.constant 96 : index
          %swap3A_170 = tpu.vector_load %arg10[%swap3A_168, %swap3A_169] {strides = array<i32>} : memref<1x128xi32, #tpu.memory_space<vmem>>, vector<16xi32>,
          tpu.vector_store %arg10[%swap3A_168, %swap3A_169], %shift_right_arithmetic3A_166 {strides = array<i32>} : memref<1x128xi32, #tpu.memory_space<vmem>>, vector<16xi32>,
          %and3A_171 = arith.constant 8191 : i32
          %and3A_172 = vector.broadcast %and3A_171 : i32 to vector<16xi32>
          %and3A_173 = arith.andi %get3A_163, %and3A_172 : vector<16xi32>
          %swap3A_174 = arith.constant 0 : i32
          %swap3A_175 = arith.index_cast %swap3A_174 : i32 to index
          %swap3A_176 = arith.constant 96 : index
          %swap3A_177 = tpu.vector_load %arg12[%swap3A_175, %swap3A_176] {strides = array<i32>} : memref<1x128xi32, #tpu.memory_space<vmem>>, vector<16xi32>,
          tpu.vector_store %arg12[%swap3A_175, %swap3A_176], %and3A_173 {strides = array<i32>} : memref<1x128xi32, #tpu.memory_space<vmem>>, vector<16xi32>,
          %get3A_178 = arith.constant 112 : index
          %get3A_179 = tpu.vector_load %arg8[%get3A_178] {strides = array<i32>} : memref<128xi32, #tpu.memory_space<vmem>>, vector<16xi32>,
          %shift_right_arithmetic3A_180 = arith.constant 13 : i32
          %shift_right_arithmetic3A_181 = vector.broadcast %shift_right_arithmetic3A_180 : i32 to vector<16xi32>
          %shift_right_arithmetic3A_182 = arith.shrsi %get3A_179, %shift_right_arithmetic3A_181 : vector<16xi32>
          %swap3A_183 = arith.constant 0 : i32
          %swap3A_184 = arith.index_cast %swap3A_183 : i32 to index
          %swap3A_185 = arith.constant 112 : index
          %swap3A_186 = tpu.vector_load %arg10[%swap3A_184, %swap3A_185] {strides = array<i32>} : memref<1x128xi32, #tpu.memory_space<vmem>>, vector<16xi32>,
          tpu.vector_store %arg10[%swap3A_184, %swap3A_185], %shift_right_arithmetic3A_182 {strides = array<i32>} : memref<1x128xi32, #tpu.memory_space<vmem>>, vector<16xi32>,
          %and3A_187 = arith.constant 8191 : i32
          %and3A_188 = vector.broadcast %and3A_187 : i32 to vector<16xi32>
          %and3A_189 = arith.andi %get3A_179, %and3A_188 : vector<16xi32>
          %swap3A_190 = arith.constant 0 : i32
          %swap3A_191 = arith.index_cast %swap3A_190 : i32 to index
          %swap3A_192 = arith.constant 112 : index
          %swap3A_193 = tpu.vector_load %arg12[%swap3A_191, %swap3A_192] {strides = array<i32>} : memref<1x128xi32, #tpu.memory_space<vmem>>, vector<16xi32>,
          tpu.vector_store %arg12[%swap3A_191, %swap3A_192], %and3A_189 {strides = array<i32>} : memref<1x128xi32, #tpu.memory_space<vmem>>, vector<16xi32>,
          %dma_start3A = arith.constant 0 : i32
          %dma_start3A_194 = arith.constant 0 : i32
          %dma_start3A_195 = tpu.memref_slice %arg10[%dma_start3A, %dma_start3A_194] : memref<1x128xi32, #tpu.memory_space<vmem>> -> memref<1x128xi32, #tpu.memory_space<vmem>>
          %dma_start3A_196 = tpu.memref_squeeze %dma_start3A_195 : memref<1x128xi32, #tpu.memory_space<vmem>> -> memref<128xi32, #tpu.memory_space<vmem>>
          %dma_start3A_197 = arith.constant 0 : i32
          %dma_start3A_198 = arith.constant 0 : i32
          %dma_start3A_199 = tpu.memref_slice %arg2[%dma_start3A_197, %dma_start3A_198] : memref<10000x128xf32, #tpu.memory_space<hbm>> -> memref<10000x128xf32, #tpu.memory_space<hbm>>
          tpu.enqueue_indirect_dma source(%dma_start3A_199 : memref<10000x128xf32, #tpu.memory_space<hbm>>) target(%arg14 : memref<128x128xf32, #tpu.memory_space<vmem>>) offsets(%dma_start3A_196 : memref<128xi32, #tpu.memory_space<vmem>>) semaphore(%arg18 : memref<!tpu.dma_semaphore, #tpu.memory_space<semaphore_mem>>)
        } else {
        }
        %run_scoped3A = arith.constant 0 : i32
        "tpu.region"() ({
          %run_scoped3A_64 = tpu.sem_alloc : memref<!tpu.dma_semaphore, #tpu.memory_space<semaphore_mem>>
          %dma_start3A = arith.constant 0 : i32
          %dma_start3A_65 = tpu.memref_slice %arg11[%run_scoped3A, %dma_start3A] : memref<1x128xi32, #tpu.memory_space<vmem>> -> memref<1x128xi32, #tpu.memory_space<vmem>>
          %dma_start3A_66 = tpu.memref_squeeze %dma_start3A_65 : memref<1x128xi32, #tpu.memory_space<vmem>> -> memref<128xi32, #tpu.memory_space<vmem>>
          %dma_start3A_67 = arith.constant 0 : i32
          %dma_start3A_68 = arith.constant 0 : i32
          %dma_start3A_69 = tpu.memref_slice %arg16[%dma_start3A_67, %dma_start3A_68] : memref<5248x128xf32, #tpu.memory_space<vmem_shared>> -> memref<5248x128xf32, #tpu.memory_space<vmem_shared>>
          tpu.enqueue_indirect_dma source(%arg13 : memref<128x128xf32, #tpu.memory_space<vmem>>) target(%dma_start3A_69 : memref<5248x128xf32, #tpu.memory_space<vmem_shared>>) offsets(%dma_start3A_66 : memref<128xi32, #tpu.memory_space<vmem>>) semaphore(%run_scoped3A_64 : memref<!tpu.dma_semaphore, #tpu.memory_space<semaphore_mem>>) {add = true}
          %dma_wait3A_70 = arith.constant 0 : i32
          %dma_wait3A_71 = tpu.memref_slice %arg11[%run_scoped3A, %dma_wait3A_70] : memref<1x128xi32, #tpu.memory_space<vmem>> -> memref<1x128xi32, #tpu.memory_space<vmem>>
          %dma_wait3A_72 = tpu.memref_squeeze %dma_wait3A_71 : memref<1x128xi32, #tpu.memory_space<vmem>> -> memref<128xi32, #tpu.memory_space<vmem>>
          %dma_wait3A_73 = arith.constant 0 : i32
          %dma_wait3A_74 = arith.constant 0 : i32
          %dma_wait3A_75 = tpu.memref_slice %arg16[%dma_wait3A_73, %dma_wait3A_74] : memref<5248x128xf32, #tpu.memory_space<vmem_shared>> -> memref<5248x128xf32, #tpu.memory_space<vmem_shared>>
          tpu.wait_indirect_dma semaphore(%run_scoped3A_64 : memref<!tpu.dma_semaphore, #tpu.memory_space<semaphore_mem>>) src(%arg13 : memref<128x128xf32, #tpu.memory_space<vmem>>) dst(%dma_wait3A_75 : memref<5248x128xf32, #tpu.memory_space<vmem_shared>>)
          tpu.yield
        }) : () -> ()
      } else {
      }
      %mul3A_44 = arith.constant 2 : i32
      %mul3A_45 = arith.muli %mul3A_44, %while3A_38 : i32
      %add3A_46 = arith.constant 1 : i32
      %add3A_47 = arith.addi %mul3A_45, %add3A_46 : i32
      %lt3A_48 = arith.cmpi slt, %add3A_47, %div3A_17 : i32
      %convert_element_type3A_49 = arith.extui %lt3A_48 : i1 to i32
      %cond3A_50 = arith.constant 0 : i32
      %cond3A_51 = arith.cmpi ne, %convert_element_type3A_49, %cond3A_50 : i32
      scf.if %cond3A_51 {
        %dma_wait3A = arith.constant 0 : i32
        %dma_wait3A_52 = arith.constant 0 : i32
        %dma_wait3A_53 = tpu.memref_slice %arg10[%dma_wait3A, %dma_wait3A_52] : memref<1x128xi32, #tpu.memory_space<vmem>> -> memref<1x128xi32, #tpu.memory_space<vmem>>
        %dma_wait3A_54 = tpu.memref_squeeze %dma_wait3A_53 : memref<1x128xi32, #tpu.memory_space<vmem>> -> memref<128xi32, #tpu.memory_space<vmem>>
        %dma_wait3A_55 = arith.constant 0 : i32
        %dma_wait3A_56 = arith.constant 0 : i32
        %dma_wait3A_57 = tpu.memref_slice %arg2[%dma_wait3A_55, %dma_wait3A_56] : memref<10000x128xf32, #tpu.memory_space<hbm>> -> memref<10000x128xf32, #tpu.memory_space<hbm>>
        tpu.wait_indirect_dma semaphore(%arg18 : memref<!tpu.dma_semaphore, #tpu.memory_space<semaphore_mem>>) src(%dma_wait3A_57 : memref<10000x128xf32, #tpu.memory_space<hbm>>) dst(%arg14 : memref<128x128xf32, #tpu.memory_space<vmem>>)
        %add3A_58 = arith.constant 1 : i32
        %add3A_59 = arith.addi %add3A_47, %add3A_58 : i32
        %lt3A_60 = arith.cmpi slt, %add3A_59, %div3A_17 : i32
        %convert_element_type3A_61 = arith.extui %lt3A_60 : i1 to i32
        %cond3A_62 = arith.constant 0 : i32
        %cond3A_63 = arith.cmpi ne, %convert_element_type3A_61, %cond3A_62 : i32
        scf.if %cond3A_63 {
          %add3A_64 = arith.constant 1 : i32
          %add3A_65 = arith.addi %add3A_47, %add3A_64 : i32
          %mul3A_66 = arith.constant 128 : i32
          %mul3A_67 = arith.muli %add3A_65, %mul3A_66 : i32
          %add3A_68 = arith.addi %mul3A_4, %mul3A_67 : i32
          %multiple_of3A = tpu.assume_multiple %add3A_68, 128 : i32
          "tpu.region"() ({
            %run_scoped3A_200 = tpu.sem_alloc : memref<!tpu.dma_semaphore, #tpu.memory_space<semaphore_mem>>
            %dma_start3A_201 = tpu.memref_slice %arg3[%multiple_of3A] : memref<10485760xi32, #tpu.memory_space<hbm>> -> memref<128xi32, #tpu.memory_space<hbm>>
            %dma_start3A_202 = tpu.memref_slice %arg3[%multiple_of3A] : memref<10485760xi32, #tpu.memory_space<hbm>> -> memref<128xi32, #tpu.memory_space<hbm>>
            tpu.enqueue_dma source(%dma_start3A_202 : memref<128xi32, #tpu.memory_space<hbm>>) target(%arg7 : memref<128xi32, #tpu.memory_space<vmem>>) target_semaphore(%run_scoped3A_200 : memref<!tpu.dma_semaphore, #tpu.memory_space<semaphore_mem>>)
            %dma_wait3A_203 = tpu.memref_slice %arg3[%multiple_of3A] : memref<10485760xi32, #tpu.memory_space<hbm>> -> memref<128xi32, #tpu.memory_space<hbm>>
            %dma_wait3A_204 = tpu.memref_slice %arg3[%multiple_of3A] : memref<10485760xi32, #tpu.memory_space<hbm>> -> memref<128xi32, #tpu.memory_space<hbm>>
            tpu.wait_dma2 semaphore(%run_scoped3A_200 : memref<!tpu.dma_semaphore, #tpu.memory_space<semaphore_mem>>) src(%dma_wait3A_204 : memref<128xi32, #tpu.memory_space<hbm>>) dst(%arg7 : memref<128xi32, #tpu.memory_space<vmem>>)
            tpu.yield
          }) : () -> ()
          %get3A_69 = arith.constant 0 : index
          %get3A_70 = tpu.vector_load %arg7[%get3A_69] {strides = array<i32>} : memref<128xi32, #tpu.memory_space<vmem>>, vector<16xi32>,
          %shift_right_arithmetic3A = arith.constant 13 : i32
          %shift_right_arithmetic3A_71 = vector.broadcast %shift_right_arithmetic3A : i32 to vector<16xi32>
          %shift_right_arithmetic3A_72 = arith.shrsi %get3A_70, %shift_right_arithmetic3A_71 : vector<16xi32>
          %swap3A = arith.constant 0 : i32
          %swap3A_73 = arith.index_cast %swap3A : i32 to index
          %swap3A_74 = arith.constant 0 : index
          %swap3A_75 = tpu.vector_load %arg9[%swap3A_73, %swap3A_74] {strides = array<i32>} : memref<1x128xi32, #tpu.memory_space<vmem>>, vector<16xi32>,
          tpu.vector_store %arg9[%swap3A_73, %swap3A_74], %shift_right_arithmetic3A_72 {strides = array<i32>} : memref<1x128xi32, #tpu.memory_space<vmem>>, vector<16xi32>,
          %and3A = arith.constant 8191 : i32
          %and3A_76 = vector.broadcast %and3A : i32 to vector<16xi32>
          %and3A_77 = arith.andi %get3A_70, %and3A_76 : vector<16xi32>
          %swap3A_78 = arith.constant 0 : i32
          %swap3A_79 = arith.index_cast %swap3A_78 : i32 to index
          %swap3A_80 = arith.constant 0 : index
          %swap3A_81 = tpu.vector_load %arg11[%swap3A_79, %swap3A_80] {strides = array<i32>} : memref<1x128xi32, #tpu.memory_space<vmem>>, vector<16xi32>,
          tpu.vector_store %arg11[%swap3A_79, %swap3A_80], %and3A_77 {strides = array<i32>} : memref<1x128xi32, #tpu.memory_space<vmem>>, vector<16xi32>,
          %get3A_82 = arith.constant 16 : index
          %get3A_83 = tpu.vector_load %arg7[%get3A_82] {strides = array<i32>} : memref<128xi32, #tpu.memory_space<vmem>>, vector<16xi32>,
          %shift_right_arithmetic3A_84 = arith.constant 13 : i32
          %shift_right_arithmetic3A_85 = vector.broadcast %shift_right_arithmetic3A_84 : i32 to vector<16xi32>
          %shift_right_arithmetic3A_86 = arith.shrsi %get3A_83, %shift_right_arithmetic3A_85 : vector<16xi32>
          %swap3A_87 = arith.constant 0 : i32
          %swap3A_88 = arith.index_cast %swap3A_87 : i32 to index
          %swap3A_89 = arith.constant 16 : index
          %swap3A_90 = tpu.vector_load %arg9[%swap3A_88, %swap3A_89] {strides = array<i32>} : memref<1x128xi32, #tpu.memory_space<vmem>>, vector<16xi32>,
          tpu.vector_store %arg9[%swap3A_88, %swap3A_89], %shift_right_arithmetic3A_86 {strides = array<i32>} : memref<1x128xi32, #tpu.memory_space<vmem>>, vector<16xi32>,
          %and3A_91 = arith.constant 8191 : i32
          %and3A_92 = vector.broadcast %and3A_91 : i32 to vector<16xi32>
          %and3A_93 = arith.andi %get3A_83, %and3A_92 : vector<16xi32>
          %swap3A_94 = arith.constant 0 : i32
          %swap3A_95 = arith.index_cast %swap3A_94 : i32 to index
          %swap3A_96 = arith.constant 16 : index
          %swap3A_97 = tpu.vector_load %arg11[%swap3A_95, %swap3A_96] {strides = array<i32>} : memref<1x128xi32, #tpu.memory_space<vmem>>, vector<16xi32>,
          tpu.vector_store %arg11[%swap3A_95, %swap3A_96], %and3A_93 {strides = array<i32>} : memref<1x128xi32, #tpu.memory_space<vmem>>, vector<16xi32>,
          %get3A_98 = arith.constant 32 : index
          %get3A_99 = tpu.vector_load %arg7[%get3A_98] {strides = array<i32>} : memref<128xi32, #tpu.memory_space<vmem>>, vector<16xi32>,
          %shift_right_arithmetic3A_100 = arith.constant 13 : i32
          %shift_right_arithmetic3A_101 = vector.broadcast %shift_right_arithmetic3A_100 : i32 to vector<16xi32>
          %shift_right_arithmetic3A_102 = arith.shrsi %get3A_99, %shift_right_arithmetic3A_101 : vector<16xi32>
          %swap3A_103 = arith.constant 0 : i32
          %swap3A_104 = arith.index_cast %swap3A_103 : i32 to index
          %swap3A_105 = arith.constant 32 : index
          %swap3A_106 = tpu.vector_load %arg9[%swap3A_104, %swap3A_105] {strides = array<i32>} : memref<1x128xi32, #tpu.memory_space<vmem>>, vector<16xi32>,
          tpu.vector_store %arg9[%swap3A_104, %swap3A_105], %shift_right_arithmetic3A_102 {strides = array<i32>} : memref<1x128xi32, #tpu.memory_space<vmem>>, vector<16xi32>,
          %and3A_107 = arith.constant 8191 : i32
          %and3A_108 = vector.broadcast %and3A_107 : i32 to vector<16xi32>
          %and3A_109 = arith.andi %get3A_99, %and3A_108 : vector<16xi32>
          %swap3A_110 = arith.constant 0 : i32
          %swap3A_111 = arith.index_cast %swap3A_110 : i32 to index
          %swap3A_112 = arith.constant 32 : index
          %swap3A_113 = tpu.vector_load %arg11[%swap3A_111, %swap3A_112] {strides = array<i32>} : memref<1x128xi32, #tpu.memory_space<vmem>>, vector<16xi32>,
          tpu.vector_store %arg11[%swap3A_111, %swap3A_112], %and3A_109 {strides = array<i32>} : memref<1x128xi32, #tpu.memory_space<vmem>>, vector<16xi32>,
          %get3A_114 = arith.constant 48 : index
          %get3A_115 = tpu.vector_load %arg7[%get3A_114] {strides = array<i32>} : memref<128xi32, #tpu.memory_space<vmem>>, vector<16xi32>,
          %shift_right_arithmetic3A_116 = arith.constant 13 : i32
          %shift_right_arithmetic3A_117 = vector.broadcast %shift_right_arithmetic3A_116 : i32 to vector<16xi32>
          %shift_right_arithmetic3A_118 = arith.shrsi %get3A_115, %shift_right_arithmetic3A_117 : vector<16xi32>
          %swap3A_119 = arith.constant 0 : i32
          %swap3A_120 = arith.index_cast %swap3A_119 : i32 to index
          %swap3A_121 = arith.constant 48 : index
          %swap3A_122 = tpu.vector_load %arg9[%swap3A_120, %swap3A_121] {strides = array<i32>} : memref<1x128xi32, #tpu.memory_space<vmem>>, vector<16xi32>,
          tpu.vector_store %arg9[%swap3A_120, %swap3A_121], %shift_right_arithmetic3A_118 {strides = array<i32>} : memref<1x128xi32, #tpu.memory_space<vmem>>, vector<16xi32>,
          %and3A_123 = arith.constant 8191 : i32
          %and3A_124 = vector.broadcast %and3A_123 : i32 to vector<16xi32>
          %and3A_125 = arith.andi %get3A_115, %and3A_124 : vector<16xi32>
          %swap3A_126 = arith.constant 0 : i32
          %swap3A_127 = arith.index_cast %swap3A_126 : i32 to index
          %swap3A_128 = arith.constant 48 : index
          %swap3A_129 = tpu.vector_load %arg11[%swap3A_127, %swap3A_128] {strides = array<i32>} : memref<1x128xi32, #tpu.memory_space<vmem>>, vector<16xi32>,
          tpu.vector_store %arg11[%swap3A_127, %swap3A_128], %and3A_125 {strides = array<i32>} : memref<1x128xi32, #tpu.memory_space<vmem>>, vector<16xi32>,
          %get3A_130 = arith.constant 64 : index
          %get3A_131 = tpu.vector_load %arg7[%get3A_130] {strides = array<i32>} : memref<128xi32, #tpu.memory_space<vmem>>, vector<16xi32>,
          %shift_right_arithmetic3A_132 = arith.constant 13 : i32
          %shift_right_arithmetic3A_133 = vector.broadcast %shift_right_arithmetic3A_132 : i32 to vector<16xi32>
          %shift_right_arithmetic3A_134 = arith.shrsi %get3A_131, %shift_right_arithmetic3A_133 : vector<16xi32>
          %swap3A_135 = arith.constant 0 : i32
          %swap3A_136 = arith.index_cast %swap3A_135 : i32 to index
          %swap3A_137 = arith.constant 64 : index
          %swap3A_138 = tpu.vector_load %arg9[%swap3A_136, %swap3A_137] {strides = array<i32>} : memref<1x128xi32, #tpu.memory_space<vmem>>, vector<16xi32>,
          tpu.vector_store %arg9[%swap3A_136, %swap3A_137], %shift_right_arithmetic3A_134 {strides = array<i32>} : memref<1x128xi32, #tpu.memory_space<vmem>>, vector<16xi32>,
          %and3A_139 = arith.constant 8191 : i32
          %and3A_140 = vector.broadcast %and3A_139 : i32 to vector<16xi32>
          %and3A_141 = arith.andi %get3A_131, %and3A_140 : vector<16xi32>
          %swap3A_142 = arith.constant 0 : i32
          %swap3A_143 = arith.index_cast %swap3A_142 : i32 to index
          %swap3A_144 = arith.constant 64 : index
          %swap3A_145 = tpu.vector_load %arg11[%swap3A_143, %swap3A_144] {strides = array<i32>} : memref<1x128xi32, #tpu.memory_space<vmem>>, vector<16xi32>,
          tpu.vector_store %arg11[%swap3A_143, %swap3A_144], %and3A_141 {strides = array<i32>} : memref<1x128xi32, #tpu.memory_space<vmem>>, vector<16xi32>,
          %get3A_146 = arith.constant 80 : index
          %get3A_147 = tpu.vector_load %arg7[%get3A_146] {strides = array<i32>} : memref<128xi32, #tpu.memory_space<vmem>>, vector<16xi32>,
          %shift_right_arithmetic3A_148 = arith.constant 13 : i32
          %shift_right_arithmetic3A_149 = vector.broadcast %shift_right_arithmetic3A_148 : i32 to vector<16xi32>
          %shift_right_arithmetic3A_150 = arith.shrsi %get3A_147, %shift_right_arithmetic3A_149 : vector<16xi32>
          %swap3A_151 = arith.constant 0 : i32
          %swap3A_152 = arith.index_cast %swap3A_151 : i32 to index
          %swap3A_153 = arith.constant 80 : index
          %swap3A_154 = tpu.vector_load %arg9[%swap3A_152, %swap3A_153] {strides = array<i32>} : memref<1x128xi32, #tpu.memory_space<vmem>>, vector<16xi32>,
          tpu.vector_store %arg9[%swap3A_152, %swap3A_153], %shift_right_arithmetic3A_150 {strides = array<i32>} : memref<1x128xi32, #tpu.memory_space<vmem>>, vector<16xi32>,
          %and3A_155 = arith.constant 8191 : i32
          %and3A_156 = vector.broadcast %and3A_155 : i32 to vector<16xi32>
          %and3A_157 = arith.andi %get3A_147, %and3A_156 : vector<16xi32>
          %swap3A_158 = arith.constant 0 : i32
          %swap3A_159 = arith.index_cast %swap3A_158 : i32 to index
          %swap3A_160 = arith.constant 80 : index
          %swap3A_161 = tpu.vector_load %arg11[%swap3A_159, %swap3A_160] {strides = array<i32>} : memref<1x128xi32, #tpu.memory_space<vmem>>, vector<16xi32>,
          tpu.vector_store %arg11[%swap3A_159, %swap3A_160], %and3A_157 {strides = array<i32>} : memref<1x128xi32, #tpu.memory_space<vmem>>, vector<16xi32>,
          %get3A_162 = arith.constant 96 : index
          %get3A_163 = tpu.vector_load %arg7[%get3A_162] {strides = array<i32>} : memref<128xi32, #tpu.memory_space<vmem>>, vector<16xi32>,
          %shift_right_arithmetic3A_164 = arith.constant 13 : i32
          %shift_right_arithmetic3A_165 = vector.broadcast %shift_right_arithmetic3A_164 : i32 to vector<16xi32>
          %shift_right_arithmetic3A_166 = arith.shrsi %get3A_163, %shift_right_arithmetic3A_165 : vector<16xi32>
          %swap3A_167 = arith.constant 0 : i32
          %swap3A_168 = arith.index_cast %swap3A_167 : i32 to index
          %swap3A_169 = arith.constant 96 : index
          %swap3A_170 = tpu.vector_load %arg9[%swap3A_168, %swap3A_169] {strides = array<i32>} : memref<1x128xi32, #tpu.memory_space<vmem>>, vector<16xi32>,
          tpu.vector_store %arg9[%swap3A_168, %swap3A_169], %shift_right_arithmetic3A_166 {strides = array<i32>} : memref<1x128xi32, #tpu.memory_space<vmem>>, vector<16xi32>,
          %and3A_171 = arith.constant 8191 : i32
          %and3A_172 = vector.broadcast %and3A_171 : i32 to vector<16xi32>
          %and3A_173 = arith.andi %get3A_163, %and3A_172 : vector<16xi32>
          %swap3A_174 = arith.constant 0 : i32
          %swap3A_175 = arith.index_cast %swap3A_174 : i32 to index
          %swap3A_176 = arith.constant 96 : index
          %swap3A_177 = tpu.vector_load %arg11[%swap3A_175, %swap3A_176] {strides = array<i32>} : memref<1x128xi32, #tpu.memory_space<vmem>>, vector<16xi32>,
          tpu.vector_store %arg11[%swap3A_175, %swap3A_176], %and3A_173 {strides = array<i32>} : memref<1x128xi32, #tpu.memory_space<vmem>>, vector<16xi32>,
          %get3A_178 = arith.constant 112 : index
          %get3A_179 = tpu.vector_load %arg7[%get3A_178] {strides = array<i32>} : memref<128xi32, #tpu.memory_space<vmem>>, vector<16xi32>,
          %shift_right_arithmetic3A_180 = arith.constant 13 : i32
          %shift_right_arithmetic3A_181 = vector.broadcast %shift_right_arithmetic3A_180 : i32 to vector<16xi32>
          %shift_right_arithmetic3A_182 = arith.shrsi %get3A_179, %shift_right_arithmetic3A_181 : vector<16xi32>
          %swap3A_183 = arith.constant 0 : i32
          %swap3A_184 = arith.index_cast %swap3A_183 : i32 to index
          %swap3A_185 = arith.constant 112 : index
          %swap3A_186 = tpu.vector_load %arg9[%swap3A_184, %swap3A_185] {strides = array<i32>} : memref<1x128xi32, #tpu.memory_space<vmem>>, vector<16xi32>,
          tpu.vector_store %arg9[%swap3A_184, %swap3A_185], %shift_right_arithmetic3A_182 {strides = array<i32>} : memref<1x128xi32, #tpu.memory_space<vmem>>, vector<16xi32>,
          %and3A_187 = arith.constant 8191 : i32
          %and3A_188 = vector.broadcast %and3A_187 : i32 to vector<16xi32>
          %and3A_189 = arith.andi %get3A_179, %and3A_188 : vector<16xi32>
          %swap3A_190 = arith.constant 0 : i32
          %swap3A_191 = arith.index_cast %swap3A_190 : i32 to index
          %swap3A_192 = arith.constant 112 : index
          %swap3A_193 = tpu.vector_load %arg11[%swap3A_191, %swap3A_192] {strides = array<i32>} : memref<1x128xi32, #tpu.memory_space<vmem>>, vector<16xi32>,
          tpu.vector_store %arg11[%swap3A_191, %swap3A_192], %and3A_189 {strides = array<i32>} : memref<1x128xi32, #tpu.memory_space<vmem>>, vector<16xi32>,
          %dma_start3A = arith.constant 0 : i32
          %dma_start3A_194 = arith.constant 0 : i32
          %dma_start3A_195 = tpu.memref_slice %arg9[%dma_start3A, %dma_start3A_194] : memref<1x128xi32, #tpu.memory_space<vmem>> -> memref<1x128xi32, #tpu.memory_space<vmem>>
          %dma_start3A_196 = tpu.memref_squeeze %dma_start3A_195 : memref<1x128xi32, #tpu.memory_space<vmem>> -> memref<128xi32, #tpu.memory_space<vmem>>
          %dma_start3A_197 = arith.constant 0 : i32
          %dma_start3A_198 = arith.constant 0 : i32
          %dma_start3A_199 = tpu.memref_slice %arg2[%dma_start3A_197, %dma_start3A_198] : memref<10000x128xf32, #tpu.memory_space<hbm>> -> memref<10000x128xf32, #tpu.memory_space<hbm>>
          tpu.enqueue_indirect_dma source(%dma_start3A_199 : memref<10000x128xf32, #tpu.memory_space<hbm>>) target(%arg13 : memref<128x128xf32, #tpu.memory_space<vmem>>) offsets(%dma_start3A_196 : memref<128xi32, #tpu.memory_space<vmem>>) semaphore(%arg17 : memref<!tpu.dma_semaphore, #tpu.memory_space<semaphore_mem>>)
        } else {
        }
        %run_scoped3A = arith.constant 0 : i32
        "tpu.region"() ({
          %run_scoped3A_64 = tpu.sem_alloc : memref<!tpu.dma_semaphore, #tpu.memory_space<semaphore_mem>>
          %dma_start3A = arith.constant 0 : i32
          %dma_start3A_65 = tpu.memref_slice %arg12[%run_scoped3A, %dma_start3A] : memref<1x128xi32, #tpu.memory_space<vmem>> -> memref<1x128xi32, #tpu.memory_space<vmem>>
          %dma_start3A_66 = tpu.memref_squeeze %dma_start3A_65 : memref<1x128xi32, #tpu.memory_space<vmem>> -> memref<128xi32, #tpu.memory_space<vmem>>
          %dma_start3A_67 = arith.constant 0 : i32
          %dma_start3A_68 = arith.constant 0 : i32
          %dma_start3A_69 = tpu.memref_slice %arg16[%dma_start3A_67, %dma_start3A_68] : memref<5248x128xf32, #tpu.memory_space<vmem_shared>> -> memref<5248x128xf32, #tpu.memory_space<vmem_shared>>
          tpu.enqueue_indirect_dma source(%arg14 : memref<128x128xf32, #tpu.memory_space<vmem>>) target(%dma_start3A_69 : memref<5248x128xf32, #tpu.memory_space<vmem_shared>>) offsets(%dma_start3A_66 : memref<128xi32, #tpu.memory_space<vmem>>) semaphore(%run_scoped3A_64 : memref<!tpu.dma_semaphore, #tpu.memory_space<semaphore_mem>>) {add = true}
          %dma_wait3A_70 = arith.constant 0 : i32
          %dma_wait3A_71 = tpu.memref_slice %arg12[%run_scoped3A, %dma_wait3A_70] : memref<1x128xi32, #tpu.memory_space<vmem>> -> memref<1x128xi32, #tpu.memory_space<vmem>>
          %dma_wait3A_72 = tpu.memref_squeeze %dma_wait3A_71 : memref<1x128xi32, #tpu.memory_space<vmem>> -> memref<128xi32, #tpu.memory_space<vmem>>
          %dma_wait3A_73 = arith.constant 0 : i32
          %dma_wait3A_74 = arith.constant 0 : i32
          %dma_wait3A_75 = tpu.memref_slice %arg16[%dma_wait3A_73, %dma_wait3A_74] : memref<5248x128xf32, #tpu.memory_space<vmem_shared>> -> memref<5248x128xf32, #tpu.memory_space<vmem_shared>>
          tpu.wait_indirect_dma semaphore(%run_scoped3A_64 : memref<!tpu.dma_semaphore, #tpu.memory_space<semaphore_mem>>) src(%arg14 : memref<128x128xf32, #tpu.memory_space<vmem>>) dst(%dma_wait3A_75 : memref<5248x128xf32, #tpu.memory_space<vmem_shared>>)
          tpu.yield
        }) : () -> ()
      } else {
      }
    }
    %while3A_32 = arith.constant 1 : i32
    scf.for %while3A_38 = %while3A_30 to %while3A_26 step %while3A_32  : i32 {
      %mul3A_39 = arith.constant 2 : i32
      %mul3A_40 = arith.muli %mul3A_39, %while3A_38 : i32
      %lt3A = arith.cmpi slt, %mul3A_40, %div3A_17 : i32
      %convert_element_type3A_41 = arith.extui %lt3A : i1 to i32
      %cond3A_42 = arith.constant 0 : i32
      %cond3A_43 = arith.cmpi ne, %convert_element_type3A_41, %cond3A_42 : i32
      scf.if %cond3A_43 {
        %dma_wait3A = arith.constant 0 : i32
        %dma_wait3A_52 = arith.constant 0 : i32
        %dma_wait3A_53 = tpu.memref_slice %arg9[%dma_wait3A, %dma_wait3A_52] : memref<1x128xi32, #tpu.memory_space<vmem>> -> memref<1x128xi32, #tpu.memory_space<vmem>>
        %dma_wait3A_54 = tpu.memref_squeeze %dma_wait3A_53 : memref<1x128xi32, #tpu.memory_space<vmem>> -> memref<128xi32, #tpu.memory_space<vmem>>
        %dma_wait3A_55 = arith.constant 0 : i32
        %dma_wait3A_56 = arith.constant 0 : i32
        %dma_wait3A_57 = tpu.memref_slice %arg2[%dma_wait3A_55, %dma_wait3A_56] : memref<10000x128xf32, #tpu.memory_space<hbm>> -> memref<10000x128xf32, #tpu.memory_space<hbm>>
        tpu.wait_indirect_dma semaphore(%arg17 : memref<!tpu.dma_semaphore, #tpu.memory_space<semaphore_mem>>) src(%dma_wait3A_57 : memref<10000x128xf32, #tpu.memory_space<hbm>>) dst(%arg13 : memref<128x128xf32, #tpu.memory_space<vmem>>)
        %add3A_58 = arith.constant 1 : i32
        %add3A_59 = arith.addi %mul3A_40, %add3A_58 : i32
        %lt3A_60 = arith.cmpi slt, %add3A_59, %div3A_17 : i32
        %convert_element_type3A_61 = arith.extui %lt3A_60 : i1 to i32
        %cond3A_62 = arith.constant 0 : i32
        %cond3A_63 = arith.cmpi ne, %convert_element_type3A_61, %cond3A_62 : i32
        scf.if %cond3A_63 {
          %add3A_64 = arith.constant 1 : i32
          %add3A_65 = arith.addi %mul3A_40, %add3A_64 : i32
          %mul3A_66 = arith.constant 128 : i32
          %mul3A_67 = arith.muli %add3A_65, %mul3A_66 : i32
          %add3A_68 = arith.addi %mul3A_4, %mul3A_67 : i32
          %multiple_of3A = tpu.assume_multiple %add3A_68, 128 : i32
          "tpu.region"() ({
            %run_scoped3A_200 = tpu.sem_alloc : memref<!tpu.dma_semaphore, #tpu.memory_space<semaphore_mem>>
            %dma_start3A_201 = tpu.memref_slice %arg3[%multiple_of3A] : memref<10485760xi32, #tpu.memory_space<hbm>> -> memref<128xi32, #tpu.memory_space<hbm>>
            %dma_start3A_202 = tpu.memref_slice %arg3[%multiple_of3A] : memref<10485760xi32, #tpu.memory_space<hbm>> -> memref<128xi32, #tpu.memory_space<hbm>>
            tpu.enqueue_dma source(%dma_start3A_202 : memref<128xi32, #tpu.memory_space<hbm>>) target(%arg8 : memref<128xi32, #tpu.memory_space<vmem>>) target_semaphore(%run_scoped3A_200 : memref<!tpu.dma_semaphore, #tpu.memory_space<semaphore_mem>>)
            %dma_wait3A_203 = tpu.memref_slice %arg3[%multiple_of3A] : memref<10485760xi32, #tpu.memory_space<hbm>> -> memref<128xi32, #tpu.memory_space<hbm>>
            %dma_wait3A_204 = tpu.memref_slice %arg3[%multiple_of3A] : memref<10485760xi32, #tpu.memory_space<hbm>> -> memref<128xi32, #tpu.memory_space<hbm>>
            tpu.wait_dma2 semaphore(%run_scoped3A_200 : memref<!tpu.dma_semaphore, #tpu.memory_space<semaphore_mem>>) src(%dma_wait3A_204 : memref<128xi32, #tpu.memory_space<hbm>>) dst(%arg8 : memref<128xi32, #tpu.memory_space<vmem>>)
            tpu.yield
          }) : () -> ()
          %get3A_69 = arith.constant 0 : index
          %get3A_70 = tpu.vector_load %arg8[%get3A_69] {strides = array<i32>} : memref<128xi32, #tpu.memory_space<vmem>>, vector<16xi32>,
          %shift_right_arithmetic3A = arith.constant 13 : i32
          %shift_right_arithmetic3A_71 = vector.broadcast %shift_right_arithmetic3A : i32 to vector<16xi32>
          %shift_right_arithmetic3A_72 = arith.shrsi %get3A_70, %shift_right_arithmetic3A_71 : vector<16xi32>
          %swap3A = arith.constant 0 : i32
          %swap3A_73 = arith.index_cast %swap3A : i32 to index
          %swap3A_74 = arith.constant 0 : index
          %swap3A_75 = tpu.vector_load %arg10[%swap3A_73, %swap3A_74] {strides = array<i32>} : memref<1x128xi32, #tpu.memory_space<vmem>>, vector<16xi32>,
          tpu.vector_store %arg10[%swap3A_73, %swap3A_74], %shift_right_arithmetic3A_72 {strides = array<i32>} : memref<1x128xi32, #tpu.memory_space<vmem>>, vector<16xi32>,
          %and3A = arith.constant 8191 : i32
          %and3A_76 = vector.broadcast %and3A : i32 to vector<16xi32>
          %and3A_77 = arith.andi %get3A_70, %and3A_76 : vector<16xi32>
          %swap3A_78 = arith.constant 0 : i32
          %swap3A_79 = arith.index_cast %swap3A_78 : i32 to index
          %swap3A_80 = arith.constant 0 : index
          %swap3A_81 = tpu.vector_load %arg12[%swap3A_79, %swap3A_80] {strides = array<i32>} : memref<1x128xi32, #tpu.memory_space<vmem>>, vector<16xi32>,
          tpu.vector_store %arg12[%swap3A_79, %swap3A_80], %and3A_77 {strides = array<i32>} : memref<1x128xi32, #tpu.memory_space<vmem>>, vector<16xi32>,
          %get3A_82 = arith.constant 16 : index
          %get3A_83 = tpu.vector_load %arg8[%get3A_82] {strides = array<i32>} : memref<128xi32, #tpu.memory_space<vmem>>, vector<16xi32>,
          %shift_right_arithmetic3A_84 = arith.constant 13 : i32
          %shift_right_arithmetic3A_85 = vector.broadcast %shift_right_arithmetic3A_84 : i32 to vector<16xi32>
          %shift_right_arithmetic3A_86 = arith.shrsi %get3A_83, %shift_right_arithmetic3A_85 : vector<16xi32>
          %swap3A_87 = arith.constant 0 : i32
          %swap3A_88 = arith.index_cast %swap3A_87 : i32 to index
          %swap3A_89 = arith.constant 16 : index
          %swap3A_90 = tpu.vector_load %arg10[%swap3A_88, %swap3A_89] {strides = array<i32>} : memref<1x128xi32, #tpu.memory_space<vmem>>, vector<16xi32>,
          tpu.vector_store %arg10[%swap3A_88, %swap3A_89], %shift_right_arithmetic3A_86 {strides = array<i32>} : memref<1x128xi32, #tpu.memory_space<vmem>>, vector<16xi32>,
          %and3A_91 = arith.constant 8191 : i32
          %and3A_92 = vector.broadcast %and3A_91 : i32 to vector<16xi32>
          %and3A_93 = arith.andi %get3A_83, %and3A_92 : vector<16xi32>
          %swap3A_94 = arith.constant 0 : i32
          %swap3A_95 = arith.index_cast %swap3A_94 : i32 to index
          %swap3A_96 = arith.constant 16 : index
          %swap3A_97 = tpu.vector_load %arg12[%swap3A_95, %swap3A_96] {strides = array<i32>} : memref<1x128xi32, #tpu.memory_space<vmem>>, vector<16xi32>,
          tpu.vector_store %arg12[%swap3A_95, %swap3A_96], %and3A_93 {strides = array<i32>} : memref<1x128xi32, #tpu.memory_space<vmem>>, vector<16xi32>,
          %get3A_98 = arith.constant 32 : index
          %get3A_99 = tpu.vector_load %arg8[%get3A_98] {strides = array<i32>} : memref<128xi32, #tpu.memory_space<vmem>>, vector<16xi32>,
          %shift_right_arithmetic3A_100 = arith.constant 13 : i32
          %shift_right_arithmetic3A_101 = vector.broadcast %shift_right_arithmetic3A_100 : i32 to vector<16xi32>
          %shift_right_arithmetic3A_102 = arith.shrsi %get3A_99, %shift_right_arithmetic3A_101 : vector<16xi32>
          %swap3A_103 = arith.constant 0 : i32
          %swap3A_104 = arith.index_cast %swap3A_103 : i32 to index
          %swap3A_105 = arith.constant 32 : index
          %swap3A_106 = tpu.vector_load %arg10[%swap3A_104, %swap3A_105] {strides = array<i32>} : memref<1x128xi32, #tpu.memory_space<vmem>>, vector<16xi32>,
          tpu.vector_store %arg10[%swap3A_104, %swap3A_105], %shift_right_arithmetic3A_102 {strides = array<i32>} : memref<1x128xi32, #tpu.memory_space<vmem>>, vector<16xi32>,
          %and3A_107 = arith.constant 8191 : i32
          %and3A_108 = vector.broadcast %and3A_107 : i32 to vector<16xi32>
          %and3A_109 = arith.andi %get3A_99, %and3A_108 : vector<16xi32>
          %swap3A_110 = arith.constant 0 : i32
          %swap3A_111 = arith.index_cast %swap3A_110 : i32 to index
          %swap3A_112 = arith.constant 32 : index
          %swap3A_113 = tpu.vector_load %arg12[%swap3A_111, %swap3A_112] {strides = array<i32>} : memref<1x128xi32, #tpu.memory_space<vmem>>, vector<16xi32>,
          tpu.vector_store %arg12[%swap3A_111, %swap3A_112], %and3A_109 {strides = array<i32>} : memref<1x128xi32, #tpu.memory_space<vmem>>, vector<16xi32>,
          %get3A_114 = arith.constant 48 : index
          %get3A_115 = tpu.vector_load %arg8[%get3A_114] {strides = array<i32>} : memref<128xi32, #tpu.memory_space<vmem>>, vector<16xi32>,
          %shift_right_arithmetic3A_116 = arith.constant 13 : i32
          %shift_right_arithmetic3A_117 = vector.broadcast %shift_right_arithmetic3A_116 : i32 to vector<16xi32>
          %shift_right_arithmetic3A_118 = arith.shrsi %get3A_115, %shift_right_arithmetic3A_117 : vector<16xi32>
          %swap3A_119 = arith.constant 0 : i32
          %swap3A_120 = arith.index_cast %swap3A_119 : i32 to index
          %swap3A_121 = arith.constant 48 : index
          %swap3A_122 = tpu.vector_load %arg10[%swap3A_120, %swap3A_121] {strides = array<i32>} : memref<1x128xi32, #tpu.memory_space<vmem>>, vector<16xi32>,
          tpu.vector_store %arg10[%swap3A_120, %swap3A_121], %shift_right_arithmetic3A_118 {strides = array<i32>} : memref<1x128xi32, #tpu.memory_space<vmem>>, vector<16xi32>,
          %and3A_123 = arith.constant 8191 : i32
          %and3A_124 = vector.broadcast %and3A_123 : i32 to vector<16xi32>
          %and3A_125 = arith.andi %get3A_115, %and3A_124 : vector<16xi32>
          %swap3A_126 = arith.constant 0 : i32
          %swap3A_127 = arith.index_cast %swap3A_126 : i32 to index
          %swap3A_128 = arith.constant 48 : index
          %swap3A_129 = tpu.vector_load %arg12[%swap3A_127, %swap3A_128] {strides = array<i32>} : memref<1x128xi32, #tpu.memory_space<vmem>>, vector<16xi32>,
          tpu.vector_store %arg12[%swap3A_127, %swap3A_128], %and3A_125 {strides = array<i32>} : memref<1x128xi32, #tpu.memory_space<vmem>>, vector<16xi32>,
          %get3A_130 = arith.constant 64 : index
          %get3A_131 = tpu.vector_load %arg8[%get3A_130] {strides = array<i32>} : memref<128xi32, #tpu.memory_space<vmem>>, vector<16xi32>,
          %shift_right_arithmetic3A_132 = arith.constant 13 : i32
          %shift_right_arithmetic3A_133 = vector.broadcast %shift_right_arithmetic3A_132 : i32 to vector<16xi32>
          %shift_right_arithmetic3A_134 = arith.shrsi %get3A_131, %shift_right_arithmetic3A_133 : vector<16xi32>
          %swap3A_135 = arith.constant 0 : i32
          %swap3A_136 = arith.index_cast %swap3A_135 : i32 to index
          %swap3A_137 = arith.constant 64 : index
          %swap3A_138 = tpu.vector_load %arg10[%swap3A_136, %swap3A_137] {strides = array<i32>} : memref<1x128xi32, #tpu.memory_space<vmem>>, vector<16xi32>,
          tpu.vector_store %arg10[%swap3A_136, %swap3A_137], %shift_right_arithmetic3A_134 {strides = array<i32>} : memref<1x128xi32, #tpu.memory_space<vmem>>, vector<16xi32>,
          %and3A_139 = arith.constant 8191 : i32
          %and3A_140 = vector.broadcast %and3A_139 : i32 to vector<16xi32>
          %and3A_141 = arith.andi %get3A_131, %and3A_140 : vector<16xi32>
          %swap3A_142 = arith.constant 0 : i32
          %swap3A_143 = arith.index_cast %swap3A_142 : i32 to index
          %swap3A_144 = arith.constant 64 : index
          %swap3A_145 = tpu.vector_load %arg12[%swap3A_143, %swap3A_144] {strides = array<i32>} : memref<1x128xi32, #tpu.memory_space<vmem>>, vector<16xi32>,
          tpu.vector_store %arg12[%swap3A_143, %swap3A_144], %and3A_141 {strides = array<i32>} : memref<1x128xi32, #tpu.memory_space<vmem>>, vector<16xi32>,
          %get3A_146 = arith.constant 80 : index
          %get3A_147 = tpu.vector_load %arg8[%get3A_146] {strides = array<i32>} : memref<128xi32, #tpu.memory_space<vmem>>, vector<16xi32>,
          %shift_right_arithmetic3A_148 = arith.constant 13 : i32
          %shift_right_arithmetic3A_149 = vector.broadcast %shift_right_arithmetic3A_148 : i32 to vector<16xi32>
          %shift_right_arithmetic3A_150 = arith.shrsi %get3A_147, %shift_right_arithmetic3A_149 : vector<16xi32>
          %swap3A_151 = arith.constant 0 : i32
          %swap3A_152 = arith.index_cast %swap3A_151 : i32 to index
          %swap3A_153 = arith.constant 80 : index
          %swap3A_154 = tpu.vector_load %arg10[%swap3A_152, %swap3A_153] {strides = array<i32>} : memref<1x128xi32, #tpu.memory_space<vmem>>, vector<16xi32>,
          tpu.vector_store %arg10[%swap3A_152, %swap3A_153], %shift_right_arithmetic3A_150 {strides = array<i32>} : memref<1x128xi32, #tpu.memory_space<vmem>>, vector<16xi32>,
          %and3A_155 = arith.constant 8191 : i32
          %and3A_156 = vector.broadcast %and3A_155 : i32 to vector<16xi32>
          %and3A_157 = arith.andi %get3A_147, %and3A_156 : vector<16xi32>
          %swap3A_158 = arith.constant 0 : i32
          %swap3A_159 = arith.index_cast %swap3A_158 : i32 to index
          %swap3A_160 = arith.constant 80 : index
          %swap3A_161 = tpu.vector_load %arg12[%swap3A_159, %swap3A_160] {strides = array<i32>} : memref<1x128xi32, #tpu.memory_space<vmem>>, vector<16xi32>,
          tpu.vector_store %arg12[%swap3A_159, %swap3A_160], %and3A_157 {strides = array<i32>} : memref<1x128xi32, #tpu.memory_space<vmem>>, vector<16xi32>,
          %get3A_162 = arith.constant 96 : index
          %get3A_163 = tpu.vector_load %arg8[%get3A_162] {strides = array<i32>} : memref<128xi32, #tpu.memory_space<vmem>>, vector<16xi32>,
          %shift_right_arithmetic3A_164 = arith.constant 13 : i32
          %shift_right_arithmetic3A_165 = vector.broadcast %shift_right_arithmetic3A_164 : i32 to vector<16xi32>
          %shift_right_arithmetic3A_166 = arith.shrsi %get3A_163, %shift_right_arithmetic3A_165 : vector<16xi32>
          %swap3A_167 = arith.constant 0 : i32
          %swap3A_168 = arith.index_cast %swap3A_167 : i32 to index
          %swap3A_169 = arith.constant 96 : index
          %swap3A_170 = tpu.vector_load %arg10[%swap3A_168, %swap3A_169] {strides = array<i32>} : memref<1x128xi32, #tpu.memory_space<vmem>>, vector<16xi32>,
          tpu.vector_store %arg10[%swap3A_168, %swap3A_169], %shift_right_arithmetic3A_166 {strides = array<i32>} : memref<1x128xi32, #tpu.memory_space<vmem>>, vector<16xi32>,
          %and3A_171 = arith.constant 8191 : i32
          %and3A_172 = vector.broadcast %and3A_171 : i32 to vector<16xi32>
          %and3A_173 = arith.andi %get3A_163, %and3A_172 : vector<16xi32>
          %swap3A_174 = arith.constant 0 : i32
          %swap3A_175 = arith.index_cast %swap3A_174 : i32 to index
          %swap3A_176 = arith.constant 96 : index
          %swap3A_177 = tpu.vector_load %arg12[%swap3A_175, %swap3A_176] {strides = array<i32>} : memref<1x128xi32, #tpu.memory_space<vmem>>, vector<16xi32>,
          tpu.vector_store %arg12[%swap3A_175, %swap3A_176], %and3A_173 {strides = array<i32>} : memref<1x128xi32, #tpu.memory_space<vmem>>, vector<16xi32>,
          %get3A_178 = arith.constant 112 : index
          %get3A_179 = tpu.vector_load %arg8[%get3A_178] {strides = array<i32>} : memref<128xi32, #tpu.memory_space<vmem>>, vector<16xi32>,
          %shift_right_arithmetic3A_180 = arith.constant 13 : i32
          %shift_right_arithmetic3A_181 = vector.broadcast %shift_right_arithmetic3A_180 : i32 to vector<16xi32>
          %shift_right_arithmetic3A_182 = arith.shrsi %get3A_179, %shift_right_arithmetic3A_181 : vector<16xi32>
          %swap3A_183 = arith.constant 0 : i32
          %swap3A_184 = arith.index_cast %swap3A_183 : i32 to index
          %swap3A_185 = arith.constant 112 : index
          %swap3A_186 = tpu.vector_load %arg10[%swap3A_184, %swap3A_185] {strides = array<i32>} : memref<1x128xi32, #tpu.memory_space<vmem>>, vector<16xi32>,
          tpu.vector_store %arg10[%swap3A_184, %swap3A_185], %shift_right_arithmetic3A_182 {strides = array<i32>} : memref<1x128xi32, #tpu.memory_space<vmem>>, vector<16xi32>,
          %and3A_187 = arith.constant 8191 : i32
          %and3A_188 = vector.broadcast %and3A_187 : i32 to vector<16xi32>
          %and3A_189 = arith.andi %get3A_179, %and3A_188 : vector<16xi32>
          %swap3A_190 = arith.constant 0 : i32
          %swap3A_191 = arith.index_cast %swap3A_190 : i32 to index
          %swap3A_192 = arith.constant 112 : index
          %swap3A_193 = tpu.vector_load %arg12[%swap3A_191, %swap3A_192] {strides = array<i32>} : memref<1x128xi32, #tpu.memory_space<vmem>>, vector<16xi32>,
          tpu.vector_store %arg12[%swap3A_191, %swap3A_192], %and3A_189 {strides = array<i32>} : memref<1x128xi32, #tpu.memory_space<vmem>>, vector<16xi32>,
          %dma_start3A = arith.constant 0 : i32
          %dma_start3A_194 = arith.constant 0 : i32
          %dma_start3A_195 = tpu.memref_slice %arg10[%dma_start3A, %dma_start3A_194] : memref<1x128xi32, #tpu.memory_space<vmem>> -> memref<1x128xi32, #tpu.memory_space<vmem>>
          %dma_start3A_196 = tpu.memref_squeeze %dma_start3A_195 : memref<1x128xi32, #tpu.memory_space<vmem>> -> memref<128xi32, #tpu.memory_space<vmem>>
          %dma_start3A_197 = arith.constant 0 : i32
          %dma_start3A_198 = arith.constant 0 : i32
          %dma_start3A_199 = tpu.memref_slice %arg2[%dma_start3A_197, %dma_start3A_198] : memref<10000x128xf32, #tpu.memory_space<hbm>> -> memref<10000x128xf32, #tpu.memory_space<hbm>>
          tpu.enqueue_indirect_dma source(%dma_start3A_199 : memref<10000x128xf32, #tpu.memory_space<hbm>>) target(%arg14 : memref<128x128xf32, #tpu.memory_space<vmem>>) offsets(%dma_start3A_196 : memref<128xi32, #tpu.memory_space<vmem>>) semaphore(%arg18 : memref<!tpu.dma_semaphore, #tpu.memory_space<semaphore_mem>>)
        } else {
        }
        %run_scoped3A = arith.constant 0 : i32
        "tpu.region"() ({
          %run_scoped3A_64 = tpu.sem_alloc : memref<!tpu.dma_semaphore, #tpu.memory_space<semaphore_mem>>
          %dma_start3A = arith.constant 0 : i32
          %dma_start3A_65 = tpu.memref_slice %arg11[%run_scoped3A, %dma_start3A] : memref<1x128xi32, #tpu.memory_space<vmem>> -> memref<1x128xi32, #tpu.memory_space<vmem>>
          %dma_start3A_66 = tpu.memref_squeeze %dma_start3A_65 : memref<1x128xi32, #tpu.memory_space<vmem>> -> memref<128xi32, #tpu.memory_space<vmem>>
          %dma_start3A_67 = arith.constant 0 : i32
          %dma_start3A_68 = arith.constant 0 : i32
          %dma_start3A_69 = tpu.memref_slice %arg16[%dma_start3A_67, %dma_start3A_68] : memref<5248x128xf32, #tpu.memory_space<vmem_shared>> -> memref<5248x128xf32, #tpu.memory_space<vmem_shared>>
          tpu.enqueue_indirect_dma source(%arg13 : memref<128x128xf32, #tpu.memory_space<vmem>>) target(%dma_start3A_69 : memref<5248x128xf32, #tpu.memory_space<vmem_shared>>) offsets(%dma_start3A_66 : memref<128xi32, #tpu.memory_space<vmem>>) semaphore(%run_scoped3A_64 : memref<!tpu.dma_semaphore, #tpu.memory_space<semaphore_mem>>) {add = true}
          %dma_wait3A_70 = arith.constant 0 : i32
          %dma_wait3A_71 = tpu.memref_slice %arg11[%run_scoped3A, %dma_wait3A_70] : memref<1x128xi32, #tpu.memory_space<vmem>> -> memref<1x128xi32, #tpu.memory_space<vmem>>
          %dma_wait3A_72 = tpu.memref_squeeze %dma_wait3A_71 : memref<1x128xi32, #tpu.memory_space<vmem>> -> memref<128xi32, #tpu.memory_space<vmem>>
          %dma_wait3A_73 = arith.constant 0 : i32
          %dma_wait3A_74 = arith.constant 0 : i32
          %dma_wait3A_75 = tpu.memref_slice %arg16[%dma_wait3A_73, %dma_wait3A_74] : memref<5248x128xf32, #tpu.memory_space<vmem_shared>> -> memref<5248x128xf32, #tpu.memory_space<vmem_shared>>
          tpu.wait_indirect_dma semaphore(%run_scoped3A_64 : memref<!tpu.dma_semaphore, #tpu.memory_space<semaphore_mem>>) src(%arg13 : memref<128x128xf32, #tpu.memory_space<vmem>>) dst(%dma_wait3A_75 : memref<5248x128xf32, #tpu.memory_space<vmem_shared>>)
          tpu.yield
        }) : () -> ()
      } else {
      }
      %mul3A_44 = arith.constant 2 : i32
      %mul3A_45 = arith.muli %mul3A_44, %while3A_38 : i32
      %add3A_46 = arith.constant 1 : i32
      %add3A_47 = arith.addi %mul3A_45, %add3A_46 : i32
      %lt3A_48 = arith.cmpi slt, %add3A_47, %div3A_17 : i32
      %convert_element_type3A_49 = arith.extui %lt3A_48 : i1 to i32
      %cond3A_50 = arith.constant 0 : i32
      %cond3A_51 = arith.cmpi ne, %convert_element_type3A_49, %cond3A_50 : i32
      scf.if %cond3A_51 {
        %dma_wait3A = arith.constant 0 : i32
        %dma_wait3A_52 = arith.constant 0 : i32
        %dma_wait3A_53 = tpu.memref_slice %arg10[%dma_wait3A, %dma_wait3A_52] : memref<1x128xi32, #tpu.memory_space<vmem>> -> memref<1x128xi32, #tpu.memory_space<vmem>>
        %dma_wait3A_54 = tpu.memref_squeeze %dma_wait3A_53 : memref<1x128xi32, #tpu.memory_space<vmem>> -> memref<128xi32, #tpu.memory_space<vmem>>
        %dma_wait3A_55 = arith.constant 0 : i32
        %dma_wait3A_56 = arith.constant 0 : i32
        %dma_wait3A_57 = tpu.memref_slice %arg2[%dma_wait3A_55, %dma_wait3A_56] : memref<10000x128xf32, #tpu.memory_space<hbm>> -> memref<10000x128xf32, #tpu.memory_space<hbm>>
        tpu.wait_indirect_dma semaphore(%arg18 : memref<!tpu.dma_semaphore, #tpu.memory_space<semaphore_mem>>) src(%dma_wait3A_57 : memref<10000x128xf32, #tpu.memory_space<hbm>>) dst(%arg14 : memref<128x128xf32, #tpu.memory_space<vmem>>)
        %add3A_58 = arith.constant 1 : i32
        %add3A_59 = arith.addi %add3A_47, %add3A_58 : i32
        %lt3A_60 = arith.cmpi slt, %add3A_59, %div3A_17 : i32
        %convert_element_type3A_61 = arith.extui %lt3A_60 : i1 to i32
        %cond3A_62 = arith.constant 0 : i32
        %cond3A_63 = arith.cmpi ne, %convert_element_type3A_61, %cond3A_62 : i32
        scf.if %cond3A_63 {
          %add3A_64 = arith.constant 1 : i32
          %add3A_65 = arith.addi %add3A_47, %add3A_64 : i32
          %mul3A_66 = arith.constant 128 : i32
          %mul3A_67 = arith.muli %add3A_65, %mul3A_66 : i32
          %add3A_68 = arith.addi %mul3A_4, %mul3A_67 : i32
          %multiple_of3A = tpu.assume_multiple %add3A_68, 128 : i32
          "tpu.region"() ({
            %run_scoped3A_200 = tpu.sem_alloc : memref<!tpu.dma_semaphore, #tpu.memory_space<semaphore_mem>>
            %dma_start3A_201 = tpu.memref_slice %arg3[%multiple_of3A] : memref<10485760xi32, #tpu.memory_space<hbm>> -> memref<128xi32, #tpu.memory_space<hbm>>
            %dma_start3A_202 = tpu.memref_slice %arg3[%multiple_of3A] : memref<10485760xi32, #tpu.memory_space<hbm>> -> memref<128xi32, #tpu.memory_space<hbm>>
            tpu.enqueue_dma source(%dma_start3A_202 : memref<128xi32, #tpu.memory_space<hbm>>) target(%arg7 : memref<128xi32, #tpu.memory_space<vmem>>) target_semaphore(%run_scoped3A_200 : memref<!tpu.dma_semaphore, #tpu.memory_space<semaphore_mem>>)
            %dma_wait3A_203 = tpu.memref_slice %arg3[%multiple_of3A] : memref<10485760xi32, #tpu.memory_space<hbm>> -> memref<128xi32, #tpu.memory_space<hbm>>
            %dma_wait3A_204 = tpu.memref_slice %arg3[%multiple_of3A] : memref<10485760xi32, #tpu.memory_space<hbm>> -> memref<128xi32, #tpu.memory_space<hbm>>
            tpu.wait_dma2 semaphore(%run_scoped3A_200 : memref<!tpu.dma_semaphore, #tpu.memory_space<semaphore_mem>>) src(%dma_wait3A_204 : memref<128xi32, #tpu.memory_space<hbm>>) dst(%arg7 : memref<128xi32, #tpu.memory_space<vmem>>)
            tpu.yield
          }) : () -> ()
          %get3A_69 = arith.constant 0 : index
          %get3A_70 = tpu.vector_load %arg7[%get3A_69] {strides = array<i32>} : memref<128xi32, #tpu.memory_space<vmem>>, vector<16xi32>,
          %shift_right_arithmetic3A = arith.constant 13 : i32
          %shift_right_arithmetic3A_71 = vector.broadcast %shift_right_arithmetic3A : i32 to vector<16xi32>
          %shift_right_arithmetic3A_72 = arith.shrsi %get3A_70, %shift_right_arithmetic3A_71 : vector<16xi32>
          %swap3A = arith.constant 0 : i32
          %swap3A_73 = arith.index_cast %swap3A : i32 to index
          %swap3A_74 = arith.constant 0 : index
          %swap3A_75 = tpu.vector_load %arg9[%swap3A_73, %swap3A_74] {strides = array<i32>} : memref<1x128xi32, #tpu.memory_space<vmem>>, vector<16xi32>,
          tpu.vector_store %arg9[%swap3A_73, %swap3A_74], %shift_right_arithmetic3A_72 {strides = array<i32>} : memref<1x128xi32, #tpu.memory_space<vmem>>, vector<16xi32>,
          %and3A = arith.constant 8191 : i32
          %and3A_76 = vector.broadcast %and3A : i32 to vector<16xi32>
          %and3A_77 = arith.andi %get3A_70, %and3A_76 : vector<16xi32>
          %swap3A_78 = arith.constant 0 : i32
          %swap3A_79 = arith.index_cast %swap3A_78 : i32 to index
          %swap3A_80 = arith.constant 0 : index
          %swap3A_81 = tpu.vector_load %arg11[%swap3A_79, %swap3A_80] {strides = array<i32>} : memref<1x128xi32, #tpu.memory_space<vmem>>, vector<16xi32>,
          tpu.vector_store %arg11[%swap3A_79, %swap3A_80], %and3A_77 {strides = array<i32>} : memref<1x128xi32, #tpu.memory_space<vmem>>, vector<16xi32>,
          %get3A_82 = arith.constant 16 : index
          %get3A_83 = tpu.vector_load %arg7[%get3A_82] {strides = array<i32>} : memref<128xi32, #tpu.memory_space<vmem>>, vector<16xi32>,
          %shift_right_arithmetic3A_84 = arith.constant 13 : i32
          %shift_right_arithmetic3A_85 = vector.broadcast %shift_right_arithmetic3A_84 : i32 to vector<16xi32>
          %shift_right_arithmetic3A_86 = arith.shrsi %get3A_83, %shift_right_arithmetic3A_85 : vector<16xi32>
          %swap3A_87 = arith.constant 0 : i32
          %swap3A_88 = arith.index_cast %swap3A_87 : i32 to index
          %swap3A_89 = arith.constant 16 : index
          %swap3A_90 = tpu.vector_load %arg9[%swap3A_88, %swap3A_89] {strides = array<i32>} : memref<1x128xi32, #tpu.memory_space<vmem>>, vector<16xi32>,
          tpu.vector_store %arg9[%swap3A_88, %swap3A_89], %shift_right_arithmetic3A_86 {strides = array<i32>} : memref<1x128xi32, #tpu.memory_space<vmem>>, vector<16xi32>,
          %and3A_91 = arith.constant 8191 : i32
          %and3A_92 = vector.broadcast %and3A_91 : i32 to vector<16xi32>
          %and3A_93 = arith.andi %get3A_83, %and3A_92 : vector<16xi32>
          %swap3A_94 = arith.constant 0 : i32
          %swap3A_95 = arith.index_cast %swap3A_94 : i32 to index
          %swap3A_96 = arith.constant 16 : index
          %swap3A_97 = tpu.vector_load %arg11[%swap3A_95, %swap3A_96] {strides = array<i32>} : memref<1x128xi32, #tpu.memory_space<vmem>>, vector<16xi32>,
          tpu.vector_store %arg11[%swap3A_95, %swap3A_96], %and3A_93 {strides = array<i32>} : memref<1x128xi32, #tpu.memory_space<vmem>>, vector<16xi32>,
          %get3A_98 = arith.constant 32 : index
          %get3A_99 = tpu.vector_load %arg7[%get3A_98] {strides = array<i32>} : memref<128xi32, #tpu.memory_space<vmem>>, vector<16xi32>,
          %shift_right_arithmetic3A_100 = arith.constant 13 : i32
          %shift_right_arithmetic3A_101 = vector.broadcast %shift_right_arithmetic3A_100 : i32 to vector<16xi32>
          %shift_right_arithmetic3A_102 = arith.shrsi %get3A_99, %shift_right_arithmetic3A_101 : vector<16xi32>
          %swap3A_103 = arith.constant 0 : i32
          %swap3A_104 = arith.index_cast %swap3A_103 : i32 to index
          %swap3A_105 = arith.constant 32 : index
          %swap3A_106 = tpu.vector_load %arg9[%swap3A_104, %swap3A_105] {strides = array<i32>} : memref<1x128xi32, #tpu.memory_space<vmem>>, vector<16xi32>,
          tpu.vector_store %arg9[%swap3A_104, %swap3A_105], %shift_right_arithmetic3A_102 {strides = array<i32>} : memref<1x128xi32, #tpu.memory_space<vmem>>, vector<16xi32>,
          %and3A_107 = arith.constant 8191 : i32
          %and3A_108 = vector.broadcast %and3A_107 : i32 to vector<16xi32>
          %and3A_109 = arith.andi %get3A_99, %and3A_108 : vector<16xi32>
          %swap3A_110 = arith.constant 0 : i32
          %swap3A_111 = arith.index_cast %swap3A_110 : i32 to index
          %swap3A_112 = arith.constant 32 : index
          %swap3A_113 = tpu.vector_load %arg11[%swap3A_111, %swap3A_112] {strides = array<i32>} : memref<1x128xi32, #tpu.memory_space<vmem>>, vector<16xi32>,
          tpu.vector_store %arg11[%swap3A_111, %swap3A_112], %and3A_109 {strides = array<i32>} : memref<1x128xi32, #tpu.memory_space<vmem>>, vector<16xi32>,
          %get3A_114 = arith.constant 48 : index
          %get3A_115 = tpu.vector_load %arg7[%get3A_114] {strides = array<i32>} : memref<128xi32, #tpu.memory_space<vmem>>, vector<16xi32>,
          %shift_right_arithmetic3A_116 = arith.constant 13 : i32
          %shift_right_arithmetic3A_117 = vector.broadcast %shift_right_arithmetic3A_116 : i32 to vector<16xi32>
          %shift_right_arithmetic3A_118 = arith.shrsi %get3A_115, %shift_right_arithmetic3A_117 : vector<16xi32>
          %swap3A_119 = arith.constant 0 : i32
          %swap3A_120 = arith.index_cast %swap3A_119 : i32 to index
          %swap3A_121 = arith.constant 48 : index
          %swap3A_122 = tpu.vector_load %arg9[%swap3A_120, %swap3A_121] {strides = array<i32>} : memref<1x128xi32, #tpu.memory_space<vmem>>, vector<16xi32>,
          tpu.vector_store %arg9[%swap3A_120, %swap3A_121], %shift_right_arithmetic3A_118 {strides = array<i32>} : memref<1x128xi32, #tpu.memory_space<vmem>>, vector<16xi32>,
          %and3A_123 = arith.constant 8191 : i32
          %and3A_124 = vector.broadcast %and3A_123 : i32 to vector<16xi32>
          %and3A_125 = arith.andi %get3A_115, %and3A_124 : vector<16xi32>
          %swap3A_126 = arith.constant 0 : i32
          %swap3A_127 = arith.index_cast %swap3A_126 : i32 to index
          %swap3A_128 = arith.constant 48 : index
          %swap3A_129 = tpu.vector_load %arg11[%swap3A_127, %swap3A_128] {strides = array<i32>} : memref<1x128xi32, #tpu.memory_space<vmem>>, vector<16xi32>,
          tpu.vector_store %arg11[%swap3A_127, %swap3A_128], %and3A_125 {strides = array<i32>} : memref<1x128xi32, #tpu.memory_space<vmem>>, vector<16xi32>,
          %get3A_130 = arith.constant 64 : index
          %get3A_131 = tpu.vector_load %arg7[%get3A_130] {strides = array<i32>} : memref<128xi32, #tpu.memory_space<vmem>>, vector<16xi32>,
          %shift_right_arithmetic3A_132 = arith.constant 13 : i32
          %shift_right_arithmetic3A_133 = vector.broadcast %shift_right_arithmetic3A_132 : i32 to vector<16xi32>
          %shift_right_arithmetic3A_134 = arith.shrsi %get3A_131, %shift_right_arithmetic3A_133 : vector<16xi32>
          %swap3A_135 = arith.constant 0 : i32
          %swap3A_136 = arith.index_cast %swap3A_135 : i32 to index
          %swap3A_137 = arith.constant 64 : index
          %swap3A_138 = tpu.vector_load %arg9[%swap3A_136, %swap3A_137] {strides = array<i32>} : memref<1x128xi32, #tpu.memory_space<vmem>>, vector<16xi32>,
          tpu.vector_store %arg9[%swap3A_136, %swap3A_137], %shift_right_arithmetic3A_134 {strides = array<i32>} : memref<1x128xi32, #tpu.memory_space<vmem>>, vector<16xi32>,
          %and3A_139 = arith.constant 8191 : i32
          %and3A_140 = vector.broadcast %and3A_139 : i32 to vector<16xi32>
          %and3A_141 = arith.andi %get3A_131, %and3A_140 : vector<16xi32>
          %swap3A_142 = arith.constant 0 : i32
          %swap3A_143 = arith.index_cast %swap3A_142 : i32 to index
          %swap3A_144 = arith.constant 64 : index
          %swap3A_145 = tpu.vector_load %arg11[%swap3A_143, %swap3A_144] {strides = array<i32>} : memref<1x128xi32, #tpu.memory_space<vmem>>, vector<16xi32>,
          tpu.vector_store %arg11[%swap3A_143, %swap3A_144], %and3A_141 {strides = array<i32>} : memref<1x128xi32, #tpu.memory_space<vmem>>, vector<16xi32>,
          %get3A_146 = arith.constant 80 : index
          %get3A_147 = tpu.vector_load %arg7[%get3A_146] {strides = array<i32>} : memref<128xi32, #tpu.memory_space<vmem>>, vector<16xi32>,
          %shift_right_arithmetic3A_148 = arith.constant 13 : i32
          %shift_right_arithmetic3A_149 = vector.broadcast %shift_right_arithmetic3A_148 : i32 to vector<16xi32>
          %shift_right_arithmetic3A_150 = arith.shrsi %get3A_147, %shift_right_arithmetic3A_149 : vector<16xi32>
          %swap3A_151 = arith.constant 0 : i32
          %swap3A_152 = arith.index_cast %swap3A_151 : i32 to index
          %swap3A_153 = arith.constant 80 : index
          %swap3A_154 = tpu.vector_load %arg9[%swap3A_152, %swap3A_153] {strides = array<i32>} : memref<1x128xi32, #tpu.memory_space<vmem>>, vector<16xi32>,
          tpu.vector_store %arg9[%swap3A_152, %swap3A_153], %shift_right_arithmetic3A_150 {strides = array<i32>} : memref<1x128xi32, #tpu.memory_space<vmem>>, vector<16xi32>,
          %and3A_155 = arith.constant 8191 : i32
          %and3A_156 = vector.broadcast %and3A_155 : i32 to vector<16xi32>
          %and3A_157 = arith.andi %get3A_147, %and3A_156 : vector<16xi32>
          %swap3A_158 = arith.constant 0 : i32
          %swap3A_159 = arith.index_cast %swap3A_158 : i32 to index
          %swap3A_160 = arith.constant 80 : index
          %swap3A_161 = tpu.vector_load %arg11[%swap3A_159, %swap3A_160] {strides = array<i32>} : memref<1x128xi32, #tpu.memory_space<vmem>>, vector<16xi32>,
          tpu.vector_store %arg11[%swap3A_159, %swap3A_160], %and3A_157 {strides = array<i32>} : memref<1x128xi32, #tpu.memory_space<vmem>>, vector<16xi32>,
          %get3A_162 = arith.constant 96 : index
          %get3A_163 = tpu.vector_load %arg7[%get3A_162] {strides = array<i32>} : memref<128xi32, #tpu.memory_space<vmem>>, vector<16xi32>,
          %shift_right_arithmetic3A_164 = arith.constant 13 : i32
          %shift_right_arithmetic3A_165 = vector.broadcast %shift_right_arithmetic3A_164 : i32 to vector<16xi32>
          %shift_right_arithmetic3A_166 = arith.shrsi %get3A_163, %shift_right_arithmetic3A_165 : vector<16xi32>
          %swap3A_167 = arith.constant 0 : i32
          %swap3A_168 = arith.index_cast %swap3A_167 : i32 to index
          %swap3A_169 = arith.constant 96 : index
          %swap3A_170 = tpu.vector_load %arg9[%swap3A_168, %swap3A_169] {strides = array<i32>} : memref<1x128xi32, #tpu.memory_space<vmem>>, vector<16xi32>,
          tpu.vector_store %arg9[%swap3A_168, %swap3A_169], %shift_right_arithmetic3A_166 {strides = array<i32>} : memref<1x128xi32, #tpu.memory_space<vmem>>, vector<16xi32>,
          %and3A_171 = arith.constant 8191 : i32
          %and3A_172 = vector.broadcast %and3A_171 : i32 to vector<16xi32>
          %and3A_173 = arith.andi %get3A_163, %and3A_172 : vector<16xi32>
          %swap3A_174 = arith.constant 0 : i32
          %swap3A_175 = arith.index_cast %swap3A_174 : i32 to index
          %swap3A_176 = arith.constant 96 : index
          %swap3A_177 = tpu.vector_load %arg11[%swap3A_175, %swap3A_176] {strides = array<i32>} : memref<1x128xi32, #tpu.memory_space<vmem>>, vector<16xi32>,
          tpu.vector_store %arg11[%swap3A_175, %swap3A_176], %and3A_173 {strides = array<i32>} : memref<1x128xi32, #tpu.memory_space<vmem>>, vector<16xi32>,
          %get3A_178 = arith.constant 112 : index
          %get3A_179 = tpu.vector_load %arg7[%get3A_178] {strides = array<i32>} : memref<128xi32, #tpu.memory_space<vmem>>, vector<16xi32>,
          %shift_right_arithmetic3A_180 = arith.constant 13 : i32
          %shift_right_arithmetic3A_181 = vector.broadcast %shift_right_arithmetic3A_180 : i32 to vector<16xi32>
          %shift_right_arithmetic3A_182 = arith.shrsi %get3A_179, %shift_right_arithmetic3A_181 : vector<16xi32>
          %swap3A_183 = arith.constant 0 : i32
          %swap3A_184 = arith.index_cast %swap3A_183 : i32 to index
          %swap3A_185 = arith.constant 112 : index
          %swap3A_186 = tpu.vector_load %arg9[%swap3A_184, %swap3A_185] {strides = array<i32>} : memref<1x128xi32, #tpu.memory_space<vmem>>, vector<16xi32>,
          tpu.vector_store %arg9[%swap3A_184, %swap3A_185], %shift_right_arithmetic3A_182 {strides = array<i32>} : memref<1x128xi32, #tpu.memory_space<vmem>>, vector<16xi32>,
          %and3A_187 = arith.constant 8191 : i32
          %and3A_188 = vector.broadcast %and3A_187 : i32 to vector<16xi32>
          %and3A_189 = arith.andi %get3A_179, %and3A_188 : vector<16xi32>
          %swap3A_190 = arith.constant 0 : i32
          %swap3A_191 = arith.index_cast %swap3A_190 : i32 to index
          %swap3A_192 = arith.constant 112 : index
          %swap3A_193 = tpu.vector_load %arg11[%swap3A_191, %swap3A_192] {strides = array<i32>} : memref<1x128xi32, #tpu.memory_space<vmem>>, vector<16xi32>,
          tpu.vector_store %arg11[%swap3A_191, %swap3A_192], %and3A_189 {strides = array<i32>} : memref<1x128xi32, #tpu.memory_space<vmem>>, vector<16xi32>,
          %dma_start3A = arith.constant 0 : i32
          %dma_start3A_194 = arith.constant 0 : i32
          %dma_start3A_195 = tpu.memref_slice %arg9[%dma_start3A, %dma_start3A_194] : memref<1x128xi32, #tpu.memory_space<vmem>> -> memref<1x128xi32, #tpu.memory_space<vmem>>
          %dma_start3A_196 = tpu.memref_squeeze %dma_start3A_195 : memref<1x128xi32, #tpu.memory_space<vmem>> -> memref<128xi32, #tpu.memory_space<vmem>>
          %dma_start3A_197 = arith.constant 0 : i32
          %dma_start3A_198 = arith.constant 0 : i32
          %dma_start3A_199 = tpu.memref_slice %arg2[%dma_start3A_197, %dma_start3A_198] : memref<10000x128xf32, #tpu.memory_space<hbm>> -> memref<10000x128xf32, #tpu.memory_space<hbm>>
          tpu.enqueue_indirect_dma source(%dma_start3A_199 : memref<10000x128xf32, #tpu.memory_space<hbm>>) target(%arg13 : memref<128x128xf32, #tpu.memory_space<vmem>>) offsets(%dma_start3A_196 : memref<128xi32, #tpu.memory_space<vmem>>) semaphore(%arg17 : memref<!tpu.dma_semaphore, #tpu.memory_space<semaphore_mem>>)
        } else {
        }
        %run_scoped3A = arith.constant 0 : i32
        "tpu.region"() ({
          %run_scoped3A_64 = tpu.sem_alloc : memref<!tpu.dma_semaphore, #tpu.memory_space<semaphore_mem>>
          %dma_start3A = arith.constant 0 : i32
          %dma_start3A_65 = tpu.memref_slice %arg12[%run_scoped3A, %dma_start3A] : memref<1x128xi32, #tpu.memory_space<vmem>> -> memref<1x128xi32, #tpu.memory_space<vmem>>
          %dma_start3A_66 = tpu.memref_squeeze %dma_start3A_65 : memref<1x128xi32, #tpu.memory_space<vmem>> -> memref<128xi32, #tpu.memory_space<vmem>>
          %dma_start3A_67 = arith.constant 0 : i32
          %dma_start3A_68 = arith.constant 0 : i32
          %dma_start3A_69 = tpu.memref_slice %arg16[%dma_start3A_67, %dma_start3A_68] : memref<5248x128xf32, #tpu.memory_space<vmem_shared>> -> memref<5248x128xf32, #tpu.memory_space<vmem_shared>>
          tpu.enqueue_indirect_dma source(%arg14 : memref<128x128xf32, #tpu.memory_space<vmem>>) target(%dma_start3A_69 : memref<5248x128xf32, #tpu.memory_space<vmem_shared>>) offsets(%dma_start3A_66 : memref<128xi32, #tpu.memory_space<vmem>>) semaphore(%run_scoped3A_64 : memref<!tpu.dma_semaphore, #tpu.memory_space<semaphore_mem>>) {add = true}
          %dma_wait3A_70 = arith.constant 0 : i32
          %dma_wait3A_71 = tpu.memref_slice %arg12[%run_scoped3A, %dma_wait3A_70] : memref<1x128xi32, #tpu.memory_space<vmem>> -> memref<1x128xi32, #tpu.memory_space<vmem>>
          %dma_wait3A_72 = tpu.memref_squeeze %dma_wait3A_71 : memref<1x128xi32, #tpu.memory_space<vmem>> -> memref<128xi32, #tpu.memory_space<vmem>>
          %dma_wait3A_73 = arith.constant 0 : i32
          %dma_wait3A_74 = arith.constant 0 : i32
          %dma_wait3A_75 = tpu.memref_slice %arg16[%dma_wait3A_73, %dma_wait3A_74] : memref<5248x128xf32, #tpu.memory_space<vmem_shared>> -> memref<5248x128xf32, #tpu.memory_space<vmem_shared>>
          tpu.wait_indirect_dma semaphore(%run_scoped3A_64 : memref<!tpu.dma_semaphore, #tpu.memory_space<semaphore_mem>>) src(%arg14 : memref<128x128xf32, #tpu.memory_space<vmem>>) dst(%dma_wait3A_75 : memref<5248x128xf32, #tpu.memory_space<vmem_shared>>)
          tpu.yield
        }) : () -> ()
      } else {
      }
    }
    %barrier3A_33 = arith.constant 0 : index
    tpu.barrier barrier_id(%barrier3A_33)
    %mul3A_34 = arith.constant 320 : i32
    %mul3A_35 = arith.muli %arg1, %mul3A_34 : i32
    %mul3A_36 = arith.constant 320 : i32
    %mul3A_37 = arith.muli %arg1, %mul3A_36 : i32
    "tpu.region"() ({
      %run_scoped3A = tpu.sem_alloc : memref<!tpu.dma_semaphore, #tpu.memory_space<semaphore_mem>>
      %dma_start3A = arith.constant 0 : i32
      %dma_start3A_38 = tpu.memref_slice %arg6[%arg0, %mul3A_37, %dma_start3A] : memref<2x5120x128xf32, #tpu.memory_space<hbm>> -> memref<1x320x128xf32, #tpu.memory_space<hbm>>
      %dma_start3A_39 = tpu.memref_squeeze %dma_start3A_38 : memref<1x320x128xf32, #tpu.memory_space<hbm>> -> memref<320x128xf32, #tpu.memory_space<hbm>>
      %dma_start3A_40 = arith.constant 0 : i32
      %dma_start3A_41 = tpu.memref_slice %arg16[%mul3A_35, %dma_start3A_40] : memref<5248x128xf32, #tpu.memory_space<vmem_shared>> -> memref<320x128xf32, #tpu.memory_space<vmem_shared>>
      tpu.enqueue_dma source(%dma_start3A_41 : memref<320x128xf32, #tpu.memory_space<vmem_shared>>) target(%dma_start3A_39 : memref<320x128xf32, #tpu.memory_space<hbm>>) target_semaphore(%run_scoped3A : memref<!tpu.dma_semaphore, #tpu.memory_space<semaphore_mem>>)
      %dma_wait3A = arith.constant 0 : i32
      %dma_wait3A_42 = tpu.memref_slice %arg6[%arg0, %mul3A_37, %dma_wait3A] : memref<2x5120x128xf32, #tpu.memory_space<hbm>> -> memref<1x320x128xf32, #tpu.memory_space<hbm>>
      %dma_wait3A_43 = tpu.memref_squeeze %dma_wait3A_42 : memref<1x320x128xf32, #tpu.memory_space<hbm>> -> memref<320x128xf32, #tpu.memory_space<hbm>>
      %dma_wait3A_44 = arith.constant 0 : i32
      %dma_wait3A_45 = tpu.memref_slice %arg16[%mul3A_35, %dma_wait3A_44] : memref<5248x128xf32, #tpu.memory_space<vmem_shared>> -> memref<320x128xf32, #tpu.memory_space<vmem_shared>>
      tpu.wait_dma2 semaphore(%run_scoped3A : memref<!tpu.dma_semaphore, #tpu.memory_space<semaphore_mem>>) src(%dma_wait3A_45 : memref<320x128xf32, #tpu.memory_space<vmem_shared>>) dst(%dma_wait3A_43 : memref<320x128xf32, #tpu.memory_space<hbm>>)
      tpu.yield
    }) : () -> ()
    return
  }
}

#map = affine_map<(d0, d1) -> (0, 0)>
#map1 = affine_map<(d0, d1) -> (0)>
#map2 = affine_map<(d0, d1) -> (0, 0, 0)>
module attributes {stable_mosaic.version = 14 : i64} {
  func.func @_segsum(%arg0: i32, %arg1: i32, %arg2: memref<10000x128xf32, #tpu.memory_space<hbm>>, %arg3: memref<10485760xi32, #tpu.memory_space<hbm>>, %arg4: memref<512xi32, #tpu.memory_space<hbm>>, %arg5: memref<328x128xf32, #tpu.memory_space<hbm>>, %arg6: memref<2x5120x128xf32, #tpu.memory_space<hbm>>, %arg7: memref<128xi32, #tpu.memory_space<vmem>>, %arg8: memref<128xi32, #tpu.memory_space<vmem>>, %arg9: memref<1x128xi32, #tpu.memory_space<vmem>>, %arg10: memref<1x128xi32, #tpu.memory_space<vmem>>, %arg11: memref<1x128xi32, #tpu.memory_space<vmem>>, %arg12: memref<1x128xi32, #tpu.memory_space<vmem>>, %arg13: memref<128x128xf32, #tpu.memory_space<vmem>>, %arg14: memref<128x128xf32, #tpu.memory_space<vmem>>, %arg15: memref<16xi32, #tpu.memory_space<vmem>>, %arg16: memref<5248x128xf32, #tpu.memory_space<vmem_shared>>, %arg17: memref<!tpu.dma_semaphore, #tpu.memory_space<semaphore_mem>>, %arg18: memref<!tpu.dma_semaphore, #tpu.memory_space<semaphore_mem>>) attributes {dimension_semantics = [#tpu.dimension_semantics<core_parallel>, #tpu.dimension_semantics<subcore_parallel>], iteration_bounds = array<i64: 2, 16>, scalar_prefetch = 0 : i64, scratch_operands = 12 : i64, tpu.core_type = #tpu.core_type<sc_vector_subcore>, window_params = [{transform_indices = #map}, {transform_indices = #map1}, {transform_indices = #map1}, {transform_indices = #map}, {transform_indices = #map2}]} {
    %mul3A = arith.constant 16 : i32
    %mul3A_0 = arith.muli %arg0, %mul3A : i32
    %add3A = arith.addi %mul3A_0, %arg1 : i32
    %mul3A_1 = arith.constant 328 : i32
    %mul3A_2 = arith.muli %arg1, %mul3A_1 : i32
    "tpu.region"() ({
      %run_scoped3A = tpu.sem_alloc : memref<!tpu.dma_semaphore, #tpu.memory_space<semaphore_mem>>
      %dma_start3A = arith.constant 0 : i32
      %dma_start3A_38 = tpu.memref_slice %arg16[%mul3A_2, %dma_start3A] : memref<5248x128xf32, #tpu.memory_space<vmem_shared>> -> memref<328x128xf32, #tpu.memory_space<vmem_shared>>
      tpu.enqueue_dma source(%arg5 : memref<328x128xf32, #tpu.memory_space<hbm>>) target(%dma_start3A_38 : memref<328x128xf32, #tpu.memory_space<vmem_shared>>) target_semaphore(%run_scoped3A : memref<!tpu.dma_semaphore, #tpu.memory_space<semaphore_mem>>)
      %dma_wait3A = arith.constant 0 : i32
      %dma_wait3A_39 = tpu.memref_slice %arg16[%mul3A_2, %dma_wait3A] : memref<5248x128xf32, #tpu.memory_space<vmem_shared>> -> memref<328x128xf32, #tpu.memory_space<vmem_shared>>
      tpu.wait_dma2 semaphore(%run_scoped3A : memref<!tpu.dma_semaphore, #tpu.memory_space<semaphore_mem>>) src(%arg5 : memref<328x128xf32, #tpu.memory_space<hbm>>) dst(%dma_wait3A_39 : memref<328x128xf32, #tpu.memory_space<vmem_shared>>)
      tpu.yield
    }) : () -> ()
    %barrier3A = arith.constant 0 : index
    tpu.barrier barrier_id(%barrier3A)
    %mul3A_3 = arith.constant 327680 : i32
    %mul3A_4 = arith.muli %add3A, %mul3A_3 : i32
    %mul3A_5 = arith.constant 16 : i32
    %mul3A_6 = arith.muli %add3A, %mul3A_5 : i32
    "tpu.region"() ({
      %run_scoped3A = tpu.sem_alloc : memref<!tpu.dma_semaphore, #tpu.memory_space<semaphore_mem>>
      %dma_start3A = tpu.memref_slice %arg4[%mul3A_6] : memref<512xi32, #tpu.memory_space<hbm>> -> memref<16xi32, #tpu.memory_space<hbm>>
      %dma_start3A_38 = tpu.memref_slice %arg4[%mul3A_6] : memref<512xi32, #tpu.memory_space<hbm>> -> memref<16xi32, #tpu.memory_space<hbm>>
      tpu.enqueue_dma source(%dma_start3A_38 : memref<16xi32, #tpu.memory_space<hbm>>) target(%arg15 : memref<16xi32, #tpu.memory_space<vmem>>) target_semaphore(%run_scoped3A : memref<!tpu.dma_semaphore, #tpu.memory_space<semaphore_mem>>)
      %dma_wait3A = tpu.memref_slice %arg4[%mul3A_6] : memref<512xi32, #tpu.memory_space<hbm>> -> memref<16xi32, #tpu.memory_space<hbm>>
      %dma_wait3A_39 = tpu.memref_slice %arg4[%mul3A_6] : memref<512xi32, #tpu.memory_space<hbm>> -> memref<16xi32, #tpu.memory_space<hbm>>
      tpu.wait_dma2 semaphore(%run_scoped3A : memref<!tpu.dma_semaphore, #tpu.memory_space<semaphore_mem>>) src(%dma_wait3A_39 : memref<16xi32, #tpu.memory_space<hbm>>) dst(%arg15 : memref<16xi32, #tpu.memory_space<vmem>>)
      tpu.yield
    }) : () -> ()
    %get3A = arith.constant 0 : index
    %get3A_7 = tpu.vector_load %arg15[%get3A] {strides = array<i32>} : memref<16xi32, #tpu.memory_space<vmem>>, vector<16xi32>,
    %reduce_max3A = arith.constant true
    %reduce_max3A_8 = vector.broadcast %reduce_max3A : i1 to vector<16xi1>
    %reduce_max3A_9 = arith.constant -2147483648 : i32
    %reduce_max3A_10 = vector.broadcast %reduce_max3A_9 : i32 to vector<16xi32>
    %reduce_max3A_11 = arith.xori %get3A_7, %reduce_max3A_10 : vector<16xi32>
    %reduce_max3A_12 = tpu.scan <max>, %reduce_max3A_11 masked %reduce_max3A_8 : vector<16xi32>, vector<16xi1> -> vector<16xi32>
    %reduce_max3A_13 = arith.xori %reduce_max3A_12, %reduce_max3A_10 : vector<16xi32>
    %reduce_max3A_14 = vector.extract %reduce_max3A_13[15] : i32 from vector<16xi32>
    %add3A_15 = arith.constant 127 : i32
    %add3A_16 = arith.addi %reduce_max3A_14, %add3A_15 : i32
    %div3A = arith.constant 128 : i32
    %div3A_17 = arith.divsi %add3A_16, %div3A : i32
    %add3A_18 = arith.constant 1 : i32
    %add3A_19 = arith.addi %div3A_17, %add3A_18 : i32
    %div3A_20 = arith.constant 2 : i32
    %div3A_21 = arith.divsi %add3A_19, %div3A_20 : i32
    %gt3A = arith.constant 0 : i32
    %gt3A_22 = arith.cmpi sgt, %div3A_17, %gt3A : i32
    %convert_element_type3A = arith.extui %gt3A_22 : i1 to i32
    %cond3A = arith.constant 0 : i32
    %cond3A_23 = arith.cmpi ne, %convert_element_type3A, %cond3A : i32
    scf.if %cond3A_23 {
      %multiple_of3A = tpu.assume_multiple %mul3A_4, 128 : i32
      "tpu.region"() ({
        %run_scoped3A = tpu.sem_alloc : memref<!tpu.dma_semaphore, #tpu.memory_space<semaphore_mem>>
        %dma_start3A_169 = tpu.memref_slice %arg3[%multiple_of3A] : memref<10485760xi32, #tpu.memory_space<hbm>> -> memref<128xi32, #tpu.memory_space<hbm>>
        %dma_start3A_170 = tpu.memref_slice %arg3[%multiple_of3A] : memref<10485760xi32, #tpu.memory_space<hbm>> -> memref<128xi32, #tpu.memory_space<hbm>>
        tpu.enqueue_dma source(%dma_start3A_170 : memref<128xi32, #tpu.memory_space<hbm>>) target(%arg7 : memref<128xi32, #tpu.memory_space<vmem>>) target_semaphore(%run_scoped3A : memref<!tpu.dma_semaphore, #tpu.memory_space<semaphore_mem>>)
        %dma_wait3A = tpu.memref_slice %arg3[%multiple_of3A] : memref<10485760xi32, #tpu.memory_space<hbm>> -> memref<128xi32, #tpu.memory_space<hbm>>
        %dma_wait3A_171 = tpu.memref_slice %arg3[%multiple_of3A] : memref<10485760xi32, #tpu.memory_space<hbm>> -> memref<128xi32, #tpu.memory_space<hbm>>
        tpu.wait_dma2 semaphore(%run_scoped3A : memref<!tpu.dma_semaphore, #tpu.memory_space<semaphore_mem>>) src(%dma_wait3A_171 : memref<128xi32, #tpu.memory_space<hbm>>) dst(%arg7 : memref<128xi32, #tpu.memory_space<vmem>>)
        tpu.yield
      }) : () -> ()
      %get3A_38 = arith.constant 0 : index
      %get3A_39 = tpu.vector_load %arg7[%get3A_38] {strides = array<i32>} : memref<128xi32, #tpu.memory_space<vmem>>, vector<16xi32>,
      %shift_right_arithmetic3A = arith.constant 13 : i32
      %shift_right_arithmetic3A_40 = vector.broadcast %shift_right_arithmetic3A : i32 to vector<16xi32>
      %shift_right_arithmetic3A_41 = arith.shrsi %get3A_39, %shift_right_arithmetic3A_40 : vector<16xi32>
      %swap3A = arith.constant 0 : i32
      %swap3A_42 = arith.index_cast %swap3A : i32 to index
      %swap3A_43 = arith.constant 0 : index
      %swap3A_44 = tpu.vector_load %arg9[%swap3A_42, %swap3A_43] {strides = array<i32>} : memref<1x128xi32, #tpu.memory_space<vmem>>, vector<16xi32>,
      tpu.vector_store %arg9[%swap3A_42, %swap3A_43], %shift_right_arithmetic3A_41 {strides = array<i32>} : memref<1x128xi32, #tpu.memory_space<vmem>>, vector<16xi32>,
      %and3A = arith.constant 8191 : i32
      %and3A_45 = vector.broadcast %and3A : i32 to vector<16xi32>
      %and3A_46 = arith.andi %get3A_39, %and3A_45 : vector<16xi32>
      %swap3A_47 = arith.constant 0 : i32
      %swap3A_48 = arith.index_cast %swap3A_47 : i32 to index
      %swap3A_49 = arith.constant 0 : index
      %swap3A_50 = tpu.vector_load %arg11[%swap3A_48, %swap3A_49] {strides = array<i32>} : memref<1x128xi32, #tpu.memory_space<vmem>>, vector<16xi32>,
      tpu.vector_store %arg11[%swap3A_48, %swap3A_49], %and3A_46 {strides = array<i32>} : memref<1x128xi32, #tpu.memory_space<vmem>>, vector<16xi32>,
      %get3A_51 = arith.constant 16 : index
      %get3A_52 = tpu.vector_load %arg7[%get3A_51] {strides = array<i32>} : memref<128xi32, #tpu.memory_space<vmem>>, vector<16xi32>,
      %shift_right_arithmetic3A_53 = arith.constant 13 : i32
      %shift_right_arithmetic3A_54 = vector.broadcast %shift_right_arithmetic3A_53 : i32 to vector<16xi32>
      %shift_right_arithmetic3A_55 = arith.shrsi %get3A_52, %shift_right_arithmetic3A_54 : vector<16xi32>
      %swap3A_56 = arith.constant 0 : i32
      %swap3A_57 = arith.index_cast %swap3A_56 : i32 to index
      %swap3A_58 = arith.constant 16 : index
      %swap3A_59 = tpu.vector_load %arg9[%swap3A_57, %swap3A_58] {strides = array<i32>} : memref<1x128xi32, #tpu.memory_space<vmem>>, vector<16xi32>,
      tpu.vector_store %arg9[%swap3A_57, %swap3A_58], %shift_right_arithmetic3A_55 {strides = array<i32>} : memref<1x128xi32, #tpu.memory_space<vmem>>, vector<16xi32>,
      %and3A_60 = arith.constant 8191 : i32
      %and3A_61 = vector.broadcast %and3A_60 : i32 to vector<16xi32>
      %and3A_62 = arith.andi %get3A_52, %and3A_61 : vector<16xi32>
      %swap3A_63 = arith.constant 0 : i32
      %swap3A_64 = arith.index_cast %swap3A_63 : i32 to index
      %swap3A_65 = arith.constant 16 : index
      %swap3A_66 = tpu.vector_load %arg11[%swap3A_64, %swap3A_65] {strides = array<i32>} : memref<1x128xi32, #tpu.memory_space<vmem>>, vector<16xi32>,
      tpu.vector_store %arg11[%swap3A_64, %swap3A_65], %and3A_62 {strides = array<i32>} : memref<1x128xi32, #tpu.memory_space<vmem>>, vector<16xi32>,
      %get3A_67 = arith.constant 32 : index
      %get3A_68 = tpu.vector_load %arg7[%get3A_67] {strides = array<i32>} : memref<128xi32, #tpu.memory_space<vmem>>, vector<16xi32>,
      %shift_right_arithmetic3A_69 = arith.constant 13 : i32
      %shift_right_arithmetic3A_70 = vector.broadcast %shift_right_arithmetic3A_69 : i32 to vector<16xi32>
      %shift_right_arithmetic3A_71 = arith.shrsi %get3A_68, %shift_right_arithmetic3A_70 : vector<16xi32>
      %swap3A_72 = arith.constant 0 : i32
      %swap3A_73 = arith.index_cast %swap3A_72 : i32 to index
      %swap3A_74 = arith.constant 32 : index
      %swap3A_75 = tpu.vector_load %arg9[%swap3A_73, %swap3A_74] {strides = array<i32>} : memref<1x128xi32, #tpu.memory_space<vmem>>, vector<16xi32>,
      tpu.vector_store %arg9[%swap3A_73, %swap3A_74], %shift_right_arithmetic3A_71 {strides = array<i32>} : memref<1x128xi32, #tpu.memory_space<vmem>>, vector<16xi32>,
      %and3A_76 = arith.constant 8191 : i32
      %and3A_77 = vector.broadcast %and3A_76 : i32 to vector<16xi32>
      %and3A_78 = arith.andi %get3A_68, %and3A_77 : vector<16xi32>
      %swap3A_79 = arith.constant 0 : i32
      %swap3A_80 = arith.index_cast %swap3A_79 : i32 to index
      %swap3A_81 = arith.constant 32 : index
      %swap3A_82 = tpu.vector_load %arg11[%swap3A_80, %swap3A_81] {strides = array<i32>} : memref<1x128xi32, #tpu.memory_space<vmem>>, vector<16xi32>,
      tpu.vector_store %arg11[%swap3A_80, %swap3A_81], %and3A_78 {strides = array<i32>} : memref<1x128xi32, #tpu.memory_space<vmem>>, vector<16xi32>,
      %get3A_83 = arith.constant 48 : index
      %get3A_84 = tpu.vector_load %arg7[%get3A_83] {strides = array<i32>} : memref<128xi32, #tpu.memory_space<vmem>>, vector<16xi32>,
      %shift_right_arithmetic3A_85 = arith.constant 13 : i32
      %shift_right_arithmetic3A_86 = vector.broadcast %shift_right_arithmetic3A_85 : i32 to vector<16xi32>
      %shift_right_arithmetic3A_87 = arith.shrsi %get3A_84, %shift_right_arithmetic3A_86 : vector<16xi32>
      %swap3A_88 = arith.constant 0 : i32
      %swap3A_89 = arith.index_cast %swap3A_88 : i32 to index
      %swap3A_90 = arith.constant 48 : index
      %swap3A_91 = tpu.vector_load %arg9[%swap3A_89, %swap3A_90] {strides = array<i32>} : memref<1x128xi32, #tpu.memory_space<vmem>>, vector<16xi32>,
      tpu.vector_store %arg9[%swap3A_89, %swap3A_90], %shift_right_arithmetic3A_87 {strides = array<i32>} : memref<1x128xi32, #tpu.memory_space<vmem>>, vector<16xi32>,
      %and3A_92 = arith.constant 8191 : i32
      %and3A_93 = vector.broadcast %and3A_92 : i32 to vector<16xi32>
      %and3A_94 = arith.andi %get3A_84, %and3A_93 : vector<16xi32>
      %swap3A_95 = arith.constant 0 : i32
      %swap3A_96 = arith.index_cast %swap3A_95 : i32 to index
      %swap3A_97 = arith.constant 48 : index
      %swap3A_98 = tpu.vector_load %arg11[%swap3A_96, %swap3A_97] {strides = array<i32>} : memref<1x128xi32, #tpu.memory_space<vmem>>, vector<16xi32>,
      tpu.vector_store %arg11[%swap3A_96, %swap3A_97], %and3A_94 {strides = array<i32>} : memref<1x128xi32, #tpu.memory_space<vmem>>, vector<16xi32>,
      %get3A_99 = arith.constant 64 : index
      %get3A_100 = tpu.vector_load %arg7[%get3A_99] {strides = array<i32>} : memref<128xi32, #tpu.memory_space<vmem>>, vector<16xi32>,
      %shift_right_arithmetic3A_101 = arith.constant 13 : i32
      %shift_right_arithmetic3A_102 = vector.broadcast %shift_right_arithmetic3A_101 : i32 to vector<16xi32>
      %shift_right_arithmetic3A_103 = arith.shrsi %get3A_100, %shift_right_arithmetic3A_102 : vector<16xi32>
      %swap3A_104 = arith.constant 0 : i32
      %swap3A_105 = arith.index_cast %swap3A_104 : i32 to index
      %swap3A_106 = arith.constant 64 : index
      %swap3A_107 = tpu.vector_load %arg9[%swap3A_105, %swap3A_106] {strides = array<i32>} : memref<1x128xi32, #tpu.memory_space<vmem>>, vector<16xi32>,
      tpu.vector_store %arg9[%swap3A_105, %swap3A_106], %shift_right_arithmetic3A_103 {strides = array<i32>} : memref<1x128xi32, #tpu.memory_space<vmem>>, vector<16xi32>,
      %and3A_108 = arith.constant 8191 : i32
      %and3A_109 = vector.broadcast %and3A_108 : i32 to vector<16xi32>
      %and3A_110 = arith.andi %get3A_100, %and3A_109 : vector<16xi32>
      %swap3A_111 = arith.constant 0 : i32
      %swap3A_112 = arith.index_cast %swap3A_111 : i32 to index
      %swap3A_113 = arith.constant 64 : index
      %swap3A_114 = tpu.vector_load %arg11[%swap3A_112, %swap3A_113] {strides = array<i32>} : memref<1x128xi32, #tpu.memory_space<vmem>>, vector<16xi32>,
      tpu.vector_store %arg11[%swap3A_112, %swap3A_113], %and3A_110 {strides = array<i32>} : memref<1x128xi32, #tpu.memory_space<vmem>>, vector<16xi32>,
      %get3A_115 = arith.constant 80 : index
      %get3A_116 = tpu.vector_load %arg7[%get3A_115] {strides = array<i32>} : memref<128xi32, #tpu.memory_space<vmem>>, vector<16xi32>,
      %shift_right_arithmetic3A_117 = arith.constant 13 : i32
      %shift_right_arithmetic3A_118 = vector.broadcast %shift_right_arithmetic3A_117 : i32 to vector<16xi32>
      %shift_right_arithmetic3A_119 = arith.shrsi %get3A_116, %shift_right_arithmetic3A_118 : vector<16xi32>
      %swap3A_120 = arith.constant 0 : i32
      %swap3A_121 = arith.index_cast %swap3A_120 : i32 to index
      %swap3A_122 = arith.constant 80 : index
      %swap3A_123 = tpu.vector_load %arg9[%swap3A_121, %swap3A_122] {strides = array<i32>} : memref<1x128xi32, #tpu.memory_space<vmem>>, vector<16xi32>,
      tpu.vector_store %arg9[%swap3A_121, %swap3A_122], %shift_right_arithmetic3A_119 {strides = array<i32>} : memref<1x128xi32, #tpu.memory_space<vmem>>, vector<16xi32>,
      %and3A_124 = arith.constant 8191 : i32
      %and3A_125 = vector.broadcast %and3A_124 : i32 to vector<16xi32>
      %and3A_126 = arith.andi %get3A_116, %and3A_125 : vector<16xi32>
      %swap3A_127 = arith.constant 0 : i32
      %swap3A_128 = arith.index_cast %swap3A_127 : i32 to index
      %swap3A_129 = arith.constant 80 : index
      %swap3A_130 = tpu.vector_load %arg11[%swap3A_128, %swap3A_129] {strides = array<i32>} : memref<1x128xi32, #tpu.memory_space<vmem>>, vector<16xi32>,
      tpu.vector_store %arg11[%swap3A_128, %swap3A_129], %and3A_126 {strides = array<i32>} : memref<1x128xi32, #tpu.memory_space<vmem>>, vector<16xi32>,
      %get3A_131 = arith.constant 96 : index
      %get3A_132 = tpu.vector_load %arg7[%get3A_131] {strides = array<i32>} : memref<128xi32, #tpu.memory_space<vmem>>, vector<16xi32>,
      %shift_right_arithmetic3A_133 = arith.constant 13 : i32
      %shift_right_arithmetic3A_134 = vector.broadcast %shift_right_arithmetic3A_133 : i32 to vector<16xi32>
      %shift_right_arithmetic3A_135 = arith.shrsi %get3A_132, %shift_right_arithmetic3A_134 : vector<16xi32>
      %swap3A_136 = arith.constant 0 : i32
      %swap3A_137 = arith.index_cast %swap3A_136 : i32 to index
      %swap3A_138 = arith.constant 96 : index
      %swap3A_139 = tpu.vector_load %arg9[%swap3A_137, %swap3A_138] {strides = array<i32>} : memref<1x128xi32, #tpu.memory_space<vmem>>, vector<16xi32>,
      tpu.vector_store %arg9[%swap3A_137, %swap3A_138], %shift_right_arithmetic3A_135 {strides = array<i32>} : memref<1x128xi32, #tpu.memory_space<vmem>>, vector<16xi32>,
      %and3A_140 = arith.constant 8191 : i32
      %and3A_141 = vector.broadcast %and3A_140 : i32 to vector<16xi32>
      %and3A_142 = arith.andi %get3A_132, %and3A_141 : vector<16xi32>
      %swap3A_143 = arith.constant 0 : i32
      %swap3A_144 = arith.index_cast %swap3A_143 : i32 to index
      %swap3A_145 = arith.constant 96 : index
      %swap3A_146 = tpu.vector_load %arg11[%swap3A_144, %swap3A_145] {strides = array<i32>} : memref<1x128xi32, #tpu.memory_space<vmem>>, vector<16xi32>,
      tpu.vector_store %arg11[%swap3A_144, %swap3A_145], %and3A_142 {strides = array<i32>} : memref<1x128xi32, #tpu.memory_space<vmem>>, vector<16xi32>,
      %get3A_147 = arith.constant 112 : index
      %get3A_148 = tpu.vector_load %arg7[%get3A_147] {strides = array<i32>} : memref<128xi32, #tpu.memory_space<vmem>>, vector<16xi32>,
      %shift_right_arithmetic3A_149 = arith.constant 13 : i32
      %shift_right_arithmetic3A_150 = vector.broadcast %shift_right_arithmetic3A_149 : i32 to vector<16xi32>
      %shift_right_arithmetic3A_151 = arith.shrsi %get3A_148, %shift_right_arithmetic3A_150 : vector<16xi32>
      %swap3A_152 = arith.constant 0 : i32
      %swap3A_153 = arith.index_cast %swap3A_152 : i32 to index
      %swap3A_154 = arith.constant 112 : index
      %swap3A_155 = tpu.vector_load %arg9[%swap3A_153, %swap3A_154] {strides = array<i32>} : memref<1x128xi32, #tpu.memory_space<vmem>>, vector<16xi32>,
      tpu.vector_store %arg9[%swap3A_153, %swap3A_154], %shift_right_arithmetic3A_151 {strides = array<i32>} : memref<1x128xi32, #tpu.memory_space<vmem>>, vector<16xi32>,
      %and3A_156 = arith.constant 8191 : i32
      %and3A_157 = vector.broadcast %and3A_156 : i32 to vector<16xi32>
      %and3A_158 = arith.andi %get3A_148, %and3A_157 : vector<16xi32>
      %swap3A_159 = arith.constant 0 : i32
      %swap3A_160 = arith.index_cast %swap3A_159 : i32 to index
      %swap3A_161 = arith.constant 112 : index
      %swap3A_162 = tpu.vector_load %arg11[%swap3A_160, %swap3A_161] {strides = array<i32>} : memref<1x128xi32, #tpu.memory_space<vmem>>, vector<16xi32>,
      tpu.vector_store %arg11[%swap3A_160, %swap3A_161], %and3A_158 {strides = array<i32>} : memref<1x128xi32, #tpu.memory_space<vmem>>, vector<16xi32>,
      %dma_start3A = arith.constant 0 : i32
      %dma_start3A_163 = arith.constant 0 : i32
      %dma_start3A_164 = tpu.memref_slice %arg9[%dma_start3A, %dma_start3A_163] : memref<1x128xi32, #tpu.memory_space<vmem>> -> memref<1x128xi32, #tpu.memory_space<vmem>>
      %dma_start3A_165 = tpu.memref_squeeze %dma_start3A_164 : memref<1x128xi32, #tpu.memory_space<vmem>> -> memref<128xi32, #tpu.memory_space<vmem>>
      %dma_start3A_166 = arith.constant 0 : i32
      %dma_start3A_167 = arith.constant 0 : i32
      %dma_start3A_168 = tpu.memref_slice %arg2[%dma_start3A_166, %dma_start3A_167] : memref<10000x128xf32, #tpu.memory_space<hbm>> -> memref<10000x128xf32, #tpu.memory_space<hbm>>
      tpu.enqueue_indirect_dma source(%dma_start3A_168 : memref<10000x128xf32, #tpu.memory_space<hbm>>) target(%arg13 : memref<128x128xf32, #tpu.memory_space<vmem>>) offsets(%dma_start3A_165 : memref<128xi32, #tpu.memory_space<vmem>>) semaphore(%arg17 : memref<!tpu.dma_semaphore, #tpu.memory_space<semaphore_mem>>)
    } else {
    }
    %while3A = arith.constant 0 : i32
    %while3A_24 = arith.constant 0 : i32
    %while3A_25 = arith.subi %div3A_21, %while3A_24 : i32
    %while3A_26 = arith.addi %while3A_24, %while3A_25 : i32
    %while3A_27 = arith.constant 1 : i32
    %while3A_28 = arith.divsi %while3A_25, %while3A_27 : i32
    %while3A_29 = arith.muli %while3A_28, %while3A_27 : i32
    %while3A_30 = arith.addi %while3A_24, %while3A_29 : i32
    %while3A_31 = arith.constant 1 : i32
    scf.for %while3A_38 = %while3A_24 to %while3A_30 step %while3A_31  : i32 {
      %mul3A_39 = arith.constant 2 : i32
      %mul3A_40 = arith.muli %mul3A_39, %while3A_38 : i32
      %lt3A = arith.cmpi slt, %mul3A_40, %div3A_17 : i32
      %convert_element_type3A_41 = arith.extui %lt3A : i1 to i32
      %cond3A_42 = arith.constant 0 : i32
      %cond3A_43 = arith.cmpi ne, %convert_element_type3A_41, %cond3A_42 : i32
      scf.if %cond3A_43 {
        %dma_wait3A = arith.constant 0 : i32
        %dma_wait3A_52 = arith.constant 0 : i32
        %dma_wait3A_53 = tpu.memref_slice %arg9[%dma_wait3A, %dma_wait3A_52] : memref<1x128xi32, #tpu.memory_space<vmem>> -> memref<1x128xi32, #tpu.memory_space<vmem>>
        %dma_wait3A_54 = tpu.memref_squeeze %dma_wait3A_53 : memref<1x128xi32, #tpu.memory_space<vmem>> -> memref<128xi32, #tpu.memory_space<vmem>>
        %dma_wait3A_55 = arith.constant 0 : i32
        %dma_wait3A_56 = arith.constant 0 : i32
        %dma_wait3A_57 = tpu.memref_slice %arg2[%dma_wait3A_55, %dma_wait3A_56] : memref<10000x128xf32, #tpu.memory_space<hbm>> -> memref<10000x128xf32, #tpu.memory_space<hbm>>
        tpu.wait_indirect_dma semaphore(%arg17 : memref<!tpu.dma_semaphore, #tpu.memory_space<semaphore_mem>>) src(%dma_wait3A_57 : memref<10000x128xf32, #tpu.memory_space<hbm>>) dst(%arg13 : memref<128x128xf32, #tpu.memory_space<vmem>>)
        %add3A_58 = arith.constant 1 : i32
        %add3A_59 = arith.addi %mul3A_40, %add3A_58 : i32
        %lt3A_60 = arith.cmpi slt, %add3A_59, %div3A_17 : i32
        %convert_element_type3A_61 = arith.extui %lt3A_60 : i1 to i32
        %cond3A_62 = arith.constant 0 : i32
        %cond3A_63 = arith.cmpi ne, %convert_element_type3A_61, %cond3A_62 : i32
        scf.if %cond3A_63 {
          %add3A_64 = arith.constant 1 : i32
          %add3A_65 = arith.addi %mul3A_40, %add3A_64 : i32
          %mul3A_66 = arith.constant 128 : i32
          %mul3A_67 = arith.muli %add3A_65, %mul3A_66 : i32
          %add3A_68 = arith.addi %mul3A_4, %mul3A_67 : i32
          %multiple_of3A = tpu.assume_multiple %add3A_68, 128 : i32
          "tpu.region"() ({
            %run_scoped3A_200 = tpu.sem_alloc : memref<!tpu.dma_semaphore, #tpu.memory_space<semaphore_mem>>
            %dma_start3A_201 = tpu.memref_slice %arg3[%multiple_of3A] : memref<10485760xi32, #tpu.memory_space<hbm>> -> memref<128xi32, #tpu.memory_space<hbm>>
            %dma_start3A_202 = tpu.memref_slice %arg3[%multiple_of3A] : memref<10485760xi32, #tpu.memory_space<hbm>> -> memref<128xi32, #tpu.memory_space<hbm>>
            tpu.enqueue_dma source(%dma_start3A_202 : memref<128xi32, #tpu.memory_space<hbm>>) target(%arg8 : memref<128xi32, #tpu.memory_space<vmem>>) target_semaphore(%run_scoped3A_200 : memref<!tpu.dma_semaphore, #tpu.memory_space<semaphore_mem>>)
            %dma_wait3A_203 = tpu.memref_slice %arg3[%multiple_of3A] : memref<10485760xi32, #tpu.memory_space<hbm>> -> memref<128xi32, #tpu.memory_space<hbm>>
            %dma_wait3A_204 = tpu.memref_slice %arg3[%multiple_of3A] : memref<10485760xi32, #tpu.memory_space<hbm>> -> memref<128xi32, #tpu.memory_space<hbm>>
            tpu.wait_dma2 semaphore(%run_scoped3A_200 : memref<!tpu.dma_semaphore, #tpu.memory_space<semaphore_mem>>) src(%dma_wait3A_204 : memref<128xi32, #tpu.memory_space<hbm>>) dst(%arg8 : memref<128xi32, #tpu.memory_space<vmem>>)
            tpu.yield
          }) : () -> ()
          %get3A_69 = arith.constant 0 : index
          %get3A_70 = tpu.vector_load %arg8[%get3A_69] {strides = array<i32>} : memref<128xi32, #tpu.memory_space<vmem>>, vector<16xi32>,
          %shift_right_arithmetic3A = arith.constant 13 : i32
          %shift_right_arithmetic3A_71 = vector.broadcast %shift_right_arithmetic3A : i32 to vector<16xi32>
          %shift_right_arithmetic3A_72 = arith.shrsi %get3A_70, %shift_right_arithmetic3A_71 : vector<16xi32>
          %swap3A = arith.constant 0 : i32
          %swap3A_73 = arith.index_cast %swap3A : i32 to index
          %swap3A_74 = arith.constant 0 : index
          %swap3A_75 = tpu.vector_load %arg10[%swap3A_73, %swap3A_74] {strides = array<i32>} : memref<1x128xi32, #tpu.memory_space<vmem>>, vector<16xi32>,
          tpu.vector_store %arg10[%swap3A_73, %swap3A_74], %shift_right_arithmetic3A_72 {strides = array<i32>} : memref<1x128xi32, #tpu.memory_space<vmem>>, vector<16xi32>,
          %and3A = arith.constant 8191 : i32
          %and3A_76 = vector.broadcast %and3A : i32 to vector<16xi32>
          %and3A_77 = arith.andi %get3A_70, %and3A_76 : vector<16xi32>
          %swap3A_78 = arith.constant 0 : i32
          %swap3A_79 = arith.index_cast %swap3A_78 : i32 to index
          %swap3A_80 = arith.constant 0 : index
          %swap3A_81 = tpu.vector_load %arg12[%swap3A_79, %swap3A_80] {strides = array<i32>} : memref<1x128xi32, #tpu.memory_space<vmem>>, vector<16xi32>,
          tpu.vector_store %arg12[%swap3A_79, %swap3A_80], %and3A_77 {strides = array<i32>} : memref<1x128xi32, #tpu.memory_space<vmem>>, vector<16xi32>,
          %get3A_82 = arith.constant 16 : index
          %get3A_83 = tpu.vector_load %arg8[%get3A_82] {strides = array<i32>} : memref<128xi32, #tpu.memory_space<vmem>>, vector<16xi32>,
          %shift_right_arithmetic3A_84 = arith.constant 13 : i32
          %shift_right_arithmetic3A_85 = vector.broadcast %shift_right_arithmetic3A_84 : i32 to vector<16xi32>
          %shift_right_arithmetic3A_86 = arith.shrsi %get3A_83, %shift_right_arithmetic3A_85 : vector<16xi32>
          %swap3A_87 = arith.constant 0 : i32
          %swap3A_88 = arith.index_cast %swap3A_87 : i32 to index
          %swap3A_89 = arith.constant 16 : index
          %swap3A_90 = tpu.vector_load %arg10[%swap3A_88, %swap3A_89] {strides = array<i32>} : memref<1x128xi32, #tpu.memory_space<vmem>>, vector<16xi32>,
          tpu.vector_store %arg10[%swap3A_88, %swap3A_89], %shift_right_arithmetic3A_86 {strides = array<i32>} : memref<1x128xi32, #tpu.memory_space<vmem>>, vector<16xi32>,
          %and3A_91 = arith.constant 8191 : i32
          %and3A_92 = vector.broadcast %and3A_91 : i32 to vector<16xi32>
          %and3A_93 = arith.andi %get3A_83, %and3A_92 : vector<16xi32>
          %swap3A_94 = arith.constant 0 : i32
          %swap3A_95 = arith.index_cast %swap3A_94 : i32 to index
          %swap3A_96 = arith.constant 16 : index
          %swap3A_97 = tpu.vector_load %arg12[%swap3A_95, %swap3A_96] {strides = array<i32>} : memref<1x128xi32, #tpu.memory_space<vmem>>, vector<16xi32>,
          tpu.vector_store %arg12[%swap3A_95, %swap3A_96], %and3A_93 {strides = array<i32>} : memref<1x128xi32, #tpu.memory_space<vmem>>, vector<16xi32>,
          %get3A_98 = arith.constant 32 : index
          %get3A_99 = tpu.vector_load %arg8[%get3A_98] {strides = array<i32>} : memref<128xi32, #tpu.memory_space<vmem>>, vector<16xi32>,
          %shift_right_arithmetic3A_100 = arith.constant 13 : i32
          %shift_right_arithmetic3A_101 = vector.broadcast %shift_right_arithmetic3A_100 : i32 to vector<16xi32>
          %shift_right_arithmetic3A_102 = arith.shrsi %get3A_99, %shift_right_arithmetic3A_101 : vector<16xi32>
          %swap3A_103 = arith.constant 0 : i32
          %swap3A_104 = arith.index_cast %swap3A_103 : i32 to index
          %swap3A_105 = arith.constant 32 : index
          %swap3A_106 = tpu.vector_load %arg10[%swap3A_104, %swap3A_105] {strides = array<i32>} : memref<1x128xi32, #tpu.memory_space<vmem>>, vector<16xi32>,
          tpu.vector_store %arg10[%swap3A_104, %swap3A_105], %shift_right_arithmetic3A_102 {strides = array<i32>} : memref<1x128xi32, #tpu.memory_space<vmem>>, vector<16xi32>,
          %and3A_107 = arith.constant 8191 : i32
          %and3A_108 = vector.broadcast %and3A_107 : i32 to vector<16xi32>
          %and3A_109 = arith.andi %get3A_99, %and3A_108 : vector<16xi32>
          %swap3A_110 = arith.constant 0 : i32
          %swap3A_111 = arith.index_cast %swap3A_110 : i32 to index
          %swap3A_112 = arith.constant 32 : index
          %swap3A_113 = tpu.vector_load %arg12[%swap3A_111, %swap3A_112] {strides = array<i32>} : memref<1x128xi32, #tpu.memory_space<vmem>>, vector<16xi32>,
          tpu.vector_store %arg12[%swap3A_111, %swap3A_112], %and3A_109 {strides = array<i32>} : memref<1x128xi32, #tpu.memory_space<vmem>>, vector<16xi32>,
          %get3A_114 = arith.constant 48 : index
          %get3A_115 = tpu.vector_load %arg8[%get3A_114] {strides = array<i32>} : memref<128xi32, #tpu.memory_space<vmem>>, vector<16xi32>,
          %shift_right_arithmetic3A_116 = arith.constant 13 : i32
          %shift_right_arithmetic3A_117 = vector.broadcast %shift_right_arithmetic3A_116 : i32 to vector<16xi32>
          %shift_right_arithmetic3A_118 = arith.shrsi %get3A_115, %shift_right_arithmetic3A_117 : vector<16xi32>
          %swap3A_119 = arith.constant 0 : i32
          %swap3A_120 = arith.index_cast %swap3A_119 : i32 to index
          %swap3A_121 = arith.constant 48 : index
          %swap3A_122 = tpu.vector_load %arg10[%swap3A_120, %swap3A_121] {strides = array<i32>} : memref<1x128xi32, #tpu.memory_space<vmem>>, vector<16xi32>,
          tpu.vector_store %arg10[%swap3A_120, %swap3A_121], %shift_right_arithmetic3A_118 {strides = array<i32>} : memref<1x128xi32, #tpu.memory_space<vmem>>, vector<16xi32>,
          %and3A_123 = arith.constant 8191 : i32
          %and3A_124 = vector.broadcast %and3A_123 : i32 to vector<16xi32>
          %and3A_125 = arith.andi %get3A_115, %and3A_124 : vector<16xi32>
          %swap3A_126 = arith.constant 0 : i32
          %swap3A_127 = arith.index_cast %swap3A_126 : i32 to index
          %swap3A_128 = arith.constant 48 : index
          %swap3A_129 = tpu.vector_load %arg12[%swap3A_127, %swap3A_128] {strides = array<i32>} : memref<1x128xi32, #tpu.memory_space<vmem>>, vector<16xi32>,
          tpu.vector_store %arg12[%swap3A_127, %swap3A_128], %and3A_125 {strides = array<i32>} : memref<1x128xi32, #tpu.memory_space<vmem>>, vector<16xi32>,
          %get3A_130 = arith.constant 64 : index
          %get3A_131 = tpu.vector_load %arg8[%get3A_130] {strides = array<i32>} : memref<128xi32, #tpu.memory_space<vmem>>, vector<16xi32>,
          %shift_right_arithmetic3A_132 = arith.constant 13 : i32
          %shift_right_arithmetic3A_133 = vector.broadcast %shift_right_arithmetic3A_132 : i32 to vector<16xi32>
          %shift_right_arithmetic3A_134 = arith.shrsi %get3A_131, %shift_right_arithmetic3A_133 : vector<16xi32>
          %swap3A_135 = arith.constant 0 : i32
          %swap3A_136 = arith.index_cast %swap3A_135 : i32 to index
          %swap3A_137 = arith.constant 64 : index
          %swap3A_138 = tpu.vector_load %arg10[%swap3A_136, %swap3A_137] {strides = array<i32>} : memref<1x128xi32, #tpu.memory_space<vmem>>, vector<16xi32>,
          tpu.vector_store %arg10[%swap3A_136, %swap3A_137], %shift_right_arithmetic3A_134 {strides = array<i32>} : memref<1x128xi32, #tpu.memory_space<vmem>>, vector<16xi32>,
          %and3A_139 = arith.constant 8191 : i32
          %and3A_140 = vector.broadcast %and3A_139 : i32 to vector<16xi32>
          %and3A_141 = arith.andi %get3A_131, %and3A_140 : vector<16xi32>
          %swap3A_142 = arith.constant 0 : i32
          %swap3A_143 = arith.index_cast %swap3A_142 : i32 to index
          %swap3A_144 = arith.constant 64 : index
          %swap3A_145 = tpu.vector_load %arg12[%swap3A_143, %swap3A_144] {strides = array<i32>} : memref<1x128xi32, #tpu.memory_space<vmem>>, vector<16xi32>,
          tpu.vector_store %arg12[%swap3A_143, %swap3A_144], %and3A_141 {strides = array<i32>} : memref<1x128xi32, #tpu.memory_space<vmem>>, vector<16xi32>,
          %get3A_146 = arith.constant 80 : index
          %get3A_147 = tpu.vector_load %arg8[%get3A_146] {strides = array<i32>} : memref<128xi32, #tpu.memory_space<vmem>>, vector<16xi32>,
          %shift_right_arithmetic3A_148 = arith.constant 13 : i32
          %shift_right_arithmetic3A_149 = vector.broadcast %shift_right_arithmetic3A_148 : i32 to vector<16xi32>
          %shift_right_arithmetic3A_150 = arith.shrsi %get3A_147, %shift_right_arithmetic3A_149 : vector<16xi32>
          %swap3A_151 = arith.constant 0 : i32
          %swap3A_152 = arith.index_cast %swap3A_151 : i32 to index
          %swap3A_153 = arith.constant 80 : index
          %swap3A_154 = tpu.vector_load %arg10[%swap3A_152, %swap3A_153] {strides = array<i32>} : memref<1x128xi32, #tpu.memory_space<vmem>>, vector<16xi32>,
          tpu.vector_store %arg10[%swap3A_152, %swap3A_153], %shift_right_arithmetic3A_150 {strides = array<i32>} : memref<1x128xi32, #tpu.memory_space<vmem>>, vector<16xi32>,
          %and3A_155 = arith.constant 8191 : i32
          %and3A_156 = vector.broadcast %and3A_155 : i32 to vector<16xi32>
          %and3A_157 = arith.andi %get3A_147, %and3A_156 : vector<16xi32>
          %swap3A_158 = arith.constant 0 : i32
          %swap3A_159 = arith.index_cast %swap3A_158 : i32 to index
          %swap3A_160 = arith.constant 80 : index
          %swap3A_161 = tpu.vector_load %arg12[%swap3A_159, %swap3A_160] {strides = array<i32>} : memref<1x128xi32, #tpu.memory_space<vmem>>, vector<16xi32>,
          tpu.vector_store %arg12[%swap3A_159, %swap3A_160], %and3A_157 {strides = array<i32>} : memref<1x128xi32, #tpu.memory_space<vmem>>, vector<16xi32>,
          %get3A_162 = arith.constant 96 : index
          %get3A_163 = tpu.vector_load %arg8[%get3A_162] {strides = array<i32>} : memref<128xi32, #tpu.memory_space<vmem>>, vector<16xi32>,
          %shift_right_arithmetic3A_164 = arith.constant 13 : i32
          %shift_right_arithmetic3A_165 = vector.broadcast %shift_right_arithmetic3A_164 : i32 to vector<16xi32>
          %shift_right_arithmetic3A_166 = arith.shrsi %get3A_163, %shift_right_arithmetic3A_165 : vector<16xi32>
          %swap3A_167 = arith.constant 0 : i32
          %swap3A_168 = arith.index_cast %swap3A_167 : i32 to index
          %swap3A_169 = arith.constant 96 : index
          %swap3A_170 = tpu.vector_load %arg10[%swap3A_168, %swap3A_169] {strides = array<i32>} : memref<1x128xi32, #tpu.memory_space<vmem>>, vector<16xi32>,
          tpu.vector_store %arg10[%swap3A_168, %swap3A_169], %shift_right_arithmetic3A_166 {strides = array<i32>} : memref<1x128xi32, #tpu.memory_space<vmem>>, vector<16xi32>,
          %and3A_171 = arith.constant 8191 : i32
          %and3A_172 = vector.broadcast %and3A_171 : i32 to vector<16xi32>
          %and3A_173 = arith.andi %get3A_163, %and3A_172 : vector<16xi32>
          %swap3A_174 = arith.constant 0 : i32
          %swap3A_175 = arith.index_cast %swap3A_174 : i32 to index
          %swap3A_176 = arith.constant 96 : index
          %swap3A_177 = tpu.vector_load %arg12[%swap3A_175, %swap3A_176] {strides = array<i32>} : memref<1x128xi32, #tpu.memory_space<vmem>>, vector<16xi32>,
          tpu.vector_store %arg12[%swap3A_175, %swap3A_176], %and3A_173 {strides = array<i32>} : memref<1x128xi32, #tpu.memory_space<vmem>>, vector<16xi32>,
          %get3A_178 = arith.constant 112 : index
          %get3A_179 = tpu.vector_load %arg8[%get3A_178] {strides = array<i32>} : memref<128xi32, #tpu.memory_space<vmem>>, vector<16xi32>,
          %shift_right_arithmetic3A_180 = arith.constant 13 : i32
          %shift_right_arithmetic3A_181 = vector.broadcast %shift_right_arithmetic3A_180 : i32 to vector<16xi32>
          %shift_right_arithmetic3A_182 = arith.shrsi %get3A_179, %shift_right_arithmetic3A_181 : vector<16xi32>
          %swap3A_183 = arith.constant 0 : i32
          %swap3A_184 = arith.index_cast %swap3A_183 : i32 to index
          %swap3A_185 = arith.constant 112 : index
          %swap3A_186 = tpu.vector_load %arg10[%swap3A_184, %swap3A_185] {strides = array<i32>} : memref<1x128xi32, #tpu.memory_space<vmem>>, vector<16xi32>,
          tpu.vector_store %arg10[%swap3A_184, %swap3A_185], %shift_right_arithmetic3A_182 {strides = array<i32>} : memref<1x128xi32, #tpu.memory_space<vmem>>, vector<16xi32>,
          %and3A_187 = arith.constant 8191 : i32
          %and3A_188 = vector.broadcast %and3A_187 : i32 to vector<16xi32>
          %and3A_189 = arith.andi %get3A_179, %and3A_188 : vector<16xi32>
          %swap3A_190 = arith.constant 0 : i32
          %swap3A_191 = arith.index_cast %swap3A_190 : i32 to index
          %swap3A_192 = arith.constant 112 : index
          %swap3A_193 = tpu.vector_load %arg12[%swap3A_191, %swap3A_192] {strides = array<i32>} : memref<1x128xi32, #tpu.memory_space<vmem>>, vector<16xi32>,
          tpu.vector_store %arg12[%swap3A_191, %swap3A_192], %and3A_189 {strides = array<i32>} : memref<1x128xi32, #tpu.memory_space<vmem>>, vector<16xi32>,
          %dma_start3A = arith.constant 0 : i32
          %dma_start3A_194 = arith.constant 0 : i32
          %dma_start3A_195 = tpu.memref_slice %arg10[%dma_start3A, %dma_start3A_194] : memref<1x128xi32, #tpu.memory_space<vmem>> -> memref<1x128xi32, #tpu.memory_space<vmem>>
          %dma_start3A_196 = tpu.memref_squeeze %dma_start3A_195 : memref<1x128xi32, #tpu.memory_space<vmem>> -> memref<128xi32, #tpu.memory_space<vmem>>
          %dma_start3A_197 = arith.constant 0 : i32
          %dma_start3A_198 = arith.constant 0 : i32
          %dma_start3A_199 = tpu.memref_slice %arg2[%dma_start3A_197, %dma_start3A_198] : memref<10000x128xf32, #tpu.memory_space<hbm>> -> memref<10000x128xf32, #tpu.memory_space<hbm>>
          tpu.enqueue_indirect_dma source(%dma_start3A_199 : memref<10000x128xf32, #tpu.memory_space<hbm>>) target(%arg14 : memref<128x128xf32, #tpu.memory_space<vmem>>) offsets(%dma_start3A_196 : memref<128xi32, #tpu.memory_space<vmem>>) semaphore(%arg18 : memref<!tpu.dma_semaphore, #tpu.memory_space<semaphore_mem>>)
        } else {
        }
        %run_scoped3A = arith.constant 0 : i32
        "tpu.region"() ({
          %run_scoped3A_64 = tpu.sem_alloc : memref<!tpu.dma_semaphore, #tpu.memory_space<semaphore_mem>>
          %dma_start3A = arith.constant 0 : i32
          %dma_start3A_65 = tpu.memref_slice %arg11[%run_scoped3A, %dma_start3A] : memref<1x128xi32, #tpu.memory_space<vmem>> -> memref<1x128xi32, #tpu.memory_space<vmem>>
          %dma_start3A_66 = tpu.memref_squeeze %dma_start3A_65 : memref<1x128xi32, #tpu.memory_space<vmem>> -> memref<128xi32, #tpu.memory_space<vmem>>
          %dma_start3A_67 = arith.constant 0 : i32
          %dma_start3A_68 = arith.constant 0 : i32
          %dma_start3A_69 = tpu.memref_slice %arg16[%dma_start3A_67, %dma_start3A_68] : memref<5248x128xf32, #tpu.memory_space<vmem_shared>> -> memref<5248x128xf32, #tpu.memory_space<vmem_shared>>
          tpu.enqueue_indirect_dma source(%arg13 : memref<128x128xf32, #tpu.memory_space<vmem>>) target(%dma_start3A_69 : memref<5248x128xf32, #tpu.memory_space<vmem_shared>>) offsets(%dma_start3A_66 : memref<128xi32, #tpu.memory_space<vmem>>) semaphore(%run_scoped3A_64 : memref<!tpu.dma_semaphore, #tpu.memory_space<semaphore_mem>>) {add = true}
          %dma_wait3A_70 = arith.constant 0 : i32
          %dma_wait3A_71 = tpu.memref_slice %arg11[%run_scoped3A, %dma_wait3A_70] : memref<1x128xi32, #tpu.memory_space<vmem>> -> memref<1x128xi32, #tpu.memory_space<vmem>>
          %dma_wait3A_72 = tpu.memref_squeeze %dma_wait3A_71 : memref<1x128xi32, #tpu.memory_space<vmem>> -> memref<128xi32, #tpu.memory_space<vmem>>
          %dma_wait3A_73 = arith.constant 0 : i32
          %dma_wait3A_74 = arith.constant 0 : i32
          %dma_wait3A_75 = tpu.memref_slice %arg16[%dma_wait3A_73, %dma_wait3A_74] : memref<5248x128xf32, #tpu.memory_space<vmem_shared>> -> memref<5248x128xf32, #tpu.memory_space<vmem_shared>>
          tpu.wait_indirect_dma semaphore(%run_scoped3A_64 : memref<!tpu.dma_semaphore, #tpu.memory_space<semaphore_mem>>) src(%arg13 : memref<128x128xf32, #tpu.memory_space<vmem>>) dst(%dma_wait3A_75 : memref<5248x128xf32, #tpu.memory_space<vmem_shared>>)
          tpu.yield
        }) : () -> ()
      } else {
      }
      %mul3A_44 = arith.constant 2 : i32
      %mul3A_45 = arith.muli %mul3A_44, %while3A_38 : i32
      %add3A_46 = arith.constant 1 : i32
      %add3A_47 = arith.addi %mul3A_45, %add3A_46 : i32
      %lt3A_48 = arith.cmpi slt, %add3A_47, %div3A_17 : i32
      %convert_element_type3A_49 = arith.extui %lt3A_48 : i1 to i32
      %cond3A_50 = arith.constant 0 : i32
      %cond3A_51 = arith.cmpi ne, %convert_element_type3A_49, %cond3A_50 : i32
      scf.if %cond3A_51 {
        %dma_wait3A = arith.constant 0 : i32
        %dma_wait3A_52 = arith.constant 0 : i32
        %dma_wait3A_53 = tpu.memref_slice %arg10[%dma_wait3A, %dma_wait3A_52] : memref<1x128xi32, #tpu.memory_space<vmem>> -> memref<1x128xi32, #tpu.memory_space<vmem>>
        %dma_wait3A_54 = tpu.memref_squeeze %dma_wait3A_53 : memref<1x128xi32, #tpu.memory_space<vmem>> -> memref<128xi32, #tpu.memory_space<vmem>>
        %dma_wait3A_55 = arith.constant 0 : i32
        %dma_wait3A_56 = arith.constant 0 : i32
        %dma_wait3A_57 = tpu.memref_slice %arg2[%dma_wait3A_55, %dma_wait3A_56] : memref<10000x128xf32, #tpu.memory_space<hbm>> -> memref<10000x128xf32, #tpu.memory_space<hbm>>
        tpu.wait_indirect_dma semaphore(%arg18 : memref<!tpu.dma_semaphore, #tpu.memory_space<semaphore_mem>>) src(%dma_wait3A_57 : memref<10000x128xf32, #tpu.memory_space<hbm>>) dst(%arg14 : memref<128x128xf32, #tpu.memory_space<vmem>>)
        %add3A_58 = arith.constant 1 : i32
        %add3A_59 = arith.addi %add3A_47, %add3A_58 : i32
        %lt3A_60 = arith.cmpi slt, %add3A_59, %div3A_17 : i32
        %convert_element_type3A_61 = arith.extui %lt3A_60 : i1 to i32
        %cond3A_62 = arith.constant 0 : i32
        %cond3A_63 = arith.cmpi ne, %convert_element_type3A_61, %cond3A_62 : i32
        scf.if %cond3A_63 {
          %add3A_64 = arith.constant 1 : i32
          %add3A_65 = arith.addi %add3A_47, %add3A_64 : i32
          %mul3A_66 = arith.constant 128 : i32
          %mul3A_67 = arith.muli %add3A_65, %mul3A_66 : i32
          %add3A_68 = arith.addi %mul3A_4, %mul3A_67 : i32
          %multiple_of3A = tpu.assume_multiple %add3A_68, 128 : i32
          "tpu.region"() ({
            %run_scoped3A_200 = tpu.sem_alloc : memref<!tpu.dma_semaphore, #tpu.memory_space<semaphore_mem>>
            %dma_start3A_201 = tpu.memref_slice %arg3[%multiple_of3A] : memref<10485760xi32, #tpu.memory_space<hbm>> -> memref<128xi32, #tpu.memory_space<hbm>>
            %dma_start3A_202 = tpu.memref_slice %arg3[%multiple_of3A] : memref<10485760xi32, #tpu.memory_space<hbm>> -> memref<128xi32, #tpu.memory_space<hbm>>
            tpu.enqueue_dma source(%dma_start3A_202 : memref<128xi32, #tpu.memory_space<hbm>>) target(%arg7 : memref<128xi32, #tpu.memory_space<vmem>>) target_semaphore(%run_scoped3A_200 : memref<!tpu.dma_semaphore, #tpu.memory_space<semaphore_mem>>)
            %dma_wait3A_203 = tpu.memref_slice %arg3[%multiple_of3A] : memref<10485760xi32, #tpu.memory_space<hbm>> -> memref<128xi32, #tpu.memory_space<hbm>>
            %dma_wait3A_204 = tpu.memref_slice %arg3[%multiple_of3A] : memref<10485760xi32, #tpu.memory_space<hbm>> -> memref<128xi32, #tpu.memory_space<hbm>>
            tpu.wait_dma2 semaphore(%run_scoped3A_200 : memref<!tpu.dma_semaphore, #tpu.memory_space<semaphore_mem>>) src(%dma_wait3A_204 : memref<128xi32, #tpu.memory_space<hbm>>) dst(%arg7 : memref<128xi32, #tpu.memory_space<vmem>>)
            tpu.yield
          }) : () -> ()
          %get3A_69 = arith.constant 0 : index
          %get3A_70 = tpu.vector_load %arg7[%get3A_69] {strides = array<i32>} : memref<128xi32, #tpu.memory_space<vmem>>, vector<16xi32>,
          %shift_right_arithmetic3A = arith.constant 13 : i32
          %shift_right_arithmetic3A_71 = vector.broadcast %shift_right_arithmetic3A : i32 to vector<16xi32>
          %shift_right_arithmetic3A_72 = arith.shrsi %get3A_70, %shift_right_arithmetic3A_71 : vector<16xi32>
          %swap3A = arith.constant 0 : i32
          %swap3A_73 = arith.index_cast %swap3A : i32 to index
          %swap3A_74 = arith.constant 0 : index
          %swap3A_75 = tpu.vector_load %arg9[%swap3A_73, %swap3A_74] {strides = array<i32>} : memref<1x128xi32, #tpu.memory_space<vmem>>, vector<16xi32>,
          tpu.vector_store %arg9[%swap3A_73, %swap3A_74], %shift_right_arithmetic3A_72 {strides = array<i32>} : memref<1x128xi32, #tpu.memory_space<vmem>>, vector<16xi32>,
          %and3A = arith.constant 8191 : i32
          %and3A_76 = vector.broadcast %and3A : i32 to vector<16xi32>
          %and3A_77 = arith.andi %get3A_70, %and3A_76 : vector<16xi32>
          %swap3A_78 = arith.constant 0 : i32
          %swap3A_79 = arith.index_cast %swap3A_78 : i32 to index
          %swap3A_80 = arith.constant 0 : index
          %swap3A_81 = tpu.vector_load %arg11[%swap3A_79, %swap3A_80] {strides = array<i32>} : memref<1x128xi32, #tpu.memory_space<vmem>>, vector<16xi32>,
          tpu.vector_store %arg11[%swap3A_79, %swap3A_80], %and3A_77 {strides = array<i32>} : memref<1x128xi32, #tpu.memory_space<vmem>>, vector<16xi32>,
          %get3A_82 = arith.constant 16 : index
          %get3A_83 = tpu.vector_load %arg7[%get3A_82] {strides = array<i32>} : memref<128xi32, #tpu.memory_space<vmem>>, vector<16xi32>,
          %shift_right_arithmetic3A_84 = arith.constant 13 : i32
          %shift_right_arithmetic3A_85 = vector.broadcast %shift_right_arithmetic3A_84 : i32 to vector<16xi32>
          %shift_right_arithmetic3A_86 = arith.shrsi %get3A_83, %shift_right_arithmetic3A_85 : vector<16xi32>
          %swap3A_87 = arith.constant 0 : i32
          %swap3A_88 = arith.index_cast %swap3A_87 : i32 to index
          %swap3A_89 = arith.constant 16 : index
          %swap3A_90 = tpu.vector_load %arg9[%swap3A_88, %swap3A_89] {strides = array<i32>} : memref<1x128xi32, #tpu.memory_space<vmem>>, vector<16xi32>,
          tpu.vector_store %arg9[%swap3A_88, %swap3A_89], %shift_right_arithmetic3A_86 {strides = array<i32>} : memref<1x128xi32, #tpu.memory_space<vmem>>, vector<16xi32>,
          %and3A_91 = arith.constant 8191 : i32
          %and3A_92 = vector.broadcast %and3A_91 : i32 to vector<16xi32>
          %and3A_93 = arith.andi %get3A_83, %and3A_92 : vector<16xi32>
          %swap3A_94 = arith.constant 0 : i32
          %swap3A_95 = arith.index_cast %swap3A_94 : i32 to index
          %swap3A_96 = arith.constant 16 : index
          %swap3A_97 = tpu.vector_load %arg11[%swap3A_95, %swap3A_96] {strides = array<i32>} : memref<1x128xi32, #tpu.memory_space<vmem>>, vector<16xi32>,
          tpu.vector_store %arg11[%swap3A_95, %swap3A_96], %and3A_93 {strides = array<i32>} : memref<1x128xi32, #tpu.memory_space<vmem>>, vector<16xi32>,
          %get3A_98 = arith.constant 32 : index
          %get3A_99 = tpu.vector_load %arg7[%get3A_98] {strides = array<i32>} : memref<128xi32, #tpu.memory_space<vmem>>, vector<16xi32>,
          %shift_right_arithmetic3A_100 = arith.constant 13 : i32
          %shift_right_arithmetic3A_101 = vector.broadcast %shift_right_arithmetic3A_100 : i32 to vector<16xi32>
          %shift_right_arithmetic3A_102 = arith.shrsi %get3A_99, %shift_right_arithmetic3A_101 : vector<16xi32>
          %swap3A_103 = arith.constant 0 : i32
          %swap3A_104 = arith.index_cast %swap3A_103 : i32 to index
          %swap3A_105 = arith.constant 32 : index
          %swap3A_106 = tpu.vector_load %arg9[%swap3A_104, %swap3A_105] {strides = array<i32>} : memref<1x128xi32, #tpu.memory_space<vmem>>, vector<16xi32>,
          tpu.vector_store %arg9[%swap3A_104, %swap3A_105], %shift_right_arithmetic3A_102 {strides = array<i32>} : memref<1x128xi32, #tpu.memory_space<vmem>>, vector<16xi32>,
          %and3A_107 = arith.constant 8191 : i32
          %and3A_108 = vector.broadcast %and3A_107 : i32 to vector<16xi32>
          %and3A_109 = arith.andi %get3A_99, %and3A_108 : vector<16xi32>
          %swap3A_110 = arith.constant 0 : i32
          %swap3A_111 = arith.index_cast %swap3A_110 : i32 to index
          %swap3A_112 = arith.constant 32 : index
          %swap3A_113 = tpu.vector_load %arg11[%swap3A_111, %swap3A_112] {strides = array<i32>} : memref<1x128xi32, #tpu.memory_space<vmem>>, vector<16xi32>,
          tpu.vector_store %arg11[%swap3A_111, %swap3A_112], %and3A_109 {strides = array<i32>} : memref<1x128xi32, #tpu.memory_space<vmem>>, vector<16xi32>,
          %get3A_114 = arith.constant 48 : index
          %get3A_115 = tpu.vector_load %arg7[%get3A_114] {strides = array<i32>} : memref<128xi32, #tpu.memory_space<vmem>>, vector<16xi32>,
          %shift_right_arithmetic3A_116 = arith.constant 13 : i32
          %shift_right_arithmetic3A_117 = vector.broadcast %shift_right_arithmetic3A_116 : i32 to vector<16xi32>
          %shift_right_arithmetic3A_118 = arith.shrsi %get3A_115, %shift_right_arithmetic3A_117 : vector<16xi32>
          %swap3A_119 = arith.constant 0 : i32
          %swap3A_120 = arith.index_cast %swap3A_119 : i32 to index
          %swap3A_121 = arith.constant 48 : index
          %swap3A_122 = tpu.vector_load %arg9[%swap3A_120, %swap3A_121] {strides = array<i32>} : memref<1x128xi32, #tpu.memory_space<vmem>>, vector<16xi32>,
          tpu.vector_store %arg9[%swap3A_120, %swap3A_121], %shift_right_arithmetic3A_118 {strides = array<i32>} : memref<1x128xi32, #tpu.memory_space<vmem>>, vector<16xi32>,
          %and3A_123 = arith.constant 8191 : i32
          %and3A_124 = vector.broadcast %and3A_123 : i32 to vector<16xi32>
          %and3A_125 = arith.andi %get3A_115, %and3A_124 : vector<16xi32>
          %swap3A_126 = arith.constant 0 : i32
          %swap3A_127 = arith.index_cast %swap3A_126 : i32 to index
          %swap3A_128 = arith.constant 48 : index
          %swap3A_129 = tpu.vector_load %arg11[%swap3A_127, %swap3A_128] {strides = array<i32>} : memref<1x128xi32, #tpu.memory_space<vmem>>, vector<16xi32>,
          tpu.vector_store %arg11[%swap3A_127, %swap3A_128], %and3A_125 {strides = array<i32>} : memref<1x128xi32, #tpu.memory_space<vmem>>, vector<16xi32>,
          %get3A_130 = arith.constant 64 : index
          %get3A_131 = tpu.vector_load %arg7[%get3A_130] {strides = array<i32>} : memref<128xi32, #tpu.memory_space<vmem>>, vector<16xi32>,
          %shift_right_arithmetic3A_132 = arith.constant 13 : i32
          %shift_right_arithmetic3A_133 = vector.broadcast %shift_right_arithmetic3A_132 : i32 to vector<16xi32>
          %shift_right_arithmetic3A_134 = arith.shrsi %get3A_131, %shift_right_arithmetic3A_133 : vector<16xi32>
          %swap3A_135 = arith.constant 0 : i32
          %swap3A_136 = arith.index_cast %swap3A_135 : i32 to index
          %swap3A_137 = arith.constant 64 : index
          %swap3A_138 = tpu.vector_load %arg9[%swap3A_136, %swap3A_137] {strides = array<i32>} : memref<1x128xi32, #tpu.memory_space<vmem>>, vector<16xi32>,
          tpu.vector_store %arg9[%swap3A_136, %swap3A_137], %shift_right_arithmetic3A_134 {strides = array<i32>} : memref<1x128xi32, #tpu.memory_space<vmem>>, vector<16xi32>,
          %and3A_139 = arith.constant 8191 : i32
          %and3A_140 = vector.broadcast %and3A_139 : i32 to vector<16xi32>
          %and3A_141 = arith.andi %get3A_131, %and3A_140 : vector<16xi32>
          %swap3A_142 = arith.constant 0 : i32
          %swap3A_143 = arith.index_cast %swap3A_142 : i32 to index
          %swap3A_144 = arith.constant 64 : index
          %swap3A_145 = tpu.vector_load %arg11[%swap3A_143, %swap3A_144] {strides = array<i32>} : memref<1x128xi32, #tpu.memory_space<vmem>>, vector<16xi32>,
          tpu.vector_store %arg11[%swap3A_143, %swap3A_144], %and3A_141 {strides = array<i32>} : memref<1x128xi32, #tpu.memory_space<vmem>>, vector<16xi32>,
          %get3A_146 = arith.constant 80 : index
          %get3A_147 = tpu.vector_load %arg7[%get3A_146] {strides = array<i32>} : memref<128xi32, #tpu.memory_space<vmem>>, vector<16xi32>,
          %shift_right_arithmetic3A_148 = arith.constant 13 : i32
          %shift_right_arithmetic3A_149 = vector.broadcast %shift_right_arithmetic3A_148 : i32 to vector<16xi32>
          %shift_right_arithmetic3A_150 = arith.shrsi %get3A_147, %shift_right_arithmetic3A_149 : vector<16xi32>
          %swap3A_151 = arith.constant 0 : i32
          %swap3A_152 = arith.index_cast %swap3A_151 : i32 to index
          %swap3A_153 = arith.constant 80 : index
          %swap3A_154 = tpu.vector_load %arg9[%swap3A_152, %swap3A_153] {strides = array<i32>} : memref<1x128xi32, #tpu.memory_space<vmem>>, vector<16xi32>,
          tpu.vector_store %arg9[%swap3A_152, %swap3A_153], %shift_right_arithmetic3A_150 {strides = array<i32>} : memref<1x128xi32, #tpu.memory_space<vmem>>, vector<16xi32>,
          %and3A_155 = arith.constant 8191 : i32
          %and3A_156 = vector.broadcast %and3A_155 : i32 to vector<16xi32>
          %and3A_157 = arith.andi %get3A_147, %and3A_156 : vector<16xi32>
          %swap3A_158 = arith.constant 0 : i32
          %swap3A_159 = arith.index_cast %swap3A_158 : i32 to index
          %swap3A_160 = arith.constant 80 : index
          %swap3A_161 = tpu.vector_load %arg11[%swap3A_159, %swap3A_160] {strides = array<i32>} : memref<1x128xi32, #tpu.memory_space<vmem>>, vector<16xi32>,
          tpu.vector_store %arg11[%swap3A_159, %swap3A_160], %and3A_157 {strides = array<i32>} : memref<1x128xi32, #tpu.memory_space<vmem>>, vector<16xi32>,
          %get3A_162 = arith.constant 96 : index
          %get3A_163 = tpu.vector_load %arg7[%get3A_162] {strides = array<i32>} : memref<128xi32, #tpu.memory_space<vmem>>, vector<16xi32>,
          %shift_right_arithmetic3A_164 = arith.constant 13 : i32
          %shift_right_arithmetic3A_165 = vector.broadcast %shift_right_arithmetic3A_164 : i32 to vector<16xi32>
          %shift_right_arithmetic3A_166 = arith.shrsi %get3A_163, %shift_right_arithmetic3A_165 : vector<16xi32>
          %swap3A_167 = arith.constant 0 : i32
          %swap3A_168 = arith.index_cast %swap3A_167 : i32 to index
          %swap3A_169 = arith.constant 96 : index
          %swap3A_170 = tpu.vector_load %arg9[%swap3A_168, %swap3A_169] {strides = array<i32>} : memref<1x128xi32, #tpu.memory_space<vmem>>, vector<16xi32>,
          tpu.vector_store %arg9[%swap3A_168, %swap3A_169], %shift_right_arithmetic3A_166 {strides = array<i32>} : memref<1x128xi32, #tpu.memory_space<vmem>>, vector<16xi32>,
          %and3A_171 = arith.constant 8191 : i32
          %and3A_172 = vector.broadcast %and3A_171 : i32 to vector<16xi32>
          %and3A_173 = arith.andi %get3A_163, %and3A_172 : vector<16xi32>
          %swap3A_174 = arith.constant 0 : i32
          %swap3A_175 = arith.index_cast %swap3A_174 : i32 to index
          %swap3A_176 = arith.constant 96 : index
          %swap3A_177 = tpu.vector_load %arg11[%swap3A_175, %swap3A_176] {strides = array<i32>} : memref<1x128xi32, #tpu.memory_space<vmem>>, vector<16xi32>,
          tpu.vector_store %arg11[%swap3A_175, %swap3A_176], %and3A_173 {strides = array<i32>} : memref<1x128xi32, #tpu.memory_space<vmem>>, vector<16xi32>,
          %get3A_178 = arith.constant 112 : index
          %get3A_179 = tpu.vector_load %arg7[%get3A_178] {strides = array<i32>} : memref<128xi32, #tpu.memory_space<vmem>>, vector<16xi32>,
          %shift_right_arithmetic3A_180 = arith.constant 13 : i32
          %shift_right_arithmetic3A_181 = vector.broadcast %shift_right_arithmetic3A_180 : i32 to vector<16xi32>
          %shift_right_arithmetic3A_182 = arith.shrsi %get3A_179, %shift_right_arithmetic3A_181 : vector<16xi32>
          %swap3A_183 = arith.constant 0 : i32
          %swap3A_184 = arith.index_cast %swap3A_183 : i32 to index
          %swap3A_185 = arith.constant 112 : index
          %swap3A_186 = tpu.vector_load %arg9[%swap3A_184, %swap3A_185] {strides = array<i32>} : memref<1x128xi32, #tpu.memory_space<vmem>>, vector<16xi32>,
          tpu.vector_store %arg9[%swap3A_184, %swap3A_185], %shift_right_arithmetic3A_182 {strides = array<i32>} : memref<1x128xi32, #tpu.memory_space<vmem>>, vector<16xi32>,
          %and3A_187 = arith.constant 8191 : i32
          %and3A_188 = vector.broadcast %and3A_187 : i32 to vector<16xi32>
          %and3A_189 = arith.andi %get3A_179, %and3A_188 : vector<16xi32>
          %swap3A_190 = arith.constant 0 : i32
          %swap3A_191 = arith.index_cast %swap3A_190 : i32 to index
          %swap3A_192 = arith.constant 112 : index
          %swap3A_193 = tpu.vector_load %arg11[%swap3A_191, %swap3A_192] {strides = array<i32>} : memref<1x128xi32, #tpu.memory_space<vmem>>, vector<16xi32>,
          tpu.vector_store %arg11[%swap3A_191, %swap3A_192], %and3A_189 {strides = array<i32>} : memref<1x128xi32, #tpu.memory_space<vmem>>, vector<16xi32>,
          %dma_start3A = arith.constant 0 : i32
          %dma_start3A_194 = arith.constant 0 : i32
          %dma_start3A_195 = tpu.memref_slice %arg9[%dma_start3A, %dma_start3A_194] : memref<1x128xi32, #tpu.memory_space<vmem>> -> memref<1x128xi32, #tpu.memory_space<vmem>>
          %dma_start3A_196 = tpu.memref_squeeze %dma_start3A_195 : memref<1x128xi32, #tpu.memory_space<vmem>> -> memref<128xi32, #tpu.memory_space<vmem>>
          %dma_start3A_197 = arith.constant 0 : i32
          %dma_start3A_198 = arith.constant 0 : i32
          %dma_start3A_199 = tpu.memref_slice %arg2[%dma_start3A_197, %dma_start3A_198] : memref<10000x128xf32, #tpu.memory_space<hbm>> -> memref<10000x128xf32, #tpu.memory_space<hbm>>
          tpu.enqueue_indirect_dma source(%dma_start3A_199 : memref<10000x128xf32, #tpu.memory_space<hbm>>) target(%arg13 : memref<128x128xf32, #tpu.memory_space<vmem>>) offsets(%dma_start3A_196 : memref<128xi32, #tpu.memory_space<vmem>>) semaphore(%arg17 : memref<!tpu.dma_semaphore, #tpu.memory_space<semaphore_mem>>)
        } else {
        }
        %run_scoped3A = arith.constant 0 : i32
        "tpu.region"() ({
          %run_scoped3A_64 = tpu.sem_alloc : memref<!tpu.dma_semaphore, #tpu.memory_space<semaphore_mem>>
          %dma_start3A = arith.constant 0 : i32
          %dma_start3A_65 = tpu.memref_slice %arg12[%run_scoped3A, %dma_start3A] : memref<1x128xi32, #tpu.memory_space<vmem>> -> memref<1x128xi32, #tpu.memory_space<vmem>>
          %dma_start3A_66 = tpu.memref_squeeze %dma_start3A_65 : memref<1x128xi32, #tpu.memory_space<vmem>> -> memref<128xi32, #tpu.memory_space<vmem>>
          %dma_start3A_67 = arith.constant 0 : i32
          %dma_start3A_68 = arith.constant 0 : i32
          %dma_start3A_69 = tpu.memref_slice %arg16[%dma_start3A_67, %dma_start3A_68] : memref<5248x128xf32, #tpu.memory_space<vmem_shared>> -> memref<5248x128xf32, #tpu.memory_space<vmem_shared>>
          tpu.enqueue_indirect_dma source(%arg14 : memref<128x128xf32, #tpu.memory_space<vmem>>) target(%dma_start3A_69 : memref<5248x128xf32, #tpu.memory_space<vmem_shared>>) offsets(%dma_start3A_66 : memref<128xi32, #tpu.memory_space<vmem>>) semaphore(%run_scoped3A_64 : memref<!tpu.dma_semaphore, #tpu.memory_space<semaphore_mem>>) {add = true}
          %dma_wait3A_70 = arith.constant 0 : i32
          %dma_wait3A_71 = tpu.memref_slice %arg12[%run_scoped3A, %dma_wait3A_70] : memref<1x128xi32, #tpu.memory_space<vmem>> -> memref<1x128xi32, #tpu.memory_space<vmem>>
          %dma_wait3A_72 = tpu.memref_squeeze %dma_wait3A_71 : memref<1x128xi32, #tpu.memory_space<vmem>> -> memref<128xi32, #tpu.memory_space<vmem>>
          %dma_wait3A_73 = arith.constant 0 : i32
          %dma_wait3A_74 = arith.constant 0 : i32
          %dma_wait3A_75 = tpu.memref_slice %arg16[%dma_wait3A_73, %dma_wait3A_74] : memref<5248x128xf32, #tpu.memory_space<vmem_shared>> -> memref<5248x128xf32, #tpu.memory_space<vmem_shared>>
          tpu.wait_indirect_dma semaphore(%run_scoped3A_64 : memref<!tpu.dma_semaphore, #tpu.memory_space<semaphore_mem>>) src(%arg14 : memref<128x128xf32, #tpu.memory_space<vmem>>) dst(%dma_wait3A_75 : memref<5248x128xf32, #tpu.memory_space<vmem_shared>>)
          tpu.yield
        }) : () -> ()
      } else {
      }
    }
    %while3A_32 = arith.constant 1 : i32
    scf.for %while3A_38 = %while3A_30 to %while3A_26 step %while3A_32  : i32 {
      %mul3A_39 = arith.constant 2 : i32
      %mul3A_40 = arith.muli %mul3A_39, %while3A_38 : i32
      %lt3A = arith.cmpi slt, %mul3A_40, %div3A_17 : i32
      %convert_element_type3A_41 = arith.extui %lt3A : i1 to i32
      %cond3A_42 = arith.constant 0 : i32
      %cond3A_43 = arith.cmpi ne, %convert_element_type3A_41, %cond3A_42 : i32
      scf.if %cond3A_43 {
        %dma_wait3A = arith.constant 0 : i32
        %dma_wait3A_52 = arith.constant 0 : i32
        %dma_wait3A_53 = tpu.memref_slice %arg9[%dma_wait3A, %dma_wait3A_52] : memref<1x128xi32, #tpu.memory_space<vmem>> -> memref<1x128xi32, #tpu.memory_space<vmem>>
        %dma_wait3A_54 = tpu.memref_squeeze %dma_wait3A_53 : memref<1x128xi32, #tpu.memory_space<vmem>> -> memref<128xi32, #tpu.memory_space<vmem>>
        %dma_wait3A_55 = arith.constant 0 : i32
        %dma_wait3A_56 = arith.constant 0 : i32
        %dma_wait3A_57 = tpu.memref_slice %arg2[%dma_wait3A_55, %dma_wait3A_56] : memref<10000x128xf32, #tpu.memory_space<hbm>> -> memref<10000x128xf32, #tpu.memory_space<hbm>>
        tpu.wait_indirect_dma semaphore(%arg17 : memref<!tpu.dma_semaphore, #tpu.memory_space<semaphore_mem>>) src(%dma_wait3A_57 : memref<10000x128xf32, #tpu.memory_space<hbm>>) dst(%arg13 : memref<128x128xf32, #tpu.memory_space<vmem>>)
        %add3A_58 = arith.constant 1 : i32
        %add3A_59 = arith.addi %mul3A_40, %add3A_58 : i32
        %lt3A_60 = arith.cmpi slt, %add3A_59, %div3A_17 : i32
        %convert_element_type3A_61 = arith.extui %lt3A_60 : i1 to i32
        %cond3A_62 = arith.constant 0 : i32
        %cond3A_63 = arith.cmpi ne, %convert_element_type3A_61, %cond3A_62 : i32
        scf.if %cond3A_63 {
          %add3A_64 = arith.constant 1 : i32
          %add3A_65 = arith.addi %mul3A_40, %add3A_64 : i32
          %mul3A_66 = arith.constant 128 : i32
          %mul3A_67 = arith.muli %add3A_65, %mul3A_66 : i32
          %add3A_68 = arith.addi %mul3A_4, %mul3A_67 : i32
          %multiple_of3A = tpu.assume_multiple %add3A_68, 128 : i32
          "tpu.region"() ({
            %run_scoped3A_200 = tpu.sem_alloc : memref<!tpu.dma_semaphore, #tpu.memory_space<semaphore_mem>>
            %dma_start3A_201 = tpu.memref_slice %arg3[%multiple_of3A] : memref<10485760xi32, #tpu.memory_space<hbm>> -> memref<128xi32, #tpu.memory_space<hbm>>
            %dma_start3A_202 = tpu.memref_slice %arg3[%multiple_of3A] : memref<10485760xi32, #tpu.memory_space<hbm>> -> memref<128xi32, #tpu.memory_space<hbm>>
            tpu.enqueue_dma source(%dma_start3A_202 : memref<128xi32, #tpu.memory_space<hbm>>) target(%arg8 : memref<128xi32, #tpu.memory_space<vmem>>) target_semaphore(%run_scoped3A_200 : memref<!tpu.dma_semaphore, #tpu.memory_space<semaphore_mem>>)
            %dma_wait3A_203 = tpu.memref_slice %arg3[%multiple_of3A] : memref<10485760xi32, #tpu.memory_space<hbm>> -> memref<128xi32, #tpu.memory_space<hbm>>
            %dma_wait3A_204 = tpu.memref_slice %arg3[%multiple_of3A] : memref<10485760xi32, #tpu.memory_space<hbm>> -> memref<128xi32, #tpu.memory_space<hbm>>
            tpu.wait_dma2 semaphore(%run_scoped3A_200 : memref<!tpu.dma_semaphore, #tpu.memory_space<semaphore_mem>>) src(%dma_wait3A_204 : memref<128xi32, #tpu.memory_space<hbm>>) dst(%arg8 : memref<128xi32, #tpu.memory_space<vmem>>)
            tpu.yield
          }) : () -> ()
          %get3A_69 = arith.constant 0 : index
          %get3A_70 = tpu.vector_load %arg8[%get3A_69] {strides = array<i32>} : memref<128xi32, #tpu.memory_space<vmem>>, vector<16xi32>,
          %shift_right_arithmetic3A = arith.constant 13 : i32
          %shift_right_arithmetic3A_71 = vector.broadcast %shift_right_arithmetic3A : i32 to vector<16xi32>
          %shift_right_arithmetic3A_72 = arith.shrsi %get3A_70, %shift_right_arithmetic3A_71 : vector<16xi32>
          %swap3A = arith.constant 0 : i32
          %swap3A_73 = arith.index_cast %swap3A : i32 to index
          %swap3A_74 = arith.constant 0 : index
          %swap3A_75 = tpu.vector_load %arg10[%swap3A_73, %swap3A_74] {strides = array<i32>} : memref<1x128xi32, #tpu.memory_space<vmem>>, vector<16xi32>,
          tpu.vector_store %arg10[%swap3A_73, %swap3A_74], %shift_right_arithmetic3A_72 {strides = array<i32>} : memref<1x128xi32, #tpu.memory_space<vmem>>, vector<16xi32>,
          %and3A = arith.constant 8191 : i32
          %and3A_76 = vector.broadcast %and3A : i32 to vector<16xi32>
          %and3A_77 = arith.andi %get3A_70, %and3A_76 : vector<16xi32>
          %swap3A_78 = arith.constant 0 : i32
          %swap3A_79 = arith.index_cast %swap3A_78 : i32 to index
          %swap3A_80 = arith.constant 0 : index
          %swap3A_81 = tpu.vector_load %arg12[%swap3A_79, %swap3A_80] {strides = array<i32>} : memref<1x128xi32, #tpu.memory_space<vmem>>, vector<16xi32>,
          tpu.vector_store %arg12[%swap3A_79, %swap3A_80], %and3A_77 {strides = array<i32>} : memref<1x128xi32, #tpu.memory_space<vmem>>, vector<16xi32>,
          %get3A_82 = arith.constant 16 : index
          %get3A_83 = tpu.vector_load %arg8[%get3A_82] {strides = array<i32>} : memref<128xi32, #tpu.memory_space<vmem>>, vector<16xi32>,
          %shift_right_arithmetic3A_84 = arith.constant 13 : i32
          %shift_right_arithmetic3A_85 = vector.broadcast %shift_right_arithmetic3A_84 : i32 to vector<16xi32>
          %shift_right_arithmetic3A_86 = arith.shrsi %get3A_83, %shift_right_arithmetic3A_85 : vector<16xi32>
          %swap3A_87 = arith.constant 0 : i32
          %swap3A_88 = arith.index_cast %swap3A_87 : i32 to index
          %swap3A_89 = arith.constant 16 : index
          %swap3A_90 = tpu.vector_load %arg10[%swap3A_88, %swap3A_89] {strides = array<i32>} : memref<1x128xi32, #tpu.memory_space<vmem>>, vector<16xi32>,
          tpu.vector_store %arg10[%swap3A_88, %swap3A_89], %shift_right_arithmetic3A_86 {strides = array<i32>} : memref<1x128xi32, #tpu.memory_space<vmem>>, vector<16xi32>,
          %and3A_91 = arith.constant 8191 : i32
          %and3A_92 = vector.broadcast %and3A_91 : i32 to vector<16xi32>
          %and3A_93 = arith.andi %get3A_83, %and3A_92 : vector<16xi32>
          %swap3A_94 = arith.constant 0 : i32
          %swap3A_95 = arith.index_cast %swap3A_94 : i32 to index
          %swap3A_96 = arith.constant 16 : index
          %swap3A_97 = tpu.vector_load %arg12[%swap3A_95, %swap3A_96] {strides = array<i32>} : memref<1x128xi32, #tpu.memory_space<vmem>>, vector<16xi32>,
          tpu.vector_store %arg12[%swap3A_95, %swap3A_96], %and3A_93 {strides = array<i32>} : memref<1x128xi32, #tpu.memory_space<vmem>>, vector<16xi32>,
          %get3A_98 = arith.constant 32 : index
          %get3A_99 = tpu.vector_load %arg8[%get3A_98] {strides = array<i32>} : memref<128xi32, #tpu.memory_space<vmem>>, vector<16xi32>,
          %shift_right_arithmetic3A_100 = arith.constant 13 : i32
          %shift_right_arithmetic3A_101 = vector.broadcast %shift_right_arithmetic3A_100 : i32 to vector<16xi32>
          %shift_right_arithmetic3A_102 = arith.shrsi %get3A_99, %shift_right_arithmetic3A_101 : vector<16xi32>
          %swap3A_103 = arith.constant 0 : i32
          %swap3A_104 = arith.index_cast %swap3A_103 : i32 to index
          %swap3A_105 = arith.constant 32 : index
          %swap3A_106 = tpu.vector_load %arg10[%swap3A_104, %swap3A_105] {strides = array<i32>} : memref<1x128xi32, #tpu.memory_space<vmem>>, vector<16xi32>,
          tpu.vector_store %arg10[%swap3A_104, %swap3A_105], %shift_right_arithmetic3A_102 {strides = array<i32>} : memref<1x128xi32, #tpu.memory_space<vmem>>, vector<16xi32>,
          %and3A_107 = arith.constant 8191 : i32
          %and3A_108 = vector.broadcast %and3A_107 : i32 to vector<16xi32>
          %and3A_109 = arith.andi %get3A_99, %and3A_108 : vector<16xi32>
          %swap3A_110 = arith.constant 0 : i32
          %swap3A_111 = arith.index_cast %swap3A_110 : i32 to index
          %swap3A_112 = arith.constant 32 : index
          %swap3A_113 = tpu.vector_load %arg12[%swap3A_111, %swap3A_112] {strides = array<i32>} : memref<1x128xi32, #tpu.memory_space<vmem>>, vector<16xi32>,
          tpu.vector_store %arg12[%swap3A_111, %swap3A_112], %and3A_109 {strides = array<i32>} : memref<1x128xi32, #tpu.memory_space<vmem>>, vector<16xi32>,
          %get3A_114 = arith.constant 48 : index
          %get3A_115 = tpu.vector_load %arg8[%get3A_114] {strides = array<i32>} : memref<128xi32, #tpu.memory_space<vmem>>, vector<16xi32>,
          %shift_right_arithmetic3A_116 = arith.constant 13 : i32
          %shift_right_arithmetic3A_117 = vector.broadcast %shift_right_arithmetic3A_116 : i32 to vector<16xi32>
          %shift_right_arithmetic3A_118 = arith.shrsi %get3A_115, %shift_right_arithmetic3A_117 : vector<16xi32>
          %swap3A_119 = arith.constant 0 : i32
          %swap3A_120 = arith.index_cast %swap3A_119 : i32 to index
          %swap3A_121 = arith.constant 48 : index
          %swap3A_122 = tpu.vector_load %arg10[%swap3A_120, %swap3A_121] {strides = array<i32>} : memref<1x128xi32, #tpu.memory_space<vmem>>, vector<16xi32>,
          tpu.vector_store %arg10[%swap3A_120, %swap3A_121], %shift_right_arithmetic3A_118 {strides = array<i32>} : memref<1x128xi32, #tpu.memory_space<vmem>>, vector<16xi32>,
          %and3A_123 = arith.constant 8191 : i32
          %and3A_124 = vector.broadcast %and3A_123 : i32 to vector<16xi32>
          %and3A_125 = arith.andi %get3A_115, %and3A_124 : vector<16xi32>
          %swap3A_126 = arith.constant 0 : i32
          %swap3A_127 = arith.index_cast %swap3A_126 : i32 to index
          %swap3A_128 = arith.constant 48 : index
          %swap3A_129 = tpu.vector_load %arg12[%swap3A_127, %swap3A_128] {strides = array<i32>} : memref<1x128xi32, #tpu.memory_space<vmem>>, vector<16xi32>,
          tpu.vector_store %arg12[%swap3A_127, %swap3A_128], %and3A_125 {strides = array<i32>} : memref<1x128xi32, #tpu.memory_space<vmem>>, vector<16xi32>,
          %get3A_130 = arith.constant 64 : index
          %get3A_131 = tpu.vector_load %arg8[%get3A_130] {strides = array<i32>} : memref<128xi32, #tpu.memory_space<vmem>>, vector<16xi32>,
          %shift_right_arithmetic3A_132 = arith.constant 13 : i32
          %shift_right_arithmetic3A_133 = vector.broadcast %shift_right_arithmetic3A_132 : i32 to vector<16xi32>
          %shift_right_arithmetic3A_134 = arith.shrsi %get3A_131, %shift_right_arithmetic3A_133 : vector<16xi32>
          %swap3A_135 = arith.constant 0 : i32
          %swap3A_136 = arith.index_cast %swap3A_135 : i32 to index
          %swap3A_137 = arith.constant 64 : index
          %swap3A_138 = tpu.vector_load %arg10[%swap3A_136, %swap3A_137] {strides = array<i32>} : memref<1x128xi32, #tpu.memory_space<vmem>>, vector<16xi32>,
          tpu.vector_store %arg10[%swap3A_136, %swap3A_137], %shift_right_arithmetic3A_134 {strides = array<i32>} : memref<1x128xi32, #tpu.memory_space<vmem>>, vector<16xi32>,
          %and3A_139 = arith.constant 8191 : i32
          %and3A_140 = vector.broadcast %and3A_139 : i32 to vector<16xi32>
          %and3A_141 = arith.andi %get3A_131, %and3A_140 : vector<16xi32>
          %swap3A_142 = arith.constant 0 : i32
          %swap3A_143 = arith.index_cast %swap3A_142 : i32 to index
          %swap3A_144 = arith.constant 64 : index
          %swap3A_145 = tpu.vector_load %arg12[%swap3A_143, %swap3A_144] {strides = array<i32>} : memref<1x128xi32, #tpu.memory_space<vmem>>, vector<16xi32>,
          tpu.vector_store %arg12[%swap3A_143, %swap3A_144], %and3A_141 {strides = array<i32>} : memref<1x128xi32, #tpu.memory_space<vmem>>, vector<16xi32>,
          %get3A_146 = arith.constant 80 : index
          %get3A_147 = tpu.vector_load %arg8[%get3A_146] {strides = array<i32>} : memref<128xi32, #tpu.memory_space<vmem>>, vector<16xi32>,
          %shift_right_arithmetic3A_148 = arith.constant 13 : i32
          %shift_right_arithmetic3A_149 = vector.broadcast %shift_right_arithmetic3A_148 : i32 to vector<16xi32>
          %shift_right_arithmetic3A_150 = arith.shrsi %get3A_147, %shift_right_arithmetic3A_149 : vector<16xi32>
          %swap3A_151 = arith.constant 0 : i32
          %swap3A_152 = arith.index_cast %swap3A_151 : i32 to index
          %swap3A_153 = arith.constant 80 : index
          %swap3A_154 = tpu.vector_load %arg10[%swap3A_152, %swap3A_153] {strides = array<i32>} : memref<1x128xi32, #tpu.memory_space<vmem>>, vector<16xi32>,
          tpu.vector_store %arg10[%swap3A_152, %swap3A_153], %shift_right_arithmetic3A_150 {strides = array<i32>} : memref<1x128xi32, #tpu.memory_space<vmem>>, vector<16xi32>,
          %and3A_155 = arith.constant 8191 : i32
          %and3A_156 = vector.broadcast %and3A_155 : i32 to vector<16xi32>
          %and3A_157 = arith.andi %get3A_147, %and3A_156 : vector<16xi32>
          %swap3A_158 = arith.constant 0 : i32
          %swap3A_159 = arith.index_cast %swap3A_158 : i32 to index
          %swap3A_160 = arith.constant 80 : index
          %swap3A_161 = tpu.vector_load %arg12[%swap3A_159, %swap3A_160] {strides = array<i32>} : memref<1x128xi32, #tpu.memory_space<vmem>>, vector<16xi32>,
          tpu.vector_store %arg12[%swap3A_159, %swap3A_160], %and3A_157 {strides = array<i32>} : memref<1x128xi32, #tpu.memory_space<vmem>>, vector<16xi32>,
          %get3A_162 = arith.constant 96 : index
          %get3A_163 = tpu.vector_load %arg8[%get3A_162] {strides = array<i32>} : memref<128xi32, #tpu.memory_space<vmem>>, vector<16xi32>,
          %shift_right_arithmetic3A_164 = arith.constant 13 : i32
          %shift_right_arithmetic3A_165 = vector.broadcast %shift_right_arithmetic3A_164 : i32 to vector<16xi32>
          %shift_right_arithmetic3A_166 = arith.shrsi %get3A_163, %shift_right_arithmetic3A_165 : vector<16xi32>
          %swap3A_167 = arith.constant 0 : i32
          %swap3A_168 = arith.index_cast %swap3A_167 : i32 to index
          %swap3A_169 = arith.constant 96 : index
          %swap3A_170 = tpu.vector_load %arg10[%swap3A_168, %swap3A_169] {strides = array<i32>} : memref<1x128xi32, #tpu.memory_space<vmem>>, vector<16xi32>,
          tpu.vector_store %arg10[%swap3A_168, %swap3A_169], %shift_right_arithmetic3A_166 {strides = array<i32>} : memref<1x128xi32, #tpu.memory_space<vmem>>, vector<16xi32>,
          %and3A_171 = arith.constant 8191 : i32
          %and3A_172 = vector.broadcast %and3A_171 : i32 to vector<16xi32>
          %and3A_173 = arith.andi %get3A_163, %and3A_172 : vector<16xi32>
          %swap3A_174 = arith.constant 0 : i32
          %swap3A_175 = arith.index_cast %swap3A_174 : i32 to index
          %swap3A_176 = arith.constant 96 : index
          %swap3A_177 = tpu.vector_load %arg12[%swap3A_175, %swap3A_176] {strides = array<i32>} : memref<1x128xi32, #tpu.memory_space<vmem>>, vector<16xi32>,
          tpu.vector_store %arg12[%swap3A_175, %swap3A_176], %and3A_173 {strides = array<i32>} : memref<1x128xi32, #tpu.memory_space<vmem>>, vector<16xi32>,
          %get3A_178 = arith.constant 112 : index
          %get3A_179 = tpu.vector_load %arg8[%get3A_178] {strides = array<i32>} : memref<128xi32, #tpu.memory_space<vmem>>, vector<16xi32>,
          %shift_right_arithmetic3A_180 = arith.constant 13 : i32
          %shift_right_arithmetic3A_181 = vector.broadcast %shift_right_arithmetic3A_180 : i32 to vector<16xi32>
          %shift_right_arithmetic3A_182 = arith.shrsi %get3A_179, %shift_right_arithmetic3A_181 : vector<16xi32>
          %swap3A_183 = arith.constant 0 : i32
          %swap3A_184 = arith.index_cast %swap3A_183 : i32 to index
          %swap3A_185 = arith.constant 112 : index
          %swap3A_186 = tpu.vector_load %arg10[%swap3A_184, %swap3A_185] {strides = array<i32>} : memref<1x128xi32, #tpu.memory_space<vmem>>, vector<16xi32>,
          tpu.vector_store %arg10[%swap3A_184, %swap3A_185], %shift_right_arithmetic3A_182 {strides = array<i32>} : memref<1x128xi32, #tpu.memory_space<vmem>>, vector<16xi32>,
          %and3A_187 = arith.constant 8191 : i32
          %and3A_188 = vector.broadcast %and3A_187 : i32 to vector<16xi32>
          %and3A_189 = arith.andi %get3A_179, %and3A_188 : vector<16xi32>
          %swap3A_190 = arith.constant 0 : i32
          %swap3A_191 = arith.index_cast %swap3A_190 : i32 to index
          %swap3A_192 = arith.constant 112 : index
          %swap3A_193 = tpu.vector_load %arg12[%swap3A_191, %swap3A_192] {strides = array<i32>} : memref<1x128xi32, #tpu.memory_space<vmem>>, vector<16xi32>,
          tpu.vector_store %arg12[%swap3A_191, %swap3A_192], %and3A_189 {strides = array<i32>} : memref<1x128xi32, #tpu.memory_space<vmem>>, vector<16xi32>,
          %dma_start3A = arith.constant 0 : i32
          %dma_start3A_194 = arith.constant 0 : i32
          %dma_start3A_195 = tpu.memref_slice %arg10[%dma_start3A, %dma_start3A_194] : memref<1x128xi32, #tpu.memory_space<vmem>> -> memref<1x128xi32, #tpu.memory_space<vmem>>
          %dma_start3A_196 = tpu.memref_squeeze %dma_start3A_195 : memref<1x128xi32, #tpu.memory_space<vmem>> -> memref<128xi32, #tpu.memory_space<vmem>>
          %dma_start3A_197 = arith.constant 0 : i32
          %dma_start3A_198 = arith.constant 0 : i32
          %dma_start3A_199 = tpu.memref_slice %arg2[%dma_start3A_197, %dma_start3A_198] : memref<10000x128xf32, #tpu.memory_space<hbm>> -> memref<10000x128xf32, #tpu.memory_space<hbm>>
          tpu.enqueue_indirect_dma source(%dma_start3A_199 : memref<10000x128xf32, #tpu.memory_space<hbm>>) target(%arg14 : memref<128x128xf32, #tpu.memory_space<vmem>>) offsets(%dma_start3A_196 : memref<128xi32, #tpu.memory_space<vmem>>) semaphore(%arg18 : memref<!tpu.dma_semaphore, #tpu.memory_space<semaphore_mem>>)
        } else {
        }
        %run_scoped3A = arith.constant 0 : i32
        "tpu.region"() ({
          %run_scoped3A_64 = tpu.sem_alloc : memref<!tpu.dma_semaphore, #tpu.memory_space<semaphore_mem>>
          %dma_start3A = arith.constant 0 : i32
          %dma_start3A_65 = tpu.memref_slice %arg11[%run_scoped3A, %dma_start3A] : memref<1x128xi32, #tpu.memory_space<vmem>> -> memref<1x128xi32, #tpu.memory_space<vmem>>
          %dma_start3A_66 = tpu.memref_squeeze %dma_start3A_65 : memref<1x128xi32, #tpu.memory_space<vmem>> -> memref<128xi32, #tpu.memory_space<vmem>>
          %dma_start3A_67 = arith.constant 0 : i32
          %dma_start3A_68 = arith.constant 0 : i32
          %dma_start3A_69 = tpu.memref_slice %arg16[%dma_start3A_67, %dma_start3A_68] : memref<5248x128xf32, #tpu.memory_space<vmem_shared>> -> memref<5248x128xf32, #tpu.memory_space<vmem_shared>>
          tpu.enqueue_indirect_dma source(%arg13 : memref<128x128xf32, #tpu.memory_space<vmem>>) target(%dma_start3A_69 : memref<5248x128xf32, #tpu.memory_space<vmem_shared>>) offsets(%dma_start3A_66 : memref<128xi32, #tpu.memory_space<vmem>>) semaphore(%run_scoped3A_64 : memref<!tpu.dma_semaphore, #tpu.memory_space<semaphore_mem>>) {add = true}
          %dma_wait3A_70 = arith.constant 0 : i32
          %dma_wait3A_71 = tpu.memref_slice %arg11[%run_scoped3A, %dma_wait3A_70] : memref<1x128xi32, #tpu.memory_space<vmem>> -> memref<1x128xi32, #tpu.memory_space<vmem>>
          %dma_wait3A_72 = tpu.memref_squeeze %dma_wait3A_71 : memref<1x128xi32, #tpu.memory_space<vmem>> -> memref<128xi32, #tpu.memory_space<vmem>>
          %dma_wait3A_73 = arith.constant 0 : i32
          %dma_wait3A_74 = arith.constant 0 : i32
          %dma_wait3A_75 = tpu.memref_slice %arg16[%dma_wait3A_73, %dma_wait3A_74] : memref<5248x128xf32, #tpu.memory_space<vmem_shared>> -> memref<5248x128xf32, #tpu.memory_space<vmem_shared>>
          tpu.wait_indirect_dma semaphore(%run_scoped3A_64 : memref<!tpu.dma_semaphore, #tpu.memory_space<semaphore_mem>>) src(%arg13 : memref<128x128xf32, #tpu.memory_space<vmem>>) dst(%dma_wait3A_75 : memref<5248x128xf32, #tpu.memory_space<vmem_shared>>)
          tpu.yield
        }) : () -> ()
      } else {
      }
      %mul3A_44 = arith.constant 2 : i32
      %mul3A_45 = arith.muli %mul3A_44, %while3A_38 : i32
      %add3A_46 = arith.constant 1 : i32
      %add3A_47 = arith.addi %mul3A_45, %add3A_46 : i32
      %lt3A_48 = arith.cmpi slt, %add3A_47, %div3A_17 : i32
      %convert_element_type3A_49 = arith.extui %lt3A_48 : i1 to i32
      %cond3A_50 = arith.constant 0 : i32
      %cond3A_51 = arith.cmpi ne, %convert_element_type3A_49, %cond3A_50 : i32
      scf.if %cond3A_51 {
        %dma_wait3A = arith.constant 0 : i32
        %dma_wait3A_52 = arith.constant 0 : i32
        %dma_wait3A_53 = tpu.memref_slice %arg10[%dma_wait3A, %dma_wait3A_52] : memref<1x128xi32, #tpu.memory_space<vmem>> -> memref<1x128xi32, #tpu.memory_space<vmem>>
        %dma_wait3A_54 = tpu.memref_squeeze %dma_wait3A_53 : memref<1x128xi32, #tpu.memory_space<vmem>> -> memref<128xi32, #tpu.memory_space<vmem>>
        %dma_wait3A_55 = arith.constant 0 : i32
        %dma_wait3A_56 = arith.constant 0 : i32
        %dma_wait3A_57 = tpu.memref_slice %arg2[%dma_wait3A_55, %dma_wait3A_56] : memref<10000x128xf32, #tpu.memory_space<hbm>> -> memref<10000x128xf32, #tpu.memory_space<hbm>>
        tpu.wait_indirect_dma semaphore(%arg18 : memref<!tpu.dma_semaphore, #tpu.memory_space<semaphore_mem>>) src(%dma_wait3A_57 : memref<10000x128xf32, #tpu.memory_space<hbm>>) dst(%arg14 : memref<128x128xf32, #tpu.memory_space<vmem>>)
        %add3A_58 = arith.constant 1 : i32
        %add3A_59 = arith.addi %add3A_47, %add3A_58 : i32
        %lt3A_60 = arith.cmpi slt, %add3A_59, %div3A_17 : i32
        %convert_element_type3A_61 = arith.extui %lt3A_60 : i1 to i32
        %cond3A_62 = arith.constant 0 : i32
        %cond3A_63 = arith.cmpi ne, %convert_element_type3A_61, %cond3A_62 : i32
        scf.if %cond3A_63 {
          %add3A_64 = arith.constant 1 : i32
          %add3A_65 = arith.addi %add3A_47, %add3A_64 : i32
          %mul3A_66 = arith.constant 128 : i32
          %mul3A_67 = arith.muli %add3A_65, %mul3A_66 : i32
          %add3A_68 = arith.addi %mul3A_4, %mul3A_67 : i32
          %multiple_of3A = tpu.assume_multiple %add3A_68, 128 : i32
          "tpu.region"() ({
            %run_scoped3A_200 = tpu.sem_alloc : memref<!tpu.dma_semaphore, #tpu.memory_space<semaphore_mem>>
            %dma_start3A_201 = tpu.memref_slice %arg3[%multiple_of3A] : memref<10485760xi32, #tpu.memory_space<hbm>> -> memref<128xi32, #tpu.memory_space<hbm>>
            %dma_start3A_202 = tpu.memref_slice %arg3[%multiple_of3A] : memref<10485760xi32, #tpu.memory_space<hbm>> -> memref<128xi32, #tpu.memory_space<hbm>>
            tpu.enqueue_dma source(%dma_start3A_202 : memref<128xi32, #tpu.memory_space<hbm>>) target(%arg7 : memref<128xi32, #tpu.memory_space<vmem>>) target_semaphore(%run_scoped3A_200 : memref<!tpu.dma_semaphore, #tpu.memory_space<semaphore_mem>>)
            %dma_wait3A_203 = tpu.memref_slice %arg3[%multiple_of3A] : memref<10485760xi32, #tpu.memory_space<hbm>> -> memref<128xi32, #tpu.memory_space<hbm>>
            %dma_wait3A_204 = tpu.memref_slice %arg3[%multiple_of3A] : memref<10485760xi32, #tpu.memory_space<hbm>> -> memref<128xi32, #tpu.memory_space<hbm>>
            tpu.wait_dma2 semaphore(%run_scoped3A_200 : memref<!tpu.dma_semaphore, #tpu.memory_space<semaphore_mem>>) src(%dma_wait3A_204 : memref<128xi32, #tpu.memory_space<hbm>>) dst(%arg7 : memref<128xi32, #tpu.memory_space<vmem>>)
            tpu.yield
          }) : () -> ()
          %get3A_69 = arith.constant 0 : index
          %get3A_70 = tpu.vector_load %arg7[%get3A_69] {strides = array<i32>} : memref<128xi32, #tpu.memory_space<vmem>>, vector<16xi32>,
          %shift_right_arithmetic3A = arith.constant 13 : i32
          %shift_right_arithmetic3A_71 = vector.broadcast %shift_right_arithmetic3A : i32 to vector<16xi32>
          %shift_right_arithmetic3A_72 = arith.shrsi %get3A_70, %shift_right_arithmetic3A_71 : vector<16xi32>
          %swap3A = arith.constant 0 : i32
          %swap3A_73 = arith.index_cast %swap3A : i32 to index
          %swap3A_74 = arith.constant 0 : index
          %swap3A_75 = tpu.vector_load %arg9[%swap3A_73, %swap3A_74] {strides = array<i32>} : memref<1x128xi32, #tpu.memory_space<vmem>>, vector<16xi32>,
          tpu.vector_store %arg9[%swap3A_73, %swap3A_74], %shift_right_arithmetic3A_72 {strides = array<i32>} : memref<1x128xi32, #tpu.memory_space<vmem>>, vector<16xi32>,
          %and3A = arith.constant 8191 : i32
          %and3A_76 = vector.broadcast %and3A : i32 to vector<16xi32>
          %and3A_77 = arith.andi %get3A_70, %and3A_76 : vector<16xi32>
          %swap3A_78 = arith.constant 0 : i32
          %swap3A_79 = arith.index_cast %swap3A_78 : i32 to index
          %swap3A_80 = arith.constant 0 : index
          %swap3A_81 = tpu.vector_load %arg11[%swap3A_79, %swap3A_80] {strides = array<i32>} : memref<1x128xi32, #tpu.memory_space<vmem>>, vector<16xi32>,
          tpu.vector_store %arg11[%swap3A_79, %swap3A_80], %and3A_77 {strides = array<i32>} : memref<1x128xi32, #tpu.memory_space<vmem>>, vector<16xi32>,
          %get3A_82 = arith.constant 16 : index
          %get3A_83 = tpu.vector_load %arg7[%get3A_82] {strides = array<i32>} : memref<128xi32, #tpu.memory_space<vmem>>, vector<16xi32>,
          %shift_right_arithmetic3A_84 = arith.constant 13 : i32
          %shift_right_arithmetic3A_85 = vector.broadcast %shift_right_arithmetic3A_84 : i32 to vector<16xi32>
          %shift_right_arithmetic3A_86 = arith.shrsi %get3A_83, %shift_right_arithmetic3A_85 : vector<16xi32>
          %swap3A_87 = arith.constant 0 : i32
          %swap3A_88 = arith.index_cast %swap3A_87 : i32 to index
          %swap3A_89 = arith.constant 16 : index
          %swap3A_90 = tpu.vector_load %arg9[%swap3A_88, %swap3A_89] {strides = array<i32>} : memref<1x128xi32, #tpu.memory_space<vmem>>, vector<16xi32>,
          tpu.vector_store %arg9[%swap3A_88, %swap3A_89], %shift_right_arithmetic3A_86 {strides = array<i32>} : memref<1x128xi32, #tpu.memory_space<vmem>>, vector<16xi32>,
          %and3A_91 = arith.constant 8191 : i32
          %and3A_92 = vector.broadcast %and3A_91 : i32 to vector<16xi32>
          %and3A_93 = arith.andi %get3A_83, %and3A_92 : vector<16xi32>
          %swap3A_94 = arith.constant 0 : i32
          %swap3A_95 = arith.index_cast %swap3A_94 : i32 to index
          %swap3A_96 = arith.constant 16 : index
          %swap3A_97 = tpu.vector_load %arg11[%swap3A_95, %swap3A_96] {strides = array<i32>} : memref<1x128xi32, #tpu.memory_space<vmem>>, vector<16xi32>,
          tpu.vector_store %arg11[%swap3A_95, %swap3A_96], %and3A_93 {strides = array<i32>} : memref<1x128xi32, #tpu.memory_space<vmem>>, vector<16xi32>,
          %get3A_98 = arith.constant 32 : index
          %get3A_99 = tpu.vector_load %arg7[%get3A_98] {strides = array<i32>} : memref<128xi32, #tpu.memory_space<vmem>>, vector<16xi32>,
          %shift_right_arithmetic3A_100 = arith.constant 13 : i32
          %shift_right_arithmetic3A_101 = vector.broadcast %shift_right_arithmetic3A_100 : i32 to vector<16xi32>
          %shift_right_arithmetic3A_102 = arith.shrsi %get3A_99, %shift_right_arithmetic3A_101 : vector<16xi32>
          %swap3A_103 = arith.constant 0 : i32
          %swap3A_104 = arith.index_cast %swap3A_103 : i32 to index
          %swap3A_105 = arith.constant 32 : index
          %swap3A_106 = tpu.vector_load %arg9[%swap3A_104, %swap3A_105] {strides = array<i32>} : memref<1x128xi32, #tpu.memory_space<vmem>>, vector<16xi32>,
          tpu.vector_store %arg9[%swap3A_104, %swap3A_105], %shift_right_arithmetic3A_102 {strides = array<i32>} : memref<1x128xi32, #tpu.memory_space<vmem>>, vector<16xi32>,
          %and3A_107 = arith.constant 8191 : i32
          %and3A_108 = vector.broadcast %and3A_107 : i32 to vector<16xi32>
          %and3A_109 = arith.andi %get3A_99, %and3A_108 : vector<16xi32>
          %swap3A_110 = arith.constant 0 : i32
          %swap3A_111 = arith.index_cast %swap3A_110 : i32 to index
          %swap3A_112 = arith.constant 32 : index
          %swap3A_113 = tpu.vector_load %arg11[%swap3A_111, %swap3A_112] {strides = array<i32>} : memref<1x128xi32, #tpu.memory_space<vmem>>, vector<16xi32>,
          tpu.vector_store %arg11[%swap3A_111, %swap3A_112], %and3A_109 {strides = array<i32>} : memref<1x128xi32, #tpu.memory_space<vmem>>, vector<16xi32>,
          %get3A_114 = arith.constant 48 : index
          %get3A_115 = tpu.vector_load %arg7[%get3A_114] {strides = array<i32>} : memref<128xi32, #tpu.memory_space<vmem>>, vector<16xi32>,
          %shift_right_arithmetic3A_116 = arith.constant 13 : i32
          %shift_right_arithmetic3A_117 = vector.broadcast %shift_right_arithmetic3A_116 : i32 to vector<16xi32>
          %shift_right_arithmetic3A_118 = arith.shrsi %get3A_115, %shift_right_arithmetic3A_117 : vector<16xi32>
          %swap3A_119 = arith.constant 0 : i32
          %swap3A_120 = arith.index_cast %swap3A_119 : i32 to index
          %swap3A_121 = arith.constant 48 : index
          %swap3A_122 = tpu.vector_load %arg9[%swap3A_120, %swap3A_121] {strides = array<i32>} : memref<1x128xi32, #tpu.memory_space<vmem>>, vector<16xi32>,
          tpu.vector_store %arg9[%swap3A_120, %swap3A_121], %shift_right_arithmetic3A_118 {strides = array<i32>} : memref<1x128xi32, #tpu.memory_space<vmem>>, vector<16xi32>,
          %and3A_123 = arith.constant 8191 : i32
          %and3A_124 = vector.broadcast %and3A_123 : i32 to vector<16xi32>
          %and3A_125 = arith.andi %get3A_115, %and3A_124 : vector<16xi32>
          %swap3A_126 = arith.constant 0 : i32
          %swap3A_127 = arith.index_cast %swap3A_126 : i32 to index
          %swap3A_128 = arith.constant 48 : index
          %swap3A_129 = tpu.vector_load %arg11[%swap3A_127, %swap3A_128] {strides = array<i32>} : memref<1x128xi32, #tpu.memory_space<vmem>>, vector<16xi32>,
          tpu.vector_store %arg11[%swap3A_127, %swap3A_128], %and3A_125 {strides = array<i32>} : memref<1x128xi32, #tpu.memory_space<vmem>>, vector<16xi32>,
          %get3A_130 = arith.constant 64 : index
          %get3A_131 = tpu.vector_load %arg7[%get3A_130] {strides = array<i32>} : memref<128xi32, #tpu.memory_space<vmem>>, vector<16xi32>,
          %shift_right_arithmetic3A_132 = arith.constant 13 : i32
          %shift_right_arithmetic3A_133 = vector.broadcast %shift_right_arithmetic3A_132 : i32 to vector<16xi32>
          %shift_right_arithmetic3A_134 = arith.shrsi %get3A_131, %shift_right_arithmetic3A_133 : vector<16xi32>
          %swap3A_135 = arith.constant 0 : i32
          %swap3A_136 = arith.index_cast %swap3A_135 : i32 to index
          %swap3A_137 = arith.constant 64 : index
          %swap3A_138 = tpu.vector_load %arg9[%swap3A_136, %swap3A_137] {strides = array<i32>} : memref<1x128xi32, #tpu.memory_space<vmem>>, vector<16xi32>,
          tpu.vector_store %arg9[%swap3A_136, %swap3A_137], %shift_right_arithmetic3A_134 {strides = array<i32>} : memref<1x128xi32, #tpu.memory_space<vmem>>, vector<16xi32>,
          %and3A_139 = arith.constant 8191 : i32
          %and3A_140 = vector.broadcast %and3A_139 : i32 to vector<16xi32>
          %and3A_141 = arith.andi %get3A_131, %and3A_140 : vector<16xi32>
          %swap3A_142 = arith.constant 0 : i32
          %swap3A_143 = arith.index_cast %swap3A_142 : i32 to index
          %swap3A_144 = arith.constant 64 : index
          %swap3A_145 = tpu.vector_load %arg11[%swap3A_143, %swap3A_144] {strides = array<i32>} : memref<1x128xi32, #tpu.memory_space<vmem>>, vector<16xi32>,
          tpu.vector_store %arg11[%swap3A_143, %swap3A_144], %and3A_141 {strides = array<i32>} : memref<1x128xi32, #tpu.memory_space<vmem>>, vector<16xi32>,
          %get3A_146 = arith.constant 80 : index
          %get3A_147 = tpu.vector_load %arg7[%get3A_146] {strides = array<i32>} : memref<128xi32, #tpu.memory_space<vmem>>, vector<16xi32>,
          %shift_right_arithmetic3A_148 = arith.constant 13 : i32
          %shift_right_arithmetic3A_149 = vector.broadcast %shift_right_arithmetic3A_148 : i32 to vector<16xi32>
          %shift_right_arithmetic3A_150 = arith.shrsi %get3A_147, %shift_right_arithmetic3A_149 : vector<16xi32>
          %swap3A_151 = arith.constant 0 : i32
          %swap3A_152 = arith.index_cast %swap3A_151 : i32 to index
          %swap3A_153 = arith.constant 80 : index
          %swap3A_154 = tpu.vector_load %arg9[%swap3A_152, %swap3A_153] {strides = array<i32>} : memref<1x128xi32, #tpu.memory_space<vmem>>, vector<16xi32>,
          tpu.vector_store %arg9[%swap3A_152, %swap3A_153], %shift_right_arithmetic3A_150 {strides = array<i32>} : memref<1x128xi32, #tpu.memory_space<vmem>>, vector<16xi32>,
          %and3A_155 = arith.constant 8191 : i32
          %and3A_156 = vector.broadcast %and3A_155 : i32 to vector<16xi32>
          %and3A_157 = arith.andi %get3A_147, %and3A_156 : vector<16xi32>
          %swap3A_158 = arith.constant 0 : i32
          %swap3A_159 = arith.index_cast %swap3A_158 : i32 to index
          %swap3A_160 = arith.constant 80 : index
          %swap3A_161 = tpu.vector_load %arg11[%swap3A_159, %swap3A_160] {strides = array<i32>} : memref<1x128xi32, #tpu.memory_space<vmem>>, vector<16xi32>,
          tpu.vector_store %arg11[%swap3A_159, %swap3A_160], %and3A_157 {strides = array<i32>} : memref<1x128xi32, #tpu.memory_space<vmem>>, vector<16xi32>,
          %get3A_162 = arith.constant 96 : index
          %get3A_163 = tpu.vector_load %arg7[%get3A_162] {strides = array<i32>} : memref<128xi32, #tpu.memory_space<vmem>>, vector<16xi32>,
          %shift_right_arithmetic3A_164 = arith.constant 13 : i32
          %shift_right_arithmetic3A_165 = vector.broadcast %shift_right_arithmetic3A_164 : i32 to vector<16xi32>
          %shift_right_arithmetic3A_166 = arith.shrsi %get3A_163, %shift_right_arithmetic3A_165 : vector<16xi32>
          %swap3A_167 = arith.constant 0 : i32
          %swap3A_168 = arith.index_cast %swap3A_167 : i32 to index
          %swap3A_169 = arith.constant 96 : index
          %swap3A_170 = tpu.vector_load %arg9[%swap3A_168, %swap3A_169] {strides = array<i32>} : memref<1x128xi32, #tpu.memory_space<vmem>>, vector<16xi32>,
          tpu.vector_store %arg9[%swap3A_168, %swap3A_169], %shift_right_arithmetic3A_166 {strides = array<i32>} : memref<1x128xi32, #tpu.memory_space<vmem>>, vector<16xi32>,
          %and3A_171 = arith.constant 8191 : i32
          %and3A_172 = vector.broadcast %and3A_171 : i32 to vector<16xi32>
          %and3A_173 = arith.andi %get3A_163, %and3A_172 : vector<16xi32>
          %swap3A_174 = arith.constant 0 : i32
          %swap3A_175 = arith.index_cast %swap3A_174 : i32 to index
          %swap3A_176 = arith.constant 96 : index
          %swap3A_177 = tpu.vector_load %arg11[%swap3A_175, %swap3A_176] {strides = array<i32>} : memref<1x128xi32, #tpu.memory_space<vmem>>, vector<16xi32>,
          tpu.vector_store %arg11[%swap3A_175, %swap3A_176], %and3A_173 {strides = array<i32>} : memref<1x128xi32, #tpu.memory_space<vmem>>, vector<16xi32>,
          %get3A_178 = arith.constant 112 : index
          %get3A_179 = tpu.vector_load %arg7[%get3A_178] {strides = array<i32>} : memref<128xi32, #tpu.memory_space<vmem>>, vector<16xi32>,
          %shift_right_arithmetic3A_180 = arith.constant 13 : i32
          %shift_right_arithmetic3A_181 = vector.broadcast %shift_right_arithmetic3A_180 : i32 to vector<16xi32>
          %shift_right_arithmetic3A_182 = arith.shrsi %get3A_179, %shift_right_arithmetic3A_181 : vector<16xi32>
          %swap3A_183 = arith.constant 0 : i32
          %swap3A_184 = arith.index_cast %swap3A_183 : i32 to index
          %swap3A_185 = arith.constant 112 : index
          %swap3A_186 = tpu.vector_load %arg9[%swap3A_184, %swap3A_185] {strides = array<i32>} : memref<1x128xi32, #tpu.memory_space<vmem>>, vector<16xi32>,
          tpu.vector_store %arg9[%swap3A_184, %swap3A_185], %shift_right_arithmetic3A_182 {strides = array<i32>} : memref<1x128xi32, #tpu.memory_space<vmem>>, vector<16xi32>,
          %and3A_187 = arith.constant 8191 : i32
          %and3A_188 = vector.broadcast %and3A_187 : i32 to vector<16xi32>
          %and3A_189 = arith.andi %get3A_179, %and3A_188 : vector<16xi32>
          %swap3A_190 = arith.constant 0 : i32
          %swap3A_191 = arith.index_cast %swap3A_190 : i32 to index
          %swap3A_192 = arith.constant 112 : index
          %swap3A_193 = tpu.vector_load %arg11[%swap3A_191, %swap3A_192] {strides = array<i32>} : memref<1x128xi32, #tpu.memory_space<vmem>>, vector<16xi32>,
          tpu.vector_store %arg11[%swap3A_191, %swap3A_192], %and3A_189 {strides = array<i32>} : memref<1x128xi32, #tpu.memory_space<vmem>>, vector<16xi32>,
          %dma_start3A = arith.constant 0 : i32
          %dma_start3A_194 = arith.constant 0 : i32
          %dma_start3A_195 = tpu.memref_slice %arg9[%dma_start3A, %dma_start3A_194] : memref<1x128xi32, #tpu.memory_space<vmem>> -> memref<1x128xi32, #tpu.memory_space<vmem>>
          %dma_start3A_196 = tpu.memref_squeeze %dma_start3A_195 : memref<1x128xi32, #tpu.memory_space<vmem>> -> memref<128xi32, #tpu.memory_space<vmem>>
          %dma_start3A_197 = arith.constant 0 : i32
          %dma_start3A_198 = arith.constant 0 : i32
          %dma_start3A_199 = tpu.memref_slice %arg2[%dma_start3A_197, %dma_start3A_198] : memref<10000x128xf32, #tpu.memory_space<hbm>> -> memref<10000x128xf32, #tpu.memory_space<hbm>>
          tpu.enqueue_indirect_dma source(%dma_start3A_199 : memref<10000x128xf32, #tpu.memory_space<hbm>>) target(%arg13 : memref<128x128xf32, #tpu.memory_space<vmem>>) offsets(%dma_start3A_196 : memref<128xi32, #tpu.memory_space<vmem>>) semaphore(%arg17 : memref<!tpu.dma_semaphore, #tpu.memory_space<semaphore_mem>>)
        } else {
        }
        %run_scoped3A = arith.constant 0 : i32
        "tpu.region"() ({
          %run_scoped3A_64 = tpu.sem_alloc : memref<!tpu.dma_semaphore, #tpu.memory_space<semaphore_mem>>
          %dma_start3A = arith.constant 0 : i32
          %dma_start3A_65 = tpu.memref_slice %arg12[%run_scoped3A, %dma_start3A] : memref<1x128xi32, #tpu.memory_space<vmem>> -> memref<1x128xi32, #tpu.memory_space<vmem>>
          %dma_start3A_66 = tpu.memref_squeeze %dma_start3A_65 : memref<1x128xi32, #tpu.memory_space<vmem>> -> memref<128xi32, #tpu.memory_space<vmem>>
          %dma_start3A_67 = arith.constant 0 : i32
          %dma_start3A_68 = arith.constant 0 : i32
          %dma_start3A_69 = tpu.memref_slice %arg16[%dma_start3A_67, %dma_start3A_68] : memref<5248x128xf32, #tpu.memory_space<vmem_shared>> -> memref<5248x128xf32, #tpu.memory_space<vmem_shared>>
          tpu.enqueue_indirect_dma source(%arg14 : memref<128x128xf32, #tpu.memory_space<vmem>>) target(%dma_start3A_69 : memref<5248x128xf32, #tpu.memory_space<vmem_shared>>) offsets(%dma_start3A_66 : memref<128xi32, #tpu.memory_space<vmem>>) semaphore(%run_scoped3A_64 : memref<!tpu.dma_semaphore, #tpu.memory_space<semaphore_mem>>) {add = true}
          %dma_wait3A_70 = arith.constant 0 : i32
          %dma_wait3A_71 = tpu.memref_slice %arg12[%run_scoped3A, %dma_wait3A_70] : memref<1x128xi32, #tpu.memory_space<vmem>> -> memref<1x128xi32, #tpu.memory_space<vmem>>
          %dma_wait3A_72 = tpu.memref_squeeze %dma_wait3A_71 : memref<1x128xi32, #tpu.memory_space<vmem>> -> memref<128xi32, #tpu.memory_space<vmem>>
          %dma_wait3A_73 = arith.constant 0 : i32
          %dma_wait3A_74 = arith.constant 0 : i32
          %dma_wait3A_75 = tpu.memref_slice %arg16[%dma_wait3A_73, %dma_wait3A_74] : memref<5248x128xf32, #tpu.memory_space<vmem_shared>> -> memref<5248x128xf32, #tpu.memory_space<vmem_shared>>
          tpu.wait_indirect_dma semaphore(%run_scoped3A_64 : memref<!tpu.dma_semaphore, #tpu.memory_space<semaphore_mem>>) src(%arg14 : memref<128x128xf32, #tpu.memory_space<vmem>>) dst(%dma_wait3A_75 : memref<5248x128xf32, #tpu.memory_space<vmem_shared>>)
          tpu.yield
        }) : () -> ()
      } else {
      }
    }
    %barrier3A_33 = arith.constant 0 : index
    tpu.barrier barrier_id(%barrier3A_33)
    %mul3A_34 = arith.constant 320 : i32
    %mul3A_35 = arith.muli %arg1, %mul3A_34 : i32
    %mul3A_36 = arith.constant 320 : i32
    %mul3A_37 = arith.muli %arg1, %mul3A_36 : i32
    "tpu.region"() ({
      %run_scoped3A = tpu.sem_alloc : memref<!tpu.dma_semaphore, #tpu.memory_space<semaphore_mem>>
      %dma_start3A = arith.constant 0 : i32
      %dma_start3A_38 = tpu.memref_slice %arg6[%arg0, %mul3A_37, %dma_start3A] : memref<2x5120x128xf32, #tpu.memory_space<hbm>> -> memref<1x320x128xf32, #tpu.memory_space<hbm>>
      %dma_start3A_39 = tpu.memref_squeeze %dma_start3A_38 : memref<1x320x128xf32, #tpu.memory_space<hbm>> -> memref<320x128xf32, #tpu.memory_space<hbm>>
      %dma_start3A_40 = arith.constant 0 : i32
      %dma_start3A_41 = tpu.memref_slice %arg16[%mul3A_35, %dma_start3A_40] : memref<5248x128xf32, #tpu.memory_space<vmem_shared>> -> memref<320x128xf32, #tpu.memory_space<vmem_shared>>
      tpu.enqueue_dma source(%dma_start3A_41 : memref<320x128xf32, #tpu.memory_space<vmem_shared>>) target(%dma_start3A_39 : memref<320x128xf32, #tpu.memory_space<hbm>>) target_semaphore(%run_scoped3A : memref<!tpu.dma_semaphore, #tpu.memory_space<semaphore_mem>>)
      %dma_wait3A = arith.constant 0 : i32
      %dma_wait3A_42 = tpu.memref_slice %arg6[%arg0, %mul3A_37, %dma_wait3A] : memref<2x5120x128xf32, #tpu.memory_space<hbm>> -> memref<1x320x128xf32, #tpu.memory_space<hbm>>
      %dma_wait3A_43 = tpu.memref_squeeze %dma_wait3A_42 : memref<1x320x128xf32, #tpu.memory_space<hbm>> -> memref<320x128xf32, #tpu.memory_space<hbm>>
      %dma_wait3A_44 = arith.constant 0 : i32
      %dma_wait3A_45 = tpu.memref_slice %arg16[%mul3A_35, %dma_wait3A_44] : memref<5248x128xf32, #tpu.memory_space<vmem_shared>> -> memref<320x128xf32, #tpu.memory_space<vmem_shared>>
      tpu.wait_dma2 semaphore(%run_scoped3A : memref<!tpu.dma_semaphore, #tpu.memory_space<semaphore_mem>>) src(%dma_wait3A_45 : memref<320x128xf32, #tpu.memory_space<vmem_shared>>) dst(%dma_wait3A_43 : memref<320x128xf32, #tpu.memory_space<hbm>>)
      tpu.yield
    }) : () -> ()
    return
  }
}

#map = affine_map<(d0, d1) -> (0)>
module attributes {stable_mosaic.version = 14 : i64} {
  func.func @_select(%arg0: i32, %arg1: i32, %arg2: memref<323584xi32, #tpu.memory_space<hbm>>, %arg3: memref<139776xi32, #tpu.memory_space<hbm>>, %arg4: memref<10485760xi32, #tpu.memory_space<hbm>>, %arg5: memref<512xi32, #tpu.memory_space<hbm>>, %arg6: memref<8192xi32, #tpu.memory_space<vmem>>, %arg7: memref<4368xi32, #tpu.memory_space<vmem>>, %arg8: memref<16xi32, #tpu.memory_space<vmem>>, %arg9: memref<!tpu.dma_semaphore, #tpu.memory_space<semaphore_mem>>) attributes {dimension_semantics = [#tpu.dimension_semantics<core_parallel>, #tpu.dimension_semantics<subcore_parallel>], iteration_bounds = array<i64: 2, 16>, scalar_prefetch = 0 : i64, scratch_operands = 4 : i64, tpu.core_type = #tpu.core_type<sc_vector_subcore>, window_params = [{transform_indices = #map}, {transform_indices = #map}, {transform_indices = #map}, {transform_indices = #map}]} {
    %mul3A = arith.constant 16 : i32
    %mul3A_0 = arith.muli %arg0, %mul3A : i32
    %add3A = arith.addi %mul3A_0, %arg1 : i32
    %mul3A_1 = arith.constant 5120 : i32
    %mul3A_2 = arith.muli %arg0, %mul3A_1 : i32
    %mul3A_3 = arith.constant 320 : i32
    %mul3A_4 = arith.muli %add3A, %mul3A_3 : i32
    %add3A_5 = arith.constant 320 : i32
    %add3A_6 = arith.addi %mul3A_4, %add3A_5 : i32
    %mul3A_7 = arith.constant 327680 : i32
    %mul3A_8 = arith.muli %add3A, %mul3A_7 : i32
    %mul3A_9 = arith.constant 4368 : i32
    %mul3A_10 = arith.muli %add3A, %mul3A_9 : i32
    "tpu.region"() ({
      %run_scoped3A = tpu.sem_alloc : memref<!tpu.dma_semaphore, #tpu.memory_space<semaphore_mem>>
      %dma_start3A_33 = tpu.memref_slice %arg3[%mul3A_10] : memref<139776xi32, #tpu.memory_space<hbm>> -> memref<4368xi32, #tpu.memory_space<hbm>>
      %dma_start3A_34 = tpu.memref_slice %arg3[%mul3A_10] : memref<139776xi32, #tpu.memory_space<hbm>> -> memref<4368xi32, #tpu.memory_space<hbm>>
      tpu.enqueue_dma source(%dma_start3A_34 : memref<4368xi32, #tpu.memory_space<hbm>>) target(%arg7 : memref<4368xi32, #tpu.memory_space<vmem>>) target_semaphore(%run_scoped3A : memref<!tpu.dma_semaphore, #tpu.memory_space<semaphore_mem>>)
      %dma_wait3A = tpu.memref_slice %arg3[%mul3A_10] : memref<139776xi32, #tpu.memory_space<hbm>> -> memref<4368xi32, #tpu.memory_space<hbm>>
      %dma_wait3A_35 = tpu.memref_slice %arg3[%mul3A_10] : memref<139776xi32, #tpu.memory_space<hbm>> -> memref<4368xi32, #tpu.memory_space<hbm>>
      tpu.wait_dma2 semaphore(%run_scoped3A : memref<!tpu.dma_semaphore, #tpu.memory_space<semaphore_mem>>) src(%dma_wait3A_35 : memref<4368xi32, #tpu.memory_space<hbm>>) dst(%arg7 : memref<4368xi32, #tpu.memory_space<vmem>>)
      tpu.yield
    }) : () -> ()
    %dma_start3A = arith.constant 0 : i32
    %dma_start3A_11 = tpu.memref_slice %arg6[%dma_start3A] : memref<8192xi32, #tpu.memory_space<vmem>> -> memref<4096xi32, #tpu.memory_space<vmem>>
    %dma_start3A_12 = arith.constant 0 : i32
    %dma_start3A_13 = tpu.memref_slice %arg2[%dma_start3A_12] : memref<323584xi32, #tpu.memory_space<hbm>> -> memref<4096xi32, #tpu.memory_space<hbm>>
    %dma_start3A_14 = arith.constant 0 : i32
    %dma_start3A_15 = tpu.memref_slice %arg6[%dma_start3A_14] : memref<8192xi32, #tpu.memory_space<vmem>> -> memref<4096xi32, #tpu.memory_space<vmem>>
    %dma_start3A_16 = arith.constant 0 : i32
    %dma_start3A_17 = tpu.memref_slice %arg2[%dma_start3A_16] : memref<323584xi32, #tpu.memory_space<hbm>> -> memref<4096xi32, #tpu.memory_space<hbm>>
    tpu.enqueue_dma source(%dma_start3A_17 : memref<4096xi32, #tpu.memory_space<hbm>>) target(%dma_start3A_15 : memref<4096xi32, #tpu.memory_space<vmem>>) target_semaphore(%arg9 : memref<!tpu.dma_semaphore, #tpu.memory_space<semaphore_mem>>)
    %scan3A = arith.constant 0 : i32
    %scan3A_18 = arith.constant 0 : i32
    %scan3A_19 = arith.constant 0 : i32
    %scan3A_20 = arith.constant 79 : i32
    %scan3A_21 = arith.addi %scan3A_19, %scan3A_20 : i32
    %scan3A_22 = arith.constant 1 : i32
    %scan3A_23:2 = scf.for %scan3A_33 = %scan3A_19 to %scan3A_21 step %scan3A_22 iter_args(%scan3A_34 = %scan3A, %scan3A_35 = %scan3A_18) -> (i32, i32)  : i32 {
      %rem3A = arith.constant 2 : i32
      %rem3A_36 = arith.remsi %scan3A_33, %rem3A : i32
      %mul3A_37 = arith.constant 4096 : i32
      %mul3A_38 = arith.muli %scan3A_33, %mul3A_37 : i32
      %mul3A_39 = arith.constant 4096 : i32
      %mul3A_40 = arith.muli %rem3A_36, %mul3A_39 : i32
      %dma_wait3A = tpu.memref_slice %arg6[%mul3A_40] : memref<8192xi32, #tpu.memory_space<vmem>> -> memref<4096xi32, #tpu.memory_space<vmem>>
      %dma_wait3A_41 = tpu.memref_slice %arg2[%mul3A_38] : memref<323584xi32, #tpu.memory_space<hbm>> -> memref<4096xi32, #tpu.memory_space<hbm>>
      %dma_wait3A_42 = tpu.memref_slice %arg6[%mul3A_40] : memref<8192xi32, #tpu.memory_space<vmem>> -> memref<4096xi32, #tpu.memory_space<vmem>>
      %dma_wait3A_43 = tpu.memref_slice %arg2[%mul3A_38] : memref<323584xi32, #tpu.memory_space<hbm>> -> memref<4096xi32, #tpu.memory_space<hbm>>
      tpu.wait_dma2 semaphore(%arg9 : memref<!tpu.dma_semaphore, #tpu.memory_space<semaphore_mem>>) src(%dma_wait3A_43 : memref<4096xi32, #tpu.memory_space<hbm>>) dst(%dma_wait3A_42 : memref<4096xi32, #tpu.memory_space<vmem>>)
      %add3A_44 = arith.constant 1 : i32
      %add3A_45 = arith.addi %scan3A_33, %add3A_44 : i32
      %lt3A = arith.constant 79 : i32
      %lt3A_46 = arith.cmpi slt, %add3A_45, %lt3A : i32
      %convert_element_type3A = arith.extui %lt3A_46 : i1 to i32
      %cond3A = arith.constant 0 : i32
      %cond3A_47 = arith.cmpi ne, %convert_element_type3A, %cond3A : i32
      scf.if %cond3A_47 {
        %add3A_54 = arith.constant 1 : i32
        %add3A_55 = arith.addi %scan3A_33, %add3A_54 : i32
        %rem3A_56 = arith.constant 2 : i32
        %rem3A_57 = arith.remsi %add3A_55, %rem3A_56 : i32
        %add3A_58 = arith.constant 1 : i32
        %add3A_59 = arith.addi %scan3A_33, %add3A_58 : i32
        %mul3A_60 = arith.constant 4096 : i32
        %mul3A_61 = arith.muli %add3A_59, %mul3A_60 : i32
        %mul3A_62 = arith.constant 4096 : i32
        %mul3A_63 = arith.muli %rem3A_57, %mul3A_62 : i32
        %dma_start3A_64 = tpu.memref_slice %arg6[%mul3A_63] : memref<8192xi32, #tpu.memory_space<vmem>> -> memref<4096xi32, #tpu.memory_space<vmem>>
        %dma_start3A_65 = tpu.memref_slice %arg2[%mul3A_61] : memref<323584xi32, #tpu.memory_space<hbm>> -> memref<4096xi32, #tpu.memory_space<hbm>>
        %dma_start3A_66 = tpu.memref_slice %arg6[%mul3A_63] : memref<8192xi32, #tpu.memory_space<vmem>> -> memref<4096xi32, #tpu.memory_space<vmem>>
        %dma_start3A_67 = tpu.memref_slice %arg2[%mul3A_61] : memref<323584xi32, #tpu.memory_space<hbm>> -> memref<4096xi32, #tpu.memory_space<hbm>>
        tpu.enqueue_dma source(%dma_start3A_67 : memref<4096xi32, #tpu.memory_space<hbm>>) target(%dma_start3A_66 : memref<4096xi32, #tpu.memory_space<vmem>>) target_semaphore(%arg9 : memref<!tpu.dma_semaphore, #tpu.memory_space<semaphore_mem>>)
      } else {
      }
      %scan3A_48 = arith.constant 0 : i32
      %scan3A_49 = arith.constant 16 : i32
      %scan3A_50 = arith.addi %scan3A_48, %scan3A_49 : i32
      %scan3A_51 = arith.constant 1 : i32
      %scan3A_52:2 = scf.for %scan3A_54 = %scan3A_48 to %scan3A_50 step %scan3A_51 iter_args(%scan3A_55 = %scan3A_34, %scan3A_56 = %scan3A_35) -> (i32, i32)  : i32 {
        %mul3A_57 = arith.constant 4096 : i32
        %mul3A_58 = arith.muli %rem3A_36, %mul3A_57 : i32
        %mul3A_59 = arith.constant 256 : i32
        %mul3A_60 = arith.muli %scan3A_54, %mul3A_59 : i32
        %add3A_61 = arith.addi %mul3A_58, %mul3A_60 : i32
        %add3A_62 = arith.constant 0 : i32
        %add3A_63 = arith.addi %add3A_61, %add3A_62 : i32
        %get3A = arith.index_cast %add3A_63 : i32 to index
        %get3A_64 = tpu.vector_load %arg6[%get3A] {strides = array<i32>} : memref<8192xi32, #tpu.memory_space<vmem>>, vector<16xi32>,
        %and3A = arith.constant 16383 : i32
        %and3A_65 = vector.broadcast %and3A : i32 to vector<16xi32>
        %and3A_66 = arith.andi %get3A_64, %and3A_65 : vector<16xi32>
        %ge3A = vector.broadcast %mul3A_4 : i32 to vector<16xi32>
        %ge3A_67 = arith.cmpi sge, %and3A_66, %ge3A : vector<16xi32>
        %lt3A_68 = vector.broadcast %add3A_6 : i32 to vector<16xi32>
        %lt3A_69 = arith.cmpi slt, %and3A_66, %lt3A_68 : vector<16xi32>
        %and3A_70 = arith.andi %ge3A_67, %lt3A_69 : vector<16xi1>
        %jit3A = arith.constant 1 : i32
        %jit3A_71 = arith.constant 0 : i32
        %broadcast_in_dim3A_72 = vector.broadcast %jit3A : i32 to vector<16xi32>
        %broadcast_in_dim3A_73 = vector.broadcast %jit3A_71 : i32 to vector<16xi32>
        %select_n3A = arith.select %and3A_70, %broadcast_in_dim3A_72, %broadcast_in_dim3A_73 : vector<16xi1>, vector<16xi32>
        %cumsum3A = arith.constant true
        %cumsum3A_74 = vector.broadcast %cumsum3A : i1 to vector<16xi1>
        %cumsum3A_75 = tpu.scan <sum>, %select_n3A masked %cumsum3A_74 : vector<16xi32>, vector<16xi1> -> vector<16xi32>
        %sub3A = arith.constant 1 : i32
        %sub3A_76 = arith.subi %scan3A_55, %sub3A : i32
        %add3A_77 = vector.broadcast %sub3A_76 : i32 to vector<16xi32>
        %add3A_78 = arith.addi %add3A_77, %cumsum3A_75 : vector<16xi32>
        %shift_right_arithmetic3A = arith.constant 14 : i32
        %shift_right_arithmetic3A_79 = vector.broadcast %shift_right_arithmetic3A : i32 to vector<16xi32>
        %shift_right_arithmetic3A_80 = arith.shrsi %get3A_64, %shift_right_arithmetic3A_79 : vector<16xi32>
        %shift_left3A = arith.constant 13 : i32
        %shift_left3A_81 = vector.broadcast %shift_left3A : i32 to vector<16xi32>
        %shift_left3A_82 = arith.shli %shift_right_arithmetic3A_80, %shift_left3A_81 : vector<16xi32>
        %sub3A_83 = vector.broadcast %mul3A_2 : i32 to vector<16xi32>
        %sub3A_84 = arith.subi %and3A_66, %sub3A_83 : vector<16xi32>
        %or3A = arith.ori %shift_left3A_82, %sub3A_84 : vector<16xi32>
        tpu.vector_store_idx %arg7[%add3A_78], %or3A masked %and3A_70 : memref<4368xi32, #tpu.memory_space<vmem>>[vector<16xi32>], vector<16xi32>, vector<16xi1>
        %slice3A = vector.extract_strided_slice %cumsum3A_75 {offsets = [15], sizes = [1], strides = [1]} : vector<16xi32> to vector<1xi32>
        %squeeze3A = vector.extract %slice3A[0] : i32 from vector<1xi32>
        %add3A_85 = arith.addi %scan3A_55, %squeeze3A : i32
        %add3A_86 = arith.constant 16 : i32
        %add3A_87 = arith.addi %add3A_61, %add3A_86 : i32
        %get3A_88 = arith.index_cast %add3A_87 : i32 to index
        %get3A_89 = tpu.vector_load %arg6[%get3A_88] {strides = array<i32>} : memref<8192xi32, #tpu.memory_space<vmem>>, vector<16xi32>,
        %and3A_90 = arith.constant 16383 : i32
        %and3A_91 = vector.broadcast %and3A_90 : i32 to vector<16xi32>
        %and3A_92 = arith.andi %get3A_89, %and3A_91 : vector<16xi32>
        %ge3A_93 = vector.broadcast %mul3A_4 : i32 to vector<16xi32>
        %ge3A_94 = arith.cmpi sge, %and3A_92, %ge3A_93 : vector<16xi32>
        %lt3A_95 = vector.broadcast %add3A_6 : i32 to vector<16xi32>
        %lt3A_96 = arith.cmpi slt, %and3A_92, %lt3A_95 : vector<16xi32>
        %and3A_97 = arith.andi %ge3A_94, %lt3A_96 : vector<16xi1>
        %jit3A_98 = arith.constant 1 : i32
        %jit3A_99 = arith.constant 0 : i32
        %broadcast_in_dim3A_100 = vector.broadcast %jit3A_98 : i32 to vector<16xi32>
        %broadcast_in_dim3A_101 = vector.broadcast %jit3A_99 : i32 to vector<16xi32>
        %select_n3A_102 = arith.select %and3A_97, %broadcast_in_dim3A_100, %broadcast_in_dim3A_101 : vector<16xi1>, vector<16xi32>
        %cumsum3A_103 = arith.constant true
        %cumsum3A_104 = vector.broadcast %cumsum3A_103 : i1 to vector<16xi1>
        %cumsum3A_105 = tpu.scan <sum>, %select_n3A_102 masked %cumsum3A_104 : vector<16xi32>, vector<16xi1> -> vector<16xi32>
        %sub3A_106 = arith.constant 1 : i32
        %sub3A_107 = arith.subi %add3A_85, %sub3A_106 : i32
        %add3A_108 = vector.broadcast %sub3A_107 : i32 to vector<16xi32>
        %add3A_109 = arith.addi %add3A_108, %cumsum3A_105 : vector<16xi32>
        %shift_right_arithmetic3A_110 = arith.constant 14 : i32
        %shift_right_arithmetic3A_111 = vector.broadcast %shift_right_arithmetic3A_110 : i32 to vector<16xi32>
        %shift_right_arithmetic3A_112 = arith.shrsi %get3A_89, %shift_right_arithmetic3A_111 : vector<16xi32>
        %shift_left3A_113 = arith.constant 13 : i32
        %shift_left3A_114 = vector.broadcast %shift_left3A_113 : i32 to vector<16xi32>
        %shift_left3A_115 = arith.shli %shift_right_arithmetic3A_112, %shift_left3A_114 : vector<16xi32>
        %sub3A_116 = vector.broadcast %mul3A_2 : i32 to vector<16xi32>
        %sub3A_117 = arith.subi %and3A_92, %sub3A_116 : vector<16xi32>
        %or3A_118 = arith.ori %shift_left3A_115, %sub3A_117 : vector<16xi32>
        tpu.vector_store_idx %arg7[%add3A_109], %or3A_118 masked %and3A_97 : memref<4368xi32, #tpu.memory_space<vmem>>[vector<16xi32>], vector<16xi32>, vector<16xi1>
        %slice3A_119 = vector.extract_strided_slice %cumsum3A_105 {offsets = [15], sizes = [1], strides = [1]} : vector<16xi32> to vector<1xi32>
        %squeeze3A_120 = vector.extract %slice3A_119[0] : i32 from vector<1xi32>
        %add3A_121 = arith.addi %add3A_85, %squeeze3A_120 : i32
        %add3A_122 = arith.constant 32 : i32
        %add3A_123 = arith.addi %add3A_61, %add3A_122 : i32
        %get3A_124 = arith.index_cast %add3A_123 : i32 to index
        %get3A_125 = tpu.vector_load %arg6[%get3A_124] {strides = array<i32>} : memref<8192xi32, #tpu.memory_space<vmem>>, vector<16xi32>,
        %and3A_126 = arith.constant 16383 : i32
        %and3A_127 = vector.broadcast %and3A_126 : i32 to vector<16xi32>
        %and3A_128 = arith.andi %get3A_125, %and3A_127 : vector<16xi32>
        %ge3A_129 = vector.broadcast %mul3A_4 : i32 to vector<16xi32>
        %ge3A_130 = arith.cmpi sge, %and3A_128, %ge3A_129 : vector<16xi32>
        %lt3A_131 = vector.broadcast %add3A_6 : i32 to vector<16xi32>
        %lt3A_132 = arith.cmpi slt, %and3A_128, %lt3A_131 : vector<16xi32>
        %and3A_133 = arith.andi %ge3A_130, %lt3A_132 : vector<16xi1>
        %jit3A_134 = arith.constant 1 : i32
        %jit3A_135 = arith.constant 0 : i32
        %broadcast_in_dim3A_136 = vector.broadcast %jit3A_134 : i32 to vector<16xi32>
        %broadcast_in_dim3A_137 = vector.broadcast %jit3A_135 : i32 to vector<16xi32>
        %select_n3A_138 = arith.select %and3A_133, %broadcast_in_dim3A_136, %broadcast_in_dim3A_137 : vector<16xi1>, vector<16xi32>
        %cumsum3A_139 = arith.constant true
        %cumsum3A_140 = vector.broadcast %cumsum3A_139 : i1 to vector<16xi1>
        %cumsum3A_141 = tpu.scan <sum>, %select_n3A_138 masked %cumsum3A_140 : vector<16xi32>, vector<16xi1> -> vector<16xi32>
        %sub3A_142 = arith.constant 1 : i32
        %sub3A_143 = arith.subi %add3A_121, %sub3A_142 : i32
        %add3A_144 = vector.broadcast %sub3A_143 : i32 to vector<16xi32>
        %add3A_145 = arith.addi %add3A_144, %cumsum3A_141 : vector<16xi32>
        %shift_right_arithmetic3A_146 = arith.constant 14 : i32
        %shift_right_arithmetic3A_147 = vector.broadcast %shift_right_arithmetic3A_146 : i32 to vector<16xi32>
        %shift_right_arithmetic3A_148 = arith.shrsi %get3A_125, %shift_right_arithmetic3A_147 : vector<16xi32>
        %shift_left3A_149 = arith.constant 13 : i32
        %shift_left3A_150 = vector.broadcast %shift_left3A_149 : i32 to vector<16xi32>
        %shift_left3A_151 = arith.shli %shift_right_arithmetic3A_148, %shift_left3A_150 : vector<16xi32>
        %sub3A_152 = vector.broadcast %mul3A_2 : i32 to vector<16xi32>
        %sub3A_153 = arith.subi %and3A_128, %sub3A_152 : vector<16xi32>
        %or3A_154 = arith.ori %shift_left3A_151, %sub3A_153 : vector<16xi32>
        tpu.vector_store_idx %arg7[%add3A_145], %or3A_154 masked %and3A_133 : memref<4368xi32, #tpu.memory_space<vmem>>[vector<16xi32>], vector<16xi32>, vector<16xi1>
        %slice3A_155 = vector.extract_strided_slice %cumsum3A_141 {offsets = [15], sizes = [1], strides = [1]} : vector<16xi32> to vector<1xi32>
        %squeeze3A_156 = vector.extract %slice3A_155[0] : i32 from vector<1xi32>
        %add3A_157 = arith.addi %add3A_121, %squeeze3A_156 : i32
        %add3A_158 = arith.constant 48 : i32
        %add3A_159 = arith.addi %add3A_61, %add3A_158 : i32
        %get3A_160 = arith.index_cast %add3A_159 : i32 to index
        %get3A_161 = tpu.vector_load %arg6[%get3A_160] {strides = array<i32>} : memref<8192xi32, #tpu.memory_space<vmem>>, vector<16xi32>,
        %and3A_162 = arith.constant 16383 : i32
        %and3A_163 = vector.broadcast %and3A_162 : i32 to vector<16xi32>
        %and3A_164 = arith.andi %get3A_161, %and3A_163 : vector<16xi32>
        %ge3A_165 = vector.broadcast %mul3A_4 : i32 to vector<16xi32>
        %ge3A_166 = arith.cmpi sge, %and3A_164, %ge3A_165 : vector<16xi32>
        %lt3A_167 = vector.broadcast %add3A_6 : i32 to vector<16xi32>
        %lt3A_168 = arith.cmpi slt, %and3A_164, %lt3A_167 : vector<16xi32>
        %and3A_169 = arith.andi %ge3A_166, %lt3A_168 : vector<16xi1>
        %jit3A_170 = arith.constant 1 : i32
        %jit3A_171 = arith.constant 0 : i32
        %broadcast_in_dim3A_172 = vector.broadcast %jit3A_170 : i32 to vector<16xi32>
        %broadcast_in_dim3A_173 = vector.broadcast %jit3A_171 : i32 to vector<16xi32>
        %select_n3A_174 = arith.select %and3A_169, %broadcast_in_dim3A_172, %broadcast_in_dim3A_173 : vector<16xi1>, vector<16xi32>
        %cumsum3A_175 = arith.constant true
        %cumsum3A_176 = vector.broadcast %cumsum3A_175 : i1 to vector<16xi1>
        %cumsum3A_177 = tpu.scan <sum>, %select_n3A_174 masked %cumsum3A_176 : vector<16xi32>, vector<16xi1> -> vector<16xi32>
        %sub3A_178 = arith.constant 1 : i32
        %sub3A_179 = arith.subi %add3A_157, %sub3A_178 : i32
        %add3A_180 = vector.broadcast %sub3A_179 : i32 to vector<16xi32>
        %add3A_181 = arith.addi %add3A_180, %cumsum3A_177 : vector<16xi32>
        %shift_right_arithmetic3A_182 = arith.constant 14 : i32
        %shift_right_arithmetic3A_183 = vector.broadcast %shift_right_arithmetic3A_182 : i32 to vector<16xi32>
        %shift_right_arithmetic3A_184 = arith.shrsi %get3A_161, %shift_right_arithmetic3A_183 : vector<16xi32>
        %shift_left3A_185 = arith.constant 13 : i32
        %shift_left3A_186 = vector.broadcast %shift_left3A_185 : i32 to vector<16xi32>
        %shift_left3A_187 = arith.shli %shift_right_arithmetic3A_184, %shift_left3A_186 : vector<16xi32>
        %sub3A_188 = vector.broadcast %mul3A_2 : i32 to vector<16xi32>
        %sub3A_189 = arith.subi %and3A_164, %sub3A_188 : vector<16xi32>
        %or3A_190 = arith.ori %shift_left3A_187, %sub3A_189 : vector<16xi32>
        tpu.vector_store_idx %arg7[%add3A_181], %or3A_190 masked %and3A_169 : memref<4368xi32, #tpu.memory_space<vmem>>[vector<16xi32>], vector<16xi32>, vector<16xi1>
        %slice3A_191 = vector.extract_strided_slice %cumsum3A_177 {offsets = [15], sizes = [1], strides = [1]} : vector<16xi32> to vector<1xi32>
        %squeeze3A_192 = vector.extract %slice3A_191[0] : i32 from vector<1xi32>
        %add3A_193 = arith.addi %add3A_157, %squeeze3A_192 : i32
        %add3A_194 = arith.constant 64 : i32
        %add3A_195 = arith.addi %add3A_61, %add3A_194 : i32
        %get3A_196 = arith.index_cast %add3A_195 : i32 to index
        %get3A_197 = tpu.vector_load %arg6[%get3A_196] {strides = array<i32>} : memref<8192xi32, #tpu.memory_space<vmem>>, vector<16xi32>,
        %and3A_198 = arith.constant 16383 : i32
        %and3A_199 = vector.broadcast %and3A_198 : i32 to vector<16xi32>
        %and3A_200 = arith.andi %get3A_197, %and3A_199 : vector<16xi32>
        %ge3A_201 = vector.broadcast %mul3A_4 : i32 to vector<16xi32>
        %ge3A_202 = arith.cmpi sge, %and3A_200, %ge3A_201 : vector<16xi32>
        %lt3A_203 = vector.broadcast %add3A_6 : i32 to vector<16xi32>
        %lt3A_204 = arith.cmpi slt, %and3A_200, %lt3A_203 : vector<16xi32>
        %and3A_205 = arith.andi %ge3A_202, %lt3A_204 : vector<16xi1>
        %jit3A_206 = arith.constant 1 : i32
        %jit3A_207 = arith.constant 0 : i32
        %broadcast_in_dim3A_208 = vector.broadcast %jit3A_206 : i32 to vector<16xi32>
        %broadcast_in_dim3A_209 = vector.broadcast %jit3A_207 : i32 to vector<16xi32>
        %select_n3A_210 = arith.select %and3A_205, %broadcast_in_dim3A_208, %broadcast_in_dim3A_209 : vector<16xi1>, vector<16xi32>
        %cumsum3A_211 = arith.constant true
        %cumsum3A_212 = vector.broadcast %cumsum3A_211 : i1 to vector<16xi1>
        %cumsum3A_213 = tpu.scan <sum>, %select_n3A_210 masked %cumsum3A_212 : vector<16xi32>, vector<16xi1> -> vector<16xi32>
        %sub3A_214 = arith.constant 1 : i32
        %sub3A_215 = arith.subi %add3A_193, %sub3A_214 : i32
        %add3A_216 = vector.broadcast %sub3A_215 : i32 to vector<16xi32>
        %add3A_217 = arith.addi %add3A_216, %cumsum3A_213 : vector<16xi32>
        %shift_right_arithmetic3A_218 = arith.constant 14 : i32
        %shift_right_arithmetic3A_219 = vector.broadcast %shift_right_arithmetic3A_218 : i32 to vector<16xi32>
        %shift_right_arithmetic3A_220 = arith.shrsi %get3A_197, %shift_right_arithmetic3A_219 : vector<16xi32>
        %shift_left3A_221 = arith.constant 13 : i32
        %shift_left3A_222 = vector.broadcast %shift_left3A_221 : i32 to vector<16xi32>
        %shift_left3A_223 = arith.shli %shift_right_arithmetic3A_220, %shift_left3A_222 : vector<16xi32>
        %sub3A_224 = vector.broadcast %mul3A_2 : i32 to vector<16xi32>
        %sub3A_225 = arith.subi %and3A_200, %sub3A_224 : vector<16xi32>
        %or3A_226 = arith.ori %shift_left3A_223, %sub3A_225 : vector<16xi32>
        tpu.vector_store_idx %arg7[%add3A_217], %or3A_226 masked %and3A_205 : memref<4368xi32, #tpu.memory_space<vmem>>[vector<16xi32>], vector<16xi32>, vector<16xi1>
        %slice3A_227 = vector.extract_strided_slice %cumsum3A_213 {offsets = [15], sizes = [1], strides = [1]} : vector<16xi32> to vector<1xi32>
        %squeeze3A_228 = vector.extract %slice3A_227[0] : i32 from vector<1xi32>
        %add3A_229 = arith.addi %add3A_193, %squeeze3A_228 : i32
        %add3A_230 = arith.constant 80 : i32
        %add3A_231 = arith.addi %add3A_61, %add3A_230 : i32
        %get3A_232 = arith.index_cast %add3A_231 : i32 to index
        %get3A_233 = tpu.vector_load %arg6[%get3A_232] {strides = array<i32>} : memref<8192xi32, #tpu.memory_space<vmem>>, vector<16xi32>,
        %and3A_234 = arith.constant 16383 : i32
        %and3A_235 = vector.broadcast %and3A_234 : i32 to vector<16xi32>
        %and3A_236 = arith.andi %get3A_233, %and3A_235 : vector<16xi32>
        %ge3A_237 = vector.broadcast %mul3A_4 : i32 to vector<16xi32>
        %ge3A_238 = arith.cmpi sge, %and3A_236, %ge3A_237 : vector<16xi32>
        %lt3A_239 = vector.broadcast %add3A_6 : i32 to vector<16xi32>
        %lt3A_240 = arith.cmpi slt, %and3A_236, %lt3A_239 : vector<16xi32>
        %and3A_241 = arith.andi %ge3A_238, %lt3A_240 : vector<16xi1>
        %jit3A_242 = arith.constant 1 : i32
        %jit3A_243 = arith.constant 0 : i32
        %broadcast_in_dim3A_244 = vector.broadcast %jit3A_242 : i32 to vector<16xi32>
        %broadcast_in_dim3A_245 = vector.broadcast %jit3A_243 : i32 to vector<16xi32>
        %select_n3A_246 = arith.select %and3A_241, %broadcast_in_dim3A_244, %broadcast_in_dim3A_245 : vector<16xi1>, vector<16xi32>
        %cumsum3A_247 = arith.constant true
        %cumsum3A_248 = vector.broadcast %cumsum3A_247 : i1 to vector<16xi1>
        %cumsum3A_249 = tpu.scan <sum>, %select_n3A_246 masked %cumsum3A_248 : vector<16xi32>, vector<16xi1> -> vector<16xi32>
        %sub3A_250 = arith.constant 1 : i32
        %sub3A_251 = arith.subi %add3A_229, %sub3A_250 : i32
        %add3A_252 = vector.broadcast %sub3A_251 : i32 to vector<16xi32>
        %add3A_253 = arith.addi %add3A_252, %cumsum3A_249 : vector<16xi32>
        %shift_right_arithmetic3A_254 = arith.constant 14 : i32
        %shift_right_arithmetic3A_255 = vector.broadcast %shift_right_arithmetic3A_254 : i32 to vector<16xi32>
        %shift_right_arithmetic3A_256 = arith.shrsi %get3A_233, %shift_right_arithmetic3A_255 : vector<16xi32>
        %shift_left3A_257 = arith.constant 13 : i32
        %shift_left3A_258 = vector.broadcast %shift_left3A_257 : i32 to vector<16xi32>
        %shift_left3A_259 = arith.shli %shift_right_arithmetic3A_256, %shift_left3A_258 : vector<16xi32>
        %sub3A_260 = vector.broadcast %mul3A_2 : i32 to vector<16xi32>
        %sub3A_261 = arith.subi %and3A_236, %sub3A_260 : vector<16xi32>
        %or3A_262 = arith.ori %shift_left3A_259, %sub3A_261 : vector<16xi32>
        tpu.vector_store_idx %arg7[%add3A_253], %or3A_262 masked %and3A_241 : memref<4368xi32, #tpu.memory_space<vmem>>[vector<16xi32>], vector<16xi32>, vector<16xi1>
        %slice3A_263 = vector.extract_strided_slice %cumsum3A_249 {offsets = [15], sizes = [1], strides = [1]} : vector<16xi32> to vector<1xi32>
        %squeeze3A_264 = vector.extract %slice3A_263[0] : i32 from vector<1xi32>
        %add3A_265 = arith.addi %add3A_229, %squeeze3A_264 : i32
        %add3A_266 = arith.constant 96 : i32
        %add3A_267 = arith.addi %add3A_61, %add3A_266 : i32
        %get3A_268 = arith.index_cast %add3A_267 : i32 to index
        %get3A_269 = tpu.vector_load %arg6[%get3A_268] {strides = array<i32>} : memref<8192xi32, #tpu.memory_space<vmem>>, vector<16xi32>,
        %and3A_270 = arith.constant 16383 : i32
        %and3A_271 = vector.broadcast %and3A_270 : i32 to vector<16xi32>
        %and3A_272 = arith.andi %get3A_269, %and3A_271 : vector<16xi32>
        %ge3A_273 = vector.broadcast %mul3A_4 : i32 to vector<16xi32>
        %ge3A_274 = arith.cmpi sge, %and3A_272, %ge3A_273 : vector<16xi32>
        %lt3A_275 = vector.broadcast %add3A_6 : i32 to vector<16xi32>
        %lt3A_276 = arith.cmpi slt, %and3A_272, %lt3A_275 : vector<16xi32>
        %and3A_277 = arith.andi %ge3A_274, %lt3A_276 : vector<16xi1>
        %jit3A_278 = arith.constant 1 : i32
        %jit3A_279 = arith.constant 0 : i32
        %broadcast_in_dim3A_280 = vector.broadcast %jit3A_278 : i32 to vector<16xi32>
        %broadcast_in_dim3A_281 = vector.broadcast %jit3A_279 : i32 to vector<16xi32>
        %select_n3A_282 = arith.select %and3A_277, %broadcast_in_dim3A_280, %broadcast_in_dim3A_281 : vector<16xi1>, vector<16xi32>
        %cumsum3A_283 = arith.constant true
        %cumsum3A_284 = vector.broadcast %cumsum3A_283 : i1 to vector<16xi1>
        %cumsum3A_285 = tpu.scan <sum>, %select_n3A_282 masked %cumsum3A_284 : vector<16xi32>, vector<16xi1> -> vector<16xi32>
        %sub3A_286 = arith.constant 1 : i32
        %sub3A_287 = arith.subi %add3A_265, %sub3A_286 : i32
        %add3A_288 = vector.broadcast %sub3A_287 : i32 to vector<16xi32>
        %add3A_289 = arith.addi %add3A_288, %cumsum3A_285 : vector<16xi32>
        %shift_right_arithmetic3A_290 = arith.constant 14 : i32
        %shift_right_arithmetic3A_291 = vector.broadcast %shift_right_arithmetic3A_290 : i32 to vector<16xi32>
        %shift_right_arithmetic3A_292 = arith.shrsi %get3A_269, %shift_right_arithmetic3A_291 : vector<16xi32>
        %shift_left3A_293 = arith.constant 13 : i32
        %shift_left3A_294 = vector.broadcast %shift_left3A_293 : i32 to vector<16xi32>
        %shift_left3A_295 = arith.shli %shift_right_arithmetic3A_292, %shift_left3A_294 : vector<16xi32>
        %sub3A_296 = vector.broadcast %mul3A_2 : i32 to vector<16xi32>
        %sub3A_297 = arith.subi %and3A_272, %sub3A_296 : vector<16xi32>
        %or3A_298 = arith.ori %shift_left3A_295, %sub3A_297 : vector<16xi32>
        tpu.vector_store_idx %arg7[%add3A_289], %or3A_298 masked %and3A_277 : memref<4368xi32, #tpu.memory_space<vmem>>[vector<16xi32>], vector<16xi32>, vector<16xi1>
        %slice3A_299 = vector.extract_strided_slice %cumsum3A_285 {offsets = [15], sizes = [1], strides = [1]} : vector<16xi32> to vector<1xi32>
        %squeeze3A_300 = vector.extract %slice3A_299[0] : i32 from vector<1xi32>
        %add3A_301 = arith.addi %add3A_265, %squeeze3A_300 : i32
        %add3A_302 = arith.constant 112 : i32
        %add3A_303 = arith.addi %add3A_61, %add3A_302 : i32
        %get3A_304 = arith.index_cast %add3A_303 : i32 to index
        %get3A_305 = tpu.vector_load %arg6[%get3A_304] {strides = array<i32>} : memref<8192xi32, #tpu.memory_space<vmem>>, vector<16xi32>,
        %and3A_306 = arith.constant 16383 : i32
        %and3A_307 = vector.broadcast %and3A_306 : i32 to vector<16xi32>
        %and3A_308 = arith.andi %get3A_305, %and3A_307 : vector<16xi32>
        %ge3A_309 = vector.broadcast %mul3A_4 : i32 to vector<16xi32>
        %ge3A_310 = arith.cmpi sge, %and3A_308, %ge3A_309 : vector<16xi32>
        %lt3A_311 = vector.broadcast %add3A_6 : i32 to vector<16xi32>
        %lt3A_312 = arith.cmpi slt, %and3A_308, %lt3A_311 : vector<16xi32>
        %and3A_313 = arith.andi %ge3A_310, %lt3A_312 : vector<16xi1>
        %jit3A_314 = arith.constant 1 : i32
        %jit3A_315 = arith.constant 0 : i32
        %broadcast_in_dim3A_316 = vector.broadcast %jit3A_314 : i32 to vector<16xi32>
        %broadcast_in_dim3A_317 = vector.broadcast %jit3A_315 : i32 to vector<16xi32>
        %select_n3A_318 = arith.select %and3A_313, %broadcast_in_dim3A_316, %broadcast_in_dim3A_317 : vector<16xi1>, vector<16xi32>
        %cumsum3A_319 = arith.constant true
        %cumsum3A_320 = vector.broadcast %cumsum3A_319 : i1 to vector<16xi1>
        %cumsum3A_321 = tpu.scan <sum>, %select_n3A_318 masked %cumsum3A_320 : vector<16xi32>, vector<16xi1> -> vector<16xi32>
        %sub3A_322 = arith.constant 1 : i32
        %sub3A_323 = arith.subi %add3A_301, %sub3A_322 : i32
        %add3A_324 = vector.broadcast %sub3A_323 : i32 to vector<16xi32>
        %add3A_325 = arith.addi %add3A_324, %cumsum3A_321 : vector<16xi32>
        %shift_right_arithmetic3A_326 = arith.constant 14 : i32
        %shift_right_arithmetic3A_327 = vector.broadcast %shift_right_arithmetic3A_326 : i32 to vector<16xi32>
        %shift_right_arithmetic3A_328 = arith.shrsi %get3A_305, %shift_right_arithmetic3A_327 : vector<16xi32>
        %shift_left3A_329 = arith.constant 13 : i32
        %shift_left3A_330 = vector.broadcast %shift_left3A_329 : i32 to vector<16xi32>
        %shift_left3A_331 = arith.shli %shift_right_arithmetic3A_328, %shift_left3A_330 : vector<16xi32>
        %sub3A_332 = vector.broadcast %mul3A_2 : i32 to vector<16xi32>
        %sub3A_333 = arith.subi %and3A_308, %sub3A_332 : vector<16xi32>
        %or3A_334 = arith.ori %shift_left3A_331, %sub3A_333 : vector<16xi32>
        tpu.vector_store_idx %arg7[%add3A_325], %or3A_334 masked %and3A_313 : memref<4368xi32, #tpu.memory_space<vmem>>[vector<16xi32>], vector<16xi32>, vector<16xi1>
        %slice3A_335 = vector.extract_strided_slice %cumsum3A_321 {offsets = [15], sizes = [1], strides = [1]} : vector<16xi32> to vector<1xi32>
        %squeeze3A_336 = vector.extract %slice3A_335[0] : i32 from vector<1xi32>
        %add3A_337 = arith.addi %add3A_301, %squeeze3A_336 : i32
        %add3A_338 = arith.constant 128 : i32
        %add3A_339 = arith.addi %add3A_61, %add3A_338 : i32
        %get3A_340 = arith.index_cast %add3A_339 : i32 to index
        %get3A_341 = tpu.vector_load %arg6[%get3A_340] {strides = array<i32>} : memref<8192xi32, #tpu.memory_space<vmem>>, vector<16xi32>,
        %and3A_342 = arith.constant 16383 : i32
        %and3A_343 = vector.broadcast %and3A_342 : i32 to vector<16xi32>
        %and3A_344 = arith.andi %get3A_341, %and3A_343 : vector<16xi32>
        %ge3A_345 = vector.broadcast %mul3A_4 : i32 to vector<16xi32>
        %ge3A_346 = arith.cmpi sge, %and3A_344, %ge3A_345 : vector<16xi32>
        %lt3A_347 = vector.broadcast %add3A_6 : i32 to vector<16xi32>
        %lt3A_348 = arith.cmpi slt, %and3A_344, %lt3A_347 : vector<16xi32>
        %and3A_349 = arith.andi %ge3A_346, %lt3A_348 : vector<16xi1>
        %jit3A_350 = arith.constant 1 : i32
        %jit3A_351 = arith.constant 0 : i32
        %broadcast_in_dim3A_352 = vector.broadcast %jit3A_350 : i32 to vector<16xi32>
        %broadcast_in_dim3A_353 = vector.broadcast %jit3A_351 : i32 to vector<16xi32>
        %select_n3A_354 = arith.select %and3A_349, %broadcast_in_dim3A_352, %broadcast_in_dim3A_353 : vector<16xi1>, vector<16xi32>
        %cumsum3A_355 = arith.constant true
        %cumsum3A_356 = vector.broadcast %cumsum3A_355 : i1 to vector<16xi1>
        %cumsum3A_357 = tpu.scan <sum>, %select_n3A_354 masked %cumsum3A_356 : vector<16xi32>, vector<16xi1> -> vector<16xi32>
        %sub3A_358 = arith.constant 1 : i32
        %sub3A_359 = arith.subi %add3A_337, %sub3A_358 : i32
        %add3A_360 = vector.broadcast %sub3A_359 : i32 to vector<16xi32>
        %add3A_361 = arith.addi %add3A_360, %cumsum3A_357 : vector<16xi32>
        %shift_right_arithmetic3A_362 = arith.constant 14 : i32
        %shift_right_arithmetic3A_363 = vector.broadcast %shift_right_arithmetic3A_362 : i32 to vector<16xi32>
        %shift_right_arithmetic3A_364 = arith.shrsi %get3A_341, %shift_right_arithmetic3A_363 : vector<16xi32>
        %shift_left3A_365 = arith.constant 13 : i32
        %shift_left3A_366 = vector.broadcast %shift_left3A_365 : i32 to vector<16xi32>
        %shift_left3A_367 = arith.shli %shift_right_arithmetic3A_364, %shift_left3A_366 : vector<16xi32>
        %sub3A_368 = vector.broadcast %mul3A_2 : i32 to vector<16xi32>
        %sub3A_369 = arith.subi %and3A_344, %sub3A_368 : vector<16xi32>
        %or3A_370 = arith.ori %shift_left3A_367, %sub3A_369 : vector<16xi32>
        tpu.vector_store_idx %arg7[%add3A_361], %or3A_370 masked %and3A_349 : memref<4368xi32, #tpu.memory_space<vmem>>[vector<16xi32>], vector<16xi32>, vector<16xi1>
        %slice3A_371 = vector.extract_strided_slice %cumsum3A_357 {offsets = [15], sizes = [1], strides = [1]} : vector<16xi32> to vector<1xi32>
        %squeeze3A_372 = vector.extract %slice3A_371[0] : i32 from vector<1xi32>
        %add3A_373 = arith.addi %add3A_337, %squeeze3A_372 : i32
        %add3A_374 = arith.constant 144 : i32
        %add3A_375 = arith.addi %add3A_61, %add3A_374 : i32
        %get3A_376 = arith.index_cast %add3A_375 : i32 to index
        %get3A_377 = tpu.vector_load %arg6[%get3A_376] {strides = array<i32>} : memref<8192xi32, #tpu.memory_space<vmem>>, vector<16xi32>,
        %and3A_378 = arith.constant 16383 : i32
        %and3A_379 = vector.broadcast %and3A_378 : i32 to vector<16xi32>
        %and3A_380 = arith.andi %get3A_377, %and3A_379 : vector<16xi32>
        %ge3A_381 = vector.broadcast %mul3A_4 : i32 to vector<16xi32>
        %ge3A_382 = arith.cmpi sge, %and3A_380, %ge3A_381 : vector<16xi32>
        %lt3A_383 = vector.broadcast %add3A_6 : i32 to vector<16xi32>
        %lt3A_384 = arith.cmpi slt, %and3A_380, %lt3A_383 : vector<16xi32>
        %and3A_385 = arith.andi %ge3A_382, %lt3A_384 : vector<16xi1>
        %jit3A_386 = arith.constant 1 : i32
        %jit3A_387 = arith.constant 0 : i32
        %broadcast_in_dim3A_388 = vector.broadcast %jit3A_386 : i32 to vector<16xi32>
        %broadcast_in_dim3A_389 = vector.broadcast %jit3A_387 : i32 to vector<16xi32>
        %select_n3A_390 = arith.select %and3A_385, %broadcast_in_dim3A_388, %broadcast_in_dim3A_389 : vector<16xi1>, vector<16xi32>
        %cumsum3A_391 = arith.constant true
        %cumsum3A_392 = vector.broadcast %cumsum3A_391 : i1 to vector<16xi1>
        %cumsum3A_393 = tpu.scan <sum>, %select_n3A_390 masked %cumsum3A_392 : vector<16xi32>, vector<16xi1> -> vector<16xi32>
        %sub3A_394 = arith.constant 1 : i32
        %sub3A_395 = arith.subi %add3A_373, %sub3A_394 : i32
        %add3A_396 = vector.broadcast %sub3A_395 : i32 to vector<16xi32>
        %add3A_397 = arith.addi %add3A_396, %cumsum3A_393 : vector<16xi32>
        %shift_right_arithmetic3A_398 = arith.constant 14 : i32
        %shift_right_arithmetic3A_399 = vector.broadcast %shift_right_arithmetic3A_398 : i32 to vector<16xi32>
        %shift_right_arithmetic3A_400 = arith.shrsi %get3A_377, %shift_right_arithmetic3A_399 : vector<16xi32>
        %shift_left3A_401 = arith.constant 13 : i32
        %shift_left3A_402 = vector.broadcast %shift_left3A_401 : i32 to vector<16xi32>
        %shift_left3A_403 = arith.shli %shift_right_arithmetic3A_400, %shift_left3A_402 : vector<16xi32>
        %sub3A_404 = vector.broadcast %mul3A_2 : i32 to vector<16xi32>
        %sub3A_405 = arith.subi %and3A_380, %sub3A_404 : vector<16xi32>
        %or3A_406 = arith.ori %shift_left3A_403, %sub3A_405 : vector<16xi32>
        tpu.vector_store_idx %arg7[%add3A_397], %or3A_406 masked %and3A_385 : memref<4368xi32, #tpu.memory_space<vmem>>[vector<16xi32>], vector<16xi32>, vector<16xi1>
        %slice3A_407 = vector.extract_strided_slice %cumsum3A_393 {offsets = [15], sizes = [1], strides = [1]} : vector<16xi32> to vector<1xi32>
        %squeeze3A_408 = vector.extract %slice3A_407[0] : i32 from vector<1xi32>
        %add3A_409 = arith.addi %add3A_373, %squeeze3A_408 : i32
        %add3A_410 = arith.constant 160 : i32
        %add3A_411 = arith.addi %add3A_61, %add3A_410 : i32
        %get3A_412 = arith.index_cast %add3A_411 : i32 to index
        %get3A_413 = tpu.vector_load %arg6[%get3A_412] {strides = array<i32>} : memref<8192xi32, #tpu.memory_space<vmem>>, vector<16xi32>,
        %and3A_414 = arith.constant 16383 : i32
        %and3A_415 = vector.broadcast %and3A_414 : i32 to vector<16xi32>
        %and3A_416 = arith.andi %get3A_413, %and3A_415 : vector<16xi32>
        %ge3A_417 = vector.broadcast %mul3A_4 : i32 to vector<16xi32>
        %ge3A_418 = arith.cmpi sge, %and3A_416, %ge3A_417 : vector<16xi32>
        %lt3A_419 = vector.broadcast %add3A_6 : i32 to vector<16xi32>
        %lt3A_420 = arith.cmpi slt, %and3A_416, %lt3A_419 : vector<16xi32>
        %and3A_421 = arith.andi %ge3A_418, %lt3A_420 : vector<16xi1>
        %jit3A_422 = arith.constant 1 : i32
        %jit3A_423 = arith.constant 0 : i32
        %broadcast_in_dim3A_424 = vector.broadcast %jit3A_422 : i32 to vector<16xi32>
        %broadcast_in_dim3A_425 = vector.broadcast %jit3A_423 : i32 to vector<16xi32>
        %select_n3A_426 = arith.select %and3A_421, %broadcast_in_dim3A_424, %broadcast_in_dim3A_425 : vector<16xi1>, vector<16xi32>
        %cumsum3A_427 = arith.constant true
        %cumsum3A_428 = vector.broadcast %cumsum3A_427 : i1 to vector<16xi1>
        %cumsum3A_429 = tpu.scan <sum>, %select_n3A_426 masked %cumsum3A_428 : vector<16xi32>, vector<16xi1> -> vector<16xi32>
        %sub3A_430 = arith.constant 1 : i32
        %sub3A_431 = arith.subi %add3A_409, %sub3A_430 : i32
        %add3A_432 = vector.broadcast %sub3A_431 : i32 to vector<16xi32>
        %add3A_433 = arith.addi %add3A_432, %cumsum3A_429 : vector<16xi32>
        %shift_right_arithmetic3A_434 = arith.constant 14 : i32
        %shift_right_arithmetic3A_435 = vector.broadcast %shift_right_arithmetic3A_434 : i32 to vector<16xi32>
        %shift_right_arithmetic3A_436 = arith.shrsi %get3A_413, %shift_right_arithmetic3A_435 : vector<16xi32>
        %shift_left3A_437 = arith.constant 13 : i32
        %shift_left3A_438 = vector.broadcast %shift_left3A_437 : i32 to vector<16xi32>
        %shift_left3A_439 = arith.shli %shift_right_arithmetic3A_436, %shift_left3A_438 : vector<16xi32>
        %sub3A_440 = vector.broadcast %mul3A_2 : i32 to vector<16xi32>
        %sub3A_441 = arith.subi %and3A_416, %sub3A_440 : vector<16xi32>
        %or3A_442 = arith.ori %shift_left3A_439, %sub3A_441 : vector<16xi32>
        tpu.vector_store_idx %arg7[%add3A_433], %or3A_442 masked %and3A_421 : memref<4368xi32, #tpu.memory_space<vmem>>[vector<16xi32>], vector<16xi32>, vector<16xi1>
        %slice3A_443 = vector.extract_strided_slice %cumsum3A_429 {offsets = [15], sizes = [1], strides = [1]} : vector<16xi32> to vector<1xi32>
        %squeeze3A_444 = vector.extract %slice3A_443[0] : i32 from vector<1xi32>
        %add3A_445 = arith.addi %add3A_409, %squeeze3A_444 : i32
        %add3A_446 = arith.constant 176 : i32
        %add3A_447 = arith.addi %add3A_61, %add3A_446 : i32
        %get3A_448 = arith.index_cast %add3A_447 : i32 to index
        %get3A_449 = tpu.vector_load %arg6[%get3A_448] {strides = array<i32>} : memref<8192xi32, #tpu.memory_space<vmem>>, vector<16xi32>,
        %and3A_450 = arith.constant 16383 : i32
        %and3A_451 = vector.broadcast %and3A_450 : i32 to vector<16xi32>
        %and3A_452 = arith.andi %get3A_449, %and3A_451 : vector<16xi32>
        %ge3A_453 = vector.broadcast %mul3A_4 : i32 to vector<16xi32>
        %ge3A_454 = arith.cmpi sge, %and3A_452, %ge3A_453 : vector<16xi32>
        %lt3A_455 = vector.broadcast %add3A_6 : i32 to vector<16xi32>
        %lt3A_456 = arith.cmpi slt, %and3A_452, %lt3A_455 : vector<16xi32>
        %and3A_457 = arith.andi %ge3A_454, %lt3A_456 : vector<16xi1>
        %jit3A_458 = arith.constant 1 : i32
        %jit3A_459 = arith.constant 0 : i32
        %broadcast_in_dim3A_460 = vector.broadcast %jit3A_458 : i32 to vector<16xi32>
        %broadcast_in_dim3A_461 = vector.broadcast %jit3A_459 : i32 to vector<16xi32>
        %select_n3A_462 = arith.select %and3A_457, %broadcast_in_dim3A_460, %broadcast_in_dim3A_461 : vector<16xi1>, vector<16xi32>
        %cumsum3A_463 = arith.constant true
        %cumsum3A_464 = vector.broadcast %cumsum3A_463 : i1 to vector<16xi1>
        %cumsum3A_465 = tpu.scan <sum>, %select_n3A_462 masked %cumsum3A_464 : vector<16xi32>, vector<16xi1> -> vector<16xi32>
        %sub3A_466 = arith.constant 1 : i32
        %sub3A_467 = arith.subi %add3A_445, %sub3A_466 : i32
        %add3A_468 = vector.broadcast %sub3A_467 : i32 to vector<16xi32>
        %add3A_469 = arith.addi %add3A_468, %cumsum3A_465 : vector<16xi32>
        %shift_right_arithmetic3A_470 = arith.constant 14 : i32
        %shift_right_arithmetic3A_471 = vector.broadcast %shift_right_arithmetic3A_470 : i32 to vector<16xi32>
        %shift_right_arithmetic3A_472 = arith.shrsi %get3A_449, %shift_right_arithmetic3A_471 : vector<16xi32>
        %shift_left3A_473 = arith.constant 13 : i32
        %shift_left3A_474 = vector.broadcast %shift_left3A_473 : i32 to vector<16xi32>
        %shift_left3A_475 = arith.shli %shift_right_arithmetic3A_472, %shift_left3A_474 : vector<16xi32>
        %sub3A_476 = vector.broadcast %mul3A_2 : i32 to vector<16xi32>
        %sub3A_477 = arith.subi %and3A_452, %sub3A_476 : vector<16xi32>
        %or3A_478 = arith.ori %shift_left3A_475, %sub3A_477 : vector<16xi32>
        tpu.vector_store_idx %arg7[%add3A_469], %or3A_478 masked %and3A_457 : memref<4368xi32, #tpu.memory_space<vmem>>[vector<16xi32>], vector<16xi32>, vector<16xi1>
        %slice3A_479 = vector.extract_strided_slice %cumsum3A_465 {offsets = [15], sizes = [1], strides = [1]} : vector<16xi32> to vector<1xi32>
        %squeeze3A_480 = vector.extract %slice3A_479[0] : i32 from vector<1xi32>
        %add3A_481 = arith.addi %add3A_445, %squeeze3A_480 : i32
        %add3A_482 = arith.constant 192 : i32
        %add3A_483 = arith.addi %add3A_61, %add3A_482 : i32
        %get3A_484 = arith.index_cast %add3A_483 : i32 to index
        %get3A_485 = tpu.vector_load %arg6[%get3A_484] {strides = array<i32>} : memref<8192xi32, #tpu.memory_space<vmem>>, vector<16xi32>,
        %and3A_486 = arith.constant 16383 : i32
        %and3A_487 = vector.broadcast %and3A_486 : i32 to vector<16xi32>
        %and3A_488 = arith.andi %get3A_485, %and3A_487 : vector<16xi32>
        %ge3A_489 = vector.broadcast %mul3A_4 : i32 to vector<16xi32>
        %ge3A_490 = arith.cmpi sge, %and3A_488, %ge3A_489 : vector<16xi32>
        %lt3A_491 = vector.broadcast %add3A_6 : i32 to vector<16xi32>
        %lt3A_492 = arith.cmpi slt, %and3A_488, %lt3A_491 : vector<16xi32>
        %and3A_493 = arith.andi %ge3A_490, %lt3A_492 : vector<16xi1>
        %jit3A_494 = arith.constant 1 : i32
        %jit3A_495 = arith.constant 0 : i32
        %broadcast_in_dim3A_496 = vector.broadcast %jit3A_494 : i32 to vector<16xi32>
        %broadcast_in_dim3A_497 = vector.broadcast %jit3A_495 : i32 to vector<16xi32>
        %select_n3A_498 = arith.select %and3A_493, %broadcast_in_dim3A_496, %broadcast_in_dim3A_497 : vector<16xi1>, vector<16xi32>
        %cumsum3A_499 = arith.constant true
        %cumsum3A_500 = vector.broadcast %cumsum3A_499 : i1 to vector<16xi1>
        %cumsum3A_501 = tpu.scan <sum>, %select_n3A_498 masked %cumsum3A_500 : vector<16xi32>, vector<16xi1> -> vector<16xi32>
        %sub3A_502 = arith.constant 1 : i32
        %sub3A_503 = arith.subi %add3A_481, %sub3A_502 : i32
        %add3A_504 = vector.broadcast %sub3A_503 : i32 to vector<16xi32>
        %add3A_505 = arith.addi %add3A_504, %cumsum3A_501 : vector<16xi32>
        %shift_right_arithmetic3A_506 = arith.constant 14 : i32
        %shift_right_arithmetic3A_507 = vector.broadcast %shift_right_arithmetic3A_506 : i32 to vector<16xi32>
        %shift_right_arithmetic3A_508 = arith.shrsi %get3A_485, %shift_right_arithmetic3A_507 : vector<16xi32>
        %shift_left3A_509 = arith.constant 13 : i32
        %shift_left3A_510 = vector.broadcast %shift_left3A_509 : i32 to vector<16xi32>
        %shift_left3A_511 = arith.shli %shift_right_arithmetic3A_508, %shift_left3A_510 : vector<16xi32>
        %sub3A_512 = vector.broadcast %mul3A_2 : i32 to vector<16xi32>
        %sub3A_513 = arith.subi %and3A_488, %sub3A_512 : vector<16xi32>
        %or3A_514 = arith.ori %shift_left3A_511, %sub3A_513 : vector<16xi32>
        tpu.vector_store_idx %arg7[%add3A_505], %or3A_514 masked %and3A_493 : memref<4368xi32, #tpu.memory_space<vmem>>[vector<16xi32>], vector<16xi32>, vector<16xi1>
        %slice3A_515 = vector.extract_strided_slice %cumsum3A_501 {offsets = [15], sizes = [1], strides = [1]} : vector<16xi32> to vector<1xi32>
        %squeeze3A_516 = vector.extract %slice3A_515[0] : i32 from vector<1xi32>
        %add3A_517 = arith.addi %add3A_481, %squeeze3A_516 : i32
        %add3A_518 = arith.constant 208 : i32
        %add3A_519 = arith.addi %add3A_61, %add3A_518 : i32
        %get3A_520 = arith.index_cast %add3A_519 : i32 to index
        %get3A_521 = tpu.vector_load %arg6[%get3A_520] {strides = array<i32>} : memref<8192xi32, #tpu.memory_space<vmem>>, vector<16xi32>,
        %and3A_522 = arith.constant 16383 : i32
        %and3A_523 = vector.broadcast %and3A_522 : i32 to vector<16xi32>
        %and3A_524 = arith.andi %get3A_521, %and3A_523 : vector<16xi32>
        %ge3A_525 = vector.broadcast %mul3A_4 : i32 to vector<16xi32>
        %ge3A_526 = arith.cmpi sge, %and3A_524, %ge3A_525 : vector<16xi32>
        %lt3A_527 = vector.broadcast %add3A_6 : i32 to vector<16xi32>
        %lt3A_528 = arith.cmpi slt, %and3A_524, %lt3A_527 : vector<16xi32>
        %and3A_529 = arith.andi %ge3A_526, %lt3A_528 : vector<16xi1>
        %jit3A_530 = arith.constant 1 : i32
        %jit3A_531 = arith.constant 0 : i32
        %broadcast_in_dim3A_532 = vector.broadcast %jit3A_530 : i32 to vector<16xi32>
        %broadcast_in_dim3A_533 = vector.broadcast %jit3A_531 : i32 to vector<16xi32>
        %select_n3A_534 = arith.select %and3A_529, %broadcast_in_dim3A_532, %broadcast_in_dim3A_533 : vector<16xi1>, vector<16xi32>
        %cumsum3A_535 = arith.constant true
        %cumsum3A_536 = vector.broadcast %cumsum3A_535 : i1 to vector<16xi1>
        %cumsum3A_537 = tpu.scan <sum>, %select_n3A_534 masked %cumsum3A_536 : vector<16xi32>, vector<16xi1> -> vector<16xi32>
        %sub3A_538 = arith.constant 1 : i32
        %sub3A_539 = arith.subi %add3A_517, %sub3A_538 : i32
        %add3A_540 = vector.broadcast %sub3A_539 : i32 to vector<16xi32>
        %add3A_541 = arith.addi %add3A_540, %cumsum3A_537 : vector<16xi32>
        %shift_right_arithmetic3A_542 = arith.constant 14 : i32
        %shift_right_arithmetic3A_543 = vector.broadcast %shift_right_arithmetic3A_542 : i32 to vector<16xi32>
        %shift_right_arithmetic3A_544 = arith.shrsi %get3A_521, %shift_right_arithmetic3A_543 : vector<16xi32>
        %shift_left3A_545 = arith.constant 13 : i32
        %shift_left3A_546 = vector.broadcast %shift_left3A_545 : i32 to vector<16xi32>
        %shift_left3A_547 = arith.shli %shift_right_arithmetic3A_544, %shift_left3A_546 : vector<16xi32>
        %sub3A_548 = vector.broadcast %mul3A_2 : i32 to vector<16xi32>
        %sub3A_549 = arith.subi %and3A_524, %sub3A_548 : vector<16xi32>
        %or3A_550 = arith.ori %shift_left3A_547, %sub3A_549 : vector<16xi32>
        tpu.vector_store_idx %arg7[%add3A_541], %or3A_550 masked %and3A_529 : memref<4368xi32, #tpu.memory_space<vmem>>[vector<16xi32>], vector<16xi32>, vector<16xi1>
        %slice3A_551 = vector.extract_strided_slice %cumsum3A_537 {offsets = [15], sizes = [1], strides = [1]} : vector<16xi32> to vector<1xi32>
        %squeeze3A_552 = vector.extract %slice3A_551[0] : i32 from vector<1xi32>
        %add3A_553 = arith.addi %add3A_517, %squeeze3A_552 : i32
        %add3A_554 = arith.constant 224 : i32
        %add3A_555 = arith.addi %add3A_61, %add3A_554 : i32
        %get3A_556 = arith.index_cast %add3A_555 : i32 to index
        %get3A_557 = tpu.vector_load %arg6[%get3A_556] {strides = array<i32>} : memref<8192xi32, #tpu.memory_space<vmem>>, vector<16xi32>,
        %and3A_558 = arith.constant 16383 : i32
        %and3A_559 = vector.broadcast %and3A_558 : i32 to vector<16xi32>
        %and3A_560 = arith.andi %get3A_557, %and3A_559 : vector<16xi32>
        %ge3A_561 = vector.broadcast %mul3A_4 : i32 to vector<16xi32>
        %ge3A_562 = arith.cmpi sge, %and3A_560, %ge3A_561 : vector<16xi32>
        %lt3A_563 = vector.broadcast %add3A_6 : i32 to vector<16xi32>
        %lt3A_564 = arith.cmpi slt, %and3A_560, %lt3A_563 : vector<16xi32>
        %and3A_565 = arith.andi %ge3A_562, %lt3A_564 : vector<16xi1>
        %jit3A_566 = arith.constant 1 : i32
        %jit3A_567 = arith.constant 0 : i32
        %broadcast_in_dim3A_568 = vector.broadcast %jit3A_566 : i32 to vector<16xi32>
        %broadcast_in_dim3A_569 = vector.broadcast %jit3A_567 : i32 to vector<16xi32>
        %select_n3A_570 = arith.select %and3A_565, %broadcast_in_dim3A_568, %broadcast_in_dim3A_569 : vector<16xi1>, vector<16xi32>
        %cumsum3A_571 = arith.constant true
        %cumsum3A_572 = vector.broadcast %cumsum3A_571 : i1 to vector<16xi1>
        %cumsum3A_573 = tpu.scan <sum>, %select_n3A_570 masked %cumsum3A_572 : vector<16xi32>, vector<16xi1> -> vector<16xi32>
        %sub3A_574 = arith.constant 1 : i32
        %sub3A_575 = arith.subi %add3A_553, %sub3A_574 : i32
        %add3A_576 = vector.broadcast %sub3A_575 : i32 to vector<16xi32>
        %add3A_577 = arith.addi %add3A_576, %cumsum3A_573 : vector<16xi32>
        %shift_right_arithmetic3A_578 = arith.constant 14 : i32
        %shift_right_arithmetic3A_579 = vector.broadcast %shift_right_arithmetic3A_578 : i32 to vector<16xi32>
        %shift_right_arithmetic3A_580 = arith.shrsi %get3A_557, %shift_right_arithmetic3A_579 : vector<16xi32>
        %shift_left3A_581 = arith.constant 13 : i32
        %shift_left3A_582 = vector.broadcast %shift_left3A_581 : i32 to vector<16xi32>
        %shift_left3A_583 = arith.shli %shift_right_arithmetic3A_580, %shift_left3A_582 : vector<16xi32>
        %sub3A_584 = vector.broadcast %mul3A_2 : i32 to vector<16xi32>
        %sub3A_585 = arith.subi %and3A_560, %sub3A_584 : vector<16xi32>
        %or3A_586 = arith.ori %shift_left3A_583, %sub3A_585 : vector<16xi32>
        tpu.vector_store_idx %arg7[%add3A_577], %or3A_586 masked %and3A_565 : memref<4368xi32, #tpu.memory_space<vmem>>[vector<16xi32>], vector<16xi32>, vector<16xi1>
        %slice3A_587 = vector.extract_strided_slice %cumsum3A_573 {offsets = [15], sizes = [1], strides = [1]} : vector<16xi32> to vector<1xi32>
        %squeeze3A_588 = vector.extract %slice3A_587[0] : i32 from vector<1xi32>
        %add3A_589 = arith.addi %add3A_553, %squeeze3A_588 : i32
        %add3A_590 = arith.constant 240 : i32
        %add3A_591 = arith.addi %add3A_61, %add3A_590 : i32
        %get3A_592 = arith.index_cast %add3A_591 : i32 to index
        %get3A_593 = tpu.vector_load %arg6[%get3A_592] {strides = array<i32>} : memref<8192xi32, #tpu.memory_space<vmem>>, vector<16xi32>,
        %and3A_594 = arith.constant 16383 : i32
        %and3A_595 = vector.broadcast %and3A_594 : i32 to vector<16xi32>
        %and3A_596 = arith.andi %get3A_593, %and3A_595 : vector<16xi32>
        %ge3A_597 = vector.broadcast %mul3A_4 : i32 to vector<16xi32>
        %ge3A_598 = arith.cmpi sge, %and3A_596, %ge3A_597 : vector<16xi32>
        %lt3A_599 = vector.broadcast %add3A_6 : i32 to vector<16xi32>
        %lt3A_600 = arith.cmpi slt, %and3A_596, %lt3A_599 : vector<16xi32>
        %and3A_601 = arith.andi %ge3A_598, %lt3A_600 : vector<16xi1>
        %jit3A_602 = arith.constant 1 : i32
        %jit3A_603 = arith.constant 0 : i32
        %broadcast_in_dim3A_604 = vector.broadcast %jit3A_602 : i32 to vector<16xi32>
        %broadcast_in_dim3A_605 = vector.broadcast %jit3A_603 : i32 to vector<16xi32>
        %select_n3A_606 = arith.select %and3A_601, %broadcast_in_dim3A_604, %broadcast_in_dim3A_605 : vector<16xi1>, vector<16xi32>
        %cumsum3A_607 = arith.constant true
        %cumsum3A_608 = vector.broadcast %cumsum3A_607 : i1 to vector<16xi1>
        %cumsum3A_609 = tpu.scan <sum>, %select_n3A_606 masked %cumsum3A_608 : vector<16xi32>, vector<16xi1> -> vector<16xi32>
        %sub3A_610 = arith.constant 1 : i32
        %sub3A_611 = arith.subi %add3A_589, %sub3A_610 : i32
        %add3A_612 = vector.broadcast %sub3A_611 : i32 to vector<16xi32>
        %add3A_613 = arith.addi %add3A_612, %cumsum3A_609 : vector<16xi32>
        %shift_right_arithmetic3A_614 = arith.constant 14 : i32
        %shift_right_arithmetic3A_615 = vector.broadcast %shift_right_arithmetic3A_614 : i32 to vector<16xi32>
        %shift_right_arithmetic3A_616 = arith.shrsi %get3A_593, %shift_right_arithmetic3A_615 : vector<16xi32>
        %shift_left3A_617 = arith.constant 13 : i32
        %shift_left3A_618 = vector.broadcast %shift_left3A_617 : i32 to vector<16xi32>
        %shift_left3A_619 = arith.shli %shift_right_arithmetic3A_616, %shift_left3A_618 : vector<16xi32>
        %sub3A_620 = vector.broadcast %mul3A_2 : i32 to vector<16xi32>
        %sub3A_621 = arith.subi %and3A_596, %sub3A_620 : vector<16xi32>
        %or3A_622 = arith.ori %shift_left3A_619, %sub3A_621 : vector<16xi32>
        tpu.vector_store_idx %arg7[%add3A_613], %or3A_622 masked %and3A_601 : memref<4368xi32, #tpu.memory_space<vmem>>[vector<16xi32>], vector<16xi32>, vector<16xi1>
        %slice3A_623 = vector.extract_strided_slice %cumsum3A_609 {offsets = [15], sizes = [1], strides = [1]} : vector<16xi32> to vector<1xi32>
        %squeeze3A_624 = vector.extract %slice3A_623[0] : i32 from vector<1xi32>
        %add3A_625 = arith.addi %add3A_589, %squeeze3A_624 : i32
        %ge3A_626 = arith.constant 4096 : i32
        %ge3A_627 = arith.cmpi sge, %add3A_625, %ge3A_626 : i32
        %convert_element_type3A_628 = arith.extui %ge3A_627 : i1 to i32
        %cond3A_629 = arith.constant 0 : i32
        %cond3A_630 = arith.cmpi ne, %convert_element_type3A_628, %cond3A_629 : i32
        scf.if %cond3A_630 {
          %add3A_637 = arith.addi %mul3A_8, %scan3A_56 : i32
          %multiple_of3A_638 = tpu.assume_multiple %add3A_637, 4096 : i32
          "tpu.region"() ({
            %run_scoped3A = tpu.sem_alloc : memref<!tpu.dma_semaphore, #tpu.memory_space<semaphore_mem>>
            %dma_start3A_711 = arith.constant 0 : i32
            %dma_start3A_712 = tpu.memref_slice %arg7[%dma_start3A_711] : memref<4368xi32, #tpu.memory_space<vmem>> -> memref<4096xi32, #tpu.memory_space<vmem>>
            %dma_start3A_713 = tpu.memref_slice %arg4[%multiple_of3A_638] : memref<10485760xi32, #tpu.memory_space<hbm>> -> memref<4096xi32, #tpu.memory_space<hbm>>
            %dma_start3A_714 = tpu.memref_slice %arg4[%multiple_of3A_638] : memref<10485760xi32, #tpu.memory_space<hbm>> -> memref<4096xi32, #tpu.memory_space<hbm>>
            %dma_start3A_715 = arith.constant 0 : i32
            %dma_start3A_716 = tpu.memref_slice %arg7[%dma_start3A_715] : memref<4368xi32, #tpu.memory_space<vmem>> -> memref<4096xi32, #tpu.memory_space<vmem>>
            tpu.enqueue_dma source(%dma_start3A_716 : memref<4096xi32, #tpu.memory_space<vmem>>) target(%dma_start3A_714 : memref<4096xi32, #tpu.memory_space<hbm>>) target_semaphore(%run_scoped3A : memref<!tpu.dma_semaphore, #tpu.memory_space<semaphore_mem>>)
            %dma_wait3A_717 = arith.constant 0 : i32
            %dma_wait3A_718 = tpu.memref_slice %arg7[%dma_wait3A_717] : memref<4368xi32, #tpu.memory_space<vmem>> -> memref<4096xi32, #tpu.memory_space<vmem>>
            %dma_wait3A_719 = tpu.memref_slice %arg4[%multiple_of3A_638] : memref<10485760xi32, #tpu.memory_space<hbm>> -> memref<4096xi32, #tpu.memory_space<hbm>>
            %dma_wait3A_720 = tpu.memref_slice %arg4[%multiple_of3A_638] : memref<10485760xi32, #tpu.memory_space<hbm>> -> memref<4096xi32, #tpu.memory_space<hbm>>
            %dma_wait3A_721 = arith.constant 0 : i32
            %dma_wait3A_722 = tpu.memref_slice %arg7[%dma_wait3A_721] : memref<4368xi32, #tpu.memory_space<vmem>> -> memref<4096xi32, #tpu.memory_space<vmem>>
            tpu.wait_dma2 semaphore(%run_scoped3A : memref<!tpu.dma_semaphore, #tpu.memory_space<semaphore_mem>>) src(%dma_wait3A_722 : memref<4096xi32, #tpu.memory_space<vmem>>) dst(%dma_wait3A_720 : memref<4096xi32, #tpu.memory_space<hbm>>)
            tpu.yield
          }) : () -> ()
          %get3A_639 = arith.constant 4096 : index
          %get3A_640 = tpu.vector_load %arg7[%get3A_639] {strides = array<i32>} : memref<4368xi32, #tpu.memory_space<vmem>>, vector<16xi32>,
          %swap3A_641 = arith.constant 0 : index
          %swap3A_642 = tpu.vector_load %arg7[%swap3A_641] {strides = array<i32>} : memref<4368xi32, #tpu.memory_space<vmem>>, vector<16xi32>,
          tpu.vector_store %arg7[%swap3A_641], %get3A_640 {strides = array<i32>} : memref<4368xi32, #tpu.memory_space<vmem>>, vector<16xi32>,
          %get3A_643 = arith.constant 4112 : index
          %get3A_644 = tpu.vector_load %arg7[%get3A_643] {strides = array<i32>} : memref<4368xi32, #tpu.memory_space<vmem>>, vector<16xi32>,
          %swap3A_645 = arith.constant 16 : index
          %swap3A_646 = tpu.vector_load %arg7[%swap3A_645] {strides = array<i32>} : memref<4368xi32, #tpu.memory_space<vmem>>, vector<16xi32>,
          tpu.vector_store %arg7[%swap3A_645], %get3A_644 {strides = array<i32>} : memref<4368xi32, #tpu.memory_space<vmem>>, vector<16xi32>,
          %get3A_647 = arith.constant 4128 : index
          %get3A_648 = tpu.vector_load %arg7[%get3A_647] {strides = array<i32>} : memref<4368xi32, #tpu.memory_space<vmem>>, vector<16xi32>,
          %swap3A_649 = arith.constant 32 : index
          %swap3A_650 = tpu.vector_load %arg7[%swap3A_649] {strides = array<i32>} : memref<4368xi32, #tpu.memory_space<vmem>>, vector<16xi32>,
          tpu.vector_store %arg7[%swap3A_649], %get3A_648 {strides = array<i32>} : memref<4368xi32, #tpu.memory_space<vmem>>, vector<16xi32>,
          %get3A_651 = arith.constant 4144 : index
          %get3A_652 = tpu.vector_load %arg7[%get3A_651] {strides = array<i32>} : memref<4368xi32, #tpu.memory_space<vmem>>, vector<16xi32>,
          %swap3A_653 = arith.constant 48 : index
          %swap3A_654 = tpu.vector_load %arg7[%swap3A_653] {strides = array<i32>} : memref<4368xi32, #tpu.memory_space<vmem>>, vector<16xi32>,
          tpu.vector_store %arg7[%swap3A_653], %get3A_652 {strides = array<i32>} : memref<4368xi32, #tpu.memory_space<vmem>>, vector<16xi32>,
          %get3A_655 = arith.constant 4160 : index
          %get3A_656 = tpu.vector_load %arg7[%get3A_655] {strides = array<i32>} : memref<4368xi32, #tpu.memory_space<vmem>>, vector<16xi32>,
          %swap3A_657 = arith.constant 64 : index
          %swap3A_658 = tpu.vector_load %arg7[%swap3A_657] {strides = array<i32>} : memref<4368xi32, #tpu.memory_space<vmem>>, vector<16xi32>,
          tpu.vector_store %arg7[%swap3A_657], %get3A_656 {strides = array<i32>} : memref<4368xi32, #tpu.memory_space<vmem>>, vector<16xi32>,
          %get3A_659 = arith.constant 4176 : index
          %get3A_660 = tpu.vector_load %arg7[%get3A_659] {strides = array<i32>} : memref<4368xi32, #tpu.memory_space<vmem>>, vector<16xi32>,
          %swap3A_661 = arith.constant 80 : index
          %swap3A_662 = tpu.vector_load %arg7[%swap3A_661] {strides = array<i32>} : memref<4368xi32, #tpu.memory_space<vmem>>, vector<16xi32>,
          tpu.vector_store %arg7[%swap3A_661], %get3A_660 {strides = array<i32>} : memref<4368xi32, #tpu.memory_space<vmem>>, vector<16xi32>,
          %get3A_663 = arith.constant 4192 : index
          %get3A_664 = tpu.vector_load %arg7[%get3A_663] {strides = array<i32>} : memref<4368xi32, #tpu.memory_space<vmem>>, vector<16xi32>,
          %swap3A_665 = arith.constant 96 : index
          %swap3A_666 = tpu.vector_load %arg7[%swap3A_665] {strides = array<i32>} : memref<4368xi32, #tpu.memory_space<vmem>>, vector<16xi32>,
          tpu.vector_store %arg7[%swap3A_665], %get3A_664 {strides = array<i32>} : memref<4368xi32, #tpu.memory_space<vmem>>, vector<16xi32>,
          %get3A_667 = arith.constant 4208 : index
          %get3A_668 = tpu.vector_load %arg7[%get3A_667] {strides = array<i32>} : memref<4368xi32, #tpu.memory_space<vmem>>, vector<16xi32>,
          %swap3A_669 = arith.constant 112 : index
          %swap3A_670 = tpu.vector_load %arg7[%swap3A_669] {strides = array<i32>} : memref<4368xi32, #tpu.memory_space<vmem>>, vector<16xi32>,
          tpu.vector_store %arg7[%swap3A_669], %get3A_668 {strides = array<i32>} : memref<4368xi32, #tpu.memory_space<vmem>>, vector<16xi32>,
          %get3A_671 = arith.constant 4224 : index
          %get3A_672 = tpu.vector_load %arg7[%get3A_671] {strides = array<i32>} : memref<4368xi32, #tpu.memory_space<vmem>>, vector<16xi32>,
          %swap3A_673 = arith.constant 128 : index
          %swap3A_674 = tpu.vector_load %arg7[%swap3A_673] {strides = array<i32>} : memref<4368xi32, #tpu.memory_space<vmem>>, vector<16xi32>,
          tpu.vector_store %arg7[%swap3A_673], %get3A_672 {strides = array<i32>} : memref<4368xi32, #tpu.memory_space<vmem>>, vector<16xi32>,
          %get3A_675 = arith.constant 4240 : index
          %get3A_676 = tpu.vector_load %arg7[%get3A_675] {strides = array<i32>} : memref<4368xi32, #tpu.memory_space<vmem>>, vector<16xi32>,
          %swap3A_677 = arith.constant 144 : index
          %swap3A_678 = tpu.vector_load %arg7[%swap3A_677] {strides = array<i32>} : memref<4368xi32, #tpu.memory_space<vmem>>, vector<16xi32>,
          tpu.vector_store %arg7[%swap3A_677], %get3A_676 {strides = array<i32>} : memref<4368xi32, #tpu.memory_space<vmem>>, vector<16xi32>,
          %get3A_679 = arith.constant 4256 : index
          %get3A_680 = tpu.vector_load %arg7[%get3A_679] {strides = array<i32>} : memref<4368xi32, #tpu.memory_space<vmem>>, vector<16xi32>,
          %swap3A_681 = arith.constant 160 : index
          %swap3A_682 = tpu.vector_load %arg7[%swap3A_681] {strides = array<i32>} : memref<4368xi32, #tpu.memory_space<vmem>>, vector<16xi32>,
          tpu.vector_store %arg7[%swap3A_681], %get3A_680 {strides = array<i32>} : memref<4368xi32, #tpu.memory_space<vmem>>, vector<16xi32>,
          %get3A_683 = arith.constant 4272 : index
          %get3A_684 = tpu.vector_load %arg7[%get3A_683] {strides = array<i32>} : memref<4368xi32, #tpu.memory_space<vmem>>, vector<16xi32>,
          %swap3A_685 = arith.constant 176 : index
          %swap3A_686 = tpu.vector_load %arg7[%swap3A_685] {strides = array<i32>} : memref<4368xi32, #tpu.memory_space<vmem>>, vector<16xi32>,
          tpu.vector_store %arg7[%swap3A_685], %get3A_684 {strides = array<i32>} : memref<4368xi32, #tpu.memory_space<vmem>>, vector<16xi32>,
          %get3A_687 = arith.constant 4288 : index
          %get3A_688 = tpu.vector_load %arg7[%get3A_687] {strides = array<i32>} : memref<4368xi32, #tpu.memory_space<vmem>>, vector<16xi32>,
          %swap3A_689 = arith.constant 192 : index
          %swap3A_690 = tpu.vector_load %arg7[%swap3A_689] {strides = array<i32>} : memref<4368xi32, #tpu.memory_space<vmem>>, vector<16xi32>,
          tpu.vector_store %arg7[%swap3A_689], %get3A_688 {strides = array<i32>} : memref<4368xi32, #tpu.memory_space<vmem>>, vector<16xi32>,
          %get3A_691 = arith.constant 4304 : index
          %get3A_692 = tpu.vector_load %arg7[%get3A_691] {strides = array<i32>} : memref<4368xi32, #tpu.memory_space<vmem>>, vector<16xi32>,
          %swap3A_693 = arith.constant 208 : index
          %swap3A_694 = tpu.vector_load %arg7[%swap3A_693] {strides = array<i32>} : memref<4368xi32, #tpu.memory_space<vmem>>, vector<16xi32>,
          tpu.vector_store %arg7[%swap3A_693], %get3A_692 {strides = array<i32>} : memref<4368xi32, #tpu.memory_space<vmem>>, vector<16xi32>,
          %get3A_695 = arith.constant 4320 : index
          %get3A_696 = tpu.vector_load %arg7[%get3A_695] {strides = array<i32>} : memref<4368xi32, #tpu.memory_space<vmem>>, vector<16xi32>,
          %swap3A_697 = arith.constant 224 : index
          %swap3A_698 = tpu.vector_load %arg7[%swap3A_697] {strides = array<i32>} : memref<4368xi32, #tpu.memory_space<vmem>>, vector<16xi32>,
          tpu.vector_store %arg7[%swap3A_697], %get3A_696 {strides = array<i32>} : memref<4368xi32, #tpu.memory_space<vmem>>, vector<16xi32>,
          %get3A_699 = arith.constant 4336 : index
          %get3A_700 = tpu.vector_load %arg7[%get3A_699] {strides = array<i32>} : memref<4368xi32, #tpu.memory_space<vmem>>, vector<16xi32>,
          %swap3A_701 = arith.constant 240 : index
          %swap3A_702 = tpu.vector_load %arg7[%swap3A_701] {strides = array<i32>} : memref<4368xi32, #tpu.memory_space<vmem>>, vector<16xi32>,
          tpu.vector_store %arg7[%swap3A_701], %get3A_700 {strides = array<i32>} : memref<4368xi32, #tpu.memory_space<vmem>>, vector<16xi32>,
          %get3A_703 = arith.constant 4352 : index
          %get3A_704 = tpu.vector_load %arg7[%get3A_703] {strides = array<i32>} : memref<4368xi32, #tpu.memory_space<vmem>>, vector<16xi32>,
          %swap3A_705 = arith.constant 256 : index
          %swap3A_706 = tpu.vector_load %arg7[%swap3A_705] {strides = array<i32>} : memref<4368xi32, #tpu.memory_space<vmem>>, vector<16xi32>,
          tpu.vector_store %arg7[%swap3A_705], %get3A_704 {strides = array<i32>} : memref<4368xi32, #tpu.memory_space<vmem>>, vector<16xi32>,
          %mul3A_707 = arith.constant 4368 : i32
          %mul3A_708 = arith.muli %add3A, %mul3A_707 : i32
          %add3A_709 = arith.constant 272 : i32
          %add3A_710 = arith.addi %mul3A_708, %add3A_709 : i32
          "tpu.region"() ({
            %run_scoped3A = tpu.sem_alloc : memref<!tpu.dma_semaphore, #tpu.memory_space<semaphore_mem>>
            %dma_start3A_711 = arith.constant 272 : i32
            %dma_start3A_712 = tpu.memref_slice %arg7[%dma_start3A_711] : memref<4368xi32, #tpu.memory_space<vmem>> -> memref<4096xi32, #tpu.memory_space<vmem>>
            %dma_start3A_713 = tpu.memref_slice %arg3[%add3A_710] : memref<139776xi32, #tpu.memory_space<hbm>> -> memref<4096xi32, #tpu.memory_space<hbm>>
            %dma_start3A_714 = arith.constant 272 : i32
            %dma_start3A_715 = tpu.memref_slice %arg7[%dma_start3A_714] : memref<4368xi32, #tpu.memory_space<vmem>> -> memref<4096xi32, #tpu.memory_space<vmem>>
            %dma_start3A_716 = tpu.memref_slice %arg3[%add3A_710] : memref<139776xi32, #tpu.memory_space<hbm>> -> memref<4096xi32, #tpu.memory_space<hbm>>
            tpu.enqueue_dma source(%dma_start3A_716 : memref<4096xi32, #tpu.memory_space<hbm>>) target(%dma_start3A_715 : memref<4096xi32, #tpu.memory_space<vmem>>) target_semaphore(%run_scoped3A : memref<!tpu.dma_semaphore, #tpu.memory_space<semaphore_mem>>)
            %dma_wait3A_717 = arith.constant 272 : i32
            %dma_wait3A_718 = tpu.memref_slice %arg7[%dma_wait3A_717] : memref<4368xi32, #tpu.memory_space<vmem>> -> memref<4096xi32, #tpu.memory_space<vmem>>
            %dma_wait3A_719 = tpu.memref_slice %arg3[%add3A_710] : memref<139776xi32, #tpu.memory_space<hbm>> -> memref<4096xi32, #tpu.memory_space<hbm>>
            %dma_wait3A_720 = arith.constant 272 : i32
            %dma_wait3A_721 = tpu.memref_slice %arg7[%dma_wait3A_720] : memref<4368xi32, #tpu.memory_space<vmem>> -> memref<4096xi32, #tpu.memory_space<vmem>>
            %dma_wait3A_722 = tpu.memref_slice %arg3[%add3A_710] : memref<139776xi32, #tpu.memory_space<hbm>> -> memref<4096xi32, #tpu.memory_space<hbm>>
            tpu.wait_dma2 semaphore(%run_scoped3A : memref<!tpu.dma_semaphore, #tpu.memory_space<semaphore_mem>>) src(%dma_wait3A_722 : memref<4096xi32, #tpu.memory_space<hbm>>) dst(%dma_wait3A_721 : memref<4096xi32, #tpu.memory_space<vmem>>)
            tpu.yield
          }) : () -> ()
        } else {
        }
        %sub3A_631 = arith.constant 4096 : i32
        %sub3A_632 = arith.subi %add3A_625, %sub3A_631 : i32
        %select_n3A_633 = arith.select %ge3A_627, %sub3A_632, %add3A_625 : i32
        %add3A_634 = arith.constant 4096 : i32
        %add3A_635 = arith.addi %scan3A_56, %add3A_634 : i32
        %select_n3A_636 = arith.select %ge3A_627, %add3A_635, %scan3A_56 : i32
        scf.yield %select_n3A_633, %select_n3A_636 : i32, i32
      }
      %scan3A_53 = arith.constant 16 : i32
      scf.yield %scan3A_52#0, %scan3A_52#1 : i32, i32
    }
    %scan3A_24 = arith.constant 79 : i32
    %add3A_25 = arith.addi %mul3A_8, %scan3A_23#1 : i32
    %multiple_of3A = tpu.assume_multiple %add3A_25, 4096 : i32
    "tpu.region"() ({
      %run_scoped3A = tpu.sem_alloc : memref<!tpu.dma_semaphore, #tpu.memory_space<semaphore_mem>>
      %dma_start3A_33 = arith.constant 0 : i32
      %dma_start3A_34 = tpu.memref_slice %arg7[%dma_start3A_33] : memref<4368xi32, #tpu.memory_space<vmem>> -> memref<4096xi32, #tpu.memory_space<vmem>>
      %dma_start3A_35 = tpu.memref_slice %arg4[%multiple_of3A] : memref<10485760xi32, #tpu.memory_space<hbm>> -> memref<4096xi32, #tpu.memory_space<hbm>>
      %dma_start3A_36 = tpu.memref_slice %arg4[%multiple_of3A] : memref<10485760xi32, #tpu.memory_space<hbm>> -> memref<4096xi32, #tpu.memory_space<hbm>>
      %dma_start3A_37 = arith.constant 0 : i32
      %dma_start3A_38 = tpu.memref_slice %arg7[%dma_start3A_37] : memref<4368xi32, #tpu.memory_space<vmem>> -> memref<4096xi32, #tpu.memory_space<vmem>>
      tpu.enqueue_dma source(%dma_start3A_38 : memref<4096xi32, #tpu.memory_space<vmem>>) target(%dma_start3A_36 : memref<4096xi32, #tpu.memory_space<hbm>>) target_semaphore(%run_scoped3A : memref<!tpu.dma_semaphore, #tpu.memory_space<semaphore_mem>>)
      %dma_wait3A = arith.constant 0 : i32
      %dma_wait3A_39 = tpu.memref_slice %arg7[%dma_wait3A] : memref<4368xi32, #tpu.memory_space<vmem>> -> memref<4096xi32, #tpu.memory_space<vmem>>
      %dma_wait3A_40 = tpu.memref_slice %arg4[%multiple_of3A] : memref<10485760xi32, #tpu.memory_space<hbm>> -> memref<4096xi32, #tpu.memory_space<hbm>>
      %dma_wait3A_41 = tpu.memref_slice %arg4[%multiple_of3A] : memref<10485760xi32, #tpu.memory_space<hbm>> -> memref<4096xi32, #tpu.memory_space<hbm>>
      %dma_wait3A_42 = arith.constant 0 : i32
      %dma_wait3A_43 = tpu.memref_slice %arg7[%dma_wait3A_42] : memref<4368xi32, #tpu.memory_space<vmem>> -> memref<4096xi32, #tpu.memory_space<vmem>>
      tpu.wait_dma2 semaphore(%run_scoped3A : memref<!tpu.dma_semaphore, #tpu.memory_space<semaphore_mem>>) src(%dma_wait3A_43 : memref<4096xi32, #tpu.memory_space<vmem>>) dst(%dma_wait3A_41 : memref<4096xi32, #tpu.memory_space<hbm>>)
      tpu.yield
    }) : () -> ()
    %add3A_26 = arith.addi %scan3A_23#1, %scan3A_23#0 : i32
    %broadcast_in_dim3A = arith.constant 1 : i32
    %broadcast_in_dim3A_27 = vector.broadcast %broadcast_in_dim3A : i32 to vector<16xi32>
    %mul3A_28 = vector.broadcast %add3A_26 : i32 to vector<16xi32>
    %mul3A_29 = arith.muli %mul3A_28, %broadcast_in_dim3A_27 : vector<16xi32>
    %swap3A = arith.constant 0 : index
    %swap3A_30 = tpu.vector_load %arg8[%swap3A] {strides = array<i32>} : memref<16xi32, #tpu.memory_space<vmem>>, vector<16xi32>,
    tpu.vector_store %arg8[%swap3A], %mul3A_29 {strides = array<i32>} : memref<16xi32, #tpu.memory_space<vmem>>, vector<16xi32>,
    %mul3A_31 = arith.constant 16 : i32
    %mul3A_32 = arith.muli %add3A, %mul3A_31 : i32
    "tpu.region"() ({
      %run_scoped3A = tpu.sem_alloc : memref<!tpu.dma_semaphore, #tpu.memory_space<semaphore_mem>>
      %dma_start3A_33 = tpu.memref_slice %arg5[%mul3A_32] : memref<512xi32, #tpu.memory_space<hbm>> -> memref<16xi32, #tpu.memory_space<hbm>>
      %dma_start3A_34 = tpu.memref_slice %arg5[%mul3A_32] : memref<512xi32, #tpu.memory_space<hbm>> -> memref<16xi32, #tpu.memory_space<hbm>>
      tpu.enqueue_dma source(%arg8 : memref<16xi32, #tpu.memory_space<vmem>>) target(%dma_start3A_34 : memref<16xi32, #tpu.memory_space<hbm>>) target_semaphore(%run_scoped3A : memref<!tpu.dma_semaphore, #tpu.memory_space<semaphore_mem>>)
      %dma_wait3A = tpu.memref_slice %arg5[%mul3A_32] : memref<512xi32, #tpu.memory_space<hbm>> -> memref<16xi32, #tpu.memory_space<hbm>>
      %dma_wait3A_35 = tpu.memref_slice %arg5[%mul3A_32] : memref<512xi32, #tpu.memory_space<hbm>> -> memref<16xi32, #tpu.memory_space<hbm>>
      tpu.wait_dma2 semaphore(%run_scoped3A : memref<!tpu.dma_semaphore, #tpu.memory_space<semaphore_mem>>) src(%arg8 : memref<16xi32, #tpu.memory_space<vmem>>) dst(%dma_wait3A_35 : memref<16xi32, #tpu.memory_space<hbm>>)
      tpu.yield
    }) : () -> ()
    return
  }
}

#map = affine_map<(d0, d1) -> (0, 0)>
#map1 = affine_map<(d0, d1) -> (0)>
#map2 = affine_map<(d0, d1) -> (0, 0, 0)>
module attributes {stable_mosaic.version = 14 : i64} {
  func.func @_segsum(%arg0: i32, %arg1: i32, %arg2: memref<10000x128xf32, #tpu.memory_space<hbm>>, %arg3: memref<10485760xi32, #tpu.memory_space<hbm>>, %arg4: memref<512xi32, #tpu.memory_space<hbm>>, %arg5: memref<328x128xf32, #tpu.memory_space<hbm>>, %arg6: memref<2x5120x128xf32, #tpu.memory_space<hbm>>, %arg7: memref<128xi32, #tpu.memory_space<vmem>>, %arg8: memref<128xi32, #tpu.memory_space<vmem>>, %arg9: memref<1x128xi32, #tpu.memory_space<vmem>>, %arg10: memref<1x128xi32, #tpu.memory_space<vmem>>, %arg11: memref<1x128xi32, #tpu.memory_space<vmem>>, %arg12: memref<1x128xi32, #tpu.memory_space<vmem>>, %arg13: memref<128x128xf32, #tpu.memory_space<vmem>>, %arg14: memref<128x128xf32, #tpu.memory_space<vmem>>, %arg15: memref<16xi32, #tpu.memory_space<vmem>>, %arg16: memref<5248x128xf32, #tpu.memory_space<vmem_shared>>, %arg17: memref<!tpu.dma_semaphore, #tpu.memory_space<semaphore_mem>>, %arg18: memref<!tpu.dma_semaphore, #tpu.memory_space<semaphore_mem>>) attributes {dimension_semantics = [#tpu.dimension_semantics<core_parallel>, #tpu.dimension_semantics<subcore_parallel>], iteration_bounds = array<i64: 2, 16>, scalar_prefetch = 0 : i64, scratch_operands = 12 : i64, tpu.core_type = #tpu.core_type<sc_vector_subcore>, window_params = [{transform_indices = #map}, {transform_indices = #map1}, {transform_indices = #map1}, {transform_indices = #map}, {transform_indices = #map2}]} {
    %mul3A = arith.constant 16 : i32
    %mul3A_0 = arith.muli %arg0, %mul3A : i32
    %add3A = arith.addi %mul3A_0, %arg1 : i32
    %mul3A_1 = arith.constant 328 : i32
    %mul3A_2 = arith.muli %arg1, %mul3A_1 : i32
    "tpu.region"() ({
      %run_scoped3A = tpu.sem_alloc : memref<!tpu.dma_semaphore, #tpu.memory_space<semaphore_mem>>
      %dma_start3A = arith.constant 0 : i32
      %dma_start3A_38 = tpu.memref_slice %arg16[%mul3A_2, %dma_start3A] : memref<5248x128xf32, #tpu.memory_space<vmem_shared>> -> memref<328x128xf32, #tpu.memory_space<vmem_shared>>
      tpu.enqueue_dma source(%arg5 : memref<328x128xf32, #tpu.memory_space<hbm>>) target(%dma_start3A_38 : memref<328x128xf32, #tpu.memory_space<vmem_shared>>) target_semaphore(%run_scoped3A : memref<!tpu.dma_semaphore, #tpu.memory_space<semaphore_mem>>)
      %dma_wait3A = arith.constant 0 : i32
      %dma_wait3A_39 = tpu.memref_slice %arg16[%mul3A_2, %dma_wait3A] : memref<5248x128xf32, #tpu.memory_space<vmem_shared>> -> memref<328x128xf32, #tpu.memory_space<vmem_shared>>
      tpu.wait_dma2 semaphore(%run_scoped3A : memref<!tpu.dma_semaphore, #tpu.memory_space<semaphore_mem>>) src(%arg5 : memref<328x128xf32, #tpu.memory_space<hbm>>) dst(%dma_wait3A_39 : memref<328x128xf32, #tpu.memory_space<vmem_shared>>)
      tpu.yield
    }) : () -> ()
    %barrier3A = arith.constant 0 : index
    tpu.barrier barrier_id(%barrier3A)
    %mul3A_3 = arith.constant 327680 : i32
    %mul3A_4 = arith.muli %add3A, %mul3A_3 : i32
    %mul3A_5 = arith.constant 16 : i32
    %mul3A_6 = arith.muli %add3A, %mul3A_5 : i32
    "tpu.region"() ({
      %run_scoped3A = tpu.sem_alloc : memref<!tpu.dma_semaphore, #tpu.memory_space<semaphore_mem>>
      %dma_start3A = tpu.memref_slice %arg4[%mul3A_6] : memref<512xi32, #tpu.memory_space<hbm>> -> memref<16xi32, #tpu.memory_space<hbm>>
      %dma_start3A_38 = tpu.memref_slice %arg4[%mul3A_6] : memref<512xi32, #tpu.memory_space<hbm>> -> memref<16xi32, #tpu.memory_space<hbm>>
      tpu.enqueue_dma source(%dma_start3A_38 : memref<16xi32, #tpu.memory_space<hbm>>) target(%arg15 : memref<16xi32, #tpu.memory_space<vmem>>) target_semaphore(%run_scoped3A : memref<!tpu.dma_semaphore, #tpu.memory_space<semaphore_mem>>)
      %dma_wait3A = tpu.memref_slice %arg4[%mul3A_6] : memref<512xi32, #tpu.memory_space<hbm>> -> memref<16xi32, #tpu.memory_space<hbm>>
      %dma_wait3A_39 = tpu.memref_slice %arg4[%mul3A_6] : memref<512xi32, #tpu.memory_space<hbm>> -> memref<16xi32, #tpu.memory_space<hbm>>
      tpu.wait_dma2 semaphore(%run_scoped3A : memref<!tpu.dma_semaphore, #tpu.memory_space<semaphore_mem>>) src(%dma_wait3A_39 : memref<16xi32, #tpu.memory_space<hbm>>) dst(%arg15 : memref<16xi32, #tpu.memory_space<vmem>>)
      tpu.yield
    }) : () -> ()
    %get3A = arith.constant 0 : index
    %get3A_7 = tpu.vector_load %arg15[%get3A] {strides = array<i32>} : memref<16xi32, #tpu.memory_space<vmem>>, vector<16xi32>,
    %reduce_max3A = arith.constant true
    %reduce_max3A_8 = vector.broadcast %reduce_max3A : i1 to vector<16xi1>
    %reduce_max3A_9 = arith.constant -2147483648 : i32
    %reduce_max3A_10 = vector.broadcast %reduce_max3A_9 : i32 to vector<16xi32>
    %reduce_max3A_11 = arith.xori %get3A_7, %reduce_max3A_10 : vector<16xi32>
    %reduce_max3A_12 = tpu.scan <max>, %reduce_max3A_11 masked %reduce_max3A_8 : vector<16xi32>, vector<16xi1> -> vector<16xi32>
    %reduce_max3A_13 = arith.xori %reduce_max3A_12, %reduce_max3A_10 : vector<16xi32>
    %reduce_max3A_14 = vector.extract %reduce_max3A_13[15] : i32 from vector<16xi32>
    %add3A_15 = arith.constant 127 : i32
    %add3A_16 = arith.addi %reduce_max3A_14, %add3A_15 : i32
    %div3A = arith.constant 128 : i32
    %div3A_17 = arith.divsi %add3A_16, %div3A : i32
    %add3A_18 = arith.constant 1 : i32
    %add3A_19 = arith.addi %div3A_17, %add3A_18 : i32
    %div3A_20 = arith.constant 2 : i32
    %div3A_21 = arith.divsi %add3A_19, %div3A_20 : i32
    %gt3A = arith.constant 0 : i32
    %gt3A_22 = arith.cmpi sgt, %div3A_17, %gt3A : i32
    %convert_element_type3A = arith.extui %gt3A_22 : i1 to i32
    %cond3A = arith.constant 0 : i32
    %cond3A_23 = arith.cmpi ne, %convert_element_type3A, %cond3A : i32
    scf.if %cond3A_23 {
      %multiple_of3A = tpu.assume_multiple %mul3A_4, 128 : i32
      "tpu.region"() ({
        %run_scoped3A = tpu.sem_alloc : memref<!tpu.dma_semaphore, #tpu.memory_space<semaphore_mem>>
        %dma_start3A_169 = tpu.memref_slice %arg3[%multiple_of3A] : memref<10485760xi32, #tpu.memory_space<hbm>> -> memref<128xi32, #tpu.memory_space<hbm>>
        %dma_start3A_170 = tpu.memref_slice %arg3[%multiple_of3A] : memref<10485760xi32, #tpu.memory_space<hbm>> -> memref<128xi32, #tpu.memory_space<hbm>>
        tpu.enqueue_dma source(%dma_start3A_170 : memref<128xi32, #tpu.memory_space<hbm>>) target(%arg7 : memref<128xi32, #tpu.memory_space<vmem>>) target_semaphore(%run_scoped3A : memref<!tpu.dma_semaphore, #tpu.memory_space<semaphore_mem>>)
        %dma_wait3A = tpu.memref_slice %arg3[%multiple_of3A] : memref<10485760xi32, #tpu.memory_space<hbm>> -> memref<128xi32, #tpu.memory_space<hbm>>
        %dma_wait3A_171 = tpu.memref_slice %arg3[%multiple_of3A] : memref<10485760xi32, #tpu.memory_space<hbm>> -> memref<128xi32, #tpu.memory_space<hbm>>
        tpu.wait_dma2 semaphore(%run_scoped3A : memref<!tpu.dma_semaphore, #tpu.memory_space<semaphore_mem>>) src(%dma_wait3A_171 : memref<128xi32, #tpu.memory_space<hbm>>) dst(%arg7 : memref<128xi32, #tpu.memory_space<vmem>>)
        tpu.yield
      }) : () -> ()
      %get3A_38 = arith.constant 0 : index
      %get3A_39 = tpu.vector_load %arg7[%get3A_38] {strides = array<i32>} : memref<128xi32, #tpu.memory_space<vmem>>, vector<16xi32>,
      %shift_right_arithmetic3A = arith.constant 13 : i32
      %shift_right_arithmetic3A_40 = vector.broadcast %shift_right_arithmetic3A : i32 to vector<16xi32>
      %shift_right_arithmetic3A_41 = arith.shrsi %get3A_39, %shift_right_arithmetic3A_40 : vector<16xi32>
      %swap3A = arith.constant 0 : i32
      %swap3A_42 = arith.index_cast %swap3A : i32 to index
      %swap3A_43 = arith.constant 0 : index
      %swap3A_44 = tpu.vector_load %arg9[%swap3A_42, %swap3A_43] {strides = array<i32>} : memref<1x128xi32, #tpu.memory_space<vmem>>, vector<16xi32>,
      tpu.vector_store %arg9[%swap3A_42, %swap3A_43], %shift_right_arithmetic3A_41 {strides = array<i32>} : memref<1x128xi32, #tpu.memory_space<vmem>>, vector<16xi32>,
      %and3A = arith.constant 8191 : i32
      %and3A_45 = vector.broadcast %and3A : i32 to vector<16xi32>
      %and3A_46 = arith.andi %get3A_39, %and3A_45 : vector<16xi32>
      %swap3A_47 = arith.constant 0 : i32
      %swap3A_48 = arith.index_cast %swap3A_47 : i32 to index
      %swap3A_49 = arith.constant 0 : index
      %swap3A_50 = tpu.vector_load %arg11[%swap3A_48, %swap3A_49] {strides = array<i32>} : memref<1x128xi32, #tpu.memory_space<vmem>>, vector<16xi32>,
      tpu.vector_store %arg11[%swap3A_48, %swap3A_49], %and3A_46 {strides = array<i32>} : memref<1x128xi32, #tpu.memory_space<vmem>>, vector<16xi32>,
      %get3A_51 = arith.constant 16 : index
      %get3A_52 = tpu.vector_load %arg7[%get3A_51] {strides = array<i32>} : memref<128xi32, #tpu.memory_space<vmem>>, vector<16xi32>,
      %shift_right_arithmetic3A_53 = arith.constant 13 : i32
      %shift_right_arithmetic3A_54 = vector.broadcast %shift_right_arithmetic3A_53 : i32 to vector<16xi32>
      %shift_right_arithmetic3A_55 = arith.shrsi %get3A_52, %shift_right_arithmetic3A_54 : vector<16xi32>
      %swap3A_56 = arith.constant 0 : i32
      %swap3A_57 = arith.index_cast %swap3A_56 : i32 to index
      %swap3A_58 = arith.constant 16 : index
      %swap3A_59 = tpu.vector_load %arg9[%swap3A_57, %swap3A_58] {strides = array<i32>} : memref<1x128xi32, #tpu.memory_space<vmem>>, vector<16xi32>,
      tpu.vector_store %arg9[%swap3A_57, %swap3A_58], %shift_right_arithmetic3A_55 {strides = array<i32>} : memref<1x128xi32, #tpu.memory_space<vmem>>, vector<16xi32>,
      %and3A_60 = arith.constant 8191 : i32
      %and3A_61 = vector.broadcast %and3A_60 : i32 to vector<16xi32>
      %and3A_62 = arith.andi %get3A_52, %and3A_61 : vector<16xi32>
      %swap3A_63 = arith.constant 0 : i32
      %swap3A_64 = arith.index_cast %swap3A_63 : i32 to index
      %swap3A_65 = arith.constant 16 : index
      %swap3A_66 = tpu.vector_load %arg11[%swap3A_64, %swap3A_65] {strides = array<i32>} : memref<1x128xi32, #tpu.memory_space<vmem>>, vector<16xi32>,
      tpu.vector_store %arg11[%swap3A_64, %swap3A_65], %and3A_62 {strides = array<i32>} : memref<1x128xi32, #tpu.memory_space<vmem>>, vector<16xi32>,
      %get3A_67 = arith.constant 32 : index
      %get3A_68 = tpu.vector_load %arg7[%get3A_67] {strides = array<i32>} : memref<128xi32, #tpu.memory_space<vmem>>, vector<16xi32>,
      %shift_right_arithmetic3A_69 = arith.constant 13 : i32
      %shift_right_arithmetic3A_70 = vector.broadcast %shift_right_arithmetic3A_69 : i32 to vector<16xi32>
      %shift_right_arithmetic3A_71 = arith.shrsi %get3A_68, %shift_right_arithmetic3A_70 : vector<16xi32>
      %swap3A_72 = arith.constant 0 : i32
      %swap3A_73 = arith.index_cast %swap3A_72 : i32 to index
      %swap3A_74 = arith.constant 32 : index
      %swap3A_75 = tpu.vector_load %arg9[%swap3A_73, %swap3A_74] {strides = array<i32>} : memref<1x128xi32, #tpu.memory_space<vmem>>, vector<16xi32>,
      tpu.vector_store %arg9[%swap3A_73, %swap3A_74], %shift_right_arithmetic3A_71 {strides = array<i32>} : memref<1x128xi32, #tpu.memory_space<vmem>>, vector<16xi32>,
      %and3A_76 = arith.constant 8191 : i32
      %and3A_77 = vector.broadcast %and3A_76 : i32 to vector<16xi32>
      %and3A_78 = arith.andi %get3A_68, %and3A_77 : vector<16xi32>
      %swap3A_79 = arith.constant 0 : i32
      %swap3A_80 = arith.index_cast %swap3A_79 : i32 to index
      %swap3A_81 = arith.constant 32 : index
      %swap3A_82 = tpu.vector_load %arg11[%swap3A_80, %swap3A_81] {strides = array<i32>} : memref<1x128xi32, #tpu.memory_space<vmem>>, vector<16xi32>,
      tpu.vector_store %arg11[%swap3A_80, %swap3A_81], %and3A_78 {strides = array<i32>} : memref<1x128xi32, #tpu.memory_space<vmem>>, vector<16xi32>,
      %get3A_83 = arith.constant 48 : index
      %get3A_84 = tpu.vector_load %arg7[%get3A_83] {strides = array<i32>} : memref<128xi32, #tpu.memory_space<vmem>>, vector<16xi32>,
      %shift_right_arithmetic3A_85 = arith.constant 13 : i32
      %shift_right_arithmetic3A_86 = vector.broadcast %shift_right_arithmetic3A_85 : i32 to vector<16xi32>
      %shift_right_arithmetic3A_87 = arith.shrsi %get3A_84, %shift_right_arithmetic3A_86 : vector<16xi32>
      %swap3A_88 = arith.constant 0 : i32
      %swap3A_89 = arith.index_cast %swap3A_88 : i32 to index
      %swap3A_90 = arith.constant 48 : index
      %swap3A_91 = tpu.vector_load %arg9[%swap3A_89, %swap3A_90] {strides = array<i32>} : memref<1x128xi32, #tpu.memory_space<vmem>>, vector<16xi32>,
      tpu.vector_store %arg9[%swap3A_89, %swap3A_90], %shift_right_arithmetic3A_87 {strides = array<i32>} : memref<1x128xi32, #tpu.memory_space<vmem>>, vector<16xi32>,
      %and3A_92 = arith.constant 8191 : i32
      %and3A_93 = vector.broadcast %and3A_92 : i32 to vector<16xi32>
      %and3A_94 = arith.andi %get3A_84, %and3A_93 : vector<16xi32>
      %swap3A_95 = arith.constant 0 : i32
      %swap3A_96 = arith.index_cast %swap3A_95 : i32 to index
      %swap3A_97 = arith.constant 48 : index
      %swap3A_98 = tpu.vector_load %arg11[%swap3A_96, %swap3A_97] {strides = array<i32>} : memref<1x128xi32, #tpu.memory_space<vmem>>, vector<16xi32>,
      tpu.vector_store %arg11[%swap3A_96, %swap3A_97], %and3A_94 {strides = array<i32>} : memref<1x128xi32, #tpu.memory_space<vmem>>, vector<16xi32>,
      %get3A_99 = arith.constant 64 : index
      %get3A_100 = tpu.vector_load %arg7[%get3A_99] {strides = array<i32>} : memref<128xi32, #tpu.memory_space<vmem>>, vector<16xi32>,
      %shift_right_arithmetic3A_101 = arith.constant 13 : i32
      %shift_right_arithmetic3A_102 = vector.broadcast %shift_right_arithmetic3A_101 : i32 to vector<16xi32>
      %shift_right_arithmetic3A_103 = arith.shrsi %get3A_100, %shift_right_arithmetic3A_102 : vector<16xi32>
      %swap3A_104 = arith.constant 0 : i32
      %swap3A_105 = arith.index_cast %swap3A_104 : i32 to index
      %swap3A_106 = arith.constant 64 : index
      %swap3A_107 = tpu.vector_load %arg9[%swap3A_105, %swap3A_106] {strides = array<i32>} : memref<1x128xi32, #tpu.memory_space<vmem>>, vector<16xi32>,
      tpu.vector_store %arg9[%swap3A_105, %swap3A_106], %shift_right_arithmetic3A_103 {strides = array<i32>} : memref<1x128xi32, #tpu.memory_space<vmem>>, vector<16xi32>,
      %and3A_108 = arith.constant 8191 : i32
      %and3A_109 = vector.broadcast %and3A_108 : i32 to vector<16xi32>
      %and3A_110 = arith.andi %get3A_100, %and3A_109 : vector<16xi32>
      %swap3A_111 = arith.constant 0 : i32
      %swap3A_112 = arith.index_cast %swap3A_111 : i32 to index
      %swap3A_113 = arith.constant 64 : index
      %swap3A_114 = tpu.vector_load %arg11[%swap3A_112, %swap3A_113] {strides = array<i32>} : memref<1x128xi32, #tpu.memory_space<vmem>>, vector<16xi32>,
      tpu.vector_store %arg11[%swap3A_112, %swap3A_113], %and3A_110 {strides = array<i32>} : memref<1x128xi32, #tpu.memory_space<vmem>>, vector<16xi32>,
      %get3A_115 = arith.constant 80 : index
      %get3A_116 = tpu.vector_load %arg7[%get3A_115] {strides = array<i32>} : memref<128xi32, #tpu.memory_space<vmem>>, vector<16xi32>,
      %shift_right_arithmetic3A_117 = arith.constant 13 : i32
      %shift_right_arithmetic3A_118 = vector.broadcast %shift_right_arithmetic3A_117 : i32 to vector<16xi32>
      %shift_right_arithmetic3A_119 = arith.shrsi %get3A_116, %shift_right_arithmetic3A_118 : vector<16xi32>
      %swap3A_120 = arith.constant 0 : i32
      %swap3A_121 = arith.index_cast %swap3A_120 : i32 to index
      %swap3A_122 = arith.constant 80 : index
      %swap3A_123 = tpu.vector_load %arg9[%swap3A_121, %swap3A_122] {strides = array<i32>} : memref<1x128xi32, #tpu.memory_space<vmem>>, vector<16xi32>,
      tpu.vector_store %arg9[%swap3A_121, %swap3A_122], %shift_right_arithmetic3A_119 {strides = array<i32>} : memref<1x128xi32, #tpu.memory_space<vmem>>, vector<16xi32>,
      %and3A_124 = arith.constant 8191 : i32
      %and3A_125 = vector.broadcast %and3A_124 : i32 to vector<16xi32>
      %and3A_126 = arith.andi %get3A_116, %and3A_125 : vector<16xi32>
      %swap3A_127 = arith.constant 0 : i32
      %swap3A_128 = arith.index_cast %swap3A_127 : i32 to index
      %swap3A_129 = arith.constant 80 : index
      %swap3A_130 = tpu.vector_load %arg11[%swap3A_128, %swap3A_129] {strides = array<i32>} : memref<1x128xi32, #tpu.memory_space<vmem>>, vector<16xi32>,
      tpu.vector_store %arg11[%swap3A_128, %swap3A_129], %and3A_126 {strides = array<i32>} : memref<1x128xi32, #tpu.memory_space<vmem>>, vector<16xi32>,
      %get3A_131 = arith.constant 96 : index
      %get3A_132 = tpu.vector_load %arg7[%get3A_131] {strides = array<i32>} : memref<128xi32, #tpu.memory_space<vmem>>, vector<16xi32>,
      %shift_right_arithmetic3A_133 = arith.constant 13 : i32
      %shift_right_arithmetic3A_134 = vector.broadcast %shift_right_arithmetic3A_133 : i32 to vector<16xi32>
      %shift_right_arithmetic3A_135 = arith.shrsi %get3A_132, %shift_right_arithmetic3A_134 : vector<16xi32>
      %swap3A_136 = arith.constant 0 : i32
      %swap3A_137 = arith.index_cast %swap3A_136 : i32 to index
      %swap3A_138 = arith.constant 96 : index
      %swap3A_139 = tpu.vector_load %arg9[%swap3A_137, %swap3A_138] {strides = array<i32>} : memref<1x128xi32, #tpu.memory_space<vmem>>, vector<16xi32>,
      tpu.vector_store %arg9[%swap3A_137, %swap3A_138], %shift_right_arithmetic3A_135 {strides = array<i32>} : memref<1x128xi32, #tpu.memory_space<vmem>>, vector<16xi32>,
      %and3A_140 = arith.constant 8191 : i32
      %and3A_141 = vector.broadcast %and3A_140 : i32 to vector<16xi32>
      %and3A_142 = arith.andi %get3A_132, %and3A_141 : vector<16xi32>
      %swap3A_143 = arith.constant 0 : i32
      %swap3A_144 = arith.index_cast %swap3A_143 : i32 to index
      %swap3A_145 = arith.constant 96 : index
      %swap3A_146 = tpu.vector_load %arg11[%swap3A_144, %swap3A_145] {strides = array<i32>} : memref<1x128xi32, #tpu.memory_space<vmem>>, vector<16xi32>,
      tpu.vector_store %arg11[%swap3A_144, %swap3A_145], %and3A_142 {strides = array<i32>} : memref<1x128xi32, #tpu.memory_space<vmem>>, vector<16xi32>,
      %get3A_147 = arith.constant 112 : index
      %get3A_148 = tpu.vector_load %arg7[%get3A_147] {strides = array<i32>} : memref<128xi32, #tpu.memory_space<vmem>>, vector<16xi32>,
      %shift_right_arithmetic3A_149 = arith.constant 13 : i32
      %shift_right_arithmetic3A_150 = vector.broadcast %shift_right_arithmetic3A_149 : i32 to vector<16xi32>
      %shift_right_arithmetic3A_151 = arith.shrsi %get3A_148, %shift_right_arithmetic3A_150 : vector<16xi32>
      %swap3A_152 = arith.constant 0 : i32
      %swap3A_153 = arith.index_cast %swap3A_152 : i32 to index
      %swap3A_154 = arith.constant 112 : index
      %swap3A_155 = tpu.vector_load %arg9[%swap3A_153, %swap3A_154] {strides = array<i32>} : memref<1x128xi32, #tpu.memory_space<vmem>>, vector<16xi32>,
      tpu.vector_store %arg9[%swap3A_153, %swap3A_154], %shift_right_arithmetic3A_151 {strides = array<i32>} : memref<1x128xi32, #tpu.memory_space<vmem>>, vector<16xi32>,
      %and3A_156 = arith.constant 8191 : i32
      %and3A_157 = vector.broadcast %and3A_156 : i32 to vector<16xi32>
      %and3A_158 = arith.andi %get3A_148, %and3A_157 : vector<16xi32>
      %swap3A_159 = arith.constant 0 : i32
      %swap3A_160 = arith.index_cast %swap3A_159 : i32 to index
      %swap3A_161 = arith.constant 112 : index
      %swap3A_162 = tpu.vector_load %arg11[%swap3A_160, %swap3A_161] {strides = array<i32>} : memref<1x128xi32, #tpu.memory_space<vmem>>, vector<16xi32>,
      tpu.vector_store %arg11[%swap3A_160, %swap3A_161], %and3A_158 {strides = array<i32>} : memref<1x128xi32, #tpu.memory_space<vmem>>, vector<16xi32>,
      %dma_start3A = arith.constant 0 : i32
      %dma_start3A_163 = arith.constant 0 : i32
      %dma_start3A_164 = tpu.memref_slice %arg9[%dma_start3A, %dma_start3A_163] : memref<1x128xi32, #tpu.memory_space<vmem>> -> memref<1x128xi32, #tpu.memory_space<vmem>>
      %dma_start3A_165 = tpu.memref_squeeze %dma_start3A_164 : memref<1x128xi32, #tpu.memory_space<vmem>> -> memref<128xi32, #tpu.memory_space<vmem>>
      %dma_start3A_166 = arith.constant 0 : i32
      %dma_start3A_167 = arith.constant 0 : i32
      %dma_start3A_168 = tpu.memref_slice %arg2[%dma_start3A_166, %dma_start3A_167] : memref<10000x128xf32, #tpu.memory_space<hbm>> -> memref<10000x128xf32, #tpu.memory_space<hbm>>
      tpu.enqueue_indirect_dma source(%dma_start3A_168 : memref<10000x128xf32, #tpu.memory_space<hbm>>) target(%arg13 : memref<128x128xf32, #tpu.memory_space<vmem>>) offsets(%dma_start3A_165 : memref<128xi32, #tpu.memory_space<vmem>>) semaphore(%arg17 : memref<!tpu.dma_semaphore, #tpu.memory_space<semaphore_mem>>)
    } else {
    }
    %while3A = arith.constant 0 : i32
    %while3A_24 = arith.constant 0 : i32
    %while3A_25 = arith.subi %div3A_21, %while3A_24 : i32
    %while3A_26 = arith.addi %while3A_24, %while3A_25 : i32
    %while3A_27 = arith.constant 1 : i32
    %while3A_28 = arith.divsi %while3A_25, %while3A_27 : i32
    %while3A_29 = arith.muli %while3A_28, %while3A_27 : i32
    %while3A_30 = arith.addi %while3A_24, %while3A_29 : i32
    %while3A_31 = arith.constant 1 : i32
    scf.for %while3A_38 = %while3A_24 to %while3A_30 step %while3A_31  : i32 {
      %mul3A_39 = arith.constant 2 : i32
      %mul3A_40 = arith.muli %mul3A_39, %while3A_38 : i32
      %lt3A = arith.cmpi slt, %mul3A_40, %div3A_17 : i32
      %convert_element_type3A_41 = arith.extui %lt3A : i1 to i32
      %cond3A_42 = arith.constant 0 : i32
      %cond3A_43 = arith.cmpi ne, %convert_element_type3A_41, %cond3A_42 : i32
      scf.if %cond3A_43 {
        %dma_wait3A = arith.constant 0 : i32
        %dma_wait3A_52 = arith.constant 0 : i32
        %dma_wait3A_53 = tpu.memref_slice %arg9[%dma_wait3A, %dma_wait3A_52] : memref<1x128xi32, #tpu.memory_space<vmem>> -> memref<1x128xi32, #tpu.memory_space<vmem>>
        %dma_wait3A_54 = tpu.memref_squeeze %dma_wait3A_53 : memref<1x128xi32, #tpu.memory_space<vmem>> -> memref<128xi32, #tpu.memory_space<vmem>>
        %dma_wait3A_55 = arith.constant 0 : i32
        %dma_wait3A_56 = arith.constant 0 : i32
        %dma_wait3A_57 = tpu.memref_slice %arg2[%dma_wait3A_55, %dma_wait3A_56] : memref<10000x128xf32, #tpu.memory_space<hbm>> -> memref<10000x128xf32, #tpu.memory_space<hbm>>
        tpu.wait_indirect_dma semaphore(%arg17 : memref<!tpu.dma_semaphore, #tpu.memory_space<semaphore_mem>>) src(%dma_wait3A_57 : memref<10000x128xf32, #tpu.memory_space<hbm>>) dst(%arg13 : memref<128x128xf32, #tpu.memory_space<vmem>>)
        %add3A_58 = arith.constant 1 : i32
        %add3A_59 = arith.addi %mul3A_40, %add3A_58 : i32
        %lt3A_60 = arith.cmpi slt, %add3A_59, %div3A_17 : i32
        %convert_element_type3A_61 = arith.extui %lt3A_60 : i1 to i32
        %cond3A_62 = arith.constant 0 : i32
        %cond3A_63 = arith.cmpi ne, %convert_element_type3A_61, %cond3A_62 : i32
        scf.if %cond3A_63 {
          %add3A_64 = arith.constant 1 : i32
          %add3A_65 = arith.addi %mul3A_40, %add3A_64 : i32
          %mul3A_66 = arith.constant 128 : i32
          %mul3A_67 = arith.muli %add3A_65, %mul3A_66 : i32
          %add3A_68 = arith.addi %mul3A_4, %mul3A_67 : i32
          %multiple_of3A = tpu.assume_multiple %add3A_68, 128 : i32
          "tpu.region"() ({
            %run_scoped3A_200 = tpu.sem_alloc : memref<!tpu.dma_semaphore, #tpu.memory_space<semaphore_mem>>
            %dma_start3A_201 = tpu.memref_slice %arg3[%multiple_of3A] : memref<10485760xi32, #tpu.memory_space<hbm>> -> memref<128xi32, #tpu.memory_space<hbm>>
            %dma_start3A_202 = tpu.memref_slice %arg3[%multiple_of3A] : memref<10485760xi32, #tpu.memory_space<hbm>> -> memref<128xi32, #tpu.memory_space<hbm>>
            tpu.enqueue_dma source(%dma_start3A_202 : memref<128xi32, #tpu.memory_space<hbm>>) target(%arg8 : memref<128xi32, #tpu.memory_space<vmem>>) target_semaphore(%run_scoped3A_200 : memref<!tpu.dma_semaphore, #tpu.memory_space<semaphore_mem>>)
            %dma_wait3A_203 = tpu.memref_slice %arg3[%multiple_of3A] : memref<10485760xi32, #tpu.memory_space<hbm>> -> memref<128xi32, #tpu.memory_space<hbm>>
            %dma_wait3A_204 = tpu.memref_slice %arg3[%multiple_of3A] : memref<10485760xi32, #tpu.memory_space<hbm>> -> memref<128xi32, #tpu.memory_space<hbm>>
            tpu.wait_dma2 semaphore(%run_scoped3A_200 : memref<!tpu.dma_semaphore, #tpu.memory_space<semaphore_mem>>) src(%dma_wait3A_204 : memref<128xi32, #tpu.memory_space<hbm>>) dst(%arg8 : memref<128xi32, #tpu.memory_space<vmem>>)
            tpu.yield
          }) : () -> ()
          %get3A_69 = arith.constant 0 : index
          %get3A_70 = tpu.vector_load %arg8[%get3A_69] {strides = array<i32>} : memref<128xi32, #tpu.memory_space<vmem>>, vector<16xi32>,
          %shift_right_arithmetic3A = arith.constant 13 : i32
          %shift_right_arithmetic3A_71 = vector.broadcast %shift_right_arithmetic3A : i32 to vector<16xi32>
          %shift_right_arithmetic3A_72 = arith.shrsi %get3A_70, %shift_right_arithmetic3A_71 : vector<16xi32>
          %swap3A = arith.constant 0 : i32
          %swap3A_73 = arith.index_cast %swap3A : i32 to index
          %swap3A_74 = arith.constant 0 : index
          %swap3A_75 = tpu.vector_load %arg10[%swap3A_73, %swap3A_74] {strides = array<i32>} : memref<1x128xi32, #tpu.memory_space<vmem>>, vector<16xi32>,
          tpu.vector_store %arg10[%swap3A_73, %swap3A_74], %shift_right_arithmetic3A_72 {strides = array<i32>} : memref<1x128xi32, #tpu.memory_space<vmem>>, vector<16xi32>,
          %and3A = arith.constant 8191 : i32
          %and3A_76 = vector.broadcast %and3A : i32 to vector<16xi32>
          %and3A_77 = arith.andi %get3A_70, %and3A_76 : vector<16xi32>
          %swap3A_78 = arith.constant 0 : i32
          %swap3A_79 = arith.index_cast %swap3A_78 : i32 to index
          %swap3A_80 = arith.constant 0 : index
          %swap3A_81 = tpu.vector_load %arg12[%swap3A_79, %swap3A_80] {strides = array<i32>} : memref<1x128xi32, #tpu.memory_space<vmem>>, vector<16xi32>,
          tpu.vector_store %arg12[%swap3A_79, %swap3A_80], %and3A_77 {strides = array<i32>} : memref<1x128xi32, #tpu.memory_space<vmem>>, vector<16xi32>,
          %get3A_82 = arith.constant 16 : index
          %get3A_83 = tpu.vector_load %arg8[%get3A_82] {strides = array<i32>} : memref<128xi32, #tpu.memory_space<vmem>>, vector<16xi32>,
          %shift_right_arithmetic3A_84 = arith.constant 13 : i32
          %shift_right_arithmetic3A_85 = vector.broadcast %shift_right_arithmetic3A_84 : i32 to vector<16xi32>
          %shift_right_arithmetic3A_86 = arith.shrsi %get3A_83, %shift_right_arithmetic3A_85 : vector<16xi32>
          %swap3A_87 = arith.constant 0 : i32
          %swap3A_88 = arith.index_cast %swap3A_87 : i32 to index
          %swap3A_89 = arith.constant 16 : index
          %swap3A_90 = tpu.vector_load %arg10[%swap3A_88, %swap3A_89] {strides = array<i32>} : memref<1x128xi32, #tpu.memory_space<vmem>>, vector<16xi32>,
          tpu.vector_store %arg10[%swap3A_88, %swap3A_89], %shift_right_arithmetic3A_86 {strides = array<i32>} : memref<1x128xi32, #tpu.memory_space<vmem>>, vector<16xi32>,
          %and3A_91 = arith.constant 8191 : i32
          %and3A_92 = vector.broadcast %and3A_91 : i32 to vector<16xi32>
          %and3A_93 = arith.andi %get3A_83, %and3A_92 : vector<16xi32>
          %swap3A_94 = arith.constant 0 : i32
          %swap3A_95 = arith.index_cast %swap3A_94 : i32 to index
          %swap3A_96 = arith.constant 16 : index
          %swap3A_97 = tpu.vector_load %arg12[%swap3A_95, %swap3A_96] {strides = array<i32>} : memref<1x128xi32, #tpu.memory_space<vmem>>, vector<16xi32>,
          tpu.vector_store %arg12[%swap3A_95, %swap3A_96], %and3A_93 {strides = array<i32>} : memref<1x128xi32, #tpu.memory_space<vmem>>, vector<16xi32>,
          %get3A_98 = arith.constant 32 : index
          %get3A_99 = tpu.vector_load %arg8[%get3A_98] {strides = array<i32>} : memref<128xi32, #tpu.memory_space<vmem>>, vector<16xi32>,
          %shift_right_arithmetic3A_100 = arith.constant 13 : i32
          %shift_right_arithmetic3A_101 = vector.broadcast %shift_right_arithmetic3A_100 : i32 to vector<16xi32>
          %shift_right_arithmetic3A_102 = arith.shrsi %get3A_99, %shift_right_arithmetic3A_101 : vector<16xi32>
          %swap3A_103 = arith.constant 0 : i32
          %swap3A_104 = arith.index_cast %swap3A_103 : i32 to index
          %swap3A_105 = arith.constant 32 : index
          %swap3A_106 = tpu.vector_load %arg10[%swap3A_104, %swap3A_105] {strides = array<i32>} : memref<1x128xi32, #tpu.memory_space<vmem>>, vector<16xi32>,
          tpu.vector_store %arg10[%swap3A_104, %swap3A_105], %shift_right_arithmetic3A_102 {strides = array<i32>} : memref<1x128xi32, #tpu.memory_space<vmem>>, vector<16xi32>,
          %and3A_107 = arith.constant 8191 : i32
          %and3A_108 = vector.broadcast %and3A_107 : i32 to vector<16xi32>
          %and3A_109 = arith.andi %get3A_99, %and3A_108 : vector<16xi32>
          %swap3A_110 = arith.constant 0 : i32
          %swap3A_111 = arith.index_cast %swap3A_110 : i32 to index
          %swap3A_112 = arith.constant 32 : index
          %swap3A_113 = tpu.vector_load %arg12[%swap3A_111, %swap3A_112] {strides = array<i32>} : memref<1x128xi32, #tpu.memory_space<vmem>>, vector<16xi32>,
          tpu.vector_store %arg12[%swap3A_111, %swap3A_112], %and3A_109 {strides = array<i32>} : memref<1x128xi32, #tpu.memory_space<vmem>>, vector<16xi32>,
          %get3A_114 = arith.constant 48 : index
          %get3A_115 = tpu.vector_load %arg8[%get3A_114] {strides = array<i32>} : memref<128xi32, #tpu.memory_space<vmem>>, vector<16xi32>,
          %shift_right_arithmetic3A_116 = arith.constant 13 : i32
          %shift_right_arithmetic3A_117 = vector.broadcast %shift_right_arithmetic3A_116 : i32 to vector<16xi32>
          %shift_right_arithmetic3A_118 = arith.shrsi %get3A_115, %shift_right_arithmetic3A_117 : vector<16xi32>
          %swap3A_119 = arith.constant 0 : i32
          %swap3A_120 = arith.index_cast %swap3A_119 : i32 to index
          %swap3A_121 = arith.constant 48 : index
          %swap3A_122 = tpu.vector_load %arg10[%swap3A_120, %swap3A_121] {strides = array<i32>} : memref<1x128xi32, #tpu.memory_space<vmem>>, vector<16xi32>,
          tpu.vector_store %arg10[%swap3A_120, %swap3A_121], %shift_right_arithmetic3A_118 {strides = array<i32>} : memref<1x128xi32, #tpu.memory_space<vmem>>, vector<16xi32>,
          %and3A_123 = arith.constant 8191 : i32
          %and3A_124 = vector.broadcast %and3A_123 : i32 to vector<16xi32>
          %and3A_125 = arith.andi %get3A_115, %and3A_124 : vector<16xi32>
          %swap3A_126 = arith.constant 0 : i32
          %swap3A_127 = arith.index_cast %swap3A_126 : i32 to index
          %swap3A_128 = arith.constant 48 : index
          %swap3A_129 = tpu.vector_load %arg12[%swap3A_127, %swap3A_128] {strides = array<i32>} : memref<1x128xi32, #tpu.memory_space<vmem>>, vector<16xi32>,
          tpu.vector_store %arg12[%swap3A_127, %swap3A_128], %and3A_125 {strides = array<i32>} : memref<1x128xi32, #tpu.memory_space<vmem>>, vector<16xi32>,
          %get3A_130 = arith.constant 64 : index
          %get3A_131 = tpu.vector_load %arg8[%get3A_130] {strides = array<i32>} : memref<128xi32, #tpu.memory_space<vmem>>, vector<16xi32>,
          %shift_right_arithmetic3A_132 = arith.constant 13 : i32
          %shift_right_arithmetic3A_133 = vector.broadcast %shift_right_arithmetic3A_132 : i32 to vector<16xi32>
          %shift_right_arithmetic3A_134 = arith.shrsi %get3A_131, %shift_right_arithmetic3A_133 : vector<16xi32>
          %swap3A_135 = arith.constant 0 : i32
          %swap3A_136 = arith.index_cast %swap3A_135 : i32 to index
          %swap3A_137 = arith.constant 64 : index
          %swap3A_138 = tpu.vector_load %arg10[%swap3A_136, %swap3A_137] {strides = array<i32>} : memref<1x128xi32, #tpu.memory_space<vmem>>, vector<16xi32>,
          tpu.vector_store %arg10[%swap3A_136, %swap3A_137], %shift_right_arithmetic3A_134 {strides = array<i32>} : memref<1x128xi32, #tpu.memory_space<vmem>>, vector<16xi32>,
          %and3A_139 = arith.constant 8191 : i32
          %and3A_140 = vector.broadcast %and3A_139 : i32 to vector<16xi32>
          %and3A_141 = arith.andi %get3A_131, %and3A_140 : vector<16xi32>
          %swap3A_142 = arith.constant 0 : i32
          %swap3A_143 = arith.index_cast %swap3A_142 : i32 to index
          %swap3A_144 = arith.constant 64 : index
          %swap3A_145 = tpu.vector_load %arg12[%swap3A_143, %swap3A_144] {strides = array<i32>} : memref<1x128xi32, #tpu.memory_space<vmem>>, vector<16xi32>,
          tpu.vector_store %arg12[%swap3A_143, %swap3A_144], %and3A_141 {strides = array<i32>} : memref<1x128xi32, #tpu.memory_space<vmem>>, vector<16xi32>,
          %get3A_146 = arith.constant 80 : index
          %get3A_147 = tpu.vector_load %arg8[%get3A_146] {strides = array<i32>} : memref<128xi32, #tpu.memory_space<vmem>>, vector<16xi32>,
          %shift_right_arithmetic3A_148 = arith.constant 13 : i32
          %shift_right_arithmetic3A_149 = vector.broadcast %shift_right_arithmetic3A_148 : i32 to vector<16xi32>
          %shift_right_arithmetic3A_150 = arith.shrsi %get3A_147, %shift_right_arithmetic3A_149 : vector<16xi32>
          %swap3A_151 = arith.constant 0 : i32
          %swap3A_152 = arith.index_cast %swap3A_151 : i32 to index
          %swap3A_153 = arith.constant 80 : index
          %swap3A_154 = tpu.vector_load %arg10[%swap3A_152, %swap3A_153] {strides = array<i32>} : memref<1x128xi32, #tpu.memory_space<vmem>>, vector<16xi32>,
          tpu.vector_store %arg10[%swap3A_152, %swap3A_153], %shift_right_arithmetic3A_150 {strides = array<i32>} : memref<1x128xi32, #tpu.memory_space<vmem>>, vector<16xi32>,
          %and3A_155 = arith.constant 8191 : i32
          %and3A_156 = vector.broadcast %and3A_155 : i32 to vector<16xi32>
          %and3A_157 = arith.andi %get3A_147, %and3A_156 : vector<16xi32>
          %swap3A_158 = arith.constant 0 : i32
          %swap3A_159 = arith.index_cast %swap3A_158 : i32 to index
          %swap3A_160 = arith.constant 80 : index
          %swap3A_161 = tpu.vector_load %arg12[%swap3A_159, %swap3A_160] {strides = array<i32>} : memref<1x128xi32, #tpu.memory_space<vmem>>, vector<16xi32>,
          tpu.vector_store %arg12[%swap3A_159, %swap3A_160], %and3A_157 {strides = array<i32>} : memref<1x128xi32, #tpu.memory_space<vmem>>, vector<16xi32>,
          %get3A_162 = arith.constant 96 : index
          %get3A_163 = tpu.vector_load %arg8[%get3A_162] {strides = array<i32>} : memref<128xi32, #tpu.memory_space<vmem>>, vector<16xi32>,
          %shift_right_arithmetic3A_164 = arith.constant 13 : i32
          %shift_right_arithmetic3A_165 = vector.broadcast %shift_right_arithmetic3A_164 : i32 to vector<16xi32>
          %shift_right_arithmetic3A_166 = arith.shrsi %get3A_163, %shift_right_arithmetic3A_165 : vector<16xi32>
          %swap3A_167 = arith.constant 0 : i32
          %swap3A_168 = arith.index_cast %swap3A_167 : i32 to index
          %swap3A_169 = arith.constant 96 : index
          %swap3A_170 = tpu.vector_load %arg10[%swap3A_168, %swap3A_169] {strides = array<i32>} : memref<1x128xi32, #tpu.memory_space<vmem>>, vector<16xi32>,
          tpu.vector_store %arg10[%swap3A_168, %swap3A_169], %shift_right_arithmetic3A_166 {strides = array<i32>} : memref<1x128xi32, #tpu.memory_space<vmem>>, vector<16xi32>,
          %and3A_171 = arith.constant 8191 : i32
          %and3A_172 = vector.broadcast %and3A_171 : i32 to vector<16xi32>
          %and3A_173 = arith.andi %get3A_163, %and3A_172 : vector<16xi32>
          %swap3A_174 = arith.constant 0 : i32
          %swap3A_175 = arith.index_cast %swap3A_174 : i32 to index
          %swap3A_176 = arith.constant 96 : index
          %swap3A_177 = tpu.vector_load %arg12[%swap3A_175, %swap3A_176] {strides = array<i32>} : memref<1x128xi32, #tpu.memory_space<vmem>>, vector<16xi32>,
          tpu.vector_store %arg12[%swap3A_175, %swap3A_176], %and3A_173 {strides = array<i32>} : memref<1x128xi32, #tpu.memory_space<vmem>>, vector<16xi32>,
          %get3A_178 = arith.constant 112 : index
          %get3A_179 = tpu.vector_load %arg8[%get3A_178] {strides = array<i32>} : memref<128xi32, #tpu.memory_space<vmem>>, vector<16xi32>,
          %shift_right_arithmetic3A_180 = arith.constant 13 : i32
          %shift_right_arithmetic3A_181 = vector.broadcast %shift_right_arithmetic3A_180 : i32 to vector<16xi32>
          %shift_right_arithmetic3A_182 = arith.shrsi %get3A_179, %shift_right_arithmetic3A_181 : vector<16xi32>
          %swap3A_183 = arith.constant 0 : i32
          %swap3A_184 = arith.index_cast %swap3A_183 : i32 to index
          %swap3A_185 = arith.constant 112 : index
          %swap3A_186 = tpu.vector_load %arg10[%swap3A_184, %swap3A_185] {strides = array<i32>} : memref<1x128xi32, #tpu.memory_space<vmem>>, vector<16xi32>,
          tpu.vector_store %arg10[%swap3A_184, %swap3A_185], %shift_right_arithmetic3A_182 {strides = array<i32>} : memref<1x128xi32, #tpu.memory_space<vmem>>, vector<16xi32>,
          %and3A_187 = arith.constant 8191 : i32
          %and3A_188 = vector.broadcast %and3A_187 : i32 to vector<16xi32>
          %and3A_189 = arith.andi %get3A_179, %and3A_188 : vector<16xi32>
          %swap3A_190 = arith.constant 0 : i32
          %swap3A_191 = arith.index_cast %swap3A_190 : i32 to index
          %swap3A_192 = arith.constant 112 : index
          %swap3A_193 = tpu.vector_load %arg12[%swap3A_191, %swap3A_192] {strides = array<i32>} : memref<1x128xi32, #tpu.memory_space<vmem>>, vector<16xi32>,
          tpu.vector_store %arg12[%swap3A_191, %swap3A_192], %and3A_189 {strides = array<i32>} : memref<1x128xi32, #tpu.memory_space<vmem>>, vector<16xi32>,
          %dma_start3A = arith.constant 0 : i32
          %dma_start3A_194 = arith.constant 0 : i32
          %dma_start3A_195 = tpu.memref_slice %arg10[%dma_start3A, %dma_start3A_194] : memref<1x128xi32, #tpu.memory_space<vmem>> -> memref<1x128xi32, #tpu.memory_space<vmem>>
          %dma_start3A_196 = tpu.memref_squeeze %dma_start3A_195 : memref<1x128xi32, #tpu.memory_space<vmem>> -> memref<128xi32, #tpu.memory_space<vmem>>
          %dma_start3A_197 = arith.constant 0 : i32
          %dma_start3A_198 = arith.constant 0 : i32
          %dma_start3A_199 = tpu.memref_slice %arg2[%dma_start3A_197, %dma_start3A_198] : memref<10000x128xf32, #tpu.memory_space<hbm>> -> memref<10000x128xf32, #tpu.memory_space<hbm>>
          tpu.enqueue_indirect_dma source(%dma_start3A_199 : memref<10000x128xf32, #tpu.memory_space<hbm>>) target(%arg14 : memref<128x128xf32, #tpu.memory_space<vmem>>) offsets(%dma_start3A_196 : memref<128xi32, #tpu.memory_space<vmem>>) semaphore(%arg18 : memref<!tpu.dma_semaphore, #tpu.memory_space<semaphore_mem>>)
        } else {
        }
        %run_scoped3A = arith.constant 0 : i32
        "tpu.region"() ({
          %run_scoped3A_64 = tpu.sem_alloc : memref<!tpu.dma_semaphore, #tpu.memory_space<semaphore_mem>>
          %dma_start3A = arith.constant 0 : i32
          %dma_start3A_65 = tpu.memref_slice %arg11[%run_scoped3A, %dma_start3A] : memref<1x128xi32, #tpu.memory_space<vmem>> -> memref<1x128xi32, #tpu.memory_space<vmem>>
          %dma_start3A_66 = tpu.memref_squeeze %dma_start3A_65 : memref<1x128xi32, #tpu.memory_space<vmem>> -> memref<128xi32, #tpu.memory_space<vmem>>
          %dma_start3A_67 = arith.constant 0 : i32
          %dma_start3A_68 = arith.constant 0 : i32
          %dma_start3A_69 = tpu.memref_slice %arg16[%dma_start3A_67, %dma_start3A_68] : memref<5248x128xf32, #tpu.memory_space<vmem_shared>> -> memref<5248x128xf32, #tpu.memory_space<vmem_shared>>
          tpu.enqueue_indirect_dma source(%arg13 : memref<128x128xf32, #tpu.memory_space<vmem>>) target(%dma_start3A_69 : memref<5248x128xf32, #tpu.memory_space<vmem_shared>>) offsets(%dma_start3A_66 : memref<128xi32, #tpu.memory_space<vmem>>) semaphore(%run_scoped3A_64 : memref<!tpu.dma_semaphore, #tpu.memory_space<semaphore_mem>>) {add = true}
          %dma_wait3A_70 = arith.constant 0 : i32
          %dma_wait3A_71 = tpu.memref_slice %arg11[%run_scoped3A, %dma_wait3A_70] : memref<1x128xi32, #tpu.memory_space<vmem>> -> memref<1x128xi32, #tpu.memory_space<vmem>>
          %dma_wait3A_72 = tpu.memref_squeeze %dma_wait3A_71 : memref<1x128xi32, #tpu.memory_space<vmem>> -> memref<128xi32, #tpu.memory_space<vmem>>
          %dma_wait3A_73 = arith.constant 0 : i32
          %dma_wait3A_74 = arith.constant 0 : i32
          %dma_wait3A_75 = tpu.memref_slice %arg16[%dma_wait3A_73, %dma_wait3A_74] : memref<5248x128xf32, #tpu.memory_space<vmem_shared>> -> memref<5248x128xf32, #tpu.memory_space<vmem_shared>>
          tpu.wait_indirect_dma semaphore(%run_scoped3A_64 : memref<!tpu.dma_semaphore, #tpu.memory_space<semaphore_mem>>) src(%arg13 : memref<128x128xf32, #tpu.memory_space<vmem>>) dst(%dma_wait3A_75 : memref<5248x128xf32, #tpu.memory_space<vmem_shared>>)
          tpu.yield
        }) : () -> ()
      } else {
      }
      %mul3A_44 = arith.constant 2 : i32
      %mul3A_45 = arith.muli %mul3A_44, %while3A_38 : i32
      %add3A_46 = arith.constant 1 : i32
      %add3A_47 = arith.addi %mul3A_45, %add3A_46 : i32
      %lt3A_48 = arith.cmpi slt, %add3A_47, %div3A_17 : i32
      %convert_element_type3A_49 = arith.extui %lt3A_48 : i1 to i32
      %cond3A_50 = arith.constant 0 : i32
      %cond3A_51 = arith.cmpi ne, %convert_element_type3A_49, %cond3A_50 : i32
      scf.if %cond3A_51 {
        %dma_wait3A = arith.constant 0 : i32
        %dma_wait3A_52 = arith.constant 0 : i32
        %dma_wait3A_53 = tpu.memref_slice %arg10[%dma_wait3A, %dma_wait3A_52] : memref<1x128xi32, #tpu.memory_space<vmem>> -> memref<1x128xi32, #tpu.memory_space<vmem>>
        %dma_wait3A_54 = tpu.memref_squeeze %dma_wait3A_53 : memref<1x128xi32, #tpu.memory_space<vmem>> -> memref<128xi32, #tpu.memory_space<vmem>>
        %dma_wait3A_55 = arith.constant 0 : i32
        %dma_wait3A_56 = arith.constant 0 : i32
        %dma_wait3A_57 = tpu.memref_slice %arg2[%dma_wait3A_55, %dma_wait3A_56] : memref<10000x128xf32, #tpu.memory_space<hbm>> -> memref<10000x128xf32, #tpu.memory_space<hbm>>
        tpu.wait_indirect_dma semaphore(%arg18 : memref<!tpu.dma_semaphore, #tpu.memory_space<semaphore_mem>>) src(%dma_wait3A_57 : memref<10000x128xf32, #tpu.memory_space<hbm>>) dst(%arg14 : memref<128x128xf32, #tpu.memory_space<vmem>>)
        %add3A_58 = arith.constant 1 : i32
        %add3A_59 = arith.addi %add3A_47, %add3A_58 : i32
        %lt3A_60 = arith.cmpi slt, %add3A_59, %div3A_17 : i32
        %convert_element_type3A_61 = arith.extui %lt3A_60 : i1 to i32
        %cond3A_62 = arith.constant 0 : i32
        %cond3A_63 = arith.cmpi ne, %convert_element_type3A_61, %cond3A_62 : i32
        scf.if %cond3A_63 {
          %add3A_64 = arith.constant 1 : i32
          %add3A_65 = arith.addi %add3A_47, %add3A_64 : i32
          %mul3A_66 = arith.constant 128 : i32
          %mul3A_67 = arith.muli %add3A_65, %mul3A_66 : i32
          %add3A_68 = arith.addi %mul3A_4, %mul3A_67 : i32
          %multiple_of3A = tpu.assume_multiple %add3A_68, 128 : i32
          "tpu.region"() ({
            %run_scoped3A_200 = tpu.sem_alloc : memref<!tpu.dma_semaphore, #tpu.memory_space<semaphore_mem>>
            %dma_start3A_201 = tpu.memref_slice %arg3[%multiple_of3A] : memref<10485760xi32, #tpu.memory_space<hbm>> -> memref<128xi32, #tpu.memory_space<hbm>>
            %dma_start3A_202 = tpu.memref_slice %arg3[%multiple_of3A] : memref<10485760xi32, #tpu.memory_space<hbm>> -> memref<128xi32, #tpu.memory_space<hbm>>
            tpu.enqueue_dma source(%dma_start3A_202 : memref<128xi32, #tpu.memory_space<hbm>>) target(%arg7 : memref<128xi32, #tpu.memory_space<vmem>>) target_semaphore(%run_scoped3A_200 : memref<!tpu.dma_semaphore, #tpu.memory_space<semaphore_mem>>)
            %dma_wait3A_203 = tpu.memref_slice %arg3[%multiple_of3A] : memref<10485760xi32, #tpu.memory_space<hbm>> -> memref<128xi32, #tpu.memory_space<hbm>>
            %dma_wait3A_204 = tpu.memref_slice %arg3[%multiple_of3A] : memref<10485760xi32, #tpu.memory_space<hbm>> -> memref<128xi32, #tpu.memory_space<hbm>>
            tpu.wait_dma2 semaphore(%run_scoped3A_200 : memref<!tpu.dma_semaphore, #tpu.memory_space<semaphore_mem>>) src(%dma_wait3A_204 : memref<128xi32, #tpu.memory_space<hbm>>) dst(%arg7 : memref<128xi32, #tpu.memory_space<vmem>>)
            tpu.yield
          }) : () -> ()
          %get3A_69 = arith.constant 0 : index
          %get3A_70 = tpu.vector_load %arg7[%get3A_69] {strides = array<i32>} : memref<128xi32, #tpu.memory_space<vmem>>, vector<16xi32>,
          %shift_right_arithmetic3A = arith.constant 13 : i32
          %shift_right_arithmetic3A_71 = vector.broadcast %shift_right_arithmetic3A : i32 to vector<16xi32>
          %shift_right_arithmetic3A_72 = arith.shrsi %get3A_70, %shift_right_arithmetic3A_71 : vector<16xi32>
          %swap3A = arith.constant 0 : i32
          %swap3A_73 = arith.index_cast %swap3A : i32 to index
          %swap3A_74 = arith.constant 0 : index
          %swap3A_75 = tpu.vector_load %arg9[%swap3A_73, %swap3A_74] {strides = array<i32>} : memref<1x128xi32, #tpu.memory_space<vmem>>, vector<16xi32>,
          tpu.vector_store %arg9[%swap3A_73, %swap3A_74], %shift_right_arithmetic3A_72 {strides = array<i32>} : memref<1x128xi32, #tpu.memory_space<vmem>>, vector<16xi32>,
          %and3A = arith.constant 8191 : i32
          %and3A_76 = vector.broadcast %and3A : i32 to vector<16xi32>
          %and3A_77 = arith.andi %get3A_70, %and3A_76 : vector<16xi32>
          %swap3A_78 = arith.constant 0 : i32
          %swap3A_79 = arith.index_cast %swap3A_78 : i32 to index
          %swap3A_80 = arith.constant 0 : index
          %swap3A_81 = tpu.vector_load %arg11[%swap3A_79, %swap3A_80] {strides = array<i32>} : memref<1x128xi32, #tpu.memory_space<vmem>>, vector<16xi32>,
          tpu.vector_store %arg11[%swap3A_79, %swap3A_80], %and3A_77 {strides = array<i32>} : memref<1x128xi32, #tpu.memory_space<vmem>>, vector<16xi32>,
          %get3A_82 = arith.constant 16 : index
          %get3A_83 = tpu.vector_load %arg7[%get3A_82] {strides = array<i32>} : memref<128xi32, #tpu.memory_space<vmem>>, vector<16xi32>,
          %shift_right_arithmetic3A_84 = arith.constant 13 : i32
          %shift_right_arithmetic3A_85 = vector.broadcast %shift_right_arithmetic3A_84 : i32 to vector<16xi32>
          %shift_right_arithmetic3A_86 = arith.shrsi %get3A_83, %shift_right_arithmetic3A_85 : vector<16xi32>
          %swap3A_87 = arith.constant 0 : i32
          %swap3A_88 = arith.index_cast %swap3A_87 : i32 to index
          %swap3A_89 = arith.constant 16 : index
          %swap3A_90 = tpu.vector_load %arg9[%swap3A_88, %swap3A_89] {strides = array<i32>} : memref<1x128xi32, #tpu.memory_space<vmem>>, vector<16xi32>,
          tpu.vector_store %arg9[%swap3A_88, %swap3A_89], %shift_right_arithmetic3A_86 {strides = array<i32>} : memref<1x128xi32, #tpu.memory_space<vmem>>, vector<16xi32>,
          %and3A_91 = arith.constant 8191 : i32
          %and3A_92 = vector.broadcast %and3A_91 : i32 to vector<16xi32>
          %and3A_93 = arith.andi %get3A_83, %and3A_92 : vector<16xi32>
          %swap3A_94 = arith.constant 0 : i32
          %swap3A_95 = arith.index_cast %swap3A_94 : i32 to index
          %swap3A_96 = arith.constant 16 : index
          %swap3A_97 = tpu.vector_load %arg11[%swap3A_95, %swap3A_96] {strides = array<i32>} : memref<1x128xi32, #tpu.memory_space<vmem>>, vector<16xi32>,
          tpu.vector_store %arg11[%swap3A_95, %swap3A_96], %and3A_93 {strides = array<i32>} : memref<1x128xi32, #tpu.memory_space<vmem>>, vector<16xi32>,
          %get3A_98 = arith.constant 32 : index
          %get3A_99 = tpu.vector_load %arg7[%get3A_98] {strides = array<i32>} : memref<128xi32, #tpu.memory_space<vmem>>, vector<16xi32>,
          %shift_right_arithmetic3A_100 = arith.constant 13 : i32
          %shift_right_arithmetic3A_101 = vector.broadcast %shift_right_arithmetic3A_100 : i32 to vector<16xi32>
          %shift_right_arithmetic3A_102 = arith.shrsi %get3A_99, %shift_right_arithmetic3A_101 : vector<16xi32>
          %swap3A_103 = arith.constant 0 : i32
          %swap3A_104 = arith.index_cast %swap3A_103 : i32 to index
          %swap3A_105 = arith.constant 32 : index
          %swap3A_106 = tpu.vector_load %arg9[%swap3A_104, %swap3A_105] {strides = array<i32>} : memref<1x128xi32, #tpu.memory_space<vmem>>, vector<16xi32>,
          tpu.vector_store %arg9[%swap3A_104, %swap3A_105], %shift_right_arithmetic3A_102 {strides = array<i32>} : memref<1x128xi32, #tpu.memory_space<vmem>>, vector<16xi32>,
          %and3A_107 = arith.constant 8191 : i32
          %and3A_108 = vector.broadcast %and3A_107 : i32 to vector<16xi32>
          %and3A_109 = arith.andi %get3A_99, %and3A_108 : vector<16xi32>
          %swap3A_110 = arith.constant 0 : i32
          %swap3A_111 = arith.index_cast %swap3A_110 : i32 to index
          %swap3A_112 = arith.constant 32 : index
          %swap3A_113 = tpu.vector_load %arg11[%swap3A_111, %swap3A_112] {strides = array<i32>} : memref<1x128xi32, #tpu.memory_space<vmem>>, vector<16xi32>,
          tpu.vector_store %arg11[%swap3A_111, %swap3A_112], %and3A_109 {strides = array<i32>} : memref<1x128xi32, #tpu.memory_space<vmem>>, vector<16xi32>,
          %get3A_114 = arith.constant 48 : index
          %get3A_115 = tpu.vector_load %arg7[%get3A_114] {strides = array<i32>} : memref<128xi32, #tpu.memory_space<vmem>>, vector<16xi32>,
          %shift_right_arithmetic3A_116 = arith.constant 13 : i32
          %shift_right_arithmetic3A_117 = vector.broadcast %shift_right_arithmetic3A_116 : i32 to vector<16xi32>
          %shift_right_arithmetic3A_118 = arith.shrsi %get3A_115, %shift_right_arithmetic3A_117 : vector<16xi32>
          %swap3A_119 = arith.constant 0 : i32
          %swap3A_120 = arith.index_cast %swap3A_119 : i32 to index
          %swap3A_121 = arith.constant 48 : index
          %swap3A_122 = tpu.vector_load %arg9[%swap3A_120, %swap3A_121] {strides = array<i32>} : memref<1x128xi32, #tpu.memory_space<vmem>>, vector<16xi32>,
          tpu.vector_store %arg9[%swap3A_120, %swap3A_121], %shift_right_arithmetic3A_118 {strides = array<i32>} : memref<1x128xi32, #tpu.memory_space<vmem>>, vector<16xi32>,
          %and3A_123 = arith.constant 8191 : i32
          %and3A_124 = vector.broadcast %and3A_123 : i32 to vector<16xi32>
          %and3A_125 = arith.andi %get3A_115, %and3A_124 : vector<16xi32>
          %swap3A_126 = arith.constant 0 : i32
          %swap3A_127 = arith.index_cast %swap3A_126 : i32 to index
          %swap3A_128 = arith.constant 48 : index
          %swap3A_129 = tpu.vector_load %arg11[%swap3A_127, %swap3A_128] {strides = array<i32>} : memref<1x128xi32, #tpu.memory_space<vmem>>, vector<16xi32>,
          tpu.vector_store %arg11[%swap3A_127, %swap3A_128], %and3A_125 {strides = array<i32>} : memref<1x128xi32, #tpu.memory_space<vmem>>, vector<16xi32>,
          %get3A_130 = arith.constant 64 : index
          %get3A_131 = tpu.vector_load %arg7[%get3A_130] {strides = array<i32>} : memref<128xi32, #tpu.memory_space<vmem>>, vector<16xi32>,
          %shift_right_arithmetic3A_132 = arith.constant 13 : i32
          %shift_right_arithmetic3A_133 = vector.broadcast %shift_right_arithmetic3A_132 : i32 to vector<16xi32>
          %shift_right_arithmetic3A_134 = arith.shrsi %get3A_131, %shift_right_arithmetic3A_133 : vector<16xi32>
          %swap3A_135 = arith.constant 0 : i32
          %swap3A_136 = arith.index_cast %swap3A_135 : i32 to index
          %swap3A_137 = arith.constant 64 : index
          %swap3A_138 = tpu.vector_load %arg9[%swap3A_136, %swap3A_137] {strides = array<i32>} : memref<1x128xi32, #tpu.memory_space<vmem>>, vector<16xi32>,
          tpu.vector_store %arg9[%swap3A_136, %swap3A_137], %shift_right_arithmetic3A_134 {strides = array<i32>} : memref<1x128xi32, #tpu.memory_space<vmem>>, vector<16xi32>,
          %and3A_139 = arith.constant 8191 : i32
          %and3A_140 = vector.broadcast %and3A_139 : i32 to vector<16xi32>
          %and3A_141 = arith.andi %get3A_131, %and3A_140 : vector<16xi32>
          %swap3A_142 = arith.constant 0 : i32
          %swap3A_143 = arith.index_cast %swap3A_142 : i32 to index
          %swap3A_144 = arith.constant 64 : index
          %swap3A_145 = tpu.vector_load %arg11[%swap3A_143, %swap3A_144] {strides = array<i32>} : memref<1x128xi32, #tpu.memory_space<vmem>>, vector<16xi32>,
          tpu.vector_store %arg11[%swap3A_143, %swap3A_144], %and3A_141 {strides = array<i32>} : memref<1x128xi32, #tpu.memory_space<vmem>>, vector<16xi32>,
          %get3A_146 = arith.constant 80 : index
          %get3A_147 = tpu.vector_load %arg7[%get3A_146] {strides = array<i32>} : memref<128xi32, #tpu.memory_space<vmem>>, vector<16xi32>,
          %shift_right_arithmetic3A_148 = arith.constant 13 : i32
          %shift_right_arithmetic3A_149 = vector.broadcast %shift_right_arithmetic3A_148 : i32 to vector<16xi32>
          %shift_right_arithmetic3A_150 = arith.shrsi %get3A_147, %shift_right_arithmetic3A_149 : vector<16xi32>
          %swap3A_151 = arith.constant 0 : i32
          %swap3A_152 = arith.index_cast %swap3A_151 : i32 to index
          %swap3A_153 = arith.constant 80 : index
          %swap3A_154 = tpu.vector_load %arg9[%swap3A_152, %swap3A_153] {strides = array<i32>} : memref<1x128xi32, #tpu.memory_space<vmem>>, vector<16xi32>,
          tpu.vector_store %arg9[%swap3A_152, %swap3A_153], %shift_right_arithmetic3A_150 {strides = array<i32>} : memref<1x128xi32, #tpu.memory_space<vmem>>, vector<16xi32>,
          %and3A_155 = arith.constant 8191 : i32
          %and3A_156 = vector.broadcast %and3A_155 : i32 to vector<16xi32>
          %and3A_157 = arith.andi %get3A_147, %and3A_156 : vector<16xi32>
          %swap3A_158 = arith.constant 0 : i32
          %swap3A_159 = arith.index_cast %swap3A_158 : i32 to index
          %swap3A_160 = arith.constant 80 : index
          %swap3A_161 = tpu.vector_load %arg11[%swap3A_159, %swap3A_160] {strides = array<i32>} : memref<1x128xi32, #tpu.memory_space<vmem>>, vector<16xi32>,
          tpu.vector_store %arg11[%swap3A_159, %swap3A_160], %and3A_157 {strides = array<i32>} : memref<1x128xi32, #tpu.memory_space<vmem>>, vector<16xi32>,
          %get3A_162 = arith.constant 96 : index
          %get3A_163 = tpu.vector_load %arg7[%get3A_162] {strides = array<i32>} : memref<128xi32, #tpu.memory_space<vmem>>, vector<16xi32>,
          %shift_right_arithmetic3A_164 = arith.constant 13 : i32
          %shift_right_arithmetic3A_165 = vector.broadcast %shift_right_arithmetic3A_164 : i32 to vector<16xi32>
          %shift_right_arithmetic3A_166 = arith.shrsi %get3A_163, %shift_right_arithmetic3A_165 : vector<16xi32>
          %swap3A_167 = arith.constant 0 : i32
          %swap3A_168 = arith.index_cast %swap3A_167 : i32 to index
          %swap3A_169 = arith.constant 96 : index
          %swap3A_170 = tpu.vector_load %arg9[%swap3A_168, %swap3A_169] {strides = array<i32>} : memref<1x128xi32, #tpu.memory_space<vmem>>, vector<16xi32>,
          tpu.vector_store %arg9[%swap3A_168, %swap3A_169], %shift_right_arithmetic3A_166 {strides = array<i32>} : memref<1x128xi32, #tpu.memory_space<vmem>>, vector<16xi32>,
          %and3A_171 = arith.constant 8191 : i32
          %and3A_172 = vector.broadcast %and3A_171 : i32 to vector<16xi32>
          %and3A_173 = arith.andi %get3A_163, %and3A_172 : vector<16xi32>
          %swap3A_174 = arith.constant 0 : i32
          %swap3A_175 = arith.index_cast %swap3A_174 : i32 to index
          %swap3A_176 = arith.constant 96 : index
          %swap3A_177 = tpu.vector_load %arg11[%swap3A_175, %swap3A_176] {strides = array<i32>} : memref<1x128xi32, #tpu.memory_space<vmem>>, vector<16xi32>,
          tpu.vector_store %arg11[%swap3A_175, %swap3A_176], %and3A_173 {strides = array<i32>} : memref<1x128xi32, #tpu.memory_space<vmem>>, vector<16xi32>,
          %get3A_178 = arith.constant 112 : index
          %get3A_179 = tpu.vector_load %arg7[%get3A_178] {strides = array<i32>} : memref<128xi32, #tpu.memory_space<vmem>>, vector<16xi32>,
          %shift_right_arithmetic3A_180 = arith.constant 13 : i32
          %shift_right_arithmetic3A_181 = vector.broadcast %shift_right_arithmetic3A_180 : i32 to vector<16xi32>
          %shift_right_arithmetic3A_182 = arith.shrsi %get3A_179, %shift_right_arithmetic3A_181 : vector<16xi32>
          %swap3A_183 = arith.constant 0 : i32
          %swap3A_184 = arith.index_cast %swap3A_183 : i32 to index
          %swap3A_185 = arith.constant 112 : index
          %swap3A_186 = tpu.vector_load %arg9[%swap3A_184, %swap3A_185] {strides = array<i32>} : memref<1x128xi32, #tpu.memory_space<vmem>>, vector<16xi32>,
          tpu.vector_store %arg9[%swap3A_184, %swap3A_185], %shift_right_arithmetic3A_182 {strides = array<i32>} : memref<1x128xi32, #tpu.memory_space<vmem>>, vector<16xi32>,
          %and3A_187 = arith.constant 8191 : i32
          %and3A_188 = vector.broadcast %and3A_187 : i32 to vector<16xi32>
          %and3A_189 = arith.andi %get3A_179, %and3A_188 : vector<16xi32>
          %swap3A_190 = arith.constant 0 : i32
          %swap3A_191 = arith.index_cast %swap3A_190 : i32 to index
          %swap3A_192 = arith.constant 112 : index
          %swap3A_193 = tpu.vector_load %arg11[%swap3A_191, %swap3A_192] {strides = array<i32>} : memref<1x128xi32, #tpu.memory_space<vmem>>, vector<16xi32>,
          tpu.vector_store %arg11[%swap3A_191, %swap3A_192], %and3A_189 {strides = array<i32>} : memref<1x128xi32, #tpu.memory_space<vmem>>, vector<16xi32>,
          %dma_start3A = arith.constant 0 : i32
          %dma_start3A_194 = arith.constant 0 : i32
          %dma_start3A_195 = tpu.memref_slice %arg9[%dma_start3A, %dma_start3A_194] : memref<1x128xi32, #tpu.memory_space<vmem>> -> memref<1x128xi32, #tpu.memory_space<vmem>>
          %dma_start3A_196 = tpu.memref_squeeze %dma_start3A_195 : memref<1x128xi32, #tpu.memory_space<vmem>> -> memref<128xi32, #tpu.memory_space<vmem>>
          %dma_start3A_197 = arith.constant 0 : i32
          %dma_start3A_198 = arith.constant 0 : i32
          %dma_start3A_199 = tpu.memref_slice %arg2[%dma_start3A_197, %dma_start3A_198] : memref<10000x128xf32, #tpu.memory_space<hbm>> -> memref<10000x128xf32, #tpu.memory_space<hbm>>
          tpu.enqueue_indirect_dma source(%dma_start3A_199 : memref<10000x128xf32, #tpu.memory_space<hbm>>) target(%arg13 : memref<128x128xf32, #tpu.memory_space<vmem>>) offsets(%dma_start3A_196 : memref<128xi32, #tpu.memory_space<vmem>>) semaphore(%arg17 : memref<!tpu.dma_semaphore, #tpu.memory_space<semaphore_mem>>)
        } else {
        }
        %run_scoped3A = arith.constant 0 : i32
        "tpu.region"() ({
          %run_scoped3A_64 = tpu.sem_alloc : memref<!tpu.dma_semaphore, #tpu.memory_space<semaphore_mem>>
          %dma_start3A = arith.constant 0 : i32
          %dma_start3A_65 = tpu.memref_slice %arg12[%run_scoped3A, %dma_start3A] : memref<1x128xi32, #tpu.memory_space<vmem>> -> memref<1x128xi32, #tpu.memory_space<vmem>>
          %dma_start3A_66 = tpu.memref_squeeze %dma_start3A_65 : memref<1x128xi32, #tpu.memory_space<vmem>> -> memref<128xi32, #tpu.memory_space<vmem>>
          %dma_start3A_67 = arith.constant 0 : i32
          %dma_start3A_68 = arith.constant 0 : i32
          %dma_start3A_69 = tpu.memref_slice %arg16[%dma_start3A_67, %dma_start3A_68] : memref<5248x128xf32, #tpu.memory_space<vmem_shared>> -> memref<5248x128xf32, #tpu.memory_space<vmem_shared>>
          tpu.enqueue_indirect_dma source(%arg14 : memref<128x128xf32, #tpu.memory_space<vmem>>) target(%dma_start3A_69 : memref<5248x128xf32, #tpu.memory_space<vmem_shared>>) offsets(%dma_start3A_66 : memref<128xi32, #tpu.memory_space<vmem>>) semaphore(%run_scoped3A_64 : memref<!tpu.dma_semaphore, #tpu.memory_space<semaphore_mem>>) {add = true}
          %dma_wait3A_70 = arith.constant 0 : i32
          %dma_wait3A_71 = tpu.memref_slice %arg12[%run_scoped3A, %dma_wait3A_70] : memref<1x128xi32, #tpu.memory_space<vmem>> -> memref<1x128xi32, #tpu.memory_space<vmem>>
          %dma_wait3A_72 = tpu.memref_squeeze %dma_wait3A_71 : memref<1x128xi32, #tpu.memory_space<vmem>> -> memref<128xi32, #tpu.memory_space<vmem>>
          %dma_wait3A_73 = arith.constant 0 : i32
          %dma_wait3A_74 = arith.constant 0 : i32
          %dma_wait3A_75 = tpu.memref_slice %arg16[%dma_wait3A_73, %dma_wait3A_74] : memref<5248x128xf32, #tpu.memory_space<vmem_shared>> -> memref<5248x128xf32, #tpu.memory_space<vmem_shared>>
          tpu.wait_indirect_dma semaphore(%run_scoped3A_64 : memref<!tpu.dma_semaphore, #tpu.memory_space<semaphore_mem>>) src(%arg14 : memref<128x128xf32, #tpu.memory_space<vmem>>) dst(%dma_wait3A_75 : memref<5248x128xf32, #tpu.memory_space<vmem_shared>>)
          tpu.yield
        }) : () -> ()
      } else {
      }
    }
    %while3A_32 = arith.constant 1 : i32
    scf.for %while3A_38 = %while3A_30 to %while3A_26 step %while3A_32  : i32 {
      %mul3A_39 = arith.constant 2 : i32
      %mul3A_40 = arith.muli %mul3A_39, %while3A_38 : i32
      %lt3A = arith.cmpi slt, %mul3A_40, %div3A_17 : i32
      %convert_element_type3A_41 = arith.extui %lt3A : i1 to i32
      %cond3A_42 = arith.constant 0 : i32
      %cond3A_43 = arith.cmpi ne, %convert_element_type3A_41, %cond3A_42 : i32
      scf.if %cond3A_43 {
        %dma_wait3A = arith.constant 0 : i32
        %dma_wait3A_52 = arith.constant 0 : i32
        %dma_wait3A_53 = tpu.memref_slice %arg9[%dma_wait3A, %dma_wait3A_52] : memref<1x128xi32, #tpu.memory_space<vmem>> -> memref<1x128xi32, #tpu.memory_space<vmem>>
        %dma_wait3A_54 = tpu.memref_squeeze %dma_wait3A_53 : memref<1x128xi32, #tpu.memory_space<vmem>> -> memref<128xi32, #tpu.memory_space<vmem>>
        %dma_wait3A_55 = arith.constant 0 : i32
        %dma_wait3A_56 = arith.constant 0 : i32
        %dma_wait3A_57 = tpu.memref_slice %arg2[%dma_wait3A_55, %dma_wait3A_56] : memref<10000x128xf32, #tpu.memory_space<hbm>> -> memref<10000x128xf32, #tpu.memory_space<hbm>>
        tpu.wait_indirect_dma semaphore(%arg17 : memref<!tpu.dma_semaphore, #tpu.memory_space<semaphore_mem>>) src(%dma_wait3A_57 : memref<10000x128xf32, #tpu.memory_space<hbm>>) dst(%arg13 : memref<128x128xf32, #tpu.memory_space<vmem>>)
        %add3A_58 = arith.constant 1 : i32
        %add3A_59 = arith.addi %mul3A_40, %add3A_58 : i32
        %lt3A_60 = arith.cmpi slt, %add3A_59, %div3A_17 : i32
        %convert_element_type3A_61 = arith.extui %lt3A_60 : i1 to i32
        %cond3A_62 = arith.constant 0 : i32
        %cond3A_63 = arith.cmpi ne, %convert_element_type3A_61, %cond3A_62 : i32
        scf.if %cond3A_63 {
          %add3A_64 = arith.constant 1 : i32
          %add3A_65 = arith.addi %mul3A_40, %add3A_64 : i32
          %mul3A_66 = arith.constant 128 : i32
          %mul3A_67 = arith.muli %add3A_65, %mul3A_66 : i32
          %add3A_68 = arith.addi %mul3A_4, %mul3A_67 : i32
          %multiple_of3A = tpu.assume_multiple %add3A_68, 128 : i32
          "tpu.region"() ({
            %run_scoped3A_200 = tpu.sem_alloc : memref<!tpu.dma_semaphore, #tpu.memory_space<semaphore_mem>>
            %dma_start3A_201 = tpu.memref_slice %arg3[%multiple_of3A] : memref<10485760xi32, #tpu.memory_space<hbm>> -> memref<128xi32, #tpu.memory_space<hbm>>
            %dma_start3A_202 = tpu.memref_slice %arg3[%multiple_of3A] : memref<10485760xi32, #tpu.memory_space<hbm>> -> memref<128xi32, #tpu.memory_space<hbm>>
            tpu.enqueue_dma source(%dma_start3A_202 : memref<128xi32, #tpu.memory_space<hbm>>) target(%arg8 : memref<128xi32, #tpu.memory_space<vmem>>) target_semaphore(%run_scoped3A_200 : memref<!tpu.dma_semaphore, #tpu.memory_space<semaphore_mem>>)
            %dma_wait3A_203 = tpu.memref_slice %arg3[%multiple_of3A] : memref<10485760xi32, #tpu.memory_space<hbm>> -> memref<128xi32, #tpu.memory_space<hbm>>
            %dma_wait3A_204 = tpu.memref_slice %arg3[%multiple_of3A] : memref<10485760xi32, #tpu.memory_space<hbm>> -> memref<128xi32, #tpu.memory_space<hbm>>
            tpu.wait_dma2 semaphore(%run_scoped3A_200 : memref<!tpu.dma_semaphore, #tpu.memory_space<semaphore_mem>>) src(%dma_wait3A_204 : memref<128xi32, #tpu.memory_space<hbm>>) dst(%arg8 : memref<128xi32, #tpu.memory_space<vmem>>)
            tpu.yield
          }) : () -> ()
          %get3A_69 = arith.constant 0 : index
          %get3A_70 = tpu.vector_load %arg8[%get3A_69] {strides = array<i32>} : memref<128xi32, #tpu.memory_space<vmem>>, vector<16xi32>,
          %shift_right_arithmetic3A = arith.constant 13 : i32
          %shift_right_arithmetic3A_71 = vector.broadcast %shift_right_arithmetic3A : i32 to vector<16xi32>
          %shift_right_arithmetic3A_72 = arith.shrsi %get3A_70, %shift_right_arithmetic3A_71 : vector<16xi32>
          %swap3A = arith.constant 0 : i32
          %swap3A_73 = arith.index_cast %swap3A : i32 to index
          %swap3A_74 = arith.constant 0 : index
          %swap3A_75 = tpu.vector_load %arg10[%swap3A_73, %swap3A_74] {strides = array<i32>} : memref<1x128xi32, #tpu.memory_space<vmem>>, vector<16xi32>,
          tpu.vector_store %arg10[%swap3A_73, %swap3A_74], %shift_right_arithmetic3A_72 {strides = array<i32>} : memref<1x128xi32, #tpu.memory_space<vmem>>, vector<16xi32>,
          %and3A = arith.constant 8191 : i32
          %and3A_76 = vector.broadcast %and3A : i32 to vector<16xi32>
          %and3A_77 = arith.andi %get3A_70, %and3A_76 : vector<16xi32>
          %swap3A_78 = arith.constant 0 : i32
          %swap3A_79 = arith.index_cast %swap3A_78 : i32 to index
          %swap3A_80 = arith.constant 0 : index
          %swap3A_81 = tpu.vector_load %arg12[%swap3A_79, %swap3A_80] {strides = array<i32>} : memref<1x128xi32, #tpu.memory_space<vmem>>, vector<16xi32>,
          tpu.vector_store %arg12[%swap3A_79, %swap3A_80], %and3A_77 {strides = array<i32>} : memref<1x128xi32, #tpu.memory_space<vmem>>, vector<16xi32>,
          %get3A_82 = arith.constant 16 : index
          %get3A_83 = tpu.vector_load %arg8[%get3A_82] {strides = array<i32>} : memref<128xi32, #tpu.memory_space<vmem>>, vector<16xi32>,
          %shift_right_arithmetic3A_84 = arith.constant 13 : i32
          %shift_right_arithmetic3A_85 = vector.broadcast %shift_right_arithmetic3A_84 : i32 to vector<16xi32>
          %shift_right_arithmetic3A_86 = arith.shrsi %get3A_83, %shift_right_arithmetic3A_85 : vector<16xi32>
          %swap3A_87 = arith.constant 0 : i32
          %swap3A_88 = arith.index_cast %swap3A_87 : i32 to index
          %swap3A_89 = arith.constant 16 : index
          %swap3A_90 = tpu.vector_load %arg10[%swap3A_88, %swap3A_89] {strides = array<i32>} : memref<1x128xi32, #tpu.memory_space<vmem>>, vector<16xi32>,
          tpu.vector_store %arg10[%swap3A_88, %swap3A_89], %shift_right_arithmetic3A_86 {strides = array<i32>} : memref<1x128xi32, #tpu.memory_space<vmem>>, vector<16xi32>,
          %and3A_91 = arith.constant 8191 : i32
          %and3A_92 = vector.broadcast %and3A_91 : i32 to vector<16xi32>
          %and3A_93 = arith.andi %get3A_83, %and3A_92 : vector<16xi32>
          %swap3A_94 = arith.constant 0 : i32
          %swap3A_95 = arith.index_cast %swap3A_94 : i32 to index
          %swap3A_96 = arith.constant 16 : index
          %swap3A_97 = tpu.vector_load %arg12[%swap3A_95, %swap3A_96] {strides = array<i32>} : memref<1x128xi32, #tpu.memory_space<vmem>>, vector<16xi32>,
          tpu.vector_store %arg12[%swap3A_95, %swap3A_96], %and3A_93 {strides = array<i32>} : memref<1x128xi32, #tpu.memory_space<vmem>>, vector<16xi32>,
          %get3A_98 = arith.constant 32 : index
          %get3A_99 = tpu.vector_load %arg8[%get3A_98] {strides = array<i32>} : memref<128xi32, #tpu.memory_space<vmem>>, vector<16xi32>,
          %shift_right_arithmetic3A_100 = arith.constant 13 : i32
          %shift_right_arithmetic3A_101 = vector.broadcast %shift_right_arithmetic3A_100 : i32 to vector<16xi32>
          %shift_right_arithmetic3A_102 = arith.shrsi %get3A_99, %shift_right_arithmetic3A_101 : vector<16xi32>
          %swap3A_103 = arith.constant 0 : i32
          %swap3A_104 = arith.index_cast %swap3A_103 : i32 to index
          %swap3A_105 = arith.constant 32 : index
          %swap3A_106 = tpu.vector_load %arg10[%swap3A_104, %swap3A_105] {strides = array<i32>} : memref<1x128xi32, #tpu.memory_space<vmem>>, vector<16xi32>,
          tpu.vector_store %arg10[%swap3A_104, %swap3A_105], %shift_right_arithmetic3A_102 {strides = array<i32>} : memref<1x128xi32, #tpu.memory_space<vmem>>, vector<16xi32>,
          %and3A_107 = arith.constant 8191 : i32
          %and3A_108 = vector.broadcast %and3A_107 : i32 to vector<16xi32>
          %and3A_109 = arith.andi %get3A_99, %and3A_108 : vector<16xi32>
          %swap3A_110 = arith.constant 0 : i32
          %swap3A_111 = arith.index_cast %swap3A_110 : i32 to index
          %swap3A_112 = arith.constant 32 : index
          %swap3A_113 = tpu.vector_load %arg12[%swap3A_111, %swap3A_112] {strides = array<i32>} : memref<1x128xi32, #tpu.memory_space<vmem>>, vector<16xi32>,
          tpu.vector_store %arg12[%swap3A_111, %swap3A_112], %and3A_109 {strides = array<i32>} : memref<1x128xi32, #tpu.memory_space<vmem>>, vector<16xi32>,
          %get3A_114 = arith.constant 48 : index
          %get3A_115 = tpu.vector_load %arg8[%get3A_114] {strides = array<i32>} : memref<128xi32, #tpu.memory_space<vmem>>, vector<16xi32>,
          %shift_right_arithmetic3A_116 = arith.constant 13 : i32
          %shift_right_arithmetic3A_117 = vector.broadcast %shift_right_arithmetic3A_116 : i32 to vector<16xi32>
          %shift_right_arithmetic3A_118 = arith.shrsi %get3A_115, %shift_right_arithmetic3A_117 : vector<16xi32>
          %swap3A_119 = arith.constant 0 : i32
          %swap3A_120 = arith.index_cast %swap3A_119 : i32 to index
          %swap3A_121 = arith.constant 48 : index
          %swap3A_122 = tpu.vector_load %arg10[%swap3A_120, %swap3A_121] {strides = array<i32>} : memref<1x128xi32, #tpu.memory_space<vmem>>, vector<16xi32>,
          tpu.vector_store %arg10[%swap3A_120, %swap3A_121], %shift_right_arithmetic3A_118 {strides = array<i32>} : memref<1x128xi32, #tpu.memory_space<vmem>>, vector<16xi32>,
          %and3A_123 = arith.constant 8191 : i32
          %and3A_124 = vector.broadcast %and3A_123 : i32 to vector<16xi32>
          %and3A_125 = arith.andi %get3A_115, %and3A_124 : vector<16xi32>
          %swap3A_126 = arith.constant 0 : i32
          %swap3A_127 = arith.index_cast %swap3A_126 : i32 to index
          %swap3A_128 = arith.constant 48 : index
          %swap3A_129 = tpu.vector_load %arg12[%swap3A_127, %swap3A_128] {strides = array<i32>} : memref<1x128xi32, #tpu.memory_space<vmem>>, vector<16xi32>,
          tpu.vector_store %arg12[%swap3A_127, %swap3A_128], %and3A_125 {strides = array<i32>} : memref<1x128xi32, #tpu.memory_space<vmem>>, vector<16xi32>,
          %get3A_130 = arith.constant 64 : index
          %get3A_131 = tpu.vector_load %arg8[%get3A_130] {strides = array<i32>} : memref<128xi32, #tpu.memory_space<vmem>>, vector<16xi32>,
          %shift_right_arithmetic3A_132 = arith.constant 13 : i32
          %shift_right_arithmetic3A_133 = vector.broadcast %shift_right_arithmetic3A_132 : i32 to vector<16xi32>
          %shift_right_arithmetic3A_134 = arith.shrsi %get3A_131, %shift_right_arithmetic3A_133 : vector<16xi32>
          %swap3A_135 = arith.constant 0 : i32
          %swap3A_136 = arith.index_cast %swap3A_135 : i32 to index
          %swap3A_137 = arith.constant 64 : index
          %swap3A_138 = tpu.vector_load %arg10[%swap3A_136, %swap3A_137] {strides = array<i32>} : memref<1x128xi32, #tpu.memory_space<vmem>>, vector<16xi32>,
          tpu.vector_store %arg10[%swap3A_136, %swap3A_137], %shift_right_arithmetic3A_134 {strides = array<i32>} : memref<1x128xi32, #tpu.memory_space<vmem>>, vector<16xi32>,
          %and3A_139 = arith.constant 8191 : i32
          %and3A_140 = vector.broadcast %and3A_139 : i32 to vector<16xi32>
          %and3A_141 = arith.andi %get3A_131, %and3A_140 : vector<16xi32>
          %swap3A_142 = arith.constant 0 : i32
          %swap3A_143 = arith.index_cast %swap3A_142 : i32 to index
          %swap3A_144 = arith.constant 64 : index
          %swap3A_145 = tpu.vector_load %arg12[%swap3A_143, %swap3A_144] {strides = array<i32>} : memref<1x128xi32, #tpu.memory_space<vmem>>, vector<16xi32>,
          tpu.vector_store %arg12[%swap3A_143, %swap3A_144], %and3A_141 {strides = array<i32>} : memref<1x128xi32, #tpu.memory_space<vmem>>, vector<16xi32>,
          %get3A_146 = arith.constant 80 : index
          %get3A_147 = tpu.vector_load %arg8[%get3A_146] {strides = array<i32>} : memref<128xi32, #tpu.memory_space<vmem>>, vector<16xi32>,
          %shift_right_arithmetic3A_148 = arith.constant 13 : i32
          %shift_right_arithmetic3A_149 = vector.broadcast %shift_right_arithmetic3A_148 : i32 to vector<16xi32>
          %shift_right_arithmetic3A_150 = arith.shrsi %get3A_147, %shift_right_arithmetic3A_149 : vector<16xi32>
          %swap3A_151 = arith.constant 0 : i32
          %swap3A_152 = arith.index_cast %swap3A_151 : i32 to index
          %swap3A_153 = arith.constant 80 : index
          %swap3A_154 = tpu.vector_load %arg10[%swap3A_152, %swap3A_153] {strides = array<i32>} : memref<1x128xi32, #tpu.memory_space<vmem>>, vector<16xi32>,
          tpu.vector_store %arg10[%swap3A_152, %swap3A_153], %shift_right_arithmetic3A_150 {strides = array<i32>} : memref<1x128xi32, #tpu.memory_space<vmem>>, vector<16xi32>,
          %and3A_155 = arith.constant 8191 : i32
          %and3A_156 = vector.broadcast %and3A_155 : i32 to vector<16xi32>
          %and3A_157 = arith.andi %get3A_147, %and3A_156 : vector<16xi32>
          %swap3A_158 = arith.constant 0 : i32
          %swap3A_159 = arith.index_cast %swap3A_158 : i32 to index
          %swap3A_160 = arith.constant 80 : index
          %swap3A_161 = tpu.vector_load %arg12[%swap3A_159, %swap3A_160] {strides = array<i32>} : memref<1x128xi32, #tpu.memory_space<vmem>>, vector<16xi32>,
          tpu.vector_store %arg12[%swap3A_159, %swap3A_160], %and3A_157 {strides = array<i32>} : memref<1x128xi32, #tpu.memory_space<vmem>>, vector<16xi32>,
          %get3A_162 = arith.constant 96 : index
          %get3A_163 = tpu.vector_load %arg8[%get3A_162] {strides = array<i32>} : memref<128xi32, #tpu.memory_space<vmem>>, vector<16xi32>,
          %shift_right_arithmetic3A_164 = arith.constant 13 : i32
          %shift_right_arithmetic3A_165 = vector.broadcast %shift_right_arithmetic3A_164 : i32 to vector<16xi32>
          %shift_right_arithmetic3A_166 = arith.shrsi %get3A_163, %shift_right_arithmetic3A_165 : vector<16xi32>
          %swap3A_167 = arith.constant 0 : i32
          %swap3A_168 = arith.index_cast %swap3A_167 : i32 to index
          %swap3A_169 = arith.constant 96 : index
          %swap3A_170 = tpu.vector_load %arg10[%swap3A_168, %swap3A_169] {strides = array<i32>} : memref<1x128xi32, #tpu.memory_space<vmem>>, vector<16xi32>,
          tpu.vector_store %arg10[%swap3A_168, %swap3A_169], %shift_right_arithmetic3A_166 {strides = array<i32>} : memref<1x128xi32, #tpu.memory_space<vmem>>, vector<16xi32>,
          %and3A_171 = arith.constant 8191 : i32
          %and3A_172 = vector.broadcast %and3A_171 : i32 to vector<16xi32>
          %and3A_173 = arith.andi %get3A_163, %and3A_172 : vector<16xi32>
          %swap3A_174 = arith.constant 0 : i32
          %swap3A_175 = arith.index_cast %swap3A_174 : i32 to index
          %swap3A_176 = arith.constant 96 : index
          %swap3A_177 = tpu.vector_load %arg12[%swap3A_175, %swap3A_176] {strides = array<i32>} : memref<1x128xi32, #tpu.memory_space<vmem>>, vector<16xi32>,
          tpu.vector_store %arg12[%swap3A_175, %swap3A_176], %and3A_173 {strides = array<i32>} : memref<1x128xi32, #tpu.memory_space<vmem>>, vector<16xi32>,
          %get3A_178 = arith.constant 112 : index
          %get3A_179 = tpu.vector_load %arg8[%get3A_178] {strides = array<i32>} : memref<128xi32, #tpu.memory_space<vmem>>, vector<16xi32>,
          %shift_right_arithmetic3A_180 = arith.constant 13 : i32
          %shift_right_arithmetic3A_181 = vector.broadcast %shift_right_arithmetic3A_180 : i32 to vector<16xi32>
          %shift_right_arithmetic3A_182 = arith.shrsi %get3A_179, %shift_right_arithmetic3A_181 : vector<16xi32>
          %swap3A_183 = arith.constant 0 : i32
          %swap3A_184 = arith.index_cast %swap3A_183 : i32 to index
          %swap3A_185 = arith.constant 112 : index
          %swap3A_186 = tpu.vector_load %arg10[%swap3A_184, %swap3A_185] {strides = array<i32>} : memref<1x128xi32, #tpu.memory_space<vmem>>, vector<16xi32>,
          tpu.vector_store %arg10[%swap3A_184, %swap3A_185], %shift_right_arithmetic3A_182 {strides = array<i32>} : memref<1x128xi32, #tpu.memory_space<vmem>>, vector<16xi32>,
          %and3A_187 = arith.constant 8191 : i32
          %and3A_188 = vector.broadcast %and3A_187 : i32 to vector<16xi32>
          %and3A_189 = arith.andi %get3A_179, %and3A_188 : vector<16xi32>
          %swap3A_190 = arith.constant 0 : i32
          %swap3A_191 = arith.index_cast %swap3A_190 : i32 to index
          %swap3A_192 = arith.constant 112 : index
          %swap3A_193 = tpu.vector_load %arg12[%swap3A_191, %swap3A_192] {strides = array<i32>} : memref<1x128xi32, #tpu.memory_space<vmem>>, vector<16xi32>,
          tpu.vector_store %arg12[%swap3A_191, %swap3A_192], %and3A_189 {strides = array<i32>} : memref<1x128xi32, #tpu.memory_space<vmem>>, vector<16xi32>,
          %dma_start3A = arith.constant 0 : i32
          %dma_start3A_194 = arith.constant 0 : i32
          %dma_start3A_195 = tpu.memref_slice %arg10[%dma_start3A, %dma_start3A_194] : memref<1x128xi32, #tpu.memory_space<vmem>> -> memref<1x128xi32, #tpu.memory_space<vmem>>
          %dma_start3A_196 = tpu.memref_squeeze %dma_start3A_195 : memref<1x128xi32, #tpu.memory_space<vmem>> -> memref<128xi32, #tpu.memory_space<vmem>>
          %dma_start3A_197 = arith.constant 0 : i32
          %dma_start3A_198 = arith.constant 0 : i32
          %dma_start3A_199 = tpu.memref_slice %arg2[%dma_start3A_197, %dma_start3A_198] : memref<10000x128xf32, #tpu.memory_space<hbm>> -> memref<10000x128xf32, #tpu.memory_space<hbm>>
          tpu.enqueue_indirect_dma source(%dma_start3A_199 : memref<10000x128xf32, #tpu.memory_space<hbm>>) target(%arg14 : memref<128x128xf32, #tpu.memory_space<vmem>>) offsets(%dma_start3A_196 : memref<128xi32, #tpu.memory_space<vmem>>) semaphore(%arg18 : memref<!tpu.dma_semaphore, #tpu.memory_space<semaphore_mem>>)
        } else {
        }
        %run_scoped3A = arith.constant 0 : i32
        "tpu.region"() ({
          %run_scoped3A_64 = tpu.sem_alloc : memref<!tpu.dma_semaphore, #tpu.memory_space<semaphore_mem>>
          %dma_start3A = arith.constant 0 : i32
          %dma_start3A_65 = tpu.memref_slice %arg11[%run_scoped3A, %dma_start3A] : memref<1x128xi32, #tpu.memory_space<vmem>> -> memref<1x128xi32, #tpu.memory_space<vmem>>
          %dma_start3A_66 = tpu.memref_squeeze %dma_start3A_65 : memref<1x128xi32, #tpu.memory_space<vmem>> -> memref<128xi32, #tpu.memory_space<vmem>>
          %dma_start3A_67 = arith.constant 0 : i32
          %dma_start3A_68 = arith.constant 0 : i32
          %dma_start3A_69 = tpu.memref_slice %arg16[%dma_start3A_67, %dma_start3A_68] : memref<5248x128xf32, #tpu.memory_space<vmem_shared>> -> memref<5248x128xf32, #tpu.memory_space<vmem_shared>>
          tpu.enqueue_indirect_dma source(%arg13 : memref<128x128xf32, #tpu.memory_space<vmem>>) target(%dma_start3A_69 : memref<5248x128xf32, #tpu.memory_space<vmem_shared>>) offsets(%dma_start3A_66 : memref<128xi32, #tpu.memory_space<vmem>>) semaphore(%run_scoped3A_64 : memref<!tpu.dma_semaphore, #tpu.memory_space<semaphore_mem>>) {add = true}
          %dma_wait3A_70 = arith.constant 0 : i32
          %dma_wait3A_71 = tpu.memref_slice %arg11[%run_scoped3A, %dma_wait3A_70] : memref<1x128xi32, #tpu.memory_space<vmem>> -> memref<1x128xi32, #tpu.memory_space<vmem>>
          %dma_wait3A_72 = tpu.memref_squeeze %dma_wait3A_71 : memref<1x128xi32, #tpu.memory_space<vmem>> -> memref<128xi32, #tpu.memory_space<vmem>>
          %dma_wait3A_73 = arith.constant 0 : i32
          %dma_wait3A_74 = arith.constant 0 : i32
          %dma_wait3A_75 = tpu.memref_slice %arg16[%dma_wait3A_73, %dma_wait3A_74] : memref<5248x128xf32, #tpu.memory_space<vmem_shared>> -> memref<5248x128xf32, #tpu.memory_space<vmem_shared>>
          tpu.wait_indirect_dma semaphore(%run_scoped3A_64 : memref<!tpu.dma_semaphore, #tpu.memory_space<semaphore_mem>>) src(%arg13 : memref<128x128xf32, #tpu.memory_space<vmem>>) dst(%dma_wait3A_75 : memref<5248x128xf32, #tpu.memory_space<vmem_shared>>)
          tpu.yield
        }) : () -> ()
      } else {
      }
      %mul3A_44 = arith.constant 2 : i32
      %mul3A_45 = arith.muli %mul3A_44, %while3A_38 : i32
      %add3A_46 = arith.constant 1 : i32
      %add3A_47 = arith.addi %mul3A_45, %add3A_46 : i32
      %lt3A_48 = arith.cmpi slt, %add3A_47, %div3A_17 : i32
      %convert_element_type3A_49 = arith.extui %lt3A_48 : i1 to i32
      %cond3A_50 = arith.constant 0 : i32
      %cond3A_51 = arith.cmpi ne, %convert_element_type3A_49, %cond3A_50 : i32
      scf.if %cond3A_51 {
        %dma_wait3A = arith.constant 0 : i32
        %dma_wait3A_52 = arith.constant 0 : i32
        %dma_wait3A_53 = tpu.memref_slice %arg10[%dma_wait3A, %dma_wait3A_52] : memref<1x128xi32, #tpu.memory_space<vmem>> -> memref<1x128xi32, #tpu.memory_space<vmem>>
        %dma_wait3A_54 = tpu.memref_squeeze %dma_wait3A_53 : memref<1x128xi32, #tpu.memory_space<vmem>> -> memref<128xi32, #tpu.memory_space<vmem>>
        %dma_wait3A_55 = arith.constant 0 : i32
        %dma_wait3A_56 = arith.constant 0 : i32
        %dma_wait3A_57 = tpu.memref_slice %arg2[%dma_wait3A_55, %dma_wait3A_56] : memref<10000x128xf32, #tpu.memory_space<hbm>> -> memref<10000x128xf32, #tpu.memory_space<hbm>>
        tpu.wait_indirect_dma semaphore(%arg18 : memref<!tpu.dma_semaphore, #tpu.memory_space<semaphore_mem>>) src(%dma_wait3A_57 : memref<10000x128xf32, #tpu.memory_space<hbm>>) dst(%arg14 : memref<128x128xf32, #tpu.memory_space<vmem>>)
        %add3A_58 = arith.constant 1 : i32
        %add3A_59 = arith.addi %add3A_47, %add3A_58 : i32
        %lt3A_60 = arith.cmpi slt, %add3A_59, %div3A_17 : i32
        %convert_element_type3A_61 = arith.extui %lt3A_60 : i1 to i32
        %cond3A_62 = arith.constant 0 : i32
        %cond3A_63 = arith.cmpi ne, %convert_element_type3A_61, %cond3A_62 : i32
        scf.if %cond3A_63 {
          %add3A_64 = arith.constant 1 : i32
          %add3A_65 = arith.addi %add3A_47, %add3A_64 : i32
          %mul3A_66 = arith.constant 128 : i32
          %mul3A_67 = arith.muli %add3A_65, %mul3A_66 : i32
          %add3A_68 = arith.addi %mul3A_4, %mul3A_67 : i32
          %multiple_of3A = tpu.assume_multiple %add3A_68, 128 : i32
          "tpu.region"() ({
            %run_scoped3A_200 = tpu.sem_alloc : memref<!tpu.dma_semaphore, #tpu.memory_space<semaphore_mem>>
            %dma_start3A_201 = tpu.memref_slice %arg3[%multiple_of3A] : memref<10485760xi32, #tpu.memory_space<hbm>> -> memref<128xi32, #tpu.memory_space<hbm>>
            %dma_start3A_202 = tpu.memref_slice %arg3[%multiple_of3A] : memref<10485760xi32, #tpu.memory_space<hbm>> -> memref<128xi32, #tpu.memory_space<hbm>>
            tpu.enqueue_dma source(%dma_start3A_202 : memref<128xi32, #tpu.memory_space<hbm>>) target(%arg7 : memref<128xi32, #tpu.memory_space<vmem>>) target_semaphore(%run_scoped3A_200 : memref<!tpu.dma_semaphore, #tpu.memory_space<semaphore_mem>>)
            %dma_wait3A_203 = tpu.memref_slice %arg3[%multiple_of3A] : memref<10485760xi32, #tpu.memory_space<hbm>> -> memref<128xi32, #tpu.memory_space<hbm>>
            %dma_wait3A_204 = tpu.memref_slice %arg3[%multiple_of3A] : memref<10485760xi32, #tpu.memory_space<hbm>> -> memref<128xi32, #tpu.memory_space<hbm>>
            tpu.wait_dma2 semaphore(%run_scoped3A_200 : memref<!tpu.dma_semaphore, #tpu.memory_space<semaphore_mem>>) src(%dma_wait3A_204 : memref<128xi32, #tpu.memory_space<hbm>>) dst(%arg7 : memref<128xi32, #tpu.memory_space<vmem>>)
            tpu.yield
          }) : () -> ()
          %get3A_69 = arith.constant 0 : index
          %get3A_70 = tpu.vector_load %arg7[%get3A_69] {strides = array<i32>} : memref<128xi32, #tpu.memory_space<vmem>>, vector<16xi32>,
          %shift_right_arithmetic3A = arith.constant 13 : i32
          %shift_right_arithmetic3A_71 = vector.broadcast %shift_right_arithmetic3A : i32 to vector<16xi32>
          %shift_right_arithmetic3A_72 = arith.shrsi %get3A_70, %shift_right_arithmetic3A_71 : vector<16xi32>
          %swap3A = arith.constant 0 : i32
          %swap3A_73 = arith.index_cast %swap3A : i32 to index
          %swap3A_74 = arith.constant 0 : index
          %swap3A_75 = tpu.vector_load %arg9[%swap3A_73, %swap3A_74] {strides = array<i32>} : memref<1x128xi32, #tpu.memory_space<vmem>>, vector<16xi32>,
          tpu.vector_store %arg9[%swap3A_73, %swap3A_74], %shift_right_arithmetic3A_72 {strides = array<i32>} : memref<1x128xi32, #tpu.memory_space<vmem>>, vector<16xi32>,
          %and3A = arith.constant 8191 : i32
          %and3A_76 = vector.broadcast %and3A : i32 to vector<16xi32>
          %and3A_77 = arith.andi %get3A_70, %and3A_76 : vector<16xi32>
          %swap3A_78 = arith.constant 0 : i32
          %swap3A_79 = arith.index_cast %swap3A_78 : i32 to index
          %swap3A_80 = arith.constant 0 : index
          %swap3A_81 = tpu.vector_load %arg11[%swap3A_79, %swap3A_80] {strides = array<i32>} : memref<1x128xi32, #tpu.memory_space<vmem>>, vector<16xi32>,
          tpu.vector_store %arg11[%swap3A_79, %swap3A_80], %and3A_77 {strides = array<i32>} : memref<1x128xi32, #tpu.memory_space<vmem>>, vector<16xi32>,
          %get3A_82 = arith.constant 16 : index
          %get3A_83 = tpu.vector_load %arg7[%get3A_82] {strides = array<i32>} : memref<128xi32, #tpu.memory_space<vmem>>, vector<16xi32>,
          %shift_right_arithmetic3A_84 = arith.constant 13 : i32
          %shift_right_arithmetic3A_85 = vector.broadcast %shift_right_arithmetic3A_84 : i32 to vector<16xi32>
          %shift_right_arithmetic3A_86 = arith.shrsi %get3A_83, %shift_right_arithmetic3A_85 : vector<16xi32>
          %swap3A_87 = arith.constant 0 : i32
          %swap3A_88 = arith.index_cast %swap3A_87 : i32 to index
          %swap3A_89 = arith.constant 16 : index
          %swap3A_90 = tpu.vector_load %arg9[%swap3A_88, %swap3A_89] {strides = array<i32>} : memref<1x128xi32, #tpu.memory_space<vmem>>, vector<16xi32>,
          tpu.vector_store %arg9[%swap3A_88, %swap3A_89], %shift_right_arithmetic3A_86 {strides = array<i32>} : memref<1x128xi32, #tpu.memory_space<vmem>>, vector<16xi32>,
          %and3A_91 = arith.constant 8191 : i32
          %and3A_92 = vector.broadcast %and3A_91 : i32 to vector<16xi32>
          %and3A_93 = arith.andi %get3A_83, %and3A_92 : vector<16xi32>
          %swap3A_94 = arith.constant 0 : i32
          %swap3A_95 = arith.index_cast %swap3A_94 : i32 to index
          %swap3A_96 = arith.constant 16 : index
          %swap3A_97 = tpu.vector_load %arg11[%swap3A_95, %swap3A_96] {strides = array<i32>} : memref<1x128xi32, #tpu.memory_space<vmem>>, vector<16xi32>,
          tpu.vector_store %arg11[%swap3A_95, %swap3A_96], %and3A_93 {strides = array<i32>} : memref<1x128xi32, #tpu.memory_space<vmem>>, vector<16xi32>,
          %get3A_98 = arith.constant 32 : index
          %get3A_99 = tpu.vector_load %arg7[%get3A_98] {strides = array<i32>} : memref<128xi32, #tpu.memory_space<vmem>>, vector<16xi32>,
          %shift_right_arithmetic3A_100 = arith.constant 13 : i32
          %shift_right_arithmetic3A_101 = vector.broadcast %shift_right_arithmetic3A_100 : i32 to vector<16xi32>
          %shift_right_arithmetic3A_102 = arith.shrsi %get3A_99, %shift_right_arithmetic3A_101 : vector<16xi32>
          %swap3A_103 = arith.constant 0 : i32
          %swap3A_104 = arith.index_cast %swap3A_103 : i32 to index
          %swap3A_105 = arith.constant 32 : index
          %swap3A_106 = tpu.vector_load %arg9[%swap3A_104, %swap3A_105] {strides = array<i32>} : memref<1x128xi32, #tpu.memory_space<vmem>>, vector<16xi32>,
          tpu.vector_store %arg9[%swap3A_104, %swap3A_105], %shift_right_arithmetic3A_102 {strides = array<i32>} : memref<1x128xi32, #tpu.memory_space<vmem>>, vector<16xi32>,
          %and3A_107 = arith.constant 8191 : i32
          %and3A_108 = vector.broadcast %and3A_107 : i32 to vector<16xi32>
          %and3A_109 = arith.andi %get3A_99, %and3A_108 : vector<16xi32>
          %swap3A_110 = arith.constant 0 : i32
          %swap3A_111 = arith.index_cast %swap3A_110 : i32 to index
          %swap3A_112 = arith.constant 32 : index
          %swap3A_113 = tpu.vector_load %arg11[%swap3A_111, %swap3A_112] {strides = array<i32>} : memref<1x128xi32, #tpu.memory_space<vmem>>, vector<16xi32>,
          tpu.vector_store %arg11[%swap3A_111, %swap3A_112], %and3A_109 {strides = array<i32>} : memref<1x128xi32, #tpu.memory_space<vmem>>, vector<16xi32>,
          %get3A_114 = arith.constant 48 : index
          %get3A_115 = tpu.vector_load %arg7[%get3A_114] {strides = array<i32>} : memref<128xi32, #tpu.memory_space<vmem>>, vector<16xi32>,
          %shift_right_arithmetic3A_116 = arith.constant 13 : i32
          %shift_right_arithmetic3A_117 = vector.broadcast %shift_right_arithmetic3A_116 : i32 to vector<16xi32>
          %shift_right_arithmetic3A_118 = arith.shrsi %get3A_115, %shift_right_arithmetic3A_117 : vector<16xi32>
          %swap3A_119 = arith.constant 0 : i32
          %swap3A_120 = arith.index_cast %swap3A_119 : i32 to index
          %swap3A_121 = arith.constant 48 : index
          %swap3A_122 = tpu.vector_load %arg9[%swap3A_120, %swap3A_121] {strides = array<i32>} : memref<1x128xi32, #tpu.memory_space<vmem>>, vector<16xi32>,
          tpu.vector_store %arg9[%swap3A_120, %swap3A_121], %shift_right_arithmetic3A_118 {strides = array<i32>} : memref<1x128xi32, #tpu.memory_space<vmem>>, vector<16xi32>,
          %and3A_123 = arith.constant 8191 : i32
          %and3A_124 = vector.broadcast %and3A_123 : i32 to vector<16xi32>
          %and3A_125 = arith.andi %get3A_115, %and3A_124 : vector<16xi32>
          %swap3A_126 = arith.constant 0 : i32
          %swap3A_127 = arith.index_cast %swap3A_126 : i32 to index
          %swap3A_128 = arith.constant 48 : index
          %swap3A_129 = tpu.vector_load %arg11[%swap3A_127, %swap3A_128] {strides = array<i32>} : memref<1x128xi32, #tpu.memory_space<vmem>>, vector<16xi32>,
          tpu.vector_store %arg11[%swap3A_127, %swap3A_128], %and3A_125 {strides = array<i32>} : memref<1x128xi32, #tpu.memory_space<vmem>>, vector<16xi32>,
          %get3A_130 = arith.constant 64 : index
          %get3A_131 = tpu.vector_load %arg7[%get3A_130] {strides = array<i32>} : memref<128xi32, #tpu.memory_space<vmem>>, vector<16xi32>,
          %shift_right_arithmetic3A_132 = arith.constant 13 : i32
          %shift_right_arithmetic3A_133 = vector.broadcast %shift_right_arithmetic3A_132 : i32 to vector<16xi32>
          %shift_right_arithmetic3A_134 = arith.shrsi %get3A_131, %shift_right_arithmetic3A_133 : vector<16xi32>
          %swap3A_135 = arith.constant 0 : i32
          %swap3A_136 = arith.index_cast %swap3A_135 : i32 to index
          %swap3A_137 = arith.constant 64 : index
          %swap3A_138 = tpu.vector_load %arg9[%swap3A_136, %swap3A_137] {strides = array<i32>} : memref<1x128xi32, #tpu.memory_space<vmem>>, vector<16xi32>,
          tpu.vector_store %arg9[%swap3A_136, %swap3A_137], %shift_right_arithmetic3A_134 {strides = array<i32>} : memref<1x128xi32, #tpu.memory_space<vmem>>, vector<16xi32>,
          %and3A_139 = arith.constant 8191 : i32
          %and3A_140 = vector.broadcast %and3A_139 : i32 to vector<16xi32>
          %and3A_141 = arith.andi %get3A_131, %and3A_140 : vector<16xi32>
          %swap3A_142 = arith.constant 0 : i32
          %swap3A_143 = arith.index_cast %swap3A_142 : i32 to index
          %swap3A_144 = arith.constant 64 : index
          %swap3A_145 = tpu.vector_load %arg11[%swap3A_143, %swap3A_144] {strides = array<i32>} : memref<1x128xi32, #tpu.memory_space<vmem>>, vector<16xi32>,
          tpu.vector_store %arg11[%swap3A_143, %swap3A_144], %and3A_141 {strides = array<i32>} : memref<1x128xi32, #tpu.memory_space<vmem>>, vector<16xi32>,
          %get3A_146 = arith.constant 80 : index
          %get3A_147 = tpu.vector_load %arg7[%get3A_146] {strides = array<i32>} : memref<128xi32, #tpu.memory_space<vmem>>, vector<16xi32>,
          %shift_right_arithmetic3A_148 = arith.constant 13 : i32
          %shift_right_arithmetic3A_149 = vector.broadcast %shift_right_arithmetic3A_148 : i32 to vector<16xi32>
          %shift_right_arithmetic3A_150 = arith.shrsi %get3A_147, %shift_right_arithmetic3A_149 : vector<16xi32>
          %swap3A_151 = arith.constant 0 : i32
          %swap3A_152 = arith.index_cast %swap3A_151 : i32 to index
          %swap3A_153 = arith.constant 80 : index
          %swap3A_154 = tpu.vector_load %arg9[%swap3A_152, %swap3A_153] {strides = array<i32>} : memref<1x128xi32, #tpu.memory_space<vmem>>, vector<16xi32>,
          tpu.vector_store %arg9[%swap3A_152, %swap3A_153], %shift_right_arithmetic3A_150 {strides = array<i32>} : memref<1x128xi32, #tpu.memory_space<vmem>>, vector<16xi32>,
          %and3A_155 = arith.constant 8191 : i32
          %and3A_156 = vector.broadcast %and3A_155 : i32 to vector<16xi32>
          %and3A_157 = arith.andi %get3A_147, %and3A_156 : vector<16xi32>
          %swap3A_158 = arith.constant 0 : i32
          %swap3A_159 = arith.index_cast %swap3A_158 : i32 to index
          %swap3A_160 = arith.constant 80 : index
          %swap3A_161 = tpu.vector_load %arg11[%swap3A_159, %swap3A_160] {strides = array<i32>} : memref<1x128xi32, #tpu.memory_space<vmem>>, vector<16xi32>,
          tpu.vector_store %arg11[%swap3A_159, %swap3A_160], %and3A_157 {strides = array<i32>} : memref<1x128xi32, #tpu.memory_space<vmem>>, vector<16xi32>,
          %get3A_162 = arith.constant 96 : index
          %get3A_163 = tpu.vector_load %arg7[%get3A_162] {strides = array<i32>} : memref<128xi32, #tpu.memory_space<vmem>>, vector<16xi32>,
          %shift_right_arithmetic3A_164 = arith.constant 13 : i32
          %shift_right_arithmetic3A_165 = vector.broadcast %shift_right_arithmetic3A_164 : i32 to vector<16xi32>
          %shift_right_arithmetic3A_166 = arith.shrsi %get3A_163, %shift_right_arithmetic3A_165 : vector<16xi32>
          %swap3A_167 = arith.constant 0 : i32
          %swap3A_168 = arith.index_cast %swap3A_167 : i32 to index
          %swap3A_169 = arith.constant 96 : index
          %swap3A_170 = tpu.vector_load %arg9[%swap3A_168, %swap3A_169] {strides = array<i32>} : memref<1x128xi32, #tpu.memory_space<vmem>>, vector<16xi32>,
          tpu.vector_store %arg9[%swap3A_168, %swap3A_169], %shift_right_arithmetic3A_166 {strides = array<i32>} : memref<1x128xi32, #tpu.memory_space<vmem>>, vector<16xi32>,
          %and3A_171 = arith.constant 8191 : i32
          %and3A_172 = vector.broadcast %and3A_171 : i32 to vector<16xi32>
          %and3A_173 = arith.andi %get3A_163, %and3A_172 : vector<16xi32>
          %swap3A_174 = arith.constant 0 : i32
          %swap3A_175 = arith.index_cast %swap3A_174 : i32 to index
          %swap3A_176 = arith.constant 96 : index
          %swap3A_177 = tpu.vector_load %arg11[%swap3A_175, %swap3A_176] {strides = array<i32>} : memref<1x128xi32, #tpu.memory_space<vmem>>, vector<16xi32>,
          tpu.vector_store %arg11[%swap3A_175, %swap3A_176], %and3A_173 {strides = array<i32>} : memref<1x128xi32, #tpu.memory_space<vmem>>, vector<16xi32>,
          %get3A_178 = arith.constant 112 : index
          %get3A_179 = tpu.vector_load %arg7[%get3A_178] {strides = array<i32>} : memref<128xi32, #tpu.memory_space<vmem>>, vector<16xi32>,
          %shift_right_arithmetic3A_180 = arith.constant 13 : i32
          %shift_right_arithmetic3A_181 = vector.broadcast %shift_right_arithmetic3A_180 : i32 to vector<16xi32>
          %shift_right_arithmetic3A_182 = arith.shrsi %get3A_179, %shift_right_arithmetic3A_181 : vector<16xi32>
          %swap3A_183 = arith.constant 0 : i32
          %swap3A_184 = arith.index_cast %swap3A_183 : i32 to index
          %swap3A_185 = arith.constant 112 : index
          %swap3A_186 = tpu.vector_load %arg9[%swap3A_184, %swap3A_185] {strides = array<i32>} : memref<1x128xi32, #tpu.memory_space<vmem>>, vector<16xi32>,
          tpu.vector_store %arg9[%swap3A_184, %swap3A_185], %shift_right_arithmetic3A_182 {strides = array<i32>} : memref<1x128xi32, #tpu.memory_space<vmem>>, vector<16xi32>,
          %and3A_187 = arith.constant 8191 : i32
          %and3A_188 = vector.broadcast %and3A_187 : i32 to vector<16xi32>
          %and3A_189 = arith.andi %get3A_179, %and3A_188 : vector<16xi32>
          %swap3A_190 = arith.constant 0 : i32
          %swap3A_191 = arith.index_cast %swap3A_190 : i32 to index
          %swap3A_192 = arith.constant 112 : index
          %swap3A_193 = tpu.vector_load %arg11[%swap3A_191, %swap3A_192] {strides = array<i32>} : memref<1x128xi32, #tpu.memory_space<vmem>>, vector<16xi32>,
          tpu.vector_store %arg11[%swap3A_191, %swap3A_192], %and3A_189 {strides = array<i32>} : memref<1x128xi32, #tpu.memory_space<vmem>>, vector<16xi32>,
          %dma_start3A = arith.constant 0 : i32
          %dma_start3A_194 = arith.constant 0 : i32
          %dma_start3A_195 = tpu.memref_slice %arg9[%dma_start3A, %dma_start3A_194] : memref<1x128xi32, #tpu.memory_space<vmem>> -> memref<1x128xi32, #tpu.memory_space<vmem>>
          %dma_start3A_196 = tpu.memref_squeeze %dma_start3A_195 : memref<1x128xi32, #tpu.memory_space<vmem>> -> memref<128xi32, #tpu.memory_space<vmem>>
          %dma_start3A_197 = arith.constant 0 : i32
          %dma_start3A_198 = arith.constant 0 : i32
          %dma_start3A_199 = tpu.memref_slice %arg2[%dma_start3A_197, %dma_start3A_198] : memref<10000x128xf32, #tpu.memory_space<hbm>> -> memref<10000x128xf32, #tpu.memory_space<hbm>>
          tpu.enqueue_indirect_dma source(%dma_start3A_199 : memref<10000x128xf32, #tpu.memory_space<hbm>>) target(%arg13 : memref<128x128xf32, #tpu.memory_space<vmem>>) offsets(%dma_start3A_196 : memref<128xi32, #tpu.memory_space<vmem>>) semaphore(%arg17 : memref<!tpu.dma_semaphore, #tpu.memory_space<semaphore_mem>>)
        } else {
        }
        %run_scoped3A = arith.constant 0 : i32
        "tpu.region"() ({
          %run_scoped3A_64 = tpu.sem_alloc : memref<!tpu.dma_semaphore, #tpu.memory_space<semaphore_mem>>
          %dma_start3A = arith.constant 0 : i32
          %dma_start3A_65 = tpu.memref_slice %arg12[%run_scoped3A, %dma_start3A] : memref<1x128xi32, #tpu.memory_space<vmem>> -> memref<1x128xi32, #tpu.memory_space<vmem>>
          %dma_start3A_66 = tpu.memref_squeeze %dma_start3A_65 : memref<1x128xi32, #tpu.memory_space<vmem>> -> memref<128xi32, #tpu.memory_space<vmem>>
          %dma_start3A_67 = arith.constant 0 : i32
          %dma_start3A_68 = arith.constant 0 : i32
          %dma_start3A_69 = tpu.memref_slice %arg16[%dma_start3A_67, %dma_start3A_68] : memref<5248x128xf32, #tpu.memory_space<vmem_shared>> -> memref<5248x128xf32, #tpu.memory_space<vmem_shared>>
          tpu.enqueue_indirect_dma source(%arg14 : memref<128x128xf32, #tpu.memory_space<vmem>>) target(%dma_start3A_69 : memref<5248x128xf32, #tpu.memory_space<vmem_shared>>) offsets(%dma_start3A_66 : memref<128xi32, #tpu.memory_space<vmem>>) semaphore(%run_scoped3A_64 : memref<!tpu.dma_semaphore, #tpu.memory_space<semaphore_mem>>) {add = true}
          %dma_wait3A_70 = arith.constant 0 : i32
          %dma_wait3A_71 = tpu.memref_slice %arg12[%run_scoped3A, %dma_wait3A_70] : memref<1x128xi32, #tpu.memory_space<vmem>> -> memref<1x128xi32, #tpu.memory_space<vmem>>
          %dma_wait3A_72 = tpu.memref_squeeze %dma_wait3A_71 : memref<1x128xi32, #tpu.memory_space<vmem>> -> memref<128xi32, #tpu.memory_space<vmem>>
          %dma_wait3A_73 = arith.constant 0 : i32
          %dma_wait3A_74 = arith.constant 0 : i32
          %dma_wait3A_75 = tpu.memref_slice %arg16[%dma_wait3A_73, %dma_wait3A_74] : memref<5248x128xf32, #tpu.memory_space<vmem_shared>> -> memref<5248x128xf32, #tpu.memory_space<vmem_shared>>
          tpu.wait_indirect_dma semaphore(%run_scoped3A_64 : memref<!tpu.dma_semaphore, #tpu.memory_space<semaphore_mem>>) src(%arg14 : memref<128x128xf32, #tpu.memory_space<vmem>>) dst(%dma_wait3A_75 : memref<5248x128xf32, #tpu.memory_space<vmem_shared>>)
          tpu.yield
        }) : () -> ()
      } else {
      }
    }
    %barrier3A_33 = arith.constant 0 : index
    tpu.barrier barrier_id(%barrier3A_33)
    %mul3A_34 = arith.constant 320 : i32
    %mul3A_35 = arith.muli %arg1, %mul3A_34 : i32
    %mul3A_36 = arith.constant 320 : i32
    %mul3A_37 = arith.muli %arg1, %mul3A_36 : i32
    "tpu.region"() ({
      %run_scoped3A = tpu.sem_alloc : memref<!tpu.dma_semaphore, #tpu.memory_space<semaphore_mem>>
      %dma_start3A = arith.constant 0 : i32
      %dma_start3A_38 = tpu.memref_slice %arg6[%arg0, %mul3A_37, %dma_start3A] : memref<2x5120x128xf32, #tpu.memory_space<hbm>> -> memref<1x320x128xf32, #tpu.memory_space<hbm>>
      %dma_start3A_39 = tpu.memref_squeeze %dma_start3A_38 : memref<1x320x128xf32, #tpu.memory_space<hbm>> -> memref<320x128xf32, #tpu.memory_space<hbm>>
      %dma_start3A_40 = arith.constant 0 : i32
      %dma_start3A_41 = tpu.memref_slice %arg16[%mul3A_35, %dma_start3A_40] : memref<5248x128xf32, #tpu.memory_space<vmem_shared>> -> memref<320x128xf32, #tpu.memory_space<vmem_shared>>
      tpu.enqueue_dma source(%dma_start3A_41 : memref<320x128xf32, #tpu.memory_space<vmem_shared>>) target(%dma_start3A_39 : memref<320x128xf32, #tpu.memory_space<hbm>>) target_semaphore(%run_scoped3A : memref<!tpu.dma_semaphore, #tpu.memory_space<semaphore_mem>>)
      %dma_wait3A = arith.constant 0 : i32
      %dma_wait3A_42 = tpu.memref_slice %arg6[%arg0, %mul3A_37, %dma_wait3A] : memref<2x5120x128xf32, #tpu.memory_space<hbm>> -> memref<1x320x128xf32, #tpu.memory_space<hbm>>
      %dma_wait3A_43 = tpu.memref_squeeze %dma_wait3A_42 : memref<1x320x128xf32, #tpu.memory_space<hbm>> -> memref<320x128xf32, #tpu.memory_space<hbm>>
      %dma_wait3A_44 = arith.constant 0 : i32
      %dma_wait3A_45 = tpu.memref_slice %arg16[%mul3A_35, %dma_wait3A_44] : memref<5248x128xf32, #tpu.memory_space<vmem_shared>> -> memref<320x128xf32, #tpu.memory_space<vmem_shared>>
      tpu.wait_dma2 semaphore(%run_scoped3A : memref<!tpu.dma_semaphore, #tpu.memory_space<semaphore_mem>>) src(%dma_wait3A_45 : memref<320x128xf32, #tpu.memory_space<vmem_shared>>) dst(%dma_wait3A_43 : memref<320x128xf32, #tpu.memory_space<hbm>>)
      tpu.yield
    }) : () -> ()
    return
  }
}

module attributes {stable_mosaic.version = 14 : i64} {
  func.func @_dense_a_body(%arg0: i32, %arg1: memref<2000x128xf32, #tpu.memory_space<vmem>>, %arg2: memref<2000x128xf32, #tpu.memory_space<vmem>>, %arg3: memref<128x128xf32, #tpu.memory_space<vmem>>, %arg4: memref<1x128xf32, #tpu.memory_space<vmem>>, %arg5: memref<128x128xf32, #tpu.memory_space<vmem>>, %arg6: memref<1x128xf32, #tpu.memory_space<vmem>>, %arg7: memref<2000x128xf32, #tpu.memory_space<vmem>>, %arg8: memref<1x128xf32, #tpu.memory_space<vmem>>) attributes {dimension_semantics = [#tpu.dimension_semantics<arbitrary>], iteration_bounds = array<i64: 5>, scalar_prefetch = 0 : i64, scratch_operands = 0 : i64, tpu.core_type = #tpu.core_type<tc>, window_params = [{transform_indices = @transform_0, window_bounds = array<i64: 2000, 128>}, {transform_indices = @transform_1, window_bounds = array<i64: 2000, 128>}, {pipeline_mode = #tpu.pipeline_mode<synchronous>, transform_indices = @transform_2, window_bounds = array<i64: 128, 128>}, {pipeline_mode = #tpu.pipeline_mode<synchronous>, transform_indices = @transform_3, window_bounds = array<i64: 1, 128>}, {pipeline_mode = #tpu.pipeline_mode<synchronous>, transform_indices = @transform_4, window_bounds = array<i64: 128, 128>}, {pipeline_mode = #tpu.pipeline_mode<synchronous>, transform_indices = @transform_5, window_bounds = array<i64: 1, 128>}, {transform_indices = @transform_6, window_bounds = array<i64: 2000, 128>}, {pipeline_mode = #tpu.pipeline_mode<synchronous>, transform_indices = @transform_7, window_bounds = array<i64: 1, 128>}]} {
    %get3A = arith.constant 0 : index
    %get3A_0 = arith.constant 0 : index
    %get3A_1 = vector.load %arg1[%get3A, %get3A_0] : memref<2000x128xf32, #tpu.memory_space<vmem>>, vector<2000x128xf32>
    %get3A_2 = arith.constant 0 : index
    %get3A_3 = arith.constant 0 : index
    %get3A_4 = vector.load %arg2[%get3A_2, %get3A_3] : memref<2000x128xf32, #tpu.memory_space<vmem>>, vector<2000x128xf32>
    %add3A = arith.addf %get3A_1, %get3A_4 : vector<2000x128xf32>
    %get3A_5 = arith.constant 0 : index
    %get3A_6 = arith.constant 0 : index
    %get3A_7 = vector.load %arg3[%get3A_5, %get3A_6] : memref<128x128xf32, #tpu.memory_space<vmem>>, vector<128x128xf32>
    %dot_general3A = arith.constant dense<0.000000e+00> : vector<2000x128xf32>
    %dot_general3A_8 = tpu.matmul %add3A, %get3A_7, %dot_general3A {dimension_numbers = #tpu.dot_dimension_numbers<[1], [0], [0], [1], [0, 0, 1, 1], [], []>, transpose_lhs_hint = false} : vector<2000x128xf32>, vector<128x128xf32>, vector<2000x128xf32> -> vector<2000x128xf32>
    %get3A_9 = arith.constant 0 : index
    %get3A_10 = arith.constant 0 : index
    %get3A_11 = vector.load %arg4[%get3A_9, %get3A_10] : memref<1x128xf32, #tpu.memory_space<vmem>>, vector<1x128xf32>
    %add3A_12 = vector.broadcast %get3A_11 : vector<1x128xf32> to vector<2000x128xf32>
    %add3A_13 = arith.addf %dot_general3A_8, %add3A_12 : vector<2000x128xf32>
    %max3A = arith.constant 0.000000e+00 : f32
    %max3A_14 = vector.broadcast %max3A : f32 to vector<2000x128xf32>
    %max3A_15 = arith.maximumf %add3A_13, %max3A_14 : vector<2000x128xf32>
    %get3A_16 = arith.constant 0 : index
    %get3A_17 = arith.constant 0 : index
    %get3A_18 = vector.load %arg5[%get3A_16, %get3A_17] : memref<128x128xf32, #tpu.memory_space<vmem>>, vector<128x128xf32>
    %dot_general3A_19 = arith.constant dense<0.000000e+00> : vector<2000x128xf32>
    %dot_general3A_20 = tpu.matmul %max3A_15, %get3A_18, %dot_general3A_19 {dimension_numbers = #tpu.dot_dimension_numbers<[1], [0], [0], [1], [0, 0, 1, 1], [], []>, transpose_lhs_hint = false} : vector<2000x128xf32>, vector<128x128xf32>, vector<2000x128xf32> -> vector<2000x128xf32>
    %get3A_21 = arith.constant 0 : index
    %get3A_22 = arith.constant 0 : index
    %get3A_23 = vector.load %arg6[%get3A_21, %get3A_22] : memref<1x128xf32, #tpu.memory_space<vmem>>, vector<1x128xf32>
    %add3A_24 = vector.broadcast %get3A_23 : vector<1x128xf32> to vector<2000x128xf32>
    %add3A_25 = arith.addf %dot_general3A_20, %add3A_24 : vector<2000x128xf32>
    %swap3A = arith.constant 0 : index
    %swap3A_26 = arith.constant 0 : index
    %swap3A_27 = vector.load %arg7[%swap3A, %swap3A_26] : memref<2000x128xf32, #tpu.memory_space<vmem>>, vector<2000x128xf32>
    tpu.vector_store %arg7[%swap3A, %swap3A_26], %add3A_25 {strides = array<i32>} : memref<2000x128xf32, #tpu.memory_space<vmem>>, vector<2000x128xf32>,
    %reduce_sum3A = arith.constant dense<0.000000e+00> : vector<128xf32>
    %reduce_sum3A_28 = vector.multi_reduction <add>, %add3A_25, %reduce_sum3A [0] : vector<2000x128xf32> to vector<128xf32>
    %broadcast_in_dim3A = vector.shape_cast %reduce_sum3A_28 : vector<128xf32> to vector<1x128xf32>
    %eq3A = arith.constant 0 : i32
    %eq3A_29 = arith.cmpi eq, %arg0, %eq3A : i32
    %convert_element_type3A = arith.extui %eq3A_29 : i1 to i32
    %cond3A = arith.constant 0 : i32
    %cond3A_30 = arith.cmpi ne, %convert_element_type3A, %cond3A : i32
    scf.if %cond3A_30 {
      %swap3A_35 = arith.constant 0 : index
      %swap3A_36 = arith.constant 0 : index
      %swap3A_37 = vector.load %arg8[%swap3A_35, %swap3A_36] : memref<1x128xf32, #tpu.memory_space<vmem>>, vector<1x128xf32>
      tpu.vector_store %arg8[%swap3A_35, %swap3A_36], %broadcast_in_dim3A {strides = array<i32>} : memref<1x128xf32, #tpu.memory_space<vmem>>, vector<1x128xf32>,
    } else {
    }
    %ne3A = arith.constant 0 : i32
    %ne3A_31 = arith.cmpi ne, %arg0, %ne3A : i32
    %convert_element_type3A_32 = arith.extui %ne3A_31 : i1 to i32
    %cond3A_33 = arith.constant 0 : i32
    %cond3A_34 = arith.cmpi ne, %convert_element_type3A_32, %cond3A_33 : i32
    scf.if %cond3A_34 {
      %get3A_35 = arith.constant 0 : index
      %get3A_36 = arith.constant 0 : index
      %get3A_37 = vector.load %arg8[%get3A_35, %get3A_36] : memref<1x128xf32, #tpu.memory_space<vmem>>, vector<1x128xf32>
      %add3A_38 = arith.addf %get3A_37, %broadcast_in_dim3A : vector<1x128xf32>
      %swap3A_39 = arith.constant 0 : index
      %swap3A_40 = arith.constant 0 : index
      %swap3A_41 = vector.load %arg8[%swap3A_39, %swap3A_40] : memref<1x128xf32, #tpu.memory_space<vmem>>, vector<1x128xf32>
      tpu.vector_store %arg8[%swap3A_39, %swap3A_40], %add3A_38 {strides = array<i32>} : memref<1x128xf32, #tpu.memory_space<vmem>>, vector<1x128xf32>,
    } else {
    }
    return
  }
  func.func @transform_0(%arg0: i32) -> (i32, i32) {
    %c0_i32 = arith.constant 0 : i32
    %c0_i32_0 = arith.constant 0 : i32
    return %arg0, %c0_i32 : i32, i32
  }
  func.func @transform_1(%arg0: i32) -> (i32, i32) {
    %c0_i32 = arith.constant 0 : i32
    %c0_i32_0 = arith.constant 0 : i32
    return %arg0, %c0_i32 : i32, i32
  }
  func.func @transform_2(%arg0: i32) -> (i32, i32) {
    %c0_i32 = arith.constant 0 : i32
    %c0_i32_0 = arith.constant 0 : i32
    %c0_i32_1 = arith.constant 0 : i32
    return %c0_i32, %c0_i32_0 : i32, i32
  }
  func.func @transform_3(%arg0: i32) -> (i32, i32) {
    %c0_i32 = arith.constant 0 : i32
    %c0_i32_0 = arith.constant 0 : i32
    %c0_i32_1 = arith.constant 0 : i32
    return %c0_i32, %c0_i32_0 : i32, i32
  }
  func.func @transform_4(%arg0: i32) -> (i32, i32) {
    %c0_i32 = arith.constant 0 : i32
    %c0_i32_0 = arith.constant 0 : i32
    %c0_i32_1 = arith.constant 0 : i32
    return %c0_i32, %c0_i32_0 : i32, i32
  }
  func.func @transform_5(%arg0: i32) -> (i32, i32) {
    %c0_i32 = arith.constant 0 : i32
    %c0_i32_0 = arith.constant 0 : i32
    %c0_i32_1 = arith.constant 0 : i32
    return %c0_i32, %c0_i32_0 : i32, i32
  }
  func.func @transform_6(%arg0: i32) -> (i32, i32) {
    %c0_i32 = arith.constant 0 : i32
    %c0_i32_0 = arith.constant 0 : i32
    return %arg0, %c0_i32 : i32, i32
  }
  func.func @transform_7(%arg0: i32) -> (i32, i32) {
    %c0_i32 = arith.constant 0 : i32
    %c0_i32_0 = arith.constant 0 : i32
    %c0_i32_1 = arith.constant 0 : i32
    return %c0_i32, %c0_i32_0 : i32, i32
  }
}

module attributes {stable_mosaic.version = 14 : i64} {
  func.func @_dense_v_body(%arg0: i32, %arg1: memref<2000x128xf32, #tpu.memory_space<vmem>>, %arg2: memref<1x128xf32, #tpu.memory_space<vmem>>, %arg3: memref<1x128xf32, #tpu.memory_space<vmem>>) attributes {dimension_semantics = [#tpu.dimension_semantics<arbitrary>], iteration_bounds = array<i64: 5>, scalar_prefetch = 0 : i64, scratch_operands = 0 : i64, tpu.core_type = #tpu.core_type<tc>, window_params = [{transform_indices = @transform_0, window_bounds = array<i64: 2000, 128>}, {pipeline_mode = #tpu.pipeline_mode<synchronous>, transform_indices = @transform_1, window_bounds = array<i64: 1, 128>}, {pipeline_mode = #tpu.pipeline_mode<synchronous>, transform_indices = @transform_2, window_bounds = array<i64: 1, 128>}]} {
    %get3A = arith.constant 0 : index
    %get3A_0 = arith.constant 0 : index
    %get3A_1 = vector.load %arg1[%get3A, %get3A_0] : memref<2000x128xf32, #tpu.memory_space<vmem>>, vector<2000x128xf32>
    %get3A_2 = arith.constant 0 : index
    %get3A_3 = arith.constant 0 : index
    %get3A_4 = vector.load %arg2[%get3A_2, %get3A_3] : memref<1x128xf32, #tpu.memory_space<vmem>>, vector<1x128xf32>
    %div3A = arith.constant 1.000000e+04 : f32
    %div3A_5 = vector.broadcast %div3A : f32 to vector<1x128xf32>
    %div3A_6 = arith.divf %get3A_4, %div3A_5 : vector<1x128xf32>
    %sub3A = vector.broadcast %div3A_6 : vector<1x128xf32> to vector<2000x128xf32>
    %sub3A_7 = arith.subf %get3A_1, %sub3A : vector<2000x128xf32>
    %mul3A = arith.mulf %sub3A_7, %sub3A_7 : vector<2000x128xf32>
    %reduce_sum3A = arith.constant dense<0.000000e+00> : vector<128xf32>
    %reduce_sum3A_8 = vector.multi_reduction <add>, %mul3A, %reduce_sum3A [0] : vector<2000x128xf32> to vector<128xf32>
    %broadcast_in_dim3A = vector.shape_cast %reduce_sum3A_8 : vector<128xf32> to vector<1x128xf32>
    %eq3A = arith.constant 0 : i32
    %eq3A_9 = arith.cmpi eq, %arg0, %eq3A : i32
    %convert_element_type3A = arith.extui %eq3A_9 : i1 to i32
    %cond3A = arith.constant 0 : i32
    %cond3A_10 = arith.cmpi ne, %convert_element_type3A, %cond3A : i32
    scf.if %cond3A_10 {
      %swap3A = arith.constant 0 : index
      %swap3A_15 = arith.constant 0 : index
      %swap3A_16 = vector.load %arg3[%swap3A, %swap3A_15] : memref<1x128xf32, #tpu.memory_space<vmem>>, vector<1x128xf32>
      tpu.vector_store %arg3[%swap3A, %swap3A_15], %broadcast_in_dim3A {strides = array<i32>} : memref<1x128xf32, #tpu.memory_space<vmem>>, vector<1x128xf32>,
    } else {
    }
    %ne3A = arith.constant 0 : i32
    %ne3A_11 = arith.cmpi ne, %arg0, %ne3A : i32
    %convert_element_type3A_12 = arith.extui %ne3A_11 : i1 to i32
    %cond3A_13 = arith.constant 0 : i32
    %cond3A_14 = arith.cmpi ne, %convert_element_type3A_12, %cond3A_13 : i32
    scf.if %cond3A_14 {
      %get3A_15 = arith.constant 0 : index
      %get3A_16 = arith.constant 0 : index
      %get3A_17 = vector.load %arg3[%get3A_15, %get3A_16] : memref<1x128xf32, #tpu.memory_space<vmem>>, vector<1x128xf32>
      %add3A = arith.addf %get3A_17, %broadcast_in_dim3A : vector<1x128xf32>
      %swap3A = arith.constant 0 : index
      %swap3A_18 = arith.constant 0 : index
      %swap3A_19 = vector.load %arg3[%swap3A, %swap3A_18] : memref<1x128xf32, #tpu.memory_space<vmem>>, vector<1x128xf32>
      tpu.vector_store %arg3[%swap3A, %swap3A_18], %add3A {strides = array<i32>} : memref<1x128xf32, #tpu.memory_space<vmem>>, vector<1x128xf32>,
    } else {
    }
    return
  }
  func.func @transform_0(%arg0: i32) -> (i32, i32) {
    %c0_i32 = arith.constant 0 : i32
    %c0_i32_0 = arith.constant 0 : i32
    return %arg0, %c0_i32 : i32, i32
  }
  func.func @transform_1(%arg0: i32) -> (i32, i32) {
    %c0_i32 = arith.constant 0 : i32
    %c0_i32_0 = arith.constant 0 : i32
    %c0_i32_1 = arith.constant 0 : i32
    return %c0_i32, %c0_i32_0 : i32, i32
  }
  func.func @transform_2(%arg0: i32) -> (i32, i32) {
    %c0_i32 = arith.constant 0 : i32
    %c0_i32_0 = arith.constant 0 : i32
    %c0_i32_1 = arith.constant 0 : i32
    return %c0_i32, %c0_i32_0 : i32, i32
  }
}

module attributes {stable_mosaic.version = 14 : i64} {
  func.func @_dense_b_body(%arg0: i32, %arg1: memref<2000x128xf32, #tpu.memory_space<vmem>>, %arg2: memref<1x128xf32, #tpu.memory_space<vmem>>, %arg3: memref<1x128xf32, #tpu.memory_space<vmem>>, %arg4: memref<1x128xf32, #tpu.memory_space<vmem>>, %arg5: memref<1x128xf32, #tpu.memory_space<vmem>>, %arg6: memref<2000x128xf32, #tpu.memory_space<vmem>>) attributes {dimension_semantics = [#tpu.dimension_semantics<arbitrary>], iteration_bounds = array<i64: 5>, scalar_prefetch = 0 : i64, scratch_operands = 0 : i64, tpu.core_type = #tpu.core_type<tc>, window_params = [{transform_indices = @transform_0, window_bounds = array<i64: 2000, 128>}, {pipeline_mode = #tpu.pipeline_mode<synchronous>, transform_indices = @transform_1, window_bounds = array<i64: 1, 128>}, {pipeline_mode = #tpu.pipeline_mode<synchronous>, transform_indices = @transform_2, window_bounds = array<i64: 1, 128>}, {pipeline_mode = #tpu.pipeline_mode<synchronous>, transform_indices = @transform_3, window_bounds = array<i64: 1, 128>}, {pipeline_mode = #tpu.pipeline_mode<synchronous>, transform_indices = @transform_4, window_bounds = array<i64: 1, 128>}, {transform_indices = @transform_5, window_bounds = array<i64: 2000, 128>}]} {
    %get3A = arith.constant 0 : index
    %get3A_0 = arith.constant 0 : index
    %get3A_1 = vector.load %arg2[%get3A, %get3A_0] : memref<1x128xf32, #tpu.memory_space<vmem>>, vector<1x128xf32>
    %div3A = arith.constant 1.000000e+04 : f32
    %div3A_2 = vector.broadcast %div3A : f32 to vector<1x128xf32>
    %div3A_3 = arith.divf %get3A_1, %div3A_2 : vector<1x128xf32>
    %get3A_4 = arith.constant 0 : index
    %get3A_5 = arith.constant 0 : index
    %get3A_6 = vector.load %arg3[%get3A_4, %get3A_5] : memref<1x128xf32, #tpu.memory_space<vmem>>, vector<1x128xf32>
    %div3A_7 = arith.constant 1.000000e+04 : f32
    %div3A_8 = vector.broadcast %div3A_7 : f32 to vector<1x128xf32>
    %div3A_9 = arith.divf %get3A_6, %div3A_8 : vector<1x128xf32>
    %get3A_10 = arith.constant 0 : index
    %get3A_11 = arith.constant 0 : index
    %get3A_12 = vector.load %arg1[%get3A_10, %get3A_11] : memref<2000x128xf32, #tpu.memory_space<vmem>>, vector<2000x128xf32>
    %sub3A = vector.broadcast %div3A_3 : vector<1x128xf32> to vector<2000x128xf32>
    %sub3A_13 = arith.subf %get3A_12, %sub3A : vector<2000x128xf32>
    %add3A = arith.constant 9.99999974E-6 : f32
    %add3A_14 = vector.broadcast %add3A : f32 to vector<1x128xf32>
    %add3A_15 = arith.addf %div3A_9, %add3A_14 : vector<1x128xf32>
    %sqrt3A = math.sqrt %add3A_15 : vector<1x128xf32>
    %div3A_16 = vector.broadcast %sqrt3A : vector<1x128xf32> to vector<2000x128xf32>
    %div3A_17 = arith.divf %sub3A_13, %div3A_16 : vector<2000x128xf32>
    %get3A_18 = arith.constant 0 : index
    %get3A_19 = arith.constant 0 : index
    %get3A_20 = vector.load %arg4[%get3A_18, %get3A_19] : memref<1x128xf32, #tpu.memory_space<vmem>>, vector<1x128xf32>
    %mul3A = vector.broadcast %get3A_20 : vector<1x128xf32> to vector<2000x128xf32>
    %mul3A_21 = arith.mulf %div3A_17, %mul3A : vector<2000x128xf32>
    %get3A_22 = arith.constant 0 : index
    %get3A_23 = arith.constant 0 : index
    %get3A_24 = vector.load %arg5[%get3A_22, %get3A_23] : memref<1x128xf32, #tpu.memory_space<vmem>>, vector<1x128xf32>
    %add3A_25 = vector.broadcast %get3A_24 : vector<1x128xf32> to vector<2000x128xf32>
    %add3A_26 = arith.addf %mul3A_21, %add3A_25 : vector<2000x128xf32>
    %max3A = arith.constant 0.000000e+00 : f32
    %max3A_27 = vector.broadcast %max3A : f32 to vector<2000x128xf32>
    %max3A_28 = arith.maximumf %add3A_26, %max3A_27 : vector<2000x128xf32>
    %swap3A = arith.constant 0 : index
    %swap3A_29 = arith.constant 0 : index
    %swap3A_30 = vector.load %arg6[%swap3A, %swap3A_29] : memref<2000x128xf32, #tpu.memory_space<vmem>>, vector<2000x128xf32>
    tpu.vector_store %arg6[%swap3A, %swap3A_29], %max3A_28 {strides = array<i32>} : memref<2000x128xf32, #tpu.memory_space<vmem>>, vector<2000x128xf32>,
    return
  }
  func.func @transform_0(%arg0: i32) -> (i32, i32) {
    %c0_i32 = arith.constant 0 : i32
    %c0_i32_0 = arith.constant 0 : i32
    return %arg0, %c0_i32 : i32, i32
  }
  func.func @transform_1(%arg0: i32) -> (i32, i32) {
    %c0_i32 = arith.constant 0 : i32
    %c0_i32_0 = arith.constant 0 : i32
    %c0_i32_1 = arith.constant 0 : i32
    return %c0_i32, %c0_i32_0 : i32, i32
  }
  func.func @transform_2(%arg0: i32) -> (i32, i32) {
    %c0_i32 = arith.constant 0 : i32
    %c0_i32_0 = arith.constant 0 : i32
    %c0_i32_1 = arith.constant 0 : i32
    return %c0_i32, %c0_i32_0 : i32, i32
  }
  func.func @transform_3(%arg0: i32) -> (i32, i32) {
    %c0_i32 = arith.constant 0 : i32
    %c0_i32_0 = arith.constant 0 : i32
    %c0_i32_1 = arith.constant 0 : i32
    return %c0_i32, %c0_i32_0 : i32, i32
  }
  func.func @transform_4(%arg0: i32) -> (i32, i32) {
    %c0_i32 = arith.constant 0 : i32
    %c0_i32_0 = arith.constant 0 : i32
    %c0_i32_1 = arith.constant 0 : i32
    return %c0_i32, %c0_i32_0 : i32, i32
  }
  func.func @transform_5(%arg0: i32) -> (i32, i32) {
    %c0_i32 = arith.constant 0 : i32
    %c0_i32_0 = arith.constant 0 : i32
    return %arg0, %c0_i32 : i32, i32
  }
}

module attributes {stable_mosaic.version = 14 : i64} {
  func.func @_dense_bf_body(%arg0: i32, %arg1: memref<2000x128xf32, #tpu.memory_space<vmem>>, %arg2: memref<1x128xf32, #tpu.memory_space<vmem>>, %arg3: memref<1x128xf32, #tpu.memory_space<vmem>>, %arg4: memref<1x128xf32, #tpu.memory_space<vmem>>, %arg5: memref<1x128xf32, #tpu.memory_space<vmem>>, %arg6: memref<128x1xf32, #tpu.memory_space<vmem>>, %arg7: memref<1x1xf32, #tpu.memory_space<vmem>>, %arg8: memref<2000x1xf32, #tpu.memory_space<vmem>>) attributes {dimension_semantics = [#tpu.dimension_semantics<arbitrary>], iteration_bounds = array<i64: 5>, scalar_prefetch = 0 : i64, scratch_operands = 0 : i64, tpu.core_type = #tpu.core_type<tc>, window_params = [{transform_indices = @transform_0, window_bounds = array<i64: 2000, 128>}, {pipeline_mode = #tpu.pipeline_mode<synchronous>, transform_indices = @transform_1, window_bounds = array<i64: 1, 128>}, {pipeline_mode = #tpu.pipeline_mode<synchronous>, transform_indices = @transform_2, window_bounds = array<i64: 1, 128>}, {pipeline_mode = #tpu.pipeline_mode<synchronous>, transform_indices = @transform_3, window_bounds = array<i64: 1, 128>}, {pipeline_mode = #tpu.pipeline_mode<synchronous>, transform_indices = @transform_4, window_bounds = array<i64: 1, 128>}, {pipeline_mode = #tpu.pipeline_mode<synchronous>, transform_indices = @transform_5, window_bounds = array<i64: 128, 1>}, {pipeline_mode = #tpu.pipeline_mode<synchronous>, transform_indices = @transform_6, window_bounds = array<i64: 1, 1>}, {transform_indices = @transform_7, window_bounds = array<i64: 2000, 1>}]} {
    %get3A = arith.constant 0 : index
    %get3A_0 = arith.constant 0 : index
    %get3A_1 = vector.load %arg2[%get3A, %get3A_0] : memref<1x128xf32, #tpu.memory_space<vmem>>, vector<1x128xf32>
    %div3A = arith.constant 1.000000e+04 : f32
    %div3A_2 = vector.broadcast %div3A : f32 to vector<1x128xf32>
    %div3A_3 = arith.divf %get3A_1, %div3A_2 : vector<1x128xf32>
    %get3A_4 = arith.constant 0 : index
    %get3A_5 = arith.constant 0 : index
    %get3A_6 = vector.load %arg3[%get3A_4, %get3A_5] : memref<1x128xf32, #tpu.memory_space<vmem>>, vector<1x128xf32>
    %div3A_7 = arith.constant 1.000000e+04 : f32
    %div3A_8 = vector.broadcast %div3A_7 : f32 to vector<1x128xf32>
    %div3A_9 = arith.divf %get3A_6, %div3A_8 : vector<1x128xf32>
    %get3A_10 = arith.constant 0 : index
    %get3A_11 = arith.constant 0 : index
    %get3A_12 = vector.load %arg1[%get3A_10, %get3A_11] : memref<2000x128xf32, #tpu.memory_space<vmem>>, vector<2000x128xf32>
    %sub3A = vector.broadcast %div3A_3 : vector<1x128xf32> to vector<2000x128xf32>
    %sub3A_13 = arith.subf %get3A_12, %sub3A : vector<2000x128xf32>
    %add3A = arith.constant 9.99999974E-6 : f32
    %add3A_14 = vector.broadcast %add3A : f32 to vector<1x128xf32>
    %add3A_15 = arith.addf %div3A_9, %add3A_14 : vector<1x128xf32>
    %sqrt3A = math.sqrt %add3A_15 : vector<1x128xf32>
    %div3A_16 = vector.broadcast %sqrt3A : vector<1x128xf32> to vector<2000x128xf32>
    %div3A_17 = arith.divf %sub3A_13, %div3A_16 : vector<2000x128xf32>
    %get3A_18 = arith.constant 0 : index
    %get3A_19 = arith.constant 0 : index
    %get3A_20 = vector.load %arg4[%get3A_18, %get3A_19] : memref<1x128xf32, #tpu.memory_space<vmem>>, vector<1x128xf32>
    %mul3A = vector.broadcast %get3A_20 : vector<1x128xf32> to vector<2000x128xf32>
    %mul3A_21 = arith.mulf %div3A_17, %mul3A : vector<2000x128xf32>
    %get3A_22 = arith.constant 0 : index
    %get3A_23 = arith.constant 0 : index
    %get3A_24 = vector.load %arg5[%get3A_22, %get3A_23] : memref<1x128xf32, #tpu.memory_space<vmem>>, vector<1x128xf32>
    %add3A_25 = vector.broadcast %get3A_24 : vector<1x128xf32> to vector<2000x128xf32>
    %add3A_26 = arith.addf %mul3A_21, %add3A_25 : vector<2000x128xf32>
    %max3A = arith.constant 0.000000e+00 : f32
    %max3A_27 = vector.broadcast %max3A : f32 to vector<2000x128xf32>
    %max3A_28 = arith.maximumf %add3A_26, %max3A_27 : vector<2000x128xf32>
    %get3A_29 = arith.constant 0 : index
    %get3A_30 = arith.constant 0 : index
    %get3A_31 = vector.load %arg6[%get3A_29, %get3A_30] : memref<128x1xf32, #tpu.memory_space<vmem>>, vector<128x1xf32>
    %dot_general3A = arith.constant dense<0.000000e+00> : vector<2000x1xf32>
    %dot_general3A_32 = tpu.matmul %max3A_28, %get3A_31, %dot_general3A {dimension_numbers = #tpu.dot_dimension_numbers<[1], [0], [0], [1], [0, 0, 1, 1], [], []>, transpose_lhs_hint = false} : vector<2000x128xf32>, vector<128x1xf32>, vector<2000x1xf32> -> vector<2000x1xf32>
    %get3A_33 = arith.constant 0 : index
    %get3A_34 = arith.constant 0 : index
    %get3A_35 = vector.load %arg7[%get3A_33, %get3A_34] : memref<1x1xf32, #tpu.memory_space<vmem>>, vector<1x1xf32>
    %add3A_36 = vector.broadcast %get3A_35 : vector<1x1xf32> to vector<2000x1xf32>
    %add3A_37 = arith.addf %dot_general3A_32, %add3A_36 : vector<2000x1xf32>
    %swap3A = arith.constant 0 : index
    %swap3A_38 = arith.constant 0 : index
    %swap3A_39 = vector.load %arg8[%swap3A, %swap3A_38] : memref<2000x1xf32, #tpu.memory_space<vmem>>, vector<2000x1xf32>
    tpu.vector_store %arg8[%swap3A, %swap3A_38], %add3A_37 {strides = array<i32>} : memref<2000x1xf32, #tpu.memory_space<vmem>>, vector<2000x1xf32>,
    return
  }
  func.func @transform_0(%arg0: i32) -> (i32, i32) {
    %c0_i32 = arith.constant 0 : i32
    %c0_i32_0 = arith.constant 0 : i32
    return %arg0, %c0_i32 : i32, i32
  }
  func.func @transform_1(%arg0: i32) -> (i32, i32) {
    %c0_i32 = arith.constant 0 : i32
    %c0_i32_0 = arith.constant 0 : i32
    %c0_i32_1 = arith.constant 0 : i32
    return %c0_i32, %c0_i32_0 : i32, i32
  }
  func.func @transform_2(%arg0: i32) -> (i32, i32) {
    %c0_i32 = arith.constant 0 : i32
    %c0_i32_0 = arith.constant 0 : i32
    %c0_i32_1 = arith.constant 0 : i32
    return %c0_i32, %c0_i32_0 : i32, i32
  }
  func.func @transform_3(%arg0: i32) -> (i32, i32) {
    %c0_i32 = arith.constant 0 : i32
    %c0_i32_0 = arith.constant 0 : i32
    %c0_i32_1 = arith.constant 0 : i32
    return %c0_i32, %c0_i32_0 : i32, i32
  }
  func.func @transform_4(%arg0: i32) -> (i32, i32) {
    %c0_i32 = arith.constant 0 : i32
    %c0_i32_0 = arith.constant 0 : i32
    %c0_i32_1 = arith.constant 0 : i32
    return %c0_i32, %c0_i32_0 : i32, i32
  }
  func.func @transform_5(%arg0: i32) -> (i32, i32) {
    %c0_i32 = arith.constant 0 : i32
    %c0_i32_0 = arith.constant 0 : i32
    %c0_i32_1 = arith.constant 0 : i32
    return %c0_i32, %c0_i32_0 : i32, i32
  }
  func.func @transform_6(%arg0: i32) -> (i32, i32) {
    %c0_i32 = arith.constant 0 : i32
    %c0_i32_0 = arith.constant 0 : i32
    %c0_i32_1 = arith.constant 0 : i32
    return %c0_i32, %c0_i32_0 : i32, i32
  }
  func.func @transform_7(%arg0: i32) -> (i32, i32) {
    %c0_i32 = arith.constant 0 : i32
    %c0_i32_0 = arith.constant 0 : i32
    return %arg0, %c0_i32 : i32, i32
  }
}

</mosaic_0001>

<sc_bundles>
// kernel: kernel.15.cloned.1.call-start
scs
__scs_entry_jumppad:
0x0: {  	(pc) =	sbr.rel $0x88, $3  }
0x1: {  	(tag) =	ssettag $0x0;
	lr =	simm.s32 $0x1  }
0x2: {  	[smem:$0x3F8B] =	sst lr;
	_ =	strace $0xD0000000  }
0x3: {  	_ = 	snop  }
0x4: {  	_ = 	snop  }
0x5: {  	_ = 	snop  }
0x6: {  	_ = 	snop  }
0x7: {  	_ = 	snop  }
__scs_overlays_trampoline_lowered:
0x8: {  	[smem:$0x3F9A] =	sst s0  }
0x9: {  	[smem:$0x3F9B] =	sst s1  }
0xa: {  	[smem:$0x3F9C] =	sst s2  }
0xb: {  	[smem:$0x3F9D] =	sst s3  }
0xc: {  	[smem:$0x3F9E] =	sst s4  }
0xd: {  	[smem:$0x3F9F] =	sst s5  }
0xe: {  	[smem:$0x3FA0] =	sst s6  }
0xf: {  	[smem:$0x3FA1] =	sst s7  }
0x10: {  	[smem:$0x3FA2] =	sst s8  }
0x11: {  	[smem:$0x3FA3] =	sst s9;
	s0 =	simm.s32 @!p0 $0x0  }
0x12: {  	s1 =	sld [smem:$0x3F89];
	s0 =	simm.s32 @p0 $0x1  }
0x13: {  	[smem:$0x3FA4] =	sst s0;
	s0 =	simm.s32 @!p1 $0x0  }
0x14: {  	s2 =	sld [smem:$0x3F88];
	s0 =	simm.s32 @p1 $0x1  }
0x15: {  	[smem:$0x3FA5] =	sst s0;
	s0 =	simm.s32 @!p2 $0x0  }
0x16: {  	s3 =	sld [smem:$0x3FDB];
	s0 =	simm.s32 @p2 $0x1  }
0x17: {  	s4 =	simm.s32 $0x1BF5;
	[smem:$0x3FA7] =	sst s0  }
0x18: {  	s0 =	sld [smem:$0x3F8A];
	_ =	swait.ge [sflag:s4], $0x0  }
0x19: {  	s7 =	sld [smem:$0x3F8B]  }
0x1a: {  	s8 =	sadd.s32 $0xFFFFE003, lr  }
0x1b: {  	s9 =	sadd.s32 $0xFFFFFEF7, lr;
	s5 =	simm.s32 $0xFFFFFFFF;
	p2 =	slt.u32 s8, $0xFFFFF086  }
0x1c: {  	p1 =	slt.u32 s9, $0xF7A;
	s5 =	simm.s32 @!p2 $0x0  }
0x1d: {  	s5 =	simm.s32 @p1 $0x1;
	p0 =	seq.s32 s7, s2  }
0x1e: {  	s7 =	smul.u32 @!p0 $0xF7A, s2;
	p2 =	seq.s32 @!p0 s5, $0x0  }
0x1f: {  	s9 =	smul.u32 $0xF7A, s1;
	s8 =	simm.s32 @!p0 $0x1BF5;
	p2 =	por !p2, p0  }
0x20: {  	[sflag:s8] =	ssyncset.s32 @!p0 $0xFFFFF086;
	s6 =	sadd.s32 @!p0 s3, s7;
	s7 =	simm.s32 @!p0 $0x108  }
0x21: {  	s3 =	sadd.s32 s3, s9;
	s6 =	sadd.s32 @!p0 $0x88, s6;
	s7 =	simm.s32 @p2 $0x1082  }
0x22: {  	[simem:s7], [sflag:s8] =	dma.local @!p0 [hbm:s6], $0xF7A  }
0x23: {  	s9 =	sor.u32 $0xD0000000, s2;
	s6 =	simm.s32 $0x108;
	_ =	swait.ge @!p0 [sflag:s8], $0x0  }
0x24: {  	s3 =	sadd.s32 $0x88, s3;
	s6 =	simm.s32 @!p1 $0x1082;
	[sflag:s4] =	ssyncset.s32 $0xFFFFF086  }
0x25: {  	[simem:s6], [sflag:s4] =	dma.local [hbm:s3], $0xF7A  }
0x26: {  	[smem:$0x3F8B] =	sst s1;
	(tag) =	ssettag s2;
	_ =	strace s9  }
0x27: {  	s1 =	sld [smem:$0x3F9B]  }
0x28: {  	s2 =	sld [smem:$0x3F9C]  }
0x29: {  	s4 =	sld [smem:$0x3F9E]  }
0x2a: {  	p0 =	seq.s32 s5, $0x0;
	s5 =	sld [smem:$0x3F9F]  }
0x2b: {  	s6 =	sld [smem:$0x3FA0]  }
0x2c: {  	s7 =	sld [smem:$0x3FA1]  }
0x2d: {  	s3 =	simm.s32 $0x108;
	s8 =	sld [smem:$0x3FA2]  }
0x2e: {  	s3 =	simm.s32 @!p0 $0x1082;
	s9 =	sld [smem:$0x3FA3]  }
0x2f: {  	lr =	sadd.s32 s0, s3;
	s0 =	sld [smem:$0x3F9A]  }
0x30: {  	s3 =	sld [smem:$0x3F9D]  }
0x31: {  	[smem:$0x3FA6] =	sst s10  }
0x32: {  	s10 =	sld [smem:$0x3FA4];
	_ =	sdelay $0x3  }
0x33: {  	p0 =	seq.s32 s10, $0x1;
	s10 =	sld [smem:$0x3FA6];
	_ =	sdelay $0x3  }
0x34: {  	[smem:$0x3FA6] =	sst s10  }
0x35: {  	s10 =	sld [smem:$0x3FA5];
	_ =	sdelay $0x3  }
0x36: {  	p1 =	seq.s32 s10, $0x1;
	s10 =	sld [smem:$0x3FA6];
	_ =	sdelay $0x3  }
0x37: {  	[smem:$0x3FA6] =	sst s10  }
0x38: {  	s10 =	sld [smem:$0x3FA7]  }
0x39: {  	_ = 	snop;
	(pc) =	sbr.ind lr, $3  }
0x3a: {  	_ = 	snop  }
0x3b: {  	_ = 	snop  }
0x3c: {  	p2 =	seq.s32 s10, $0x1;
	s10 =	sld [smem:$0x3FA6]  }
0x3d: {  	_ =	shalt  }
0x3e: {  	_ =	shalt  }
0x3f: {  	_ =	shalt  }
0x40: {  	_ =	shalt  }
0x41: {  	_ =	shalt  }
0x42: {  	_ =	shalt  }
0x43: {  	_ =	shalt  }
0x44: {  	_ =	shalt  }
0x45: {  	_ =	shalt  }
0x46: {  	_ =	shalt  }
0x47: {  	_ =	shalt  }
0x48: {  	_ =	shalt  }
0x49: {  	_ =	shalt  }
0x4a: {  	_ =	shalt  }
0x4b: {  	_ =	shalt  }
0x4c: {  	_ =	shalt  }
0x4d: {  	_ =	shalt  }
0x4e: {  	_ =	shalt  }
0x4f: {  	_ =	shalt  }
0x50: {  	_ =	shalt  }
0x51: {  	_ =	shalt  }
0x52: {  	_ =	shalt  }
0x53: {  	_ =	shalt  }
0x54: {  	_ =	shalt  }
0x55: {  	_ =	shalt  }
0x56: {  	_ =	shalt  }
0x57: {  	_ =	shalt  }
0x58: {  	_ =	shalt  }
0x59: {  	_ =	shalt  }
0x5a: {  	_ =	shalt  }
0x5b: {  	_ =	shalt  }
0x5c: {  	_ =	shalt  }
0x5d: {  	_ =	shalt  }
0x5e: {  	_ =	shalt  }
0x5f: {  	_ =	shalt  }
0x60: {  	_ =	shalt  }
0x61: {  	_ =	shalt  }
0x62: {  	_ =	shalt  }
0x63: {  	_ =	shalt  }
0x64: {  	_ =	shalt  }
0x65: {  	_ =	shalt  }
0x66: {  	_ =	shalt  }
0x67: {  	_ =	shalt  }
0x68: {  	_ =	shalt  }
0x69: {  	_ =	shalt  }
0x6a: {  	_ =	shalt  }
0x6b: {  	_ =	shalt  }
0x6c: {  	_ =	shalt  }
0x6d: {  	_ =	shalt  }
0x6e: {  	_ =	shalt  }
0x6f: {  	_ =	shalt  }
0x70: {  	_ =	shalt  }
0x71: {  	_ =	shalt  }
0x72: {  	_ =	shalt  }
0x73: {  	_ =	shalt  }
0x74: {  	_ =	shalt  }
0x75: {  	_ =	shalt  }
0x76: {  	_ =	shalt  }
0x77: {  	_ =	shalt  }
0x78: {  	_ =	shalt  }
0x79: {  	_ =	shalt  }
0x7a: {  	_ =	shalt  }
0x7b: {  	_ =	shalt  }
0x7c: {  	_ =	shalt  }
0x7d: {  	_ =	shalt  }
0x7e: {  	_ =	shalt  }
0x7f: {  	_ =	shalt  }
0x80: {  	_ =	shalt  }
0x81: {  	_ =	shalt  }
0x82: {  	_ =	shalt  }
0x83: {  	_ =	shalt  }
0x84: {  	_ =	shalt  }
0x85: {  	_ =	shalt  }
0x86: {  	_ =	shalt  }
0x87: {  	_ =	shalt  }
.Lfunc_end0:
.L_simem_size_0:
called_computation_lowered:
.L_overlay_start_0:
0x88: {  	s2 =	sld [smem:$0x3FD9]  }
0x89: {  	s3 =	sld [smem:$0x3FFE];
	_ =	sdelay $0x1  }
0x8a: {  	s1 =	srdreg.scid  }
0x8b: {  	s0 =	sand.u32 $0x1, s1  }
0x8c: {  	s17 =	sshll.u32 s0, $0xA;
	s2 =	sadd.s32 s3, s2  }
0x8d: {  	s2 =	sadd.s32 s2, s17  }
0x8e: {  	[smem:$0x3FB2] =	sst s2  }
0x8f: {  	_ = 	snop  }
0x90: {  	s2 =	sld [smem:$0x3FD0];
	(tm) =	ssettm $0x1  }
0x91: {  	s18 =	sld [smem:$0x3FFB];
	_ =	sdelay $0x3  }
0x92: {  	_ =	strace s18  }
0x93: {  	s3 =	sld [smem:$0x3FFC];
	_ =	sdelay $0x3  }
0x94: {  	_ =	strace s3  }
0x95: {  	s3 =	sld [smem:$0x3FFD];
	_ =	sdelay $0x3  }
0x96: {  	_ =	strace s3  }
0x97: {  	_ =	strace $0x8FFFFFFF  }
0x98: {  	s19 =	sld [smem:$0x3FDB];
	_ =	sdelay $0x1  }
0x99: {  	s4 =	simm.s32 $_scs_section_size  }
0x9a: {  	s5 =	simm.s32 $_size__tile_overlayer_lowered;
	s6 =	simm.s32 $_tile_overlayer_lowered  }
0x9b: {  	s22 =	simm.s32 $0x1BFF;
	s21 =	sshll.u32 s6, $0x1;
	s3 =	sadd.s32 s4, s19  }
0x9c: {  	s7 =	simm.s32 $0x0;
	s20 =	sshll.u32 s5, $0x1;
	s5 =	sadd.s32 s21, s3  }
0x9d: {  	[timem:s7], [sflag:s22] =	dma.local [hbm:s5], s20  }
0x9e: {  	_ =	swait.ge [sflag:s22], s20  }
0x9f: {  	s4 =	ssub.s32 $0x0, s20;
	[sflag:s22] =	ssyncset.done $0x0  }
0xa0: {  	[sflag:s22] =	ssyncadd.s32 s4;
	_ =	sdelay $0x1  }
0xa1: {  	s23 =	simm.s32 $0x1B8B  }
0xa2: {  	_ =	swait.ge [sflag:s23], $0x1  }
0xa3: {  	[sflag:s23] =	ssyncset.done $0x0  }
0xa4: {  	s25 =	simm.s32 $0x1B8E;
	s24 =	sld [smem:$0x3FFE];
	[sflag:s23] =	ssyncadd.s32 $0xFFFFFFFF  }
0xa5: {  	s26 =	simm.s32 $execute0_lowered;
	[smem:$0x3FD2] =	sst s25  }
0xa6: {  	s5 =	sshll.u32 s26, $0x1;
	_ =	strace $0x80000046;
	[dreg:$0x1] =	wrdreg $0xFFFFFFFF  }
0xa7: {  	s28 =	simm.s32 $_size_execute0_lowered;
	s3 =	sadd.s32 s3, s5;
	[dreg:$0x0] =	wrdreg $0x0  }
0xa8: {  	s5 =	sshll.u32 s28, $0x1;
	[dreg:$0x2] =	wrdreg s3  }
0xa9: {  	[dreg:$0x3] =	wrdreg s5  }
0xaa: {  	[dreg:$0x4] =	wrdreg $0xC0  }
0xab: {  	_ =	task [dreg:s7], $0x5FFFF  }
0xac: {  	[dreg:$0x1] =	wrdreg $0xFFFFFFFF  }
0xad: {  	[dreg:$0x0] =	wrdreg $0x60  }
0xae: {  	[dreg:$0x2] =	wrdreg s24  }
0xaf: {  	[dreg:$0x3] =	wrdreg s2  }
0xb0: {  	[dreg:$0x4] =	wrdreg $0x9  }
0xb1: {  	_ =	task.clear_ibuf [dreg:s7], $0x5FFFF;
	_ =	strace $0x90000046  }
0xb2: {  	s29 =	simm.s32 $0x9;
	_ =	strace $0x80000048  }
0xb3: {  	_ =	swait.ge [sflag:s29], $0x1  }
0xb4: {  	[sflag:s29] =	ssyncadd.s32 $0xFFFFFFFF  }
0xb5: {  	_ =	strace $0x90000048  }
0xb6: {  	_ =	sfence  }
0xb7: {  	s30 =	sld [smem:$0x0];
	_ =	sdelay $0x2  }
0xb8: {  	s31 =	sshll.u32 s1, $0xD;
	s1 =	sshrl.u32 s1, $0x2  }
0xb9: {  	s3 =	sand.u32 $0x4000, s31;
	s1 =	sadd.s32 s1, s30  }
0xba: {  	s0 =	sor.u32 s3, s0;
	s1 =	sshll.u32 s1, $0x11  }
0xbb: {  	s0 =	sor.u32 s1, s0  }
0xbc: {  	s0 =	sadd.s32 $0x8F2B, s0  }
0xbd: {  	[sflag:s0] =	ssyncadd.remote.s32 $0x1  }
0xbe: {  	_ =	sfence.sel $0xFFFF  }
0xbf: {  	[dreg:$0x0] =	wrdreg $0xFFFFFFFF;
	(pc) =	sbr.abs _section_cstart, $3  }
0xc0: {  	[dreg:$0x1] =	wrdreg $0xFFFFFFFF  }
0xc1: {  	_ =	task.clear_ibuf [dreg:s7], $0x2FFFF;
	_ =	strace $0x9FFFFFFF  }
0xc2: {  	(tm) =	ssettm $0x7FFFFFFF  }
0xc3: {  	_ =	shalt  }
tec
execute0_lowered:
.L_overlay_start_1:
0x0: {  	(tag) =	ssettag $0x1  }
0x1: {  	s4 =	rddreg [dreg:$0x0]  }
0x2: {  	s0 =	srdreg.scid;
	s7 =	rddreg [dreg:$0x1];
	s2 =	simm.s32 $0x0  }
0x3: {  	s1 =	stileid.u32;
	s5 =	sand.u32 $0x1, s0;
	[smem:$0x7FF] =	sst s2  }
0x4: {  	s0 =	rddreg [dreg:$0x2];
	s3 =	sshll.u32 s5, $0x4;
	_ =	strace $0x80000047  }
0x5: {  	s9 =	ssub.s32 $0x2, s5;
	s31 =	smul.u32 $0x1400, s5;
	s6 =	sor.u32 s1, s3  }
0x6: {  	s3 =	sadd.s32 $0x9E00, s4;
	s11 =	sshrl.u32 s9, $0x1;
	s8 =	smul.u32 $0x1110, s6  }
0x7: {  	s10 =	smul.u32 $0x140, s6;
	s9 =	ssub.s32 s9, s11;
	s14 =	sshll.u32 s6, $0x1  }
0x8: {  	s5 =	smul.u32 $0x50000, s6;
	s11 =	simm.s32 $0x1;
	s7 =	sadd.s32 s7, s14  }
0x9: {  	s8 =	sshrl.u32 s8, $0x3;
	s12 =	sadd.s32 $0x140, s10;
	v0 =	vmov s10;
	s10 =	simm.s32 $0x2  }
0xa: {  	s8 =	sadd.s32 s8, s4;
	s4 =	sadd.s32 $0x13C00, s4;
	v1 =	vmov s12;
	s12 =	simm.s32 $0x3180  }
0xb: {  	s13 =	sadd.s32 $0x5822, s8;
	s6 =	sadd.s32 $0x5800, s8;
	s8 =	smax.u32 s9, $0x1  }
0xc: {  	v3 =	vimm.s32 $0x0;
	v2 =	vmov s31;
	s9 =	simm.s32 $0x2000;
	[dreg:$0x3] =	wrdreg s13;
	s13 =	simm.s32 $0x0  }
.LBB2_1:
0xd: {  	[tilespmem:s9], [sflag:$0x2] =	stream.linear.gather [hbm4b:s6+s2], $0x1110, $0x38;
	[tilespmem:$0x3200] =	vst v63  }
0xe: {  	_ =	swait.ge [sflag:s10], $0x1110  }
0xf: {  	p0 =	por $0x0, $0x0;
	s14 =	simm.s32 $0x0;
	[sflag:s10] =	ssyncset.done $0x0  }
0x10: {  	s18 =	simm.s32 $0x0;
	s15 =	simm.s32 $0x0;
	[sflag:s10] =	ssyncadd.s32 $0xFFFFEEF0  }
0x11: {  	[tilespmem:s2], [sflag:$0x1] =	stream.linear.gather [hbm4b:s3+s2], $0x1000, $0x38;
	[tilespmem:$0x3200] =	vst v63  }
.LBB2_3:
0x12: {  	s16 =	simm.s32 $0x1  }
0x13: {  	s16 =	simm.s32 @!p0 $0x0  }
0x14: {  	_ =	swait.ge [sflag:s11], $0x1000;
	s16 =	sshll.u32 s16, $0xC  }
0x15: {  	s17 =	smov.u32 s15;
	[sflag:s11] =	ssyncset.done $0x0;
	s31 =	sor.u32 $0x80, s16  }
0x16: {  	s15 =	sadd.s32 $0x1, s15;
	p1 =	seq.s32 s17, $0x4E;
	[sflag:s11] =	ssyncadd.s32 $0xFFFFF000;
	v4 =	vmov s31  }
0x17: {  	s17 =	sshll.u32 @!p1 s15, $0xC;
	s19 =	sshll.u32 @!p1 s15, $0x9;
	s20 =	simm.s32 @!p1 $0x0  }
0x18: {  	s17 =	sand.u32 @!p1 $0x1000, s17;
	s19 =	sadd.s32 @!p1 s3, s19;
	s16 =	simm.s32 $0x0  }
0x19: {  	[tilespmem:s17], [sflag:$0x1] =	stream.linear.gather @!p1 [hbm4b:s19+s20], $0x1000, $0x38;
	[tilespmem:$0x3200] =	vst v63  }
.LBB2_4:
0x1a: {  	s17 =	sshra.s32 s16, $0x2  }
0x1b: {  	v5 =	vld.idx.msk [tilespmem:v4+s17+$0xFFFFFF80 ss:$0x1], $0xffff;
	_ =	sdelay $0x4  }
0x1c: {  	v6 =	vand.u32 $0x3FFF, v5  }
0x1d: {  	vm0 =	vge.u32 v6, v0;
	vm1 =	vlt.u32 v6, v1  }
0x1e: {  	vm0 =	vmand vm0, vm1  }
0x1f: {  	v7 =	vsel vm0, $0x1, v3  }
0x20: {  	(xrf0) =	vadd.scan.msk.s32 $0xffff, v7;
	_ =	sdelay $0x5  }
0x21: {  	s19 =	sadd.s32 $0xFFFFFFFF, s18;
	v7, _, _ =	vpop (xrf0)  }
0x22: {  	v8 =	vadd.s32 s19, v7;
	_ =	sdelay $0x1  }
0x23: {  	v5 =	vshra.s32 v5, $0x1  }
0x24: {  	v5 =	vand.u32 $0xFFFFE000, v5;
	v6 =	vsub.s32 v6, v2  }
0x25: {  	v5 =	vor.u32 v6, v5;
	(v2sf) =	vpush v7, $0xF  }
0x26: {  	[tilespmem:v8+s9+$0x0] =	vst.idx.msk vm0, v5  }
0x27: {  	v5 =	vld.idx.msk [tilespmem:v4+s17+$0xFFFFFF90 ss:$0x1], $0xffff;
	_ =	sdelay $0x4  }
0x28: {  	v6 =	vand.u32 $0x3FFF, v5  }
0x29: {  	vm10 =	vge.u32 v6, v0;
	vm11 =	vlt.u32 v6, v1  }
0x2a: {  	vm0 =	vmand vm10, vm11  }
0x2b: {  	v7 =	vsel vm0, $0x1, v3  }
0x2c: {  	(xrf0) =	vadd.scan.msk.s32 $0xffff, v7;
	_ =	sdelay $0x3  }
0x2d: {  	s25 =	spop (v2sf)  }
0x2e: {  	s26 =	sadd.s32 s18, s25  }
0x2f: {  	s19 =	sadd.s32 $0xFFFFFFFF, s26;
	v7, _, _ =	vpop (xrf0)  }
0x30: {  	v49 =	vadd.s32 s19, v7;
	_ =	sdelay $0x1  }
0x31: {  	v5 =	vshra.s32 v5, $0x1  }
0x32: {  	v5 =	vand.u32 $0xFFFFE000, v5;
	v6 =	vsub.s32 v6, v2  }
0x33: {  	v5 =	vor.u32 v6, v5;
	(v2sf) =	vpush v7, $0xF  }
0x34: {  	[tilespmem:v49+s9+$0x0] =	vst.idx.msk vm0, v5  }
0x35: {  	v5 =	vld.idx.msk [tilespmem:v4+s17+$0xFFFFFFA0 ss:$0x1], $0xffff;
	_ =	sdelay $0x4  }
0x36: {  	v6 =	vand.u32 $0x3FFF, v5  }
0x37: {  	vm12 =	vge.u32 v6, v0;
	vm13 =	vlt.u32 v6, v1  }
0x38: {  	vm0 =	vmand vm12, vm13  }
0x39: {  	v7 =	vsel vm0, $0x1, v3  }
0x3a: {  	(xrf0) =	vadd.scan.msk.s32 $0xffff, v7;
	_ =	sdelay $0x3  }
0x3b: {  	s28 =	spop (v2sf)  }
0x3c: {  	s18 =	sadd.s32 s26, s28  }
0x3d: {  	s19 =	sadd.s32 $0xFFFFFFFF, s18;
	v7, _, _ =	vpop (xrf0)  }
0x3e: {  	v50 =	vadd.s32 s19, v7;
	_ =	sdelay $0x1  }
0x3f: {  	v5 =	vshra.s32 v5, $0x1  }
0x40: {  	v5 =	vand.u32 $0xFFFFE000, v5;
	v6 =	vsub.s32 v6, v2  }
0x41: {  	v5 =	vor.u32 v6, v5;
	(v2sf) =	vpush v7, $0xF  }
0x42: {  	[tilespmem:v50+s9+$0x0] =	vst.idx.msk vm0, v5  }
0x43: {  	v5 =	vld.idx.msk [tilespmem:v4+s17+$0xFFFFFFB0 ss:$0x1], $0xffff;
	_ =	sdelay $0x4  }
0x44: {  	v6 =	vand.u32 $0x3FFF, v5  }
0x45: {  	vm14 =	vge.u32 v6, v0;
	vm15 =	vlt.u32 v6, v1  }
0x46: {  	vm0 =	vmand vm14, vm15  }
0x47: {  	v7 =	vsel vm0, $0x1, v3  }
0x48: {  	(xrf0) =	vadd.scan.msk.s32 $0xffff, v7;
	_ =	sdelay $0x3  }
0x49: {  	s29 =	spop (v2sf)  }
0x4a: {  	s18 =	sadd.s32 s18, s29  }
0x4b: {  	s19 =	sadd.s32 $0xFFFFFFFF, s18;
	v7, _, _ =	vpop (xrf0)  }
0x4c: {  	v51 =	vadd.s32 s19, v7;
	_ =	sdelay $0x1  }
0x4d: {  	v5 =	vshra.s32 v5, $0x1  }
0x4e: {  	v5 =	vand.u32 $0xFFFFE000, v5;
	v6 =	vsub.s32 v6, v2  }
0x4f: {  	v5 =	vor.u32 v6, v5;
	(v2sf) =	vpush v7, $0xF  }
0x50: {  	[tilespmem:v51+s9+$0x0] =	vst.idx.msk vm0, v5  }
0x51: {  	v5 =	vld.idx.msk [tilespmem:v4+s17+$0xFFFFFFC0 ss:$0x1], $0xffff;
	_ =	sdelay $0x4  }
0x52: {  	v6 =	vand.u32 $0x3FFF, v5  }
0x53: {  	vm4 =	vge.u32 v6, v0;
	vm5 =	vlt.u32 v6, v1  }
0x54: {  	vm0 =	vmand vm4, vm5  }
0x55: {  	v7 =	vsel vm0, $0x1, v3  }
0x56: {  	(xrf0) =	vadd.scan.msk.s32 $0xffff, v7;
	_ =	sdelay $0x3  }
0x57: {  	s30 =	spop (v2sf)  }
0x58: {  	s18 =	sadd.s32 s18, s30  }
0x59: {  	s19 =	sadd.s32 $0xFFFFFFFF, s18;
	v7, _, _ =	vpop (xrf0)  }
0x5a: {  	v52 =	vadd.s32 s19, v7;
	_ =	sdelay $0x1  }
0x5b: {  	v5 =	vshra.s32 v5, $0x1  }
0x5c: {  	v5 =	vand.u32 $0xFFFFE000, v5;
	v6 =	vsub.s32 v6, v2  }
0x5d: {  	v5 =	vor.u32 v6, v5;
	(v2sf) =	vpush v7, $0xF  }
0x5e: {  	[tilespmem:v52+s9+$0x0] =	vst.idx.msk vm0, v5  }
0x5f: {  	v5 =	vld.idx.msk [tilespmem:v4+s17+$0xFFFFFFD0 ss:$0x1], $0xffff;
	_ =	sdelay $0x4  }
0x60: {  	v6 =	vand.u32 $0x3FFF, v5  }
0x61: {  	vm6 =	vge.u32 v6, v0;
	vm7 =	vlt.u32 v6, v1  }
0x62: {  	vm0 =	vmand vm6, vm7  }
0x63: {  	v7 =	vsel vm0, $0x1, v3  }
0x64: {  	(xrf0) =	vadd.scan.msk.s32 $0xffff, v7;
	_ =	sdelay $0x3  }
0x65: {  	s31 =	spop (v2sf)  }
0x66: {  	s18 =	sadd.s32 s18, s31  }
0x67: {  	s19 =	sadd.s32 $0xFFFFFFFF, s18;
	v7, _, _ =	vpop (xrf0)  }
0x68: {  	v53 =	vadd.s32 s19, v7;
	_ =	sdelay $0x1  }
0x69: {  	v5 =	vshra.s32 v5, $0x1  }
0x6a: {  	v5 =	vand.u32 $0xFFFFE000, v5;
	v6 =	vsub.s32 v6, v2  }
0x6b: {  	v5 =	vor.u32 v6, v5;
	(v2sf) =	vpush v7, $0xF  }
0x6c: {  	[tilespmem:v53+s9+$0x0] =	vst.idx.msk vm0, v5  }
0x6d: {  	v5 =	vld.idx.msk [tilespmem:v4+s17+$0xFFFFFFE0 ss:$0x1], $0xffff;
	_ =	sdelay $0x4  }
0x6e: {  	v6 =	vand.u32 $0x3FFF, v5  }
0x6f: {  	vm8 =	vge.u32 v6, v0;
	vm9 =	vlt.u32 v6, v1  }
0x70: {  	vm0 =	vmand vm8, vm9  }
0x71: {  	v7 =	vsel vm0, $0x1, v3  }
0x72: {  	(xrf0) =	vadd.scan.msk.s32 $0xffff, v7;
	_ =	sdelay $0x3  }
0x73: {  	s20 =	spop (v2sf)  }
0x74: {  	s18 =	sadd.s32 s18, s20  }
0x75: {  	s19 =	sadd.s32 $0xFFFFFFFF, s18;
	v7, _, _ =	vpop (xrf0)  }
0x76: {  	v54 =	vadd.s32 s19, v7;
	_ =	sdelay $0x1  }
0x77: {  	v5 =	vshra.s32 v5, $0x1  }
0x78: {  	v5 =	vand.u32 $0xFFFFE000, v5;
	v6 =	vsub.s32 v6, v2  }
0x79: {  	v5 =	vor.u32 v6, v5;
	(v2sf) =	vpush v7, $0xF  }
0x7a: {  	[tilespmem:v54+s9+$0x0] =	vst.idx.msk vm0, v5  }
0x7b: {  	v5 =	vld.idx.msk [tilespmem:v4+s17+$0xFFFFFFF0 ss:$0x1], $0xffff;
	_ =	sdelay $0x4  }
0x7c: {  	v6 =	vand.u32 $0x3FFF, v5  }
0x7d: {  	vm10 =	vge.u32 v6, v0;
	vm11 =	vlt.u32 v6, v1  }
0x7e: {  	vm0 =	vmand vm10, vm11  }
0x7f: {  	v7 =	vsel vm0, $0x1, v3  }
0x80: {  	(xrf0) =	vadd.scan.msk.s32 $0xffff, v7;
	_ =	sdelay $0x3  }
0x81: {  	s21 =	spop (v2sf)  }
0x82: {  	s18 =	sadd.s32 s18, s21  }
0x83: {  	s19 =	sadd.s32 $0xFFFFFFFF, s18;
	v7, _, _ =	vpop (xrf0)  }
0x84: {  	v55 =	vadd.s32 s19, v7;
	_ =	sdelay $0x1  }
0x85: {  	v5 =	vshra.s32 v5, $0x1  }
0x86: {  	v5 =	vand.u32 $0xFFFFE000, v5;
	v6 =	vsub.s32 v6, v2  }
0x87: {  	v5 =	vor.u32 v6, v5;
	(v2sf) =	vpush v7, $0xF  }
0x88: {  	[tilespmem:v55+s9+$0x0] =	vst.idx.msk vm0, v5  }
0x89: {  	v5 =	vld.idx.msk [tilespmem:v4+s17+$0x0 ss:$0x1], $0xffff;
	_ =	sdelay $0x4  }
0x8a: {  	v6 =	vand.u32 $0x3FFF, v5  }
0x8b: {  	vm12 =	vge.u32 v6, v0;
	vm13 =	vlt.u32 v6, v1  }
0x8c: {  	vm0 =	vmand vm12, vm13  }
0x8d: {  	v7 =	vsel vm0, $0x1, v3  }
0x8e: {  	(xrf0) =	vadd.scan.msk.s32 $0xffff, v7;
	_ =	sdelay $0x3  }
0x8f: {  	s22 =	spop (v2sf)  }
0x90: {  	s18 =	sadd.s32 s18, s22  }
0x91: {  	s19 =	sadd.s32 $0xFFFFFFFF, s18;
	v7, _, _ =	vpop (xrf0)  }
0x92: {  	v56 =	vadd.s32 s19, v7;
	_ =	sdelay $0x1  }
0x93: {  	v5 =	vshra.s32 v5, $0x1  }
0x94: {  	v5 =	vand.u32 $0xFFFFE000, v5;
	v6 =	vsub.s32 v6, v2  }
0x95: {  	v5 =	vor.u32 v6, v5;
	(v2sf) =	vpush v7, $0xF  }
0x96: {  	[tilespmem:v56+s9+$0x0] =	vst.idx.msk vm0, v5  }
0x97: {  	v5 =	vld.idx.msk [tilespmem:v4+s17+$0x10 ss:$0x1], $0xffff;
	_ =	sdelay $0x4  }
0x98: {  	v6 =	vand.u32 $0x3FFF, v5  }
0x99: {  	vm14 =	vge.u32 v6, v0;
	vm15 =	vlt.u32 v6, v1  }
0x9a: {  	vm0 =	vmand vm14, vm15  }
0x9b: {  	v7 =	vsel vm0, $0x1, v3  }
0x9c: {  	(xrf0) =	vadd.scan.msk.s32 $0xffff, v7;
	_ =	sdelay $0x3  }
0x9d: {  	s23 =	spop (v2sf)  }
0x9e: {  	s18 =	sadd.s32 s18, s23  }
0x9f: {  	s19 =	sadd.s32 $0xFFFFFFFF, s18;
	v7, _, _ =	vpop (xrf0)  }
0xa0: {  	v57 =	vadd.s32 s19, v7;
	_ =	sdelay $0x1  }
0xa1: {  	v5 =	vshra.s32 v5, $0x1  }
0xa2: {  	v5 =	vand.u32 $0xFFFFE000, v5;
	v6 =	vsub.s32 v6, v2  }
0xa3: {  	v5 =	vor.u32 v6, v5;
	(v2sf) =	vpush v7, $0xF  }
0xa4: {  	[tilespmem:v57+s9+$0x0] =	vst.idx.msk vm0, v5  }
0xa5: {  	v5 =	vld.idx.msk [tilespmem:v4+s17+$0x20 ss:$0x1], $0xffff;
	_ =	sdelay $0x4  }
0xa6: {  	v6 =	vand.u32 $0x3FFF, v5  }
0xa7: {  	vm4 =	vge.u32 v6, v0;
	vm5 =	vlt.u32 v6, v1  }
0xa8: {  	vm0 =	vmand vm4, vm5  }
0xa9: {  	v7 =	vsel vm0, $0x1, v3  }
0xaa: {  	(xrf0) =	vadd.scan.msk.s32 $0xffff, v7;
	_ =	sdelay $0x3  }
0xab: {  	s24 =	spop (v2sf)  }
0xac: {  	s18 =	sadd.s32 s18, s24  }
0xad: {  	s19 =	sadd.s32 $0xFFFFFFFF, s18;
	v7, _, _ =	vpop (xrf0)  }
0xae: {  	v58 =	vadd.s32 s19, v7;
	_ =	sdelay $0x1  }
0xaf: {  	v5 =	vshra.s32 v5, $0x1  }
0xb0: {  	v5 =	vand.u32 $0xFFFFE000, v5;
	v6 =	vsub.s32 v6, v2  }
0xb1: {  	v5 =	vor.u32 v6, v5;
	(v2sf) =	vpush v7, $0xF  }
0xb2: {  	[tilespmem:v58+s9+$0x0] =	vst.idx.msk vm0, v5  }
0xb3: {  	v5 =	vld.idx.msk [tilespmem:v4+s17+$0x30 ss:$0x1], $0xffff;
	_ =	sdelay $0x4  }
0xb4: {  	v6 =	vand.u32 $0x3FFF, v5  }
0xb5: {  	vm6 =	vge.u32 v6, v0;
	vm7 =	vlt.u32 v6, v1  }
0xb6: {  	vm0 =	vmand vm6, vm7  }
0xb7: {  	v7 =	vsel vm0, $0x1, v3  }
0xb8: {  	(xrf0) =	vadd.scan.msk.s32 $0xffff, v7;
	_ =	sdelay $0x3  }
0xb9: {  	s25 =	spop (v2sf)  }
0xba: {  	s18 =	sadd.s32 s18, s25  }
0xbb: {  	s19 =	sadd.s32 $0xFFFFFFFF, s18;
	v7, _, _ =	vpop (xrf0)  }
0xbc: {  	v59 =	vadd.s32 s19, v7;
	_ =	sdelay $0x1  }
0xbd: {  	v5 =	vshra.s32 v5, $0x1  }
0xbe: {  	v5 =	vand.u32 $0xFFFFE000, v5;
	v6 =	vsub.s32 v6, v2  }
0xbf: {  	v5 =	vor.u32 v6, v5;
	(v2sf) =	vpush v7, $0xF  }
0xc0: {  	[tilespmem:v59+s9+$0x0] =	vst.idx.msk vm0, v5  }
0xc1: {  	v5 =	vld.idx.msk [tilespmem:v4+s17+$0x40 ss:$0x1], $0xffff;
	_ =	sdelay $0x4  }
0xc2: {  	v6 =	vand.u32 $0x3FFF, v5  }
0xc3: {  	vm8 =	vge.u32 v6, v0;
	vm9 =	vlt.u32 v6, v1  }
0xc4: {  	vm0 =	vmand vm8, vm9  }
0xc5: {  	v7 =	vsel vm0, $0x1, v3  }
0xc6: {  	(xrf0) =	vadd.scan.msk.s32 $0xffff, v7;
	_ =	sdelay $0x3  }
0xc7: {  	s26 =	spop (v2sf)  }
0xc8: {  	s18 =	sadd.s32 s18, s26  }
0xc9: {  	s19 =	sadd.s32 $0xFFFFFFFF, s18;
	v7, _, _ =	vpop (xrf0)  }
0xca: {  	v60 =	vadd.s32 s19, v7;
	_ =	sdelay $0x1  }
0xcb: {  	v5 =	vshra.s32 v5, $0x1  }
0xcc: {  	v5 =	vand.u32 $0xFFFFE000, v5;
	v6 =	vsub.s32 v6, v2  }
0xcd: {  	v5 =	vor.u32 v6, v5;
	(v2sf) =	vpush v7, $0xF  }
0xce: {  	[tilespmem:v60+s9+$0x0] =	vst.idx.msk vm0, v5  }
0xcf: {  	v5 =	vld.idx.msk [tilespmem:v4+s17+$0x50 ss:$0x1], $0xffff;
	_ =	sdelay $0x4  }
0xd0: {  	v6 =	vand.u32 $0x3FFF, v5  }
0xd1: {  	vm10 =	vge.u32 v6, v0;
	vm11 =	vlt.u32 v6, v1  }
0xd2: {  	vm0 =	vmand vm10, vm11  }
0xd3: {  	v7 =	vsel vm0, $0x1, v3  }
0xd4: {  	(xrf0) =	vadd.scan.msk.s32 $0xffff, v7;
	_ =	sdelay $0x3  }
0xd5: {  	s28 =	spop (v2sf)  }
0xd6: {  	s18 =	sadd.s32 s18, s28  }
0xd7: {  	s19 =	sadd.s32 $0xFFFFFFFF, s18;
	v7, _, _ =	vpop (xrf0)  }
0xd8: {  	v61 =	vadd.s32 s19, v7;
	_ =	sdelay $0x1  }
0xd9: {  	v5 =	vshra.s32 v5, $0x1  }
0xda: {  	v5 =	vand.u32 $0xFFFFE000, v5;
	v6 =	vsub.s32 v6, v2  }
0xdb: {  	v5 =	vor.u32 v6, v5;
	(v2sf) =	vpush v7, $0xF  }
0xdc: {  	[tilespmem:v61+s9+$0x0] =	vst.idx.msk vm0, v5  }
0xdd: {  	v5 =	vld.idx.msk [tilespmem:v4+s17+$0x60 ss:$0x1], $0xffff;
	_ =	sdelay $0x4  }
0xde: {  	v6 =	vand.u32 $0x3FFF, v5  }
0xdf: {  	vm12 =	vge.u32 v6, v0;
	vm13 =	vlt.u32 v6, v1  }
0xe0: {  	vm0 =	vmand vm12, vm13  }
0xe1: {  	v7 =	vsel vm0, $0x1, v3  }
0xe2: {  	(xrf0) =	vadd.scan.msk.s32 $0xffff, v7;
	_ =	sdelay $0x3  }
0xe3: {  	s29 =	spop (v2sf)  }
0xe4: {  	s18 =	sadd.s32 s18, s29  }
0xe5: {  	s19 =	sadd.s32 $0xFFFFFFFF, s18;
	v7, _, _ =	vpop (xrf0)  }
0xe6: {  	v62 =	vadd.s32 s19, v7;
	_ =	sdelay $0x1  }
0xe7: {  	v5 =	vshra.s32 v5, $0x1  }
0xe8: {  	v5 =	vand.u32 $0xFFFFE000, v5;
	v6 =	vsub.s32 v6, v2  }
0xe9: {  	v5 =	vor.u32 v6, v5  }
0xea: {  	[tilespmem:v62+s9+$0x0] =	vst.idx.msk vm0, v5  }
0xeb: {  	v5 =	vld.idx.msk [tilespmem:v4+s17+$0x70 ss:$0x1], $0xffff;
	_ =	sdelay $0x4  }
0xec: {  	v6 =	vand.u32 $0x3FFF, v5  }
0xed: {  	vm14 =	vge.u32 v6, v0;
	vm15 =	vlt.u32 v6, v1  }
0xee: {  	vm0 =	vmand vm14, vm15  }
0xef: {  	v63 =	vsel vm0, $0x1, v3  }
0xf0: {  	(xrf0) =	vadd.scan.msk.s32 $0xffff, v63;
	_ =	sdelay $0x3  }
0xf1: {  	(v2sf) =	vpush v7, $0xF;
	_ =	sdelay $0x1  }
0xf2: {  	v7, _, _ =	vpop (xrf0)  }
0xf3: {  	(v2sf) =	vpush v7, $0xF;
	_ =	sdelay $0xb  }
0xf4: {  	s30 =	spop (v2sf)  }
0xf5: {  	s17 =	sadd.s32 s18, s30  }
0xf6: {  	s18 =	sadd.s32 $0xFFFFFFFF, s17  }
0xf7: {  	v7 =	vadd.s32 s18, v7;
	s31 =	spop (v2sf)  }
0xf8: {  	s18 =	sadd.s32 s17, s31  }
0xf9: {  	v5 =	vshra.s32 v5, $0x1;
	p1 =	slt.s32 s18, $0x1000  }
0xfa: {  	v5 =	vand.u32 $0xFFFFE000, v5;
	v6 =	vsub.s32 v6, v2;
	s17 =	sadd.s32 @!p1 s5, s14  }
0xfb: {  	v5 =	vor.u32 v6, v5;
	s17 =	sshrl.u32 @!p1 s17, $0x3  }
0xfc: {  	[tilespmem:v7+s9+$0x0] =	vst.idx.msk vm0, v5;
	s19 =	simm.s32 @!p1 $0x0;
	s20 =	simm.s32 @!p1 $0x2000;
	s17 =	sadd.s32 @!p1 s4, s17  }
0xfd: {  	[hbm4b:s17+s19] =	stream.linear.scatter @!p1 [tilespmem:s20], [sflag:$0x2], $0x1000, $0x38;
	[tilespmem:$0x3200] =	vst v63  }
0xfe: {  	s17 =	simm.s32 @!p1 $0x2  }
0xff: {  	_ =	swait.ge @!p1 [sflag:s17], $0x1000  }
0x100: {  	[sflag:s17] =	ssyncset.done @!p1 $0x0  }
0x101: {  	[sflag:s17] =	ssyncadd.s32 @!p1 $0xFFFFF000  }
0x102: {  	v5 =	vld @!p1 [tilespmem:$0x3000]  }
0x103: {  	v6 =	vld @!p1 [tilespmem:$0x3010]  }
0x104: {  	v7 =	vld @!p1 [tilespmem:$0x3020]  }
0x105: {  	v8 =	vld @!p1 [tilespmem:$0x3030]  }
0x106: {  	v9 =	vld @!p1 [tilespmem:$0x3040]  }
0x107: {  	[tilespmem:$0x2000] =	vst @!p1 v5;
	v5 =	vld @!p1 [tilespmem:$0x3050]  }
0x108: {  	[tilespmem:$0x2010] =	vst @!p1 v6;
	v6 =	vld @!p1 [tilespmem:$0x3060]  }
0x109: {  	[tilespmem:$0x2020] =	vst @!p1 v7;
	v7 =	vld @!p1 [tilespmem:$0x3070]  }
0x10a: {  	[tilespmem:$0x2030] =	vst @!p1 v8;
	v8 =	vld @!p1 [tilespmem:$0x3080]  }
0x10b: {  	[tilespmem:$0x2040] =	vst @!p1 v9;
	v9 =	vld @!p1 [tilespmem:$0x3090]  }
0x10c: {  	[tilespmem:$0x2050] =	vst @!p1 v5;
	v5 =	vld @!p1 [tilespmem:$0x30A0]  }
0x10d: {  	[tilespmem:$0x2060] =	vst @!p1 v6;
	v6 =	vld @!p1 [tilespmem:$0x30B0]  }
0x10e: {  	[tilespmem:$0x2070] =	vst @!p1 v7;
	v7 =	vld @!p1 [tilespmem:$0x30C0]  }
0x10f: {  	[tilespmem:$0x2080] =	vst @!p1 v8;
	v8 =	vld @!p1 [tilespmem:$0x30D0]  }
0x110: {  	[tilespmem:$0x2090] =	vst @!p1 v9;
	v9 =	vld @!p1 [tilespmem:$0x30E0]  }
0x111: {  	[tilespmem:$0x20A0] =	vst @!p1 v5;
	v5 =	vld @!p1 [tilespmem:$0x30F0]  }
0x112: {  	[tilespmem:$0x20B0] =	vst @!p1 v6;
	v6 =	vld @!p1 [tilespmem:$0x3100]  }
0x113: {  	[tilespmem:$0x20C0] =	vst @!p1 v7  }
0x114: {  	[tilespmem:$0x20D0] =	vst @!p1 v8  }
0x115: {  	s16 =	sadd.s32 $0x400, s16;
	[tilespmem:$0x20E0] =	vst @!p1 v9  }
0x116: {  	p3 =	seq.s32 s16, $0x4000;
	[tilespmem:$0x20F0] =	vst @!p1 v5  }
.Ltmp0:
0x117: {  	s21 =	simm.s32 @!p1 $0x2110;
	s20 =	rddreg [dreg:$0x3];
	[tilespmem:$0x2100] =	vst @!p1 v6;
	(pc) =	sbr.rel @!p3 .LBB2_4-.Ltmp0, $4  }
0x118: {  	[tilespmem:s21], [sflag:$0x2] =	stream.linear.gather @!p1 [hbm4b:s20+s19], $0x1000, $0x38;
	[tilespmem:$0x3200] =	vst v63  }
0x119: {  	p2 =	sgt.s32 s18, $0xFFF;
	_ =	swait.ge @!p1 [sflag:s17], $0x1000  }
0x11a: {  	s19 =	sadd.s32 $0xFFFFF000, s18;
	s20 =	sadd.s32 $0x1000, s14;
	[sflag:s17] =	ssyncset.done @!p1 $0x0  }
0x11b: {  	s18 =	smov.u32 @p2 s19;
	s14 =	smov.u32 @p2 s20;
	[sflag:s17] =	ssyncadd.s32 @!p1 $0xFFFFF000  }
0x11c: {  	p1 =	seq.s32 s15, $0x4F  }
.Ltmp1:
0x11d: {  	_ = 	snop;
	(pc) =	sbr.rel @!p1 .LBB2_3-.Ltmp1, $2  }
0x11e: {  	_ =	sdelay $0x2  }
0x11f: {  	p0 =	por !p0, !p0  }
0x120: {  	s15 =	sadd.s32 s5, s14  }
0x121: {  	s15 =	sshrl.u32 s15, $0x3  }
0x122: {  	s15 =	sadd.s32 s4, s15  }
0x123: {  	[hbm4b:s15+s2] =	stream.linear.scatter [tilespmem:s9], [sflag:$0x2], $0x1000, $0x38;
	[tilespmem:$0x3200] =	vst v63  }
0x124: {  	_ =	swait.ge [sflag:s10], $0x1000  }
0x125: {  	s31 =	sadd.s32 s18, s14;
	s13 =	sadd.s32 $0x1, s13;
	[sflag:s10] =	ssyncset.done $0x0  }
0x126: {  	v4 =	vmov s31;
	p0 =	sne.s32 s13, s8;
	[sflag:s10] =	ssyncadd.s32 $0xFFFFF000  }
.Ltmp2:
0x127: {  	[tilespmem:$0x3180] =	vst v4;
	(pc) =	sbr.rel @p0 .LBB2_1-.Ltmp2, $4  }
0x128: {  	[hbm4b:s7+s2] =	stream.linear.scatter [tilespmem:s12], [sflag:$0x2], $0x10, $0x38;
	[tilespmem:$0x3200] =	vst v63  }
0x129: {  	_ =	swait.ge [sflag:s10], $0x10  }
0x12a: {  	[sflag:s10] =	ssyncset.done $0x0  }
0x12b: {  	[sflag:s10] =	ssyncadd.s32 $0xFFFFFFF0  }
0x12c: {  	_ =	sfence.sel $0x180000  }
0x12d: {  	[bflag:$0x0] =	sbarrier.arrive $0xFFFF  }
0x12e: {  	p0 =	sne.s32 s1, $0x0;
	_ =	strace $0x90000047  }
0x12f: {  	s0 =	sadd.s32 @!p0 $0x100000, s0;
	[bflag:$0x2] =	sbarrier.arrive $0xFFFF  }
0x130: {  	[sflag:s0] =	ssyncadd.tile.s32 @!p0 $0x1;
	_ =	shalt  }
.Lfunc_end2:
_tile_overlayer_lowered:
.L_overlay_start_2:
0x131: {  	(tag) =	ssettag $0x2  }
0x132: {  	s0 =	rddreg [dreg:$0x0];
	s2 =	stileid.u32  }
0x133: {  	s1 =	rddreg [dreg:$0x1];
	p0 =	sne.s32 s2, $0x0  }
0x134: {  	s3 =	rddreg [dreg:$0x2];
	[bflag:$0x3] =	sbarrier.arrive $0xFFFF;
	s2 =	simm.s32 @!p0 $0x1C02  }
0x135: {  	[timem:s3], [sflag:s2] =	dma.local @!p0 [hbm:s0], s1  }
0x136: {  	s0 =	simm.s32 @!p0 $0x2  }
0x137: {  	_ =	swait.ge @!p0 [sflag:s0], s1  }
0x138: {  	s1 =	ssub.s32 @!p0 $0x0, s1;
	[sflag:s0] =	ssyncset.done @!p0 $0x0  }
0x139: {  	[sflag:s0] =	ssyncadd.s32 @!p0 s1  }
0x13a: {  	[bflag:$0x3] =	sbarrier.arrive $0xFFFF  }
0x13b: {  	_ =	shalt  }

// kernel: kernel.18.cloned.1.call-start
scs
__scs_entry_jumppad:
0x0: {  	(pc) =	sbr.rel $0x88, $3  }
0x1: {  	(tag) =	ssettag $0x0;
	lr =	simm.s32 $0x1  }
0x2: {  	[smem:$0x3F8B] =	sst lr;
	_ =	strace $0xD0000000  }
0x3: {  	_ = 	snop  }
0x4: {  	_ = 	snop  }
0x5: {  	_ = 	snop  }
0x6: {  	_ = 	snop  }
0x7: {  	_ = 	snop  }
__scs_overlays_trampoline_lowered:
0x8: {  	[smem:$0x3F9A] =	sst s0  }
0x9: {  	[smem:$0x3F9B] =	sst s1  }
0xa: {  	[smem:$0x3F9C] =	sst s2  }
0xb: {  	[smem:$0x3F9D] =	sst s3  }
0xc: {  	[smem:$0x3F9E] =	sst s4  }
0xd: {  	[smem:$0x3F9F] =	sst s5  }
0xe: {  	[smem:$0x3FA0] =	sst s6  }
0xf: {  	[smem:$0x3FA1] =	sst s7  }
0x10: {  	[smem:$0x3FA2] =	sst s8  }
0x11: {  	[smem:$0x3FA3] =	sst s9;
	s0 =	simm.s32 @!p0 $0x0  }
0x12: {  	s1 =	sld [smem:$0x3F89];
	s0 =	simm.s32 @p0 $0x1  }
0x13: {  	[smem:$0x3FA4] =	sst s0;
	s0 =	simm.s32 @!p1 $0x0  }
0x14: {  	s2 =	sld [smem:$0x3F88];
	s0 =	simm.s32 @p1 $0x1  }
0x15: {  	[smem:$0x3FA5] =	sst s0;
	s0 =	simm.s32 @!p2 $0x0  }
0x16: {  	s3 =	sld [smem:$0x3FDB];
	s0 =	simm.s32 @p2 $0x1  }
0x17: {  	s4 =	simm.s32 $0x1BF5;
	[smem:$0x3FA7] =	sst s0  }
0x18: {  	s0 =	sld [smem:$0x3F8A];
	_ =	swait.ge [sflag:s4], $0x0  }
0x19: {  	s7 =	sld [smem:$0x3F8B]  }
0x1a: {  	s8 =	sadd.s32 $0xFFFFE003, lr  }
0x1b: {  	s9 =	sadd.s32 $0xFFFFFEF7, lr;
	s5 =	simm.s32 $0xFFFFFFFF;
	p2 =	slt.u32 s8, $0xFFFFF086  }
0x1c: {  	p1 =	slt.u32 s9, $0xF7A;
	s5 =	simm.s32 @!p2 $0x0  }
0x1d: {  	s5 =	simm.s32 @p1 $0x1;
	p0 =	seq.s32 s7, s2  }
0x1e: {  	s7 =	smul.u32 @!p0 $0xF7A, s2;
	p2 =	seq.s32 @!p0 s5, $0x0  }
0x1f: {  	s9 =	smul.u32 $0xF7A, s1;
	s8 =	simm.s32 @!p0 $0x1BF5;
	p2 =	por !p2, p0  }
0x20: {  	[sflag:s8] =	ssyncset.s32 @!p0 $0xFFFFF086;
	s6 =	sadd.s32 @!p0 s3, s7;
	s7 =	simm.s32 @!p0 $0x108  }
0x21: {  	s3 =	sadd.s32 s3, s9;
	s6 =	sadd.s32 @!p0 $0x88, s6;
	s7 =	simm.s32 @p2 $0x1082  }
0x22: {  	[simem:s7], [sflag:s8] =	dma.local @!p0 [hbm:s6], $0xF7A  }
0x23: {  	s9 =	sor.u32 $0xD0000000, s2;
	s6 =	simm.s32 $0x108;
	_ =	swait.ge @!p0 [sflag:s8], $0x0  }
0x24: {  	s3 =	sadd.s32 $0x88, s3;
	s6 =	simm.s32 @!p1 $0x1082;
	[sflag:s4] =	ssyncset.s32 $0xFFFFF086  }
0x25: {  	[simem:s6], [sflag:s4] =	dma.local [hbm:s3], $0xF7A  }
0x26: {  	[smem:$0x3F8B] =	sst s1;
	(tag) =	ssettag s2;
	_ =	strace s9  }
0x27: {  	s1 =	sld [smem:$0x3F9B]  }
0x28: {  	s2 =	sld [smem:$0x3F9C]  }
0x29: {  	s4 =	sld [smem:$0x3F9E]  }
0x2a: {  	p0 =	seq.s32 s5, $0x0;
	s5 =	sld [smem:$0x3F9F]  }
0x2b: {  	s6 =	sld [smem:$0x3FA0]  }
0x2c: {  	s7 =	sld [smem:$0x3FA1]  }
0x2d: {  	s3 =	simm.s32 $0x108;
	s8 =	sld [smem:$0x3FA2]  }
0x2e: {  	s3 =	simm.s32 @!p0 $0x1082;
	s9 =	sld [smem:$0x3FA3]  }
0x2f: {  	lr =	sadd.s32 s0, s3;
	s0 =	sld [smem:$0x3F9A]  }
0x30: {  	s3 =	sld [smem:$0x3F9D]  }
0x31: {  	[smem:$0x3FA6] =	sst s10  }
0x32: {  	s10 =	sld [smem:$0x3FA4];
	_ =	sdelay $0x3  }
0x33: {  	p0 =	seq.s32 s10, $0x1;
	s10 =	sld [smem:$0x3FA6];
	_ =	sdelay $0x3  }
0x34: {  	[smem:$0x3FA6] =	sst s10  }
0x35: {  	s10 =	sld [smem:$0x3FA5];
	_ =	sdelay $0x3  }
0x36: {  	p1 =	seq.s32 s10, $0x1;
	s10 =	sld [smem:$0x3FA6];
	_ =	sdelay $0x3  }
0x37: {  	[smem:$0x3FA6] =	sst s10  }
0x38: {  	s10 =	sld [smem:$0x3FA7]  }
0x39: {  	_ = 	snop;
	(pc) =	sbr.ind lr, $3  }
0x3a: {  	_ = 	snop  }
0x3b: {  	_ = 	snop  }
0x3c: {  	p2 =	seq.s32 s10, $0x1;
	s10 =	sld [smem:$0x3FA6]  }
0x3d: {  	_ =	shalt  }
0x3e: {  	_ =	shalt  }
0x3f: {  	_ =	shalt  }
0x40: {  	_ =	shalt  }
0x41: {  	_ =	shalt  }
0x42: {  	_ =	shalt  }
0x43: {  	_ =	shalt  }
0x44: {  	_ =	shalt  }
0x45: {  	_ =	shalt  }
0x46: {  	_ =	shalt  }
0x47: {  	_ =	shalt  }
0x48: {  	_ =	shalt  }
0x49: {  	_ =	shalt  }
0x4a: {  	_ =	shalt  }
0x4b: {  	_ =	shalt  }
0x4c: {  	_ =	shalt  }
0x4d: {  	_ =	shalt  }
0x4e: {  	_ =	shalt  }
0x4f: {  	_ =	shalt  }
0x50: {  	_ =	shalt  }
0x51: {  	_ =	shalt  }
0x52: {  	_ =	shalt  }
0x53: {  	_ =	shalt  }
0x54: {  	_ =	shalt  }
0x55: {  	_ =	shalt  }
0x56: {  	_ =	shalt  }
0x57: {  	_ =	shalt  }
0x58: {  	_ =	shalt  }
0x59: {  	_ =	shalt  }
0x5a: {  	_ =	shalt  }
0x5b: {  	_ =	shalt  }
0x5c: {  	_ =	shalt  }
0x5d: {  	_ =	shalt  }
0x5e: {  	_ =	shalt  }
0x5f: {  	_ =	shalt  }
0x60: {  	_ =	shalt  }
0x61: {  	_ =	shalt  }
0x62: {  	_ =	shalt  }
0x63: {  	_ =	shalt  }
0x64: {  	_ =	shalt  }
0x65: {  	_ =	shalt  }
0x66: {  	_ =	shalt  }
0x67: {  	_ =	shalt  }
0x68: {  	_ =	shalt  }
0x69: {  	_ =	shalt  }
0x6a: {  	_ =	shalt  }
0x6b: {  	_ =	shalt  }
0x6c: {  	_ =	shalt  }
0x6d: {  	_ =	shalt  }
0x6e: {  	_ =	shalt  }
0x6f: {  	_ =	shalt  }
0x70: {  	_ =	shalt  }
0x71: {  	_ =	shalt  }
0x72: {  	_ =	shalt  }
0x73: {  	_ =	shalt  }
0x74: {  	_ =	shalt  }
0x75: {  	_ =	shalt  }
0x76: {  	_ =	shalt  }
0x77: {  	_ =	shalt  }
0x78: {  	_ =	shalt  }
0x79: {  	_ =	shalt  }
0x7a: {  	_ =	shalt  }
0x7b: {  	_ =	shalt  }
0x7c: {  	_ =	shalt  }
0x7d: {  	_ =	shalt  }
0x7e: {  	_ =	shalt  }
0x7f: {  	_ =	shalt  }
0x80: {  	_ =	shalt  }
0x81: {  	_ =	shalt  }
0x82: {  	_ =	shalt  }
0x83: {  	_ =	shalt  }
0x84: {  	_ =	shalt  }
0x85: {  	_ =	shalt  }
0x86: {  	_ =	shalt  }
0x87: {  	_ =	shalt  }
.Lfunc_end0:
.L_simem_size_0:
called_computation.1_lowered:
.L_overlay_start_0:
0x88: {  	s2 =	sld [smem:$0x3FD9]  }
0x89: {  	s3 =	sld [smem:$0x3FFE];
	_ =	sdelay $0x1  }
0x8a: {  	s1 =	srdreg.scid  }
0x8b: {  	s0 =	sand.u32 $0x1, s1  }
0x8c: {  	s17 =	sshll.u32 s0, $0xA;
	s2 =	sadd.s32 s3, s2  }
0x8d: {  	s2 =	sadd.s32 s2, s17  }
0x8e: {  	[smem:$0x3FB2] =	sst s2  }
0x8f: {  	_ = 	snop  }
0x90: {  	s2 =	sld [smem:$0x3FC9]  }
0x91: {  	s18 =	sld [smem:$0x3FD0];
	(tm) =	ssettm $0x1  }
0x92: {  	s4 =	sld [smem:$0x3FFB];
	_ =	sdelay $0x3  }
0x93: {  	_ =	strace s4  }
0x94: {  	s4 =	sld [smem:$0x3FFC];
	_ =	sdelay $0x3  }
0x95: {  	_ =	strace s4  }
0x96: {  	s4 =	sld [smem:$0x3FFD];
	_ =	sdelay $0x3  }
0x97: {  	_ =	strace s4  }
0x98: {  	_ =	strace $0x8FFFFFFF  }
0x99: {  	s19 =	sld [smem:$0x3FDB];
	_ =	sdelay $0x1  }
0x9a: {  	s5 =	simm.s32 $_scs_section_size  }
0x9b: {  	s6 =	simm.s32 $_size__tile_overlayer_lowered;
	s7 =	simm.s32 $_tile_overlayer_lowered  }
0x9c: {  	s22 =	simm.s32 $0x1BFF;
	s21 =	sshll.u32 s7, $0x1;
	s4 =	sadd.s32 s5, s19  }
0x9d: {  	s8 =	simm.s32 $0x0;
	s20 =	sshll.u32 s6, $0x1;
	s6 =	sadd.s32 s21, s4  }
0x9e: {  	[timem:s8], [sflag:s22] =	dma.local [hbm:s6], s20  }
0x9f: {  	_ =	swait.ge [sflag:s22], s20  }
0xa0: {  	s5 =	ssub.s32 $0x0, s20;
	[sflag:s22] =	ssyncset.done $0x0  }
0xa1: {  	[sflag:s22] =	ssyncadd.s32 s5;
	_ =	sdelay $0x1  }
0xa2: {  	s23 =	simm.s32 $0x1B8B  }
0xa3: {  	_ =	swait.ge [sflag:s23], $0x1  }
0xa4: {  	[sflag:s23] =	ssyncset.done $0x0  }
0xa5: {  	s25 =	simm.s32 $0x1B8E;
	s24 =	sld [smem:$0x3FFE];
	[sflag:s23] =	ssyncadd.s32 $0xFFFFFFFF  }
0xa6: {  	s26 =	simm.s32 $execute0_lowered;
	[smem:$0x3FD2] =	sst s25  }
0xa7: {  	s6 =	sshll.u32 s26, $0x1;
	_ =	strace $0x80000049;
	[dreg:$0x1] =	wrdreg $0xFFFFFFFF  }
0xa8: {  	s28 =	simm.s32 $_size_execute0_lowered;
	s4 =	sadd.s32 s4, s6;
	[dreg:$0x0] =	wrdreg $0x0  }
0xa9: {  	s6 =	sshll.u32 s28, $0x1;
	[dreg:$0x2] =	wrdreg s4  }
0xaa: {  	[dreg:$0x3] =	wrdreg s6  }
0xab: {  	[dreg:$0x4] =	wrdreg $0xC0  }
0xac: {  	_ =	task [dreg:s8], $0x5FFFF  }
0xad: {  	[dreg:$0x1] =	wrdreg $0xFFFFFFFF  }
0xae: {  	[dreg:$0x0] =	wrdreg $0x60  }
0xaf: {  	[dreg:$0x2] =	wrdreg s2  }
0xb0: {  	[dreg:$0x3] =	wrdreg s24  }
0xb1: {  	[dreg:$0x4] =	wrdreg s18  }
0xb2: {  	[dreg:$0x5] =	wrdreg $0x83800  }
0xb3: {  	[dreg:$0x6] =	wrdreg $0x9  }
0xb4: {  	_ =	task.clear_ibuf [dreg:s8], $0x7FFFF;
	_ =	strace $0x90000049  }
0xb5: {  	s29 =	simm.s32 $0x9;
	_ =	strace $0x8000004B  }
0xb6: {  	_ =	swait.ge [sflag:s29], $0x1  }
0xb7: {  	[sflag:s29] =	ssyncadd.s32 $0xFFFFFFFF  }
0xb8: {  	_ =	strace $0x9000004B  }
0xb9: {  	_ =	sfence  }
0xba: {  	s30 =	sld [smem:$0x0];
	_ =	sdelay $0x2  }
0xbb: {  	s31 =	sshll.u32 s1, $0xD;
	s1 =	sshrl.u32 s1, $0x2  }
0xbc: {  	s3 =	sand.u32 $0x4000, s31;
	s1 =	sadd.s32 s1, s30  }
0xbd: {  	s0 =	sor.u32 s3, s0;
	s1 =	sshll.u32 s1, $0x11  }
0xbe: {  	s0 =	sor.u32 s1, s0  }
0xbf: {  	s0 =	sadd.s32 $0x8F2B, s0  }
0xc0: {  	[sflag:s0] =	ssyncadd.remote.s32 $0x1  }
0xc1: {  	_ =	sfence.sel $0xFFFF  }
0xc2: {  	[dreg:$0x0] =	wrdreg $0xFFFFFFFF;
	(pc) =	sbr.abs _section_cstart, $3  }
0xc3: {  	[dreg:$0x1] =	wrdreg $0xFFFFFFFF  }
0xc4: {  	_ =	task.clear_ibuf [dreg:s8], $0x2FFFF;
	_ =	strace $0x9FFFFFFF  }
0xc5: {  	(tm) =	ssettm $0x7FFFFFFF  }
tec
execute0_lowered:
.L_overlay_start_1:
0x0: {  	(tag) =	ssettag $0x1  }
0x1: {  	s0 =	rddreg [dreg:$0x0]  }
0x2: {  	s1 =	rddreg [dreg:$0x1]  }
0x3: {  	s2 =	rddreg [dreg:$0x2];
	s4 =	srdreg.scid  }
0x4: {  	s3 =	rddreg [dreg:$0x3];
	s15 =	stileid.u32;
	s16 =	simm.s32 $0x80  }
0x5: {  	s18 =	simm.s32 $0x300;
	s19 =	simm.s32 $0x1;
	s6 =	smul.u32 $0xA000, s15  }
0x6: {  	s20 =	simm.s32 $0x200;
	s21 =	simm.s32 $0x4;
	s11 =	smul.u32 $0x29000, s15  }
0x7: {  	s8 =	sand.u32 $0x1, s4;
	s4 =	simm.s32 $0x0;
	s26 =	smul.u32 $0x28000, s15  }
0x8: {  	s25 =	sshll.u32 s15, $0x6;
	s5 =	smul.u32 $0xA0000, s8;
	[smem:$0x7FF] =	sst s4  }
0x9: {  	s9 =	ssub.s32 $0x2, s8;
	s10 =	sshll.u32 s8, $0x4;
	s14 =	smul.u32 $0x500000, s8  }
0xa: {  	_ =	strace $0x8000004A;
	s22 =	sshrl.u32 s9, $0x1;
	s10 =	sor.u32 s15, s10  }
0xb: {  	s23 =	sshrl.u32 s11, $0x2;
	s15 =	smul.u32 $0x50000, s15;
	s29 =	sshrl.u32 s26, $0x2  }
0xc: {  	s26 =	simm.s32 $0x0;
	s7 =	sadd.s32 s6, s5;
	s5 =	sadd.s32 $0x13C00, s1  }
0xd: {  	s6 =	sadd.s32 $0x5800, s1;
	s12 =	ssub.s32 s9, s22;
	s24 =	smul.u32 $0x50000, s10  }
0xe: {  	s13 =	sadd.s32 s23, s3;
	s10 =	sshll.u32 s10, $0x1;
	s30 =	sadd.s32 s29, s3  }
0xf: {  	s22 =	simm.s32 $0x2;
	s23 =	simm.s32 $0x280;
	s7 =	sshrl.u32 s7, $0x3  }
.Ltmp0:
0x10: {  	s8 =	sadd.s32 s2, s10;
	s11 =	smax.u32 s12, $0x1;
	(pc) =	sbr.rel .LBB2_1-.Ltmp0, $4  }
0x11: {  	s31 =	sadd.s32 s15, s14;
	s13 =	sshrl.u32 s13, $0x3;
	s14 =	simm.s32 $0x3  }
0x12: {  	s1 =	sadd.s32 s7, s1;
	s7 =	sor.u32 $0x1C03, s25;
	s28 =	sshrl.u32 s24, $0x3  }
0x13: {  	s24 =	simm.s32 $0x4300;
	s25 =	sshrl.u32 s30, $0x3;
	s2 =	sadd.s32 s5, s28  }
0x14: {  	s10 =	sadd.s32 $0x153C00, s1;
	s1 =	sor.u32 $0x100, s31;
	[dreg:$0x5] =	wrdreg s2  }
.LBB2_8:
0x15: {  	s26 =	sadd.s32 $0x1, s26  }
0x16: {  	p0 =	sne.s32 s26, s11  }
.Ltmp1:
0x17: {  	[bflag:$0x0] =	sbarrier.arrive $0xFFFF;
	(pc) =	sbr.rel @!p0 .LBB2_9-.Ltmp1, $4  }
0x18: {  	[hbm:s10], [sflag:s7] =	dma.local [spmem:s25], $0x1400  }
0x19: {  	_ =	swait.ge [sflag:s14], $0x1400  }
0x1a: {  	[sflag:s14] =	ssyncset.done $0x0  }
0x1b: {  	[sflag:s14] =	ssyncadd.s32 $0xFFFFEC00  }
.LBB2_1:
0x1c: {  	[spmem:s13], [sflag:s7] =	dma.local [hbm:s6], $0x1480  }
0x1d: {  	_ =	swait.ge [sflag:s14], $0x1480  }
0x1e: {  	[sflag:s14] =	ssyncset.done $0x0  }
0x1f: {  	[sflag:s14] =	ssyncadd.s32 $0xFFFFEB80  }
0x20: {  	s2 =	simm.s32 $0x8300;
	[bflag:$0x0] =	sbarrier.arrive $0xFFFF  }
0x21: {  	[tilespmem:s2], [sflag:$0x3] =	stream.linear.gather [hbm4b:s8+s4], $0x10, $0x38;
	[tilespmem:$0x12780] =	vst v63  }
0x22: {  	_ =	swait.ge [sflag:s14], $0x10  }
0x23: {  	[sflag:s14] =	ssyncset.done $0x0  }
0x24: {  	[sflag:s14] =	ssyncadd.s32 $0xFFFFFFF0  }
0x25: {  	v0 =	vld [tilespmem:$0x8300];
	_ =	sdelay $0x4  }
0x26: {  	v0 =	vxor.u32 $0x80000000, v0  }
0x27: {  	(xrf0) =	vmax.scan.msk.u32 $0xffff, v0;
	_ =	sdelay $0x5  }
0x28: {  	v0, _, _ =	vpop (xrf0)  }
0x29: {  	(v2sf) =	vpush v0, $0xF;
	_ =	sdelay $0xe  }
0x2a: {  	s31 =	spop (v2sf)  }
0x2b: {  	s2 =	sadd.s32 $0x8000007F, s31  }
0x2c: {  	p0 =	slt.s32 s2, $0x80  }
.Ltmp2:
0x2d: {  	_ = 	snop;
	(pc) =	sbr.rel @p0 .LBB2_8-.Ltmp2, $1  }
0x2e: {  	_ =	sdelay $0x3  }
0x2f: {  	s9 =	rddreg [dreg:$0x5]  }
0x30: {  	[tilespmem:s4], [sflag:$0x3] =	stream.linear.gather [hbm4b:s9+s4], $0x80, $0x38;
	[tilespmem:$0x12780] =	vst v63  }
0x31: {  	_ =	swait.ge [sflag:s14], $0x80  }
0x32: {  	[sflag:s14] =	ssyncset.done $0x0  }
0x33: {  	[sflag:s14] =	ssyncadd.s32 $0xFFFFFF80  }
0x34: {  	v0 =	vld [tilespmem:$0x0];
	_ =	sdelay $0x1  }
0x35: {  	v1 =	vld [tilespmem:$0x10];
	_ =	sdelay $0x1  }
0x36: {  	v2 =	vld [tilespmem:$0x20]  }
0x37: {  	v3 =	vshra.s32 v0, $0xD  }
0x38: {  	v45 =	vld [tilespmem:$0x30];
	v0 =	vand.u32 $0x1FFF, v0;
	[tilespmem:$0x100] =	vst v3  }
0x39: {  	v46 =	vshra.s32 v1, $0xD;
	[tilespmem:$0x200] =	vst v0  }
0x3a: {  	v48 =	vld [tilespmem:$0x40];
	v47 =	vand.u32 $0x1FFF, v1;
	[tilespmem:$0x110] =	vst v46  }
0x3b: {  	v49 =	vshra.s32 v2, $0xD;
	[tilespmem:$0x210] =	vst v47  }
0x3c: {  	v51 =	vld [tilespmem:$0x50];
	v50 =	vand.u32 $0x1FFF, v2;
	[tilespmem:$0x120] =	vst v49  }
0x3d: {  	v52 =	vshra.s32 v45, $0xD;
	[tilespmem:$0x220] =	vst v50  }
0x3e: {  	v54 =	vld [tilespmem:$0x60];
	v53 =	vand.u32 $0x1FFF, v45;
	[tilespmem:$0x130] =	vst v52  }
0x3f: {  	v55 =	vshra.s32 v48, $0xD;
	[tilespmem:$0x230] =	vst v53  }
0x40: {  	v57 =	vld [tilespmem:$0x70];
	v56 =	vand.u32 $0x1FFF, v48;
	[tilespmem:$0x140] =	vst v55  }
0x41: {  	s12 =	sshra.s32 s2, $0x1F;
	v58 =	vshra.s32 v51, $0xD;
	[tilespmem:$0x240] =	vst v56  }
0x42: {  	s12 =	sshrl.u32 s12, $0x19;
	v59 =	vand.u32 $0x1FFF, v51;
	[tilespmem:$0x150] =	vst v58  }
0x43: {  	s15 =	sadd.s32 s12, s2;
	v60 =	vshra.s32 v54, $0xD;
	[tilespmem:$0x250] =	vst v59  }
.Ltmp3:
0x44: {  	s28 =	sshra.s32 s15, $0x7;
	v61 =	vand.u32 $0x1FFF, v54;
	[tilespmem:$0x160] =	vst v60;
	(pc) =	sbr.rel .LBB2_3-.Ltmp3, $4  }
0x45: {  	s2 =	sadd.s32 $0x1, s28;
	v62 =	vshra.s32 v57, $0xD;
	[tilespmem:$0x260] =	vst v61  }
0x46: {  	s17 =	simm.s32 $0x100;
	s31 =	simm.s32 $0x2;
	s2 =	sshrl.u32 s2, $0x1;
	v63 =	vand.u32 $0x1FFF, v57;
	[tilespmem:$0x170] =	vst v62  }
0x47: {  	s12 =	smov.u32 s1;
	s29 =	sadd.s32 $0xFFFFFFFF, s28;
	s30 =	smax.u32 s2, $0x1;
	[tilespmem:$0x270] =	vst v63  }
0x48: {  	[tilespmem:s18], [sflag:$0x1] =	stream.indirect.gather [hbm4b:s0+s16], $0x80, s17, s16, $0xb8;
	[tilespmem:$0x12780] =	vst v63  }
.LBB2_7:
0x49: {  	s30 =	sadd.s32 $0xFFFFFFFF, s30  }
0x4a: {  	p0 =	sne.s32 s30, $0x0  }
.Ltmp4:
0x4b: {  	_ = 	snop;
	(pc) =	sbr.rel @!p0 .LBB2_8-.Ltmp4, $2  }
0x4c: {  	_ =	sdelay $0x2  }
0x4d: {  	s12 =	sadd.s32 $0x100, s12;
	s31 =	sadd.s32 $0x2, s31  }
.LBB2_3:
0x4e: {  	s2 =	sadd.s32 $0xFFFFFFFE, s31  }
0x4f: {  	p0 =	sge.s32 s2, s28  }
.Ltmp5:
0x50: {  	_ = 	snop;
	(pc) =	sbr.rel @p0 .LBB2_5-.Ltmp5, $1  }
0x51: {  	_ =	sdelay $0x3  }
0x52: {  	s17 =	sadd.s32 $0xFFFFFFFF, s31  }
0x53: {  	_ =	swait.ge [sflag:s19], $0x4000;
	p0 =	sge.s32 s17, s28  }
0x54: {  	[sflag:s19] =	ssyncset.done $0x0;
	s17 =	sadd.s32 @!p0 $0xFFFFFF80, s12  }
0x55: {  	[sflag:s19] =	ssyncadd.s32 $0xFFFFC000;
	s17 =	sshrl.u32 @!p0 s17, $0x3  }
0x56: {  	s9 =	simm.s32 @!p0 $0x0;
	s15 =	simm.s32 @!p0 $0x80;
	s17 =	sadd.s32 @!p0 s5, s17  }
0x57: {  	[tilespmem:s15], [sflag:$0x4] =	stream.linear.gather @!p0 [hbm4b:s17+s9], $0x80, $0x38;
	[tilespmem:$0x12780] =	vst v63  }
0x58: {  	s9 =	simm.s32 @!p0 $0x4  }
0x59: {  	_ =	swait.ge @!p0 [sflag:s9], $0x80  }
0x5a: {  	[sflag:s9] =	ssyncset.done @!p0 $0x0  }
0x5b: {  	[sflag:s9] =	ssyncadd.s32 @!p0 $0xFFFFFF80  }
0x5c: {  	v0 =	vld @!p0 [tilespmem:$0x80];
	_ =	sdelay $0x1  }
0x5d: {  	v1 =	vld @!p0 [tilespmem:$0x90];
	_ =	sdelay $0x1  }
0x5e: {  	v2 =	vld @!p0 [tilespmem:$0xA0]  }
0x5f: {  	v3 =	vshra.s32 @!p0 v0, $0xD  }
0x60: {  	v0 =	vand.u32 @!p0 $0x1FFF, v0;
	[tilespmem:$0x180] =	vst @!p0 v3;
	v3 =	vld @!p0 [tilespmem:$0xB0]  }
0x61: {  	[tilespmem:$0x280] =	vst @!p0 v0;
	v0 =	vshra.s32 @!p0 v1, $0xD  }
0x62: {  	[tilespmem:$0x190] =	vst @!p0 v0;
	v0 =	vand.u32 @!p0 $0x1FFF, v1;
	v1 =	vld @!p0 [tilespmem:$0xC0]  }
0x63: {  	[tilespmem:$0x290] =	vst @!p0 v0;
	v0 =	vshra.s32 @!p0 v2, $0xD  }
0x64: {  	[tilespmem:$0x1A0] =	vst @!p0 v0;
	v0 =	vand.u32 @!p0 $0x1FFF, v2;
	v2 =	vld @!p0 [tilespmem:$0xD0]  }
0x65: {  	[tilespmem:$0x2A0] =	vst @!p0 v0;
	v0 =	vshra.s32 @!p0 v3, $0xD  }
0x66: {  	[tilespmem:$0x1B0] =	vst @!p0 v0;
	v0 =	vand.u32 @!p0 $0x1FFF, v3;
	v3 =	vld @!p0 [tilespmem:$0xE0]  }
0x67: {  	[tilespmem:$0x2B0] =	vst @!p0 v0;
	v0 =	vshra.s32 @!p0 v1, $0xD  }
0x68: {  	[tilespmem:$0x1C0] =	vst @!p0 v0;
	v0 =	vand.u32 @!p0 $0x1FFF, v1;
	v1 =	vld @!p0 [tilespmem:$0xF0]  }
0x69: {  	[tilespmem:$0x2C0] =	vst @!p0 v0;
	v0 =	vshra.s32 @!p0 v2, $0xD  }
0x6a: {  	[tilespmem:$0x1D0] =	vst @!p0 v0;
	v0 =	vand.u32 @!p0 $0x1FFF, v2  }
0x6b: {  	[tilespmem:$0x2D0] =	vst @!p0 v0;
	v0 =	vshra.s32 @!p0 v3, $0xD  }
0x6c: {  	[tilespmem:$0x1E0] =	vst @!p0 v0;
	v0 =	vand.u32 @!p0 $0x1FFF, v3  }
0x6d: {  	[tilespmem:$0x2E0] =	vst @!p0 v0;
	v0 =	vshra.s32 @!p0 v1, $0xD  }
0x6e: {  	[tilespmem:$0x1F0] =	vst @!p0 v0;
	v0 =	vand.u32 @!p0 $0x1FFF, v1  }
0x6f: {  	s17 =	simm.s32 @!p0 $0x4300;
	s9 =	simm.s32 @!p0 $0x180;
	[tilespmem:$0x2F0] =	vst @!p0 v0  }
0x70: {  	[tilespmem:s17], [sflag:$0x2] =	stream.indirect.gather @!p0 [hbm4b:s0+s15], $0x80, s9, s15, $0xb8;
	[tilespmem:$0x12780] =	vst v63  }
0x71: {  	_ = 	snop  }
0x72: {  	[spmem:s3] =	stream.indirect.scatter.add.f32 [tilespmem:s18], [sflag:$0x4], $0x80, s20, s16, $0xb8;
	[tilespmem:$0x12780] =	vst v63  }
0x73: {  	_ =	swait.ge [sflag:s21], $0x4000  }
0x74: {  	[sflag:s21] =	ssyncset.done $0x0  }
0x75: {  	[sflag:s21] =	ssyncadd.s32 $0xFFFFC000  }
.LBB2_5:
0x76: {  	p0 =	sge.s32 s2, s29  }
.Ltmp6:
0x77: {  	_ = 	snop;
	(pc) =	sbr.rel @p0 .LBB2_7-.Ltmp6, $1  }
0x78: {  	_ =	sdelay $0x3  }
0x79: {  	_ =	swait.ge [sflag:s22], $0x4000;
	p0 =	sge.s32 s31, s28  }
0x7a: {  	[sflag:s22] =	ssyncset.done $0x0;
	s2 =	sshrl.u32 @!p0 s12, $0x3  }
0x7b: {  	s9 =	simm.s32 @!p0 $0x0;
	[sflag:s22] =	ssyncadd.s32 $0xFFFFC000;
	s2 =	sadd.s32 @!p0 s5, s2  }
0x7c: {  	[tilespmem:s9], [sflag:$0x4] =	stream.linear.gather @!p0 [hbm4b:s2+s9], $0x80, $0x38;
	[tilespmem:$0x12780] =	vst v63  }
0x7d: {  	s2 =	simm.s32 @!p0 $0x4  }
0x7e: {  	_ =	swait.ge @!p0 [sflag:s2], $0x80  }
0x7f: {  	[sflag:s2] =	ssyncset.done @!p0 $0x0  }
0x80: {  	[sflag:s2] =	ssyncadd.s32 @!p0 $0xFFFFFF80  }
0x81: {  	v0 =	vld @!p0 [tilespmem:$0x0];
	_ =	sdelay $0x1  }
0x82: {  	v1 =	vld @!p0 [tilespmem:$0x10];
	_ =	sdelay $0x1  }
0x83: {  	v2 =	vld @!p0 [tilespmem:$0x20]  }
0x84: {  	v3 =	vshra.s32 @!p0 v0, $0xD  }
0x85: {  	v0 =	vand.u32 @!p0 $0x1FFF, v0;
	[tilespmem:$0x100] =	vst @!p0 v3;
	v3 =	vld @!p0 [tilespmem:$0x30]  }
0x86: {  	[tilespmem:$0x200] =	vst @!p0 v0;
	v0 =	vshra.s32 @!p0 v1, $0xD  }
0x87: {  	[tilespmem:$0x110] =	vst @!p0 v0;
	v0 =	vand.u32 @!p0 $0x1FFF, v1;
	v1 =	vld @!p0 [tilespmem:$0x40]  }
0x88: {  	[tilespmem:$0x210] =	vst @!p0 v0;
	v0 =	vshra.s32 @!p0 v2, $0xD  }
0x89: {  	[tilespmem:$0x120] =	vst @!p0 v0;
	v0 =	vand.u32 @!p0 $0x1FFF, v2;
	v2 =	vld @!p0 [tilespmem:$0x50]  }
0x8a: {  	[tilespmem:$0x220] =	vst @!p0 v0;
	v0 =	vshra.s32 @!p0 v3, $0xD  }
0x8b: {  	[tilespmem:$0x130] =	vst @!p0 v0;
	v0 =	vand.u32 @!p0 $0x1FFF, v3;
	v3 =	vld @!p0 [tilespmem:$0x60]  }
0x8c: {  	[tilespmem:$0x230] =	vst @!p0 v0;
	v0 =	vshra.s32 @!p0 v1, $0xD  }
0x8d: {  	[tilespmem:$0x140] =	vst @!p0 v0;
	v0 =	vand.u32 @!p0 $0x1FFF, v1;
	v1 =	vld @!p0 [tilespmem:$0x70]  }
0x8e: {  	[tilespmem:$0x240] =	vst @!p0 v0;
	v0 =	vshra.s32 @!p0 v2, $0xD  }
0x8f: {  	[tilespmem:$0x150] =	vst @!p0 v0;
	v0 =	vand.u32 @!p0 $0x1FFF, v2  }
0x90: {  	[tilespmem:$0x250] =	vst @!p0 v0;
	v0 =	vshra.s32 @!p0 v3, $0xD  }
0x91: {  	[tilespmem:$0x160] =	vst @!p0 v0;
	v0 =	vand.u32 @!p0 $0x1FFF, v3  }
0x92: {  	[tilespmem:$0x260] =	vst @!p0 v0;
	v0 =	vshra.s32 @!p0 v1, $0xD  }
0x93: {  	[tilespmem:$0x170] =	vst @!p0 v0;
	v0 =	vand.u32 @!p0 $0x1FFF, v1  }
0x94: {  	s15 =	simm.s32 @!p0 $0x300;
	s9 =	simm.s32 @!p0 $0x100;
	s2 =	simm.s32 @!p0 $0x80;
	[tilespmem:$0x270] =	vst @!p0 v0  }
0x95: {  	[tilespmem:s15], [sflag:$0x1] =	stream.indirect.gather @!p0 [hbm4b:s0+s2], $0x80, s9, s2, $0xb8;
	[tilespmem:$0x12780] =	vst v63  }
.Ltmp7:
0x96: {  	_ = 	snop;
	(pc) =	sbr.rel .LBB2_7-.Ltmp7, $4  }
0x97: {  	[spmem:s3] =	stream.indirect.scatter.add.f32 [tilespmem:s24], [sflag:$0x3], $0x80, s23, s16, $0xb8;
	[tilespmem:$0x12780] =	vst v63  }
0x98: {  	_ =	swait.ge [sflag:s14], $0x4000  }
0x99: {  	[sflag:s14] =	ssyncset.done $0x0  }
0x9a: {  	[sflag:s14] =	ssyncadd.s32 $0xFFFFC000  }
.LBB2_9:
0x9b: {  	_ =	sfence.sel $0x180000  }
0x9c: {  	[bflag:$0x0] =	sbarrier.arrive $0xFFFF  }
0x9d: {  	_ =	strace $0x9000004A  }
0x9e: {  	s0 =	stileid.u32;
	[bflag:$0x2] =	sbarrier.arrive $0xFFFF  }
0x9f: {  	p0 =	sne.s32 s0, $0x0;
	s0 =	rddreg [dreg:$0x4]  }
0xa0: {  	s0 =	sadd.s32 @!p0 $0x100000, s0  }
0xa1: {  	[sflag:s0] =	ssyncadd.tile.s32 @!p0 $0x1;
	_ =	shalt  }
.Lfunc_end2:
_tile_overlayer_lowered:
.L_overlay_start_2:
0xa2: {  	(tag) =	ssettag $0x2  }
0xa3: {  	s0 =	rddreg [dreg:$0x0];
	s2 =	stileid.u32  }
0xa4: {  	s1 =	rddreg [dreg:$0x1];
	p0 =	sne.s32 s2, $0x0  }
0xa5: {  	s3 =	rddreg [dreg:$0x2];
	[bflag:$0x3] =	sbarrier.arrive $0xFFFF;
	s2 =	simm.s32 @!p0 $0x1C03  }
0xa6: {  	[timem:s3], [sflag:s2] =	dma.local @!p0 [hbm:s0], s1  }
0xa7: {  	s0 =	simm.s32 @!p0 $0x3  }
0xa8: {  	_ =	swait.ge @!p0 [sflag:s0], s1  }
0xa9: {  	s1 =	ssub.s32 @!p0 $0x0, s1;
	[sflag:s0] =	ssyncset.done @!p0 $0x0  }
0xaa: {  	[sflag:s0] =	ssyncadd.s32 @!p0 s1  }
0xab: {  	[bflag:$0x3] =	sbarrier.arrive $0xFFFF  }
0xac: {  	_ =	shalt  }

// kernel: kernel.21.cloned.1.call-start
scs
__scs_entry_jumppad:
0x0: {  	(pc) =	sbr.rel $0x88, $3  }
0x1: {  	(tag) =	ssettag $0x0;
	lr =	simm.s32 $0x1  }
0x2: {  	[smem:$0x3F8B] =	sst lr;
	_ =	strace $0xD0000000  }
0x3: {  	_ = 	snop  }
0x4: {  	_ = 	snop  }
0x5: {  	_ = 	snop  }
0x6: {  	_ = 	snop  }
0x7: {  	_ = 	snop  }
__scs_overlays_trampoline_lowered:
0x8: {  	[smem:$0x3F9A] =	sst s0  }
0x9: {  	[smem:$0x3F9B] =	sst s1  }
0xa: {  	[smem:$0x3F9C] =	sst s2  }
0xb: {  	[smem:$0x3F9D] =	sst s3  }
0xc: {  	[smem:$0x3F9E] =	sst s4  }
0xd: {  	[smem:$0x3F9F] =	sst s5  }
0xe: {  	[smem:$0x3FA0] =	sst s6  }
0xf: {  	[smem:$0x3FA1] =	sst s7  }
0x10: {  	[smem:$0x3FA2] =	sst s8  }
0x11: {  	[smem:$0x3FA3] =	sst s9;
	s0 =	simm.s32 @!p0 $0x0  }
0x12: {  	s1 =	sld [smem:$0x3F89];
	s0 =	simm.s32 @p0 $0x1  }
0x13: {  	[smem:$0x3FA4] =	sst s0;
	s0 =	simm.s32 @!p1 $0x0  }
0x14: {  	s2 =	sld [smem:$0x3F88];
	s0 =	simm.s32 @p1 $0x1  }
0x15: {  	[smem:$0x3FA5] =	sst s0;
	s0 =	simm.s32 @!p2 $0x0  }
0x16: {  	s3 =	sld [smem:$0x3FDB];
	s0 =	simm.s32 @p2 $0x1  }
0x17: {  	s4 =	simm.s32 $0x1BF5;
	[smem:$0x3FA7] =	sst s0  }
0x18: {  	s0 =	sld [smem:$0x3F8A];
	_ =	swait.ge [sflag:s4], $0x0  }
0x19: {  	s7 =	sld [smem:$0x3F8B]  }
0x1a: {  	s8 =	sadd.s32 $0xFFFFE003, lr  }
0x1b: {  	s9 =	sadd.s32 $0xFFFFFEF7, lr;
	s5 =	simm.s32 $0xFFFFFFFF;
	p2 =	slt.u32 s8, $0xFFFFF086  }
0x1c: {  	p1 =	slt.u32 s9, $0xF7A;
	s5 =	simm.s32 @!p2 $0x0  }
0x1d: {  	s5 =	simm.s32 @p1 $0x1;
	p0 =	seq.s32 s7, s2  }
0x1e: {  	s7 =	smul.u32 @!p0 $0xF7A, s2;
	p2 =	seq.s32 @!p0 s5, $0x0  }
0x1f: {  	s9 =	smul.u32 $0xF7A, s1;
	s8 =	simm.s32 @!p0 $0x1BF5;
	p2 =	por !p2, p0  }
0x20: {  	[sflag:s8] =	ssyncset.s32 @!p0 $0xFFFFF086;
	s6 =	sadd.s32 @!p0 s3, s7;
	s7 =	simm.s32 @!p0 $0x108  }
0x21: {  	s3 =	sadd.s32 s3, s9;
	s6 =	sadd.s32 @!p0 $0x88, s6;
	s7 =	simm.s32 @p2 $0x1082  }
0x22: {  	[simem:s7], [sflag:s8] =	dma.local @!p0 [hbm:s6], $0xF7A  }
0x23: {  	s9 =	sor.u32 $0xD0000000, s2;
	s6 =	simm.s32 $0x108;
	_ =	swait.ge @!p0 [sflag:s8], $0x0  }
0x24: {  	s3 =	sadd.s32 $0x88, s3;
	s6 =	simm.s32 @!p1 $0x1082;
	[sflag:s4] =	ssyncset.s32 $0xFFFFF086  }
0x25: {  	[simem:s6], [sflag:s4] =	dma.local [hbm:s3], $0xF7A  }
0x26: {  	[smem:$0x3F8B] =	sst s1;
	(tag) =	ssettag s2;
	_ =	strace s9  }
0x27: {  	s1 =	sld [smem:$0x3F9B]  }
0x28: {  	s2 =	sld [smem:$0x3F9C]  }
0x29: {  	s4 =	sld [smem:$0x3F9E]  }
0x2a: {  	p0 =	seq.s32 s5, $0x0;
	s5 =	sld [smem:$0x3F9F]  }
0x2b: {  	s6 =	sld [smem:$0x3FA0]  }
0x2c: {  	s7 =	sld [smem:$0x3FA1]  }
0x2d: {  	s3 =	simm.s32 $0x108;
	s8 =	sld [smem:$0x3FA2]  }
0x2e: {  	s3 =	simm.s32 @!p0 $0x1082;
	s9 =	sld [smem:$0x3FA3]  }
0x2f: {  	lr =	sadd.s32 s0, s3;
	s0 =	sld [smem:$0x3F9A]  }
0x30: {  	s3 =	sld [smem:$0x3F9D]  }
0x31: {  	[smem:$0x3FA6] =	sst s10  }
0x32: {  	s10 =	sld [smem:$0x3FA4];
	_ =	sdelay $0x3  }
0x33: {  	p0 =	seq.s32 s10, $0x1;
	s10 =	sld [smem:$0x3FA6];
	_ =	sdelay $0x3  }
0x34: {  	[smem:$0x3FA6] =	sst s10  }
0x35: {  	s10 =	sld [smem:$0x3FA5];
	_ =	sdelay $0x3  }
0x36: {  	p1 =	seq.s32 s10, $0x1;
	s10 =	sld [smem:$0x3FA6];
	_ =	sdelay $0x3  }
0x37: {  	[smem:$0x3FA6] =	sst s10  }
0x38: {  	s10 =	sld [smem:$0x3FA7]  }
0x39: {  	_ = 	snop;
	(pc) =	sbr.ind lr, $3  }
0x3a: {  	_ = 	snop  }
0x3b: {  	_ = 	snop  }
0x3c: {  	p2 =	seq.s32 s10, $0x1;
	s10 =	sld [smem:$0x3FA6]  }
0x3d: {  	_ =	shalt  }
0x3e: {  	_ =	shalt  }
0x3f: {  	_ =	shalt  }
0x40: {  	_ =	shalt  }
0x41: {  	_ =	shalt  }
0x42: {  	_ =	shalt  }
0x43: {  	_ =	shalt  }
0x44: {  	_ =	shalt  }
0x45: {  	_ =	shalt  }
0x46: {  	_ =	shalt  }
0x47: {  	_ =	shalt  }
0x48: {  	_ =	shalt  }
0x49: {  	_ =	shalt  }
0x4a: {  	_ =	shalt  }
0x4b: {  	_ =	shalt  }
0x4c: {  	_ =	shalt  }
0x4d: {  	_ =	shalt  }
0x4e: {  	_ =	shalt  }
0x4f: {  	_ =	shalt  }
0x50: {  	_ =	shalt  }
0x51: {  	_ =	shalt  }
0x52: {  	_ =	shalt  }
0x53: {  	_ =	shalt  }
0x54: {  	_ =	shalt  }
0x55: {  	_ =	shalt  }
0x56: {  	_ =	shalt  }
0x57: {  	_ =	shalt  }
0x58: {  	_ =	shalt  }
0x59: {  	_ =	shalt  }
0x5a: {  	_ =	shalt  }
0x5b: {  	_ =	shalt  }
0x5c: {  	_ =	shalt  }
0x5d: {  	_ =	shalt  }
0x5e: {  	_ =	shalt  }
0x5f: {  	_ =	shalt  }
0x60: {  	_ =	shalt  }
0x61: {  	_ =	shalt  }
0x62: {  	_ =	shalt  }
0x63: {  	_ =	shalt  }
0x64: {  	_ =	shalt  }
0x65: {  	_ =	shalt  }
0x66: {  	_ =	shalt  }
0x67: {  	_ =	shalt  }
0x68: {  	_ =	shalt  }
0x69: {  	_ =	shalt  }
0x6a: {  	_ =	shalt  }
0x6b: {  	_ =	shalt  }
0x6c: {  	_ =	shalt  }
0x6d: {  	_ =	shalt  }
0x6e: {  	_ =	shalt  }
0x6f: {  	_ =	shalt  }
0x70: {  	_ =	shalt  }
0x71: {  	_ =	shalt  }
0x72: {  	_ =	shalt  }
0x73: {  	_ =	shalt  }
0x74: {  	_ =	shalt  }
0x75: {  	_ =	shalt  }
0x76: {  	_ =	shalt  }
0x77: {  	_ =	shalt  }
0x78: {  	_ =	shalt  }
0x79: {  	_ =	shalt  }
0x7a: {  	_ =	shalt  }
0x7b: {  	_ =	shalt  }
0x7c: {  	_ =	shalt  }
0x7d: {  	_ =	shalt  }
0x7e: {  	_ =	shalt  }
0x7f: {  	_ =	shalt  }
0x80: {  	_ =	shalt  }
0x81: {  	_ =	shalt  }
0x82: {  	_ =	shalt  }
0x83: {  	_ =	shalt  }
0x84: {  	_ =	shalt  }
0x85: {  	_ =	shalt  }
0x86: {  	_ =	shalt  }
0x87: {  	_ =	shalt  }
.Lfunc_end0:
.L_simem_size_0:
called_computation.2_lowered:
.L_overlay_start_0:
0x88: {  	s2 =	sld [smem:$0x3FD9]  }
0x89: {  	s3 =	sld [smem:$0x3FFE];
	_ =	sdelay $0x1  }
0x8a: {  	s1 =	srdreg.scid  }
0x8b: {  	s0 =	sand.u32 $0x1, s1  }
0x8c: {  	s17 =	sshll.u32 s0, $0xA;
	s2 =	sadd.s32 s3, s2  }
0x8d: {  	s2 =	sadd.s32 s2, s17  }
0x8e: {  	[smem:$0x3FB2] =	sst s2  }
0x8f: {  	_ = 	snop  }
0x90: {  	s2 =	sld [smem:$0x3FD0];
	(tm) =	ssettm $0x1  }
0x91: {  	s18 =	sld [smem:$0x3FFB];
	_ =	sdelay $0x3  }
0x92: {  	_ =	strace s18  }
0x93: {  	s3 =	sld [smem:$0x3FFC];
	_ =	sdelay $0x3  }
0x94: {  	_ =	strace s3  }
0x95: {  	s3 =	sld [smem:$0x3FFD];
	_ =	sdelay $0x3  }
0x96: {  	_ =	strace s3  }
0x97: {  	_ =	strace $0x8FFFFFFF  }
0x98: {  	s19 =	sld [smem:$0x3FDB];
	_ =	sdelay $0x1  }
0x99: {  	s4 =	simm.s32 $_scs_section_size  }
0x9a: {  	s5 =	simm.s32 $_size__tile_overlayer_lowered;
	s6 =	simm.s32 $_tile_overlayer_lowered  }
0x9b: {  	s22 =	simm.s32 $0x1BFF;
	s21 =	sshll.u32 s6, $0x1;
	s3 =	sadd.s32 s4, s19  }
0x9c: {  	s7 =	simm.s32 $0x0;
	s20 =	sshll.u32 s5, $0x1;
	s5 =	sadd.s32 s21, s3  }
0x9d: {  	[timem:s7], [sflag:s22] =	dma.local [hbm:s5], s20  }
0x9e: {  	_ =	swait.ge [sflag:s22], s20  }
0x9f: {  	s4 =	ssub.s32 $0x0, s20;
	[sflag:s22] =	ssyncset.done $0x0  }
0xa0: {  	[sflag:s22] =	ssyncadd.s32 s4;
	_ =	sdelay $0x1  }
0xa1: {  	s23 =	simm.s32 $0x1B8B  }
0xa2: {  	_ =	swait.ge [sflag:s23], $0x1  }
0xa3: {  	[sflag:s23] =	ssyncset.done $0x0  }
0xa4: {  	s25 =	simm.s32 $0x1B8E;
	s24 =	sld [smem:$0x3FFE];
	[sflag:s23] =	ssyncadd.s32 $0xFFFFFFFF  }
0xa5: {  	s26 =	simm.s32 $execute0_lowered;
	[smem:$0x3FD2] =	sst s25  }
0xa6: {  	s5 =	sshll.u32 s26, $0x1;
	_ =	strace $0x8000004C;
	[dreg:$0x1] =	wrdreg $0xFFFFFFFF  }
0xa7: {  	s28 =	simm.s32 $_size_execute0_lowered;
	s3 =	sadd.s32 s3, s5;
	[dreg:$0x0] =	wrdreg $0x0  }
0xa8: {  	s5 =	sshll.u32 s28, $0x1;
	[dreg:$0x2] =	wrdreg s3  }
0xa9: {  	[dreg:$0x3] =	wrdreg s5  }
0xaa: {  	[dreg:$0x4] =	wrdreg $0xC0  }
0xab: {  	_ =	task [dreg:s7], $0x5FFFF  }
0xac: {  	[dreg:$0x1] =	wrdreg $0xFFFFFFFF  }
0xad: {  	[dreg:$0x0] =	wrdreg $0x60  }
0xae: {  	[dreg:$0x2] =	wrdreg s24  }
0xaf: {  	[dreg:$0x3] =	wrdreg s2  }
0xb0: {  	[dreg:$0x4] =	wrdreg $0x83800  }
0xb1: {  	[dreg:$0x5] =	wrdreg $0x9  }
0xb2: {  	_ =	task.clear_ibuf [dreg:s7], $0x6FFFF;
	_ =	strace $0x9000004C  }
0xb3: {  	s29 =	simm.s32 $0x9;
	_ =	strace $0x8000004E  }
0xb4: {  	_ =	swait.ge [sflag:s29], $0x1  }
0xb5: {  	[sflag:s29] =	ssyncadd.s32 $0xFFFFFFFF  }
0xb6: {  	_ =	strace $0x9000004E  }
0xb7: {  	_ =	sfence  }
0xb8: {  	s30 =	sld [smem:$0x0];
	_ =	sdelay $0x2  }
0xb9: {  	s31 =	sshll.u32 s1, $0xD;
	s1 =	sshrl.u32 s1, $0x2  }
0xba: {  	s3 =	sand.u32 $0x4000, s31;
	s1 =	sadd.s32 s1, s30  }
0xbb: {  	s0 =	sor.u32 s3, s0;
	s1 =	sshll.u32 s1, $0x11  }
0xbc: {  	s0 =	sor.u32 s1, s0  }
0xbd: {  	s0 =	sadd.s32 $0x8F2B, s0  }
0xbe: {  	[sflag:s0] =	ssyncadd.remote.s32 $0x1  }
0xbf: {  	_ =	sfence.sel $0xFFFF  }
0xc0: {  	[dreg:$0x0] =	wrdreg $0xFFFFFFFF;
	(pc) =	sbr.abs _section_cstart, $3  }
0xc1: {  	[dreg:$0x1] =	wrdreg $0xFFFFFFFF  }
0xc2: {  	_ =	task.clear_ibuf [dreg:s7], $0x2FFFF;
	_ =	strace $0x9FFFFFFF  }
0xc3: {  	(tm) =	ssettm $0x7FFFFFFF  }
tec
execute0_lowered:
.L_overlay_start_1:
0x0: {  	(tag) =	ssettag $0x1  }
0x1: {  	s0 =	rddreg [dreg:$0x0]  }
0x2: {  	s1 =	rddreg [dreg:$0x1]  }
0x3: {  	s3 =	srdreg.scid;
	s2 =	rddreg [dreg:$0x2]  }
0x4: {  	s15 =	stileid.u32;
	s16 =	simm.s32 $0x80;
	s18 =	simm.s32 $0x300  }
0x5: {  	s19 =	simm.s32 $0x1;
	s20 =	simm.s32 $0x200;
	s6 =	smul.u32 $0xA000, s15  }
0x6: {  	s21 =	simm.s32 $0x4;
	s8 =	sand.u32 $0x1, s3;
	s11 =	smul.u32 $0x29000, s15  }
0x7: {  	s3 =	simm.s32 $0x0;
	s4 =	sadd.s32 $0x153C00, s0;
	s26 =	smul.u32 $0x28000, s15  }
0x8: {  	s25 =	sshll.u32 s15, $0x6;
	s5 =	smul.u32 $0xA0000, s8;
	[smem:$0x7FF] =	sst s3  }
0x9: {  	s9 =	ssub.s32 $0x2, s8;
	s10 =	sshll.u32 s8, $0x4;
	s14 =	smul.u32 $0x500000, s8  }
0xa: {  	_ =	strace $0x8000004D;
	s22 =	sshrl.u32 s9, $0x1;
	s10 =	sor.u32 s15, s10  }
0xb: {  	s23 =	sshrl.u32 s11, $0x2;
	s15 =	smul.u32 $0x50000, s15;
	s29 =	sshrl.u32 s26, $0x2  }
0xc: {  	s26 =	simm.s32 $0x0;
	s7 =	sadd.s32 s6, s5;
	s5 =	sadd.s32 $0x13C00, s0  }
0xd: {  	s6 =	sadd.s32 $0x5800, s0;
	s12 =	ssub.s32 s9, s22;
	s24 =	smul.u32 $0x50000, s10  }
0xe: {  	s13 =	sadd.s32 s23, s2;
	s10 =	sshll.u32 s10, $0x1;
	s30 =	sadd.s32 s29, s2  }
0xf: {  	s22 =	simm.s32 $0x2;
	s23 =	simm.s32 $0x280;
	s7 =	sshrl.u32 s7, $0x3  }
.Ltmp0:
0x10: {  	s8 =	sadd.s32 s1, s10;
	s11 =	smax.u32 s12, $0x1;
	(pc) =	sbr.rel .LBB2_1-.Ltmp0, $4  }
0x11: {  	s31 =	sadd.s32 s15, s14;
	s13 =	sshrl.u32 s13, $0x3;
	s14 =	simm.s32 $0x3  }
0x12: {  	s0 =	sadd.s32 s7, s0;
	s7 =	sor.u32 $0x1C03, s25;
	s28 =	sshrl.u32 s24, $0x3  }
0x13: {  	s24 =	simm.s32 $0x4300;
	s25 =	sshrl.u32 s30, $0x3;
	s1 =	sadd.s32 s5, s28  }
0x14: {  	s10 =	sadd.s32 $0x17AE00, s0;
	s0 =	sor.u32 $0x100, s31;
	[dreg:$0x4] =	wrdreg s1  }
.LBB2_8:
0x15: {  	s26 =	sadd.s32 $0x1, s26  }
0x16: {  	p0 =	sne.s32 s26, s11  }
.Ltmp1:
0x17: {  	[bflag:$0x0] =	sbarrier.arrive $0xFFFF;
	(pc) =	sbr.rel @!p0 .LBB2_9-.Ltmp1, $4  }
0x18: {  	[hbm:s10], [sflag:s7] =	dma.local [spmem:s25], $0x1400  }
0x19: {  	_ =	swait.ge [sflag:s14], $0x1400  }
0x1a: {  	[sflag:s14] =	ssyncset.done $0x0  }
0x1b: {  	[sflag:s14] =	ssyncadd.s32 $0xFFFFEC00  }
.LBB2_1:
0x1c: {  	[spmem:s13], [sflag:s7] =	dma.local [hbm:s6], $0x1480  }
0x1d: {  	_ =	swait.ge [sflag:s14], $0x1480  }
0x1e: {  	[sflag:s14] =	ssyncset.done $0x0  }
0x1f: {  	[sflag:s14] =	ssyncadd.s32 $0xFFFFEB80  }
0x20: {  	s1 =	simm.s32 $0x8300;
	[bflag:$0x0] =	sbarrier.arrive $0xFFFF  }
0x21: {  	[tilespmem:s1], [sflag:$0x3] =	stream.linear.gather [hbm4b:s8+s3], $0x10, $0x38;
	[tilespmem:$0x12780] =	vst v63  }
0x22: {  	_ =	swait.ge [sflag:s14], $0x10  }
0x23: {  	[sflag:s14] =	ssyncset.done $0x0  }
0x24: {  	[sflag:s14] =	ssyncadd.s32 $0xFFFFFFF0  }
0x25: {  	v0 =	vld [tilespmem:$0x8300];
	_ =	sdelay $0x4  }
0x26: {  	v0 =	vxor.u32 $0x80000000, v0  }
0x27: {  	(xrf0) =	vmax.scan.msk.u32 $0xffff, v0;
	_ =	sdelay $0x5  }
0x28: {  	v0, _, _ =	vpop (xrf0)  }
0x29: {  	(v2sf) =	vpush v0, $0xF;
	_ =	sdelay $0xe  }
0x2a: {  	s31 =	spop (v2sf)  }
0x2b: {  	s1 =	sadd.s32 $0x8000007F, s31  }
0x2c: {  	p0 =	slt.s32 s1, $0x80  }
.Ltmp2:
0x2d: {  	_ = 	snop;
	(pc) =	sbr.rel @p0 .LBB2_8-.Ltmp2, $1  }
0x2e: {  	_ =	sdelay $0x3  }
0x2f: {  	s9 =	rddreg [dreg:$0x4]  }
0x30: {  	[tilespmem:s3], [sflag:$0x3] =	stream.linear.gather [hbm4b:s9+s3], $0x80, $0x38;
	[tilespmem:$0x12780] =	vst v63  }
0x31: {  	_ =	swait.ge [sflag:s14], $0x80  }
0x32: {  	[sflag:s14] =	ssyncset.done $0x0  }
0x33: {  	[sflag:s14] =	ssyncadd.s32 $0xFFFFFF80  }
0x34: {  	v0 =	vld [tilespmem:$0x0];
	_ =	sdelay $0x1  }
0x35: {  	v1 =	vld [tilespmem:$0x10];
	_ =	sdelay $0x1  }
0x36: {  	v2 =	vld [tilespmem:$0x20]  }
0x37: {  	v3 =	vshra.s32 v0, $0xD  }
0x38: {  	v45 =	vld [tilespmem:$0x30];
	v0 =	vand.u32 $0x1FFF, v0;
	[tilespmem:$0x100] =	vst v3  }
0x39: {  	v46 =	vshra.s32 v1, $0xD;
	[tilespmem:$0x200] =	vst v0  }
0x3a: {  	v48 =	vld [tilespmem:$0x40];
	v47 =	vand.u32 $0x1FFF, v1;
	[tilespmem:$0x110] =	vst v46  }
0x3b: {  	v49 =	vshra.s32 v2, $0xD;
	[tilespmem:$0x210] =	vst v47  }
0x3c: {  	v51 =	vld [tilespmem:$0x50];
	v50 =	vand.u32 $0x1FFF, v2;
	[tilespmem:$0x120] =	vst v49  }
0x3d: {  	v52 =	vshra.s32 v45, $0xD;
	[tilespmem:$0x220] =	vst v50  }
0x3e: {  	v54 =	vld [tilespmem:$0x60];
	v53 =	vand.u32 $0x1FFF, v45;
	[tilespmem:$0x130] =	vst v52  }
0x3f: {  	v55 =	vshra.s32 v48, $0xD;
	[tilespmem:$0x230] =	vst v53  }
0x40: {  	v57 =	vld [tilespmem:$0x70];
	v56 =	vand.u32 $0x1FFF, v48;
	[tilespmem:$0x140] =	vst v55  }
0x41: {  	s12 =	sshra.s32 s1, $0x1F;
	v58 =	vshra.s32 v51, $0xD;
	[tilespmem:$0x240] =	vst v56  }
0x42: {  	s12 =	sshrl.u32 s12, $0x19;
	v59 =	vand.u32 $0x1FFF, v51;
	[tilespmem:$0x150] =	vst v58  }
0x43: {  	s15 =	sadd.s32 s12, s1;
	v60 =	vshra.s32 v54, $0xD;
	[tilespmem:$0x250] =	vst v59  }
.Ltmp3:
0x44: {  	s28 =	sshra.s32 s15, $0x7;
	v61 =	vand.u32 $0x1FFF, v54;
	[tilespmem:$0x160] =	vst v60;
	(pc) =	sbr.rel .LBB2_3-.Ltmp3, $4  }
0x45: {  	s1 =	sadd.s32 $0x1, s28;
	v62 =	vshra.s32 v57, $0xD;
	[tilespmem:$0x260] =	vst v61  }
0x46: {  	s17 =	simm.s32 $0x100;
	s31 =	simm.s32 $0x2;
	s1 =	sshrl.u32 s1, $0x1;
	v63 =	vand.u32 $0x1FFF, v57;
	[tilespmem:$0x170] =	vst v62  }
0x47: {  	s12 =	smov.u32 s0;
	s29 =	sadd.s32 $0xFFFFFFFF, s28;
	s30 =	smax.u32 s1, $0x1;
	[tilespmem:$0x270] =	vst v63  }
0x48: {  	[tilespmem:s18], [sflag:$0x1] =	stream.indirect.gather [hbm4b:s4+s16], $0x80, s17, s16, $0xb8;
	[tilespmem:$0x12780] =	vst v63  }
.LBB2_7:
0x49: {  	s30 =	sadd.s32 $0xFFFFFFFF, s30  }
0x4a: {  	p0 =	sne.s32 s30, $0x0  }
.Ltmp4:
0x4b: {  	_ = 	snop;
	(pc) =	sbr.rel @!p0 .LBB2_8-.Ltmp4, $2  }
0x4c: {  	_ =	sdelay $0x2  }
0x4d: {  	s12 =	sadd.s32 $0x100, s12;
	s31 =	sadd.s32 $0x2, s31  }
.LBB2_3:
0x4e: {  	s1 =	sadd.s32 $0xFFFFFFFE, s31  }
0x4f: {  	p0 =	sge.s32 s1, s28  }
.Ltmp5:
0x50: {  	_ = 	snop;
	(pc) =	sbr.rel @p0 .LBB2_5-.Ltmp5, $1  }
0x51: {  	_ =	sdelay $0x3  }
0x52: {  	s17 =	sadd.s32 $0xFFFFFFFF, s31  }
0x53: {  	_ =	swait.ge [sflag:s19], $0x4000;
	p0 =	sge.s32 s17, s28  }
0x54: {  	[sflag:s19] =	ssyncset.done $0x0;
	s17 =	sadd.s32 @!p0 $0xFFFFFF80, s12  }
0x55: {  	[sflag:s19] =	ssyncadd.s32 $0xFFFFC000;
	s17 =	sshrl.u32 @!p0 s17, $0x3  }
0x56: {  	s9 =	simm.s32 @!p0 $0x0;
	s15 =	simm.s32 @!p0 $0x80;
	s17 =	sadd.s32 @!p0 s5, s17  }
0x57: {  	[tilespmem:s15], [sflag:$0x4] =	stream.linear.gather @!p0 [hbm4b:s17+s9], $0x80, $0x38;
	[tilespmem:$0x12780] =	vst v63  }
0x58: {  	s9 =	simm.s32 @!p0 $0x4  }
0x59: {  	_ =	swait.ge @!p0 [sflag:s9], $0x80  }
0x5a: {  	[sflag:s9] =	ssyncset.done @!p0 $0x0  }
0x5b: {  	[sflag:s9] =	ssyncadd.s32 @!p0 $0xFFFFFF80  }
0x5c: {  	v0 =	vld @!p0 [tilespmem:$0x80];
	_ =	sdelay $0x1  }
0x5d: {  	v1 =	vld @!p0 [tilespmem:$0x90];
	_ =	sdelay $0x1  }
0x5e: {  	v2 =	vld @!p0 [tilespmem:$0xA0]  }
0x5f: {  	v3 =	vshra.s32 @!p0 v0, $0xD  }
0x60: {  	v0 =	vand.u32 @!p0 $0x1FFF, v0;
	[tilespmem:$0x180] =	vst @!p0 v3;
	v3 =	vld @!p0 [tilespmem:$0xB0]  }
0x61: {  	[tilespmem:$0x280] =	vst @!p0 v0;
	v0 =	vshra.s32 @!p0 v1, $0xD  }
0x62: {  	[tilespmem:$0x190] =	vst @!p0 v0;
	v0 =	vand.u32 @!p0 $0x1FFF, v1;
	v1 =	vld @!p0 [tilespmem:$0xC0]  }
0x63: {  	[tilespmem:$0x290] =	vst @!p0 v0;
	v0 =	vshra.s32 @!p0 v2, $0xD  }
0x64: {  	[tilespmem:$0x1A0] =	vst @!p0 v0;
	v0 =	vand.u32 @!p0 $0x1FFF, v2;
	v2 =	vld @!p0 [tilespmem:$0xD0]  }
0x65: {  	[tilespmem:$0x2A0] =	vst @!p0 v0;
	v0 =	vshra.s32 @!p0 v3, $0xD  }
0x66: {  	[tilespmem:$0x1B0] =	vst @!p0 v0;
	v0 =	vand.u32 @!p0 $0x1FFF, v3;
	v3 =	vld @!p0 [tilespmem:$0xE0]  }
0x67: {  	[tilespmem:$0x2B0] =	vst @!p0 v0;
	v0 =	vshra.s32 @!p0 v1, $0xD  }
0x68: {  	[tilespmem:$0x1C0] =	vst @!p0 v0;
	v0 =	vand.u32 @!p0 $0x1FFF, v1;
	v1 =	vld @!p0 [tilespmem:$0xF0]  }
0x69: {  	[tilespmem:$0x2C0] =	vst @!p0 v0;
	v0 =	vshra.s32 @!p0 v2, $0xD  }
0x6a: {  	[tilespmem:$0x1D0] =	vst @!p0 v0;
	v0 =	vand.u32 @!p0 $0x1FFF, v2  }
0x6b: {  	[tilespmem:$0x2D0] =	vst @!p0 v0;
	v0 =	vshra.s32 @!p0 v3, $0xD  }
0x6c: {  	[tilespmem:$0x1E0] =	vst @!p0 v0;
	v0 =	vand.u32 @!p0 $0x1FFF, v3  }
0x6d: {  	[tilespmem:$0x2E0] =	vst @!p0 v0;
	v0 =	vshra.s32 @!p0 v1, $0xD  }
0x6e: {  	[tilespmem:$0x1F0] =	vst @!p0 v0;
	v0 =	vand.u32 @!p0 $0x1FFF, v1  }
0x6f: {  	s17 =	simm.s32 @!p0 $0x4300;
	s9 =	simm.s32 @!p0 $0x180;
	[tilespmem:$0x2F0] =	vst @!p0 v0  }
0x70: {  	[tilespmem:s17], [sflag:$0x2] =	stream.indirect.gather @!p0 [hbm4b:s4+s15], $0x80, s9, s15, $0xb8;
	[tilespmem:$0x12780] =	vst v63  }
0x71: {  	_ = 	snop  }
0x72: {  	[spmem:s2] =	stream.indirect.scatter.add.f32 [tilespmem:s18], [sflag:$0x4], $0x80, s20, s16, $0xb8;
	[tilespmem:$0x12780] =	vst v63  }
0x73: {  	_ =	swait.ge [sflag:s21], $0x4000  }
0x74: {  	[sflag:s21] =	ssyncset.done $0x0  }
0x75: {  	[sflag:s21] =	ssyncadd.s32 $0xFFFFC000  }
.LBB2_5:
0x76: {  	p0 =	sge.s32 s1, s29  }
.Ltmp6:
0x77: {  	_ = 	snop;
	(pc) =	sbr.rel @p0 .LBB2_7-.Ltmp6, $1  }
0x78: {  	_ =	sdelay $0x3  }
0x79: {  	_ =	swait.ge [sflag:s22], $0x4000;
	p0 =	sge.s32 s31, s28  }
0x7a: {  	[sflag:s22] =	ssyncset.done $0x0;
	s1 =	sshrl.u32 @!p0 s12, $0x3  }
0x7b: {  	s9 =	simm.s32 @!p0 $0x0;
	[sflag:s22] =	ssyncadd.s32 $0xFFFFC000;
	s1 =	sadd.s32 @!p0 s5, s1  }
0x7c: {  	[tilespmem:s9], [sflag:$0x4] =	stream.linear.gather @!p0 [hbm4b:s1+s9], $0x80, $0x38;
	[tilespmem:$0x12780] =	vst v63  }
0x7d: {  	s1 =	simm.s32 @!p0 $0x4  }
0x7e: {  	_ =	swait.ge @!p0 [sflag:s1], $0x80  }
0x7f: {  	[sflag:s1] =	ssyncset.done @!p0 $0x0  }
0x80: {  	[sflag:s1] =	ssyncadd.s32 @!p0 $0xFFFFFF80  }
0x81: {  	v0 =	vld @!p0 [tilespmem:$0x0];
	_ =	sdelay $0x1  }
0x82: {  	v1 =	vld @!p0 [tilespmem:$0x10];
	_ =	sdelay $0x1  }
0x83: {  	v2 =	vld @!p0 [tilespmem:$0x20]  }
0x84: {  	v3 =	vshra.s32 @!p0 v0, $0xD  }
0x85: {  	v0 =	vand.u32 @!p0 $0x1FFF, v0;
	[tilespmem:$0x100] =	vst @!p0 v3;
	v3 =	vld @!p0 [tilespmem:$0x30]  }
0x86: {  	[tilespmem:$0x200] =	vst @!p0 v0;
	v0 =	vshra.s32 @!p0 v1, $0xD  }
0x87: {  	[tilespmem:$0x110] =	vst @!p0 v0;
	v0 =	vand.u32 @!p0 $0x1FFF, v1;
	v1 =	vld @!p0 [tilespmem:$0x40]  }
0x88: {  	[tilespmem:$0x210] =	vst @!p0 v0;
	v0 =	vshra.s32 @!p0 v2, $0xD  }
0x89: {  	[tilespmem:$0x120] =	vst @!p0 v0;
	v0 =	vand.u32 @!p0 $0x1FFF, v2;
	v2 =	vld @!p0 [tilespmem:$0x50]  }
0x8a: {  	[tilespmem:$0x220] =	vst @!p0 v0;
	v0 =	vshra.s32 @!p0 v3, $0xD  }
0x8b: {  	[tilespmem:$0x130] =	vst @!p0 v0;
	v0 =	vand.u32 @!p0 $0x1FFF, v3;
	v3 =	vld @!p0 [tilespmem:$0x60]  }
0x8c: {  	[tilespmem:$0x230] =	vst @!p0 v0;
	v0 =	vshra.s32 @!p0 v1, $0xD  }
0x8d: {  	[tilespmem:$0x140] =	vst @!p0 v0;
	v0 =	vand.u32 @!p0 $0x1FFF, v1;
	v1 =	vld @!p0 [tilespmem:$0x70]  }
0x8e: {  	[tilespmem:$0x240] =	vst @!p0 v0;
	v0 =	vshra.s32 @!p0 v2, $0xD  }
0x8f: {  	[tilespmem:$0x150] =	vst @!p0 v0;
	v0 =	vand.u32 @!p0 $0x1FFF, v2  }
0x90: {  	[tilespmem:$0x250] =	vst @!p0 v0;
	v0 =	vshra.s32 @!p0 v3, $0xD  }
0x91: {  	[tilespmem:$0x160] =	vst @!p0 v0;
	v0 =	vand.u32 @!p0 $0x1FFF, v3  }
0x92: {  	[tilespmem:$0x260] =	vst @!p0 v0;
	v0 =	vshra.s32 @!p0 v1, $0xD  }
0x93: {  	[tilespmem:$0x170] =	vst @!p0 v0;
	v0 =	vand.u32 @!p0 $0x1FFF, v1  }
0x94: {  	s15 =	simm.s32 @!p0 $0x300;
	s9 =	simm.s32 @!p0 $0x100;
	s1 =	simm.s32 @!p0 $0x80;
	[tilespmem:$0x270] =	vst @!p0 v0  }
0x95: {  	[tilespmem:s15], [sflag:$0x1] =	stream.indirect.gather @!p0 [hbm4b:s4+s1], $0x80, s9, s1, $0xb8;
	[tilespmem:$0x12780] =	vst v63  }
.Ltmp7:
0x96: {  	_ = 	snop;
	(pc) =	sbr.rel .LBB2_7-.Ltmp7, $4  }
0x97: {  	[spmem:s2] =	stream.indirect.scatter.add.f32 [tilespmem:s24], [sflag:$0x3], $0x80, s23, s16, $0xb8;
	[tilespmem:$0x12780] =	vst v63  }
0x98: {  	_ =	swait.ge [sflag:s14], $0x4000  }
0x99: {  	[sflag:s14] =	ssyncset.done $0x0  }
0x9a: {  	[sflag:s14] =	ssyncadd.s32 $0xFFFFC000  }
.LBB2_9:
0x9b: {  	_ =	sfence.sel $0x180000  }
0x9c: {  	[bflag:$0x0] =	sbarrier.arrive $0xFFFF  }
0x9d: {  	_ =	strace $0x9000004D  }
0x9e: {  	s0 =	stileid.u32;
	[bflag:$0x2] =	sbarrier.arrive $0xFFFF  }
0x9f: {  	p0 =	sne.s32 s0, $0x0;
	s0 =	rddreg [dreg:$0x3]  }
0xa0: {  	s0 =	sadd.s32 @!p0 $0x100000, s0  }
0xa1: {  	[sflag:s0] =	ssyncadd.tile.s32 @!p0 $0x1;
	_ =	shalt  }
.Lfunc_end2:
_tile_overlayer_lowered:
.L_overlay_start_2:
0xa2: {  	(tag) =	ssettag $0x2  }
0xa3: {  	s0 =	rddreg [dreg:$0x0];
	s2 =	stileid.u32  }
0xa4: {  	s1 =	rddreg [dreg:$0x1];
	p0 =	sne.s32 s2, $0x0  }
0xa5: {  	s3 =	rddreg [dreg:$0x2];
	[bflag:$0x3] =	sbarrier.arrive $0xFFFF;
	s2 =	simm.s32 @!p0 $0x1C03  }
0xa6: {  	[timem:s3], [sflag:s2] =	dma.local @!p0 [hbm:s0], s1  }
0xa7: {  	s0 =	simm.s32 @!p0 $0x3  }
0xa8: {  	_ =	swait.ge @!p0 [sflag:s0], s1  }
0xa9: {  	s1 =	ssub.s32 @!p0 $0x0, s1;
	[sflag:s0] =	ssyncset.done @!p0 $0x0  }
0xaa: {  	[sflag:s0] =	ssyncadd.s32 @!p0 s1  }
0xab: {  	[bflag:$0x3] =	sbarrier.arrive $0xFFFF  }
0xac: {  	_ =	shalt  }

// kernel: kernel.24.cloned.1.call-start
scs
__scs_entry_jumppad:
0x0: {  	(pc) =	sbr.rel $0x88, $3  }
0x1: {  	(tag) =	ssettag $0x0;
	lr =	simm.s32 $0x1  }
0x2: {  	[smem:$0x3F8B] =	sst lr;
	_ =	strace $0xD0000000  }
0x3: {  	_ = 	snop  }
0x4: {  	_ = 	snop  }
0x5: {  	_ = 	snop  }
0x6: {  	_ = 	snop  }
0x7: {  	_ = 	snop  }
__scs_overlays_trampoline_lowered:
0x8: {  	[smem:$0x3F9A] =	sst s0  }
0x9: {  	[smem:$0x3F9B] =	sst s1  }
0xa: {  	[smem:$0x3F9C] =	sst s2  }
0xb: {  	[smem:$0x3F9D] =	sst s3  }
0xc: {  	[smem:$0x3F9E] =	sst s4  }
0xd: {  	[smem:$0x3F9F] =	sst s5  }
0xe: {  	[smem:$0x3FA0] =	sst s6  }
0xf: {  	[smem:$0x3FA1] =	sst s7  }
0x10: {  	[smem:$0x3FA2] =	sst s8  }
0x11: {  	[smem:$0x3FA3] =	sst s9;
	s0 =	simm.s32 @!p0 $0x0  }
0x12: {  	s1 =	sld [smem:$0x3F89];
	s0 =	simm.s32 @p0 $0x1  }
0x13: {  	[smem:$0x3FA4] =	sst s0;
	s0 =	simm.s32 @!p1 $0x0  }
0x14: {  	s2 =	sld [smem:$0x3F88];
	s0 =	simm.s32 @p1 $0x1  }
0x15: {  	[smem:$0x3FA5] =	sst s0;
	s0 =	simm.s32 @!p2 $0x0  }
0x16: {  	s3 =	sld [smem:$0x3FDB];
	s0 =	simm.s32 @p2 $0x1  }
0x17: {  	s4 =	simm.s32 $0x1BF5;
	[smem:$0x3FA7] =	sst s0  }
0x18: {  	s0 =	sld [smem:$0x3F8A];
	_ =	swait.ge [sflag:s4], $0x0  }
0x19: {  	s7 =	sld [smem:$0x3F8B]  }
0x1a: {  	s8 =	sadd.s32 $0xFFFFE003, lr  }
0x1b: {  	s9 =	sadd.s32 $0xFFFFFEF7, lr;
	s5 =	simm.s32 $0xFFFFFFFF;
	p2 =	slt.u32 s8, $0xFFFFF086  }
0x1c: {  	p1 =	slt.u32 s9, $0xF7A;
	s5 =	simm.s32 @!p2 $0x0  }
0x1d: {  	s5 =	simm.s32 @p1 $0x1;
	p0 =	seq.s32 s7, s2  }
0x1e: {  	s7 =	smul.u32 @!p0 $0xF7A, s2;
	p2 =	seq.s32 @!p0 s5, $0x0  }
0x1f: {  	s9 =	smul.u32 $0xF7A, s1;
	s8 =	simm.s32 @!p0 $0x1BF5;
	p2 =	por !p2, p0  }
0x20: {  	[sflag:s8] =	ssyncset.s32 @!p0 $0xFFFFF086;
	s6 =	sadd.s32 @!p0 s3, s7;
	s7 =	simm.s32 @!p0 $0x108  }
0x21: {  	s3 =	sadd.s32 s3, s9;
	s6 =	sadd.s32 @!p0 $0x88, s6;
	s7 =	simm.s32 @p2 $0x1082  }
0x22: {  	[simem:s7], [sflag:s8] =	dma.local @!p0 [hbm:s6], $0xF7A  }
0x23: {  	s9 =	sor.u32 $0xD0000000, s2;
	s6 =	simm.s32 $0x108;
	_ =	swait.ge @!p0 [sflag:s8], $0x0  }
0x24: {  	s3 =	sadd.s32 $0x88, s3;
	s6 =	simm.s32 @!p1 $0x1082;
	[sflag:s4] =	ssyncset.s32 $0xFFFFF086  }
0x25: {  	[simem:s6], [sflag:s4] =	dma.local [hbm:s3], $0xF7A  }
0x26: {  	[smem:$0x3F8B] =	sst s1;
	(tag) =	ssettag s2;
	_ =	strace s9  }
0x27: {  	s1 =	sld [smem:$0x3F9B]  }
0x28: {  	s2 =	sld [smem:$0x3F9C]  }
0x29: {  	s4 =	sld [smem:$0x3F9E]  }
0x2a: {  	p0 =	seq.s32 s5, $0x0;
	s5 =	sld [smem:$0x3F9F]  }
0x2b: {  	s6 =	sld [smem:$0x3FA0]  }
0x2c: {  	s7 =	sld [smem:$0x3FA1]  }
0x2d: {  	s3 =	simm.s32 $0x108;
	s8 =	sld [smem:$0x3FA2]  }
0x2e: {  	s3 =	simm.s32 @!p0 $0x1082;
	s9 =	sld [smem:$0x3FA3]  }
0x2f: {  	lr =	sadd.s32 s0, s3;
	s0 =	sld [smem:$0x3F9A]  }
0x30: {  	s3 =	sld [smem:$0x3F9D]  }
0x31: {  	[smem:$0x3FA6] =	sst s10  }
0x32: {  	s10 =	sld [smem:$0x3FA4];
	_ =	sdelay $0x3  }
0x33: {  	p0 =	seq.s32 s10, $0x1;
	s10 =	sld [smem:$0x3FA6];
	_ =	sdelay $0x3  }
0x34: {  	[smem:$0x3FA6] =	sst s10  }
0x35: {  	s10 =	sld [smem:$0x3FA5];
	_ =	sdelay $0x3  }
0x36: {  	p1 =	seq.s32 s10, $0x1;
	s10 =	sld [smem:$0x3FA6];
	_ =	sdelay $0x3  }
0x37: {  	[smem:$0x3FA6] =	sst s10  }
0x38: {  	s10 =	sld [smem:$0x3FA7]  }
0x39: {  	_ = 	snop;
	(pc) =	sbr.ind lr, $3  }
0x3a: {  	_ = 	snop  }
0x3b: {  	_ = 	snop  }
0x3c: {  	p2 =	seq.s32 s10, $0x1;
	s10 =	sld [smem:$0x3FA6]  }
0x3d: {  	_ =	shalt  }
0x3e: {  	_ =	shalt  }
0x3f: {  	_ =	shalt  }
0x40: {  	_ =	shalt  }
0x41: {  	_ =	shalt  }
0x42: {  	_ =	shalt  }
0x43: {  	_ =	shalt  }
0x44: {  	_ =	shalt  }
0x45: {  	_ =	shalt  }
0x46: {  	_ =	shalt  }
0x47: {  	_ =	shalt  }
0x48: {  	_ =	shalt  }
0x49: {  	_ =	shalt  }
0x4a: {  	_ =	shalt  }
0x4b: {  	_ =	shalt  }
0x4c: {  	_ =	shalt  }
0x4d: {  	_ =	shalt  }
0x4e: {  	_ =	shalt  }
0x4f: {  	_ =	shalt  }
0x50: {  	_ =	shalt  }
0x51: {  	_ =	shalt  }
0x52: {  	_ =	shalt  }
0x53: {  	_ =	shalt  }
0x54: {  	_ =	shalt  }
0x55: {  	_ =	shalt  }
0x56: {  	_ =	shalt  }
0x57: {  	_ =	shalt  }
0x58: {  	_ =	shalt  }
0x59: {  	_ =	shalt  }
0x5a: {  	_ =	shalt  }
0x5b: {  	_ =	shalt  }
0x5c: {  	_ =	shalt  }
0x5d: {  	_ =	shalt  }
0x5e: {  	_ =	shalt  }
0x5f: {  	_ =	shalt  }
0x60: {  	_ =	shalt  }
0x61: {  	_ =	shalt  }
0x62: {  	_ =	shalt  }
0x63: {  	_ =	shalt  }
0x64: {  	_ =	shalt  }
0x65: {  	_ =	shalt  }
0x66: {  	_ =	shalt  }
0x67: {  	_ =	shalt  }
0x68: {  	_ =	shalt  }
0x69: {  	_ =	shalt  }
0x6a: {  	_ =	shalt  }
0x6b: {  	_ =	shalt  }
0x6c: {  	_ =	shalt  }
0x6d: {  	_ =	shalt  }
0x6e: {  	_ =	shalt  }
0x6f: {  	_ =	shalt  }
0x70: {  	_ =	shalt  }
0x71: {  	_ =	shalt  }
0x72: {  	_ =	shalt  }
0x73: {  	_ =	shalt  }
0x74: {  	_ =	shalt  }
0x75: {  	_ =	shalt  }
0x76: {  	_ =	shalt  }
0x77: {  	_ =	shalt  }
0x78: {  	_ =	shalt  }
0x79: {  	_ =	shalt  }
0x7a: {  	_ =	shalt  }
0x7b: {  	_ =	shalt  }
0x7c: {  	_ =	shalt  }
0x7d: {  	_ =	shalt  }
0x7e: {  	_ =	shalt  }
0x7f: {  	_ =	shalt  }
0x80: {  	_ =	shalt  }
0x81: {  	_ =	shalt  }
0x82: {  	_ =	shalt  }
0x83: {  	_ =	shalt  }
0x84: {  	_ =	shalt  }
0x85: {  	_ =	shalt  }
0x86: {  	_ =	shalt  }
0x87: {  	_ =	shalt  }
.Lfunc_end0:
.L_simem_size_0:
called_computation.3_lowered:
.L_overlay_start_0:
0x88: {  	s2 =	sld [smem:$0x3FD9]  }
0x89: {  	s3 =	sld [smem:$0x3FFE];
	_ =	sdelay $0x1  }
0x8a: {  	s1 =	srdreg.scid  }
0x8b: {  	s0 =	sand.u32 $0x1, s1  }
0x8c: {  	s17 =	sshll.u32 s0, $0xA;
	s2 =	sadd.s32 s3, s2  }
0x8d: {  	s2 =	sadd.s32 s2, s17  }
0x8e: {  	[smem:$0x3FB2] =	sst s2  }
0x8f: {  	_ = 	snop  }
0x90: {  	s2 =	sld [smem:$0x3FD0];
	(tm) =	ssettm $0x1  }
0x91: {  	s18 =	sld [smem:$0x3FFB];
	_ =	sdelay $0x3  }
0x92: {  	_ =	strace s18  }
0x93: {  	s3 =	sld [smem:$0x3FFC];
	_ =	sdelay $0x3  }
0x94: {  	_ =	strace s3  }
0x95: {  	s3 =	sld [smem:$0x3FFD];
	_ =	sdelay $0x3  }
0x96: {  	_ =	strace s3  }
0x97: {  	_ =	strace $0x8FFFFFFF  }
0x98: {  	s19 =	sld [smem:$0x3FDB];
	_ =	sdelay $0x1  }
0x99: {  	s4 =	simm.s32 $_scs_section_size  }
0x9a: {  	s5 =	simm.s32 $_size__tile_overlayer_lowered;
	s6 =	simm.s32 $_tile_overlayer_lowered  }
0x9b: {  	s22 =	simm.s32 $0x1BFF;
	s21 =	sshll.u32 s6, $0x1;
	s3 =	sadd.s32 s4, s19  }
0x9c: {  	s7 =	simm.s32 $0x0;
	s20 =	sshll.u32 s5, $0x1;
	s5 =	sadd.s32 s21, s3  }
0x9d: {  	[timem:s7], [sflag:s22] =	dma.local [hbm:s5], s20  }
0x9e: {  	_ =	swait.ge [sflag:s22], s20  }
0x9f: {  	s4 =	ssub.s32 $0x0, s20;
	[sflag:s22] =	ssyncset.done $0x0  }
0xa0: {  	[sflag:s22] =	ssyncadd.s32 s4;
	_ =	sdelay $0x1  }
0xa1: {  	s23 =	simm.s32 $0x1B8B  }
0xa2: {  	_ =	swait.ge [sflag:s23], $0x1  }
0xa3: {  	[sflag:s23] =	ssyncset.done $0x0  }
0xa4: {  	s25 =	simm.s32 $0x1B8E;
	s24 =	sld [smem:$0x3FFE];
	[sflag:s23] =	ssyncadd.s32 $0xFFFFFFFF  }
0xa5: {  	s26 =	simm.s32 $execute0_lowered;
	[smem:$0x3FD2] =	sst s25  }
0xa6: {  	s5 =	sshll.u32 s26, $0x1;
	_ =	strace $0x8000004F;
	[dreg:$0x1] =	wrdreg $0xFFFFFFFF  }
0xa7: {  	s28 =	simm.s32 $_size_execute0_lowered;
	s3 =	sadd.s32 s3, s5;
	[dreg:$0x0] =	wrdreg $0x0  }
0xa8: {  	s5 =	sshll.u32 s28, $0x1;
	[dreg:$0x2] =	wrdreg s3  }
0xa9: {  	[dreg:$0x3] =	wrdreg s5  }
0xaa: {  	[dreg:$0x4] =	wrdreg $0xC0  }
0xab: {  	_ =	task [dreg:s7], $0x5FFFF  }
0xac: {  	[dreg:$0x1] =	wrdreg $0xFFFFFFFF  }
0xad: {  	[dreg:$0x0] =	wrdreg $0x60  }
0xae: {  	[dreg:$0x2] =	wrdreg s24  }
0xaf: {  	[dreg:$0x3] =	wrdreg s2  }
0xb0: {  	[dreg:$0x4] =	wrdreg $0x83800  }
0xb1: {  	[dreg:$0x5] =	wrdreg $0x9  }
0xb2: {  	_ =	task.clear_ibuf [dreg:s7], $0x6FFFF;
	_ =	strace $0x9000004F  }
0xb3: {  	s29 =	simm.s32 $0x9;
	_ =	strace $0x80000051  }
0xb4: {  	_ =	swait.ge [sflag:s29], $0x1  }
0xb5: {  	[sflag:s29] =	ssyncadd.s32 $0xFFFFFFFF  }
0xb6: {  	_ =	strace $0x90000051  }
0xb7: {  	_ =	sfence  }
0xb8: {  	s30 =	sld [smem:$0x0];
	_ =	sdelay $0x2  }
0xb9: {  	s31 =	sshll.u32 s1, $0xD;
	s1 =	sshrl.u32 s1, $0x2  }
0xba: {  	s3 =	sand.u32 $0x4000, s31;
	s1 =	sadd.s32 s1, s30  }
0xbb: {  	s0 =	sor.u32 s3, s0;
	s1 =	sshll.u32 s1, $0x11  }
0xbc: {  	s0 =	sor.u32 s1, s0  }
0xbd: {  	s0 =	sadd.s32 $0x8F2B, s0  }
0xbe: {  	[sflag:s0] =	ssyncadd.remote.s32 $0x1  }
0xbf: {  	_ =	sfence.sel $0xFFFF  }
0xc0: {  	[dreg:$0x0] =	wrdreg $0xFFFFFFFF;
	(pc) =	sbr.abs _section_cstart, $3  }
0xc1: {  	[dreg:$0x1] =	wrdreg $0xFFFFFFFF  }
0xc2: {  	_ =	task.clear_ibuf [dreg:s7], $0x2FFFF;
	_ =	strace $0x9FFFFFFF  }
0xc3: {  	(tm) =	ssettm $0x7FFFFFFF  }
tec
execute0_lowered:
.L_overlay_start_1:
0x0: {  	(tag) =	ssettag $0x1  }
0x1: {  	s0 =	rddreg [dreg:$0x0]  }
0x2: {  	s1 =	rddreg [dreg:$0x1]  }
0x3: {  	s3 =	srdreg.scid;
	s2 =	rddreg [dreg:$0x2]  }
0x4: {  	s15 =	stileid.u32;
	s16 =	simm.s32 $0x80;
	s18 =	simm.s32 $0x300  }
0x5: {  	s19 =	simm.s32 $0x1;
	s20 =	simm.s32 $0x200;
	s6 =	smul.u32 $0xA000, s15  }
0x6: {  	s21 =	simm.s32 $0x4;
	s8 =	sand.u32 $0x1, s3;
	s11 =	smul.u32 $0x29000, s15  }
0x7: {  	s3 =	simm.s32 $0x0;
	s4 =	sadd.s32 $0x153C00, s0;
	s26 =	smul.u32 $0x28000, s15  }
0x8: {  	s25 =	sshll.u32 s15, $0x6;
	s5 =	smul.u32 $0xA0000, s8;
	[smem:$0x7FF] =	sst s3  }
0x9: {  	s9 =	ssub.s32 $0x2, s8;
	s10 =	sshll.u32 s8, $0x4;
	s14 =	smul.u32 $0x500000, s8  }
0xa: {  	_ =	strace $0x80000050;
	s22 =	sshrl.u32 s9, $0x1;
	s10 =	sor.u32 s15, s10  }
0xb: {  	s23 =	sshrl.u32 s11, $0x2;
	s15 =	smul.u32 $0x50000, s15;
	s29 =	sshrl.u32 s26, $0x2  }
0xc: {  	s26 =	simm.s32 $0x0;
	s7 =	sadd.s32 s6, s5;
	s5 =	sadd.s32 $0x13C00, s0  }
0xd: {  	s6 =	sadd.s32 $0x5800, s0;
	s12 =	ssub.s32 s9, s22;
	s24 =	smul.u32 $0x50000, s10  }
0xe: {  	s13 =	sadd.s32 s23, s2;
	s10 =	sshll.u32 s10, $0x1;
	s30 =	sadd.s32 s29, s2  }
0xf: {  	s22 =	simm.s32 $0x2;
	s23 =	simm.s32 $0x280;
	s7 =	sshrl.u32 s7, $0x3  }
.Ltmp0:
0x10: {  	s8 =	sadd.s32 s1, s10;
	s11 =	smax.u32 s12, $0x1;
	(pc) =	sbr.rel .LBB2_1-.Ltmp0, $4  }
0x11: {  	s31 =	sadd.s32 s15, s14;
	s13 =	sshrl.u32 s13, $0x3;
	s14 =	simm.s32 $0x3  }
0x12: {  	s0 =	sadd.s32 s7, s0;
	s7 =	sor.u32 $0x1C03, s25;
	s28 =	sshrl.u32 s24, $0x3  }
0x13: {  	s24 =	simm.s32 $0x4300;
	s25 =	sshrl.u32 s30, $0x3;
	s1 =	sadd.s32 s5, s28  }
0x14: {  	s10 =	sadd.s32 $0x17AE00, s0;
	s0 =	sor.u32 $0x100, s31;
	[dreg:$0x4] =	wrdreg s1  }
.LBB2_8:
0x15: {  	s26 =	sadd.s32 $0x1, s26  }
0x16: {  	p0 =	sne.s32 s26, s11  }
.Ltmp1:
0x17: {  	[bflag:$0x0] =	sbarrier.arrive $0xFFFF;
	(pc) =	sbr.rel @!p0 .LBB2_9-.Ltmp1, $4  }
0x18: {  	[hbm:s10], [sflag:s7] =	dma.local [spmem:s25], $0x1400  }
0x19: {  	_ =	swait.ge [sflag:s14], $0x1400  }
0x1a: {  	[sflag:s14] =	ssyncset.done $0x0  }
0x1b: {  	[sflag:s14] =	ssyncadd.s32 $0xFFFFEC00  }
.LBB2_1:
0x1c: {  	[spmem:s13], [sflag:s7] =	dma.local [hbm:s6], $0x1480  }
0x1d: {  	_ =	swait.ge [sflag:s14], $0x1480  }
0x1e: {  	[sflag:s14] =	ssyncset.done $0x0  }
0x1f: {  	[sflag:s14] =	ssyncadd.s32 $0xFFFFEB80  }
0x20: {  	s1 =	simm.s32 $0x8300;
	[bflag:$0x0] =	sbarrier.arrive $0xFFFF  }
0x21: {  	[tilespmem:s1], [sflag:$0x3] =	stream.linear.gather [hbm4b:s8+s3], $0x10, $0x38;
	[tilespmem:$0x12780] =	vst v63  }
0x22: {  	_ =	swait.ge [sflag:s14], $0x10  }
0x23: {  	[sflag:s14] =	ssyncset.done $0x0  }
0x24: {  	[sflag:s14] =	ssyncadd.s32 $0xFFFFFFF0  }
0x25: {  	v0 =	vld [tilespmem:$0x8300];
	_ =	sdelay $0x4  }
0x26: {  	v0 =	vxor.u32 $0x80000000, v0  }
0x27: {  	(xrf0) =	vmax.scan.msk.u32 $0xffff, v0;
	_ =	sdelay $0x5  }
0x28: {  	v0, _, _ =	vpop (xrf0)  }
0x29: {  	(v2sf) =	vpush v0, $0xF;
	_ =	sdelay $0xe  }
0x2a: {  	s31 =	spop (v2sf)  }
0x2b: {  	s1 =	sadd.s32 $0x8000007F, s31  }
0x2c: {  	p0 =	slt.s32 s1, $0x80  }
.Ltmp2:
0x2d: {  	_ = 	snop;
	(pc) =	sbr.rel @p0 .LBB2_8-.Ltmp2, $1  }
0x2e: {  	_ =	sdelay $0x3  }
0x2f: {  	s9 =	rddreg [dreg:$0x4]  }
0x30: {  	[tilespmem:s3], [sflag:$0x3] =	stream.linear.gather [hbm4b:s9+s3], $0x80, $0x38;
	[tilespmem:$0x12780] =	vst v63  }
0x31: {  	_ =	swait.ge [sflag:s14], $0x80  }
0x32: {  	[sflag:s14] =	ssyncset.done $0x0  }
0x33: {  	[sflag:s14] =	ssyncadd.s32 $0xFFFFFF80  }
0x34: {  	v0 =	vld [tilespmem:$0x0];
	_ =	sdelay $0x1  }
0x35: {  	v1 =	vld [tilespmem:$0x10];
	_ =	sdelay $0x1  }
0x36: {  	v2 =	vld [tilespmem:$0x20]  }
0x37: {  	v3 =	vshra.s32 v0, $0xD  }
0x38: {  	v45 =	vld [tilespmem:$0x30];
	v0 =	vand.u32 $0x1FFF, v0;
	[tilespmem:$0x100] =	vst v3  }
0x39: {  	v46 =	vshra.s32 v1, $0xD;
	[tilespmem:$0x200] =	vst v0  }
0x3a: {  	v48 =	vld [tilespmem:$0x40];
	v47 =	vand.u32 $0x1FFF, v1;
	[tilespmem:$0x110] =	vst v46  }
0x3b: {  	v49 =	vshra.s32 v2, $0xD;
	[tilespmem:$0x210] =	vst v47  }
0x3c: {  	v51 =	vld [tilespmem:$0x50];
	v50 =	vand.u32 $0x1FFF, v2;
	[tilespmem:$0x120] =	vst v49  }
0x3d: {  	v52 =	vshra.s32 v45, $0xD;
	[tilespmem:$0x220] =	vst v50  }
0x3e: {  	v54 =	vld [tilespmem:$0x60];
	v53 =	vand.u32 $0x1FFF, v45;
	[tilespmem:$0x130] =	vst v52  }
0x3f: {  	v55 =	vshra.s32 v48, $0xD;
	[tilespmem:$0x230] =	vst v53  }
0x40: {  	v57 =	vld [tilespmem:$0x70];
	v56 =	vand.u32 $0x1FFF, v48;
	[tilespmem:$0x140] =	vst v55  }
0x41: {  	s12 =	sshra.s32 s1, $0x1F;
	v58 =	vshra.s32 v51, $0xD;
	[tilespmem:$0x240] =	vst v56  }
0x42: {  	s12 =	sshrl.u32 s12, $0x19;
	v59 =	vand.u32 $0x1FFF, v51;
	[tilespmem:$0x150] =	vst v58  }
0x43: {  	s15 =	sadd.s32 s12, s1;
	v60 =	vshra.s32 v54, $0xD;
	[tilespmem:$0x250] =	vst v59  }
.Ltmp3:
0x44: {  	s28 =	sshra.s32 s15, $0x7;
	v61 =	vand.u32 $0x1FFF, v54;
	[tilespmem:$0x160] =	vst v60;
	(pc) =	sbr.rel .LBB2_3-.Ltmp3, $4  }
0x45: {  	s1 =	sadd.s32 $0x1, s28;
	v62 =	vshra.s32 v57, $0xD;
	[tilespmem:$0x260] =	vst v61  }
0x46: {  	s17 =	simm.s32 $0x100;
	s31 =	simm.s32 $0x2;
	s1 =	sshrl.u32 s1, $0x1;
	v63 =	vand.u32 $0x1FFF, v57;
	[tilespmem:$0x170] =	vst v62  }
0x47: {  	s12 =	smov.u32 s0;
	s29 =	sadd.s32 $0xFFFFFFFF, s28;
	s30 =	smax.u32 s1, $0x1;
	[tilespmem:$0x270] =	vst v63  }
0x48: {  	[tilespmem:s18], [sflag:$0x1] =	stream.indirect.gather [hbm4b:s4+s16], $0x80, s17, s16, $0xb8;
	[tilespmem:$0x12780] =	vst v63  }
.LBB2_7:
0x49: {  	s30 =	sadd.s32 $0xFFFFFFFF, s30  }
0x4a: {  	p0 =	sne.s32 s30, $0x0  }
.Ltmp4:
0x4b: {  	_ = 	snop;
	(pc) =	sbr.rel @!p0 .LBB2_8-.Ltmp4, $2  }
0x4c: {  	_ =	sdelay $0x2  }
0x4d: {  	s12 =	sadd.s32 $0x100, s12;
	s31 =	sadd.s32 $0x2, s31  }
.LBB2_3:
0x4e: {  	s1 =	sadd.s32 $0xFFFFFFFE, s31  }
0x4f: {  	p0 =	sge.s32 s1, s28  }
.Ltmp5:
0x50: {  	_ = 	snop;
	(pc) =	sbr.rel @p0 .LBB2_5-.Ltmp5, $1  }
0x51: {  	_ =	sdelay $0x3  }
0x52: {  	s17 =	sadd.s32 $0xFFFFFFFF, s31  }
0x53: {  	_ =	swait.ge [sflag:s19], $0x4000;
	p0 =	sge.s32 s17, s28  }
0x54: {  	[sflag:s19] =	ssyncset.done $0x0;
	s17 =	sadd.s32 @!p0 $0xFFFFFF80, s12  }
0x55: {  	[sflag:s19] =	ssyncadd.s32 $0xFFFFC000;
	s17 =	sshrl.u32 @!p0 s17, $0x3  }
0x56: {  	s9 =	simm.s32 @!p0 $0x0;
	s15 =	simm.s32 @!p0 $0x80;
	s17 =	sadd.s32 @!p0 s5, s17  }
0x57: {  	[tilespmem:s15], [sflag:$0x4] =	stream.linear.gather @!p0 [hbm4b:s17+s9], $0x80, $0x38;
	[tilespmem:$0x12780] =	vst v63  }
0x58: {  	s9 =	simm.s32 @!p0 $0x4  }
0x59: {  	_ =	swait.ge @!p0 [sflag:s9], $0x80  }
0x5a: {  	[sflag:s9] =	ssyncset.done @!p0 $0x0  }
0x5b: {  	[sflag:s9] =	ssyncadd.s32 @!p0 $0xFFFFFF80  }
0x5c: {  	v0 =	vld @!p0 [tilespmem:$0x80];
	_ =	sdelay $0x1  }
0x5d: {  	v1 =	vld @!p0 [tilespmem:$0x90];
	_ =	sdelay $0x1  }
0x5e: {  	v2 =	vld @!p0 [tilespmem:$0xA0]  }
0x5f: {  	v3 =	vshra.s32 @!p0 v0, $0xD  }
0x60: {  	v0 =	vand.u32 @!p0 $0x1FFF, v0;
	[tilespmem:$0x180] =	vst @!p0 v3;
	v3 =	vld @!p0 [tilespmem:$0xB0]  }
0x61: {  	[tilespmem:$0x280] =	vst @!p0 v0;
	v0 =	vshra.s32 @!p0 v1, $0xD  }
0x62: {  	[tilespmem:$0x190] =	vst @!p0 v0;
	v0 =	vand.u32 @!p0 $0x1FFF, v1;
	v1 =	vld @!p0 [tilespmem:$0xC0]  }
0x63: {  	[tilespmem:$0x290] =	vst @!p0 v0;
	v0 =	vshra.s32 @!p0 v2, $0xD  }
0x64: {  	[tilespmem:$0x1A0] =	vst @!p0 v0;
	v0 =	vand.u32 @!p0 $0x1FFF, v2;
	v2 =	vld @!p0 [tilespmem:$0xD0]  }
0x65: {  	[tilespmem:$0x2A0] =	vst @!p0 v0;
	v0 =	vshra.s32 @!p0 v3, $0xD  }
0x66: {  	[tilespmem:$0x1B0] =	vst @!p0 v0;
	v0 =	vand.u32 @!p0 $0x1FFF, v3;
	v3 =	vld @!p0 [tilespmem:$0xE0]  }
0x67: {  	[tilespmem:$0x2B0] =	vst @!p0 v0;
	v0 =	vshra.s32 @!p0 v1, $0xD  }
0x68: {  	[tilespmem:$0x1C0] =	vst @!p0 v0;
	v0 =	vand.u32 @!p0 $0x1FFF, v1;
	v1 =	vld @!p0 [tilespmem:$0xF0]  }
0x69: {  	[tilespmem:$0x2C0] =	vst @!p0 v0;
	v0 =	vshra.s32 @!p0 v2, $0xD  }
0x6a: {  	[tilespmem:$0x1D0] =	vst @!p0 v0;
	v0 =	vand.u32 @!p0 $0x1FFF, v2  }
0x6b: {  	[tilespmem:$0x2D0] =	vst @!p0 v0;
	v0 =	vshra.s32 @!p0 v3, $0xD  }
0x6c: {  	[tilespmem:$0x1E0] =	vst @!p0 v0;
	v0 =	vand.u32 @!p0 $0x1FFF, v3  }
0x6d: {  	[tilespmem:$0x2E0] =	vst @!p0 v0;
	v0 =	vshra.s32 @!p0 v1, $0xD  }
0x6e: {  	[tilespmem:$0x1F0] =	vst @!p0 v0;
	v0 =	vand.u32 @!p0 $0x1FFF, v1  }
0x6f: {  	s17 =	simm.s32 @!p0 $0x4300;
	s9 =	simm.s32 @!p0 $0x180;
	[tilespmem:$0x2F0] =	vst @!p0 v0  }
0x70: {  	[tilespmem:s17], [sflag:$0x2] =	stream.indirect.gather @!p0 [hbm4b:s4+s15], $0x80, s9, s15, $0xb8;
	[tilespmem:$0x12780] =	vst v63  }
0x71: {  	_ = 	snop  }
0x72: {  	[spmem:s2] =	stream.indirect.scatter.add.f32 [tilespmem:s18], [sflag:$0x4], $0x80, s20, s16, $0xb8;
	[tilespmem:$0x12780] =	vst v63  }
0x73: {  	_ =	swait.ge [sflag:s21], $0x4000  }
0x74: {  	[sflag:s21] =	ssyncset.done $0x0  }
0x75: {  	[sflag:s21] =	ssyncadd.s32 $0xFFFFC000  }
.LBB2_5:
0x76: {  	p0 =	sge.s32 s1, s29  }
.Ltmp6:
0x77: {  	_ = 	snop;
	(pc) =	sbr.rel @p0 .LBB2_7-.Ltmp6, $1  }
0x78: {  	_ =	sdelay $0x3  }
0x79: {  	_ =	swait.ge [sflag:s22], $0x4000;
	p0 =	sge.s32 s31, s28  }
0x7a: {  	[sflag:s22] =	ssyncset.done $0x0;
	s1 =	sshrl.u32 @!p0 s12, $0x3  }
0x7b: {  	s9 =	simm.s32 @!p0 $0x0;
	[sflag:s22] =	ssyncadd.s32 $0xFFFFC000;
	s1 =	sadd.s32 @!p0 s5, s1  }
0x7c: {  	[tilespmem:s9], [sflag:$0x4] =	stream.linear.gather @!p0 [hbm4b:s1+s9], $0x80, $0x38;
	[tilespmem:$0x12780] =	vst v63  }
0x7d: {  	s1 =	simm.s32 @!p0 $0x4  }
0x7e: {  	_ =	swait.ge @!p0 [sflag:s1], $0x80  }
0x7f: {  	[sflag:s1] =	ssyncset.done @!p0 $0x0  }
0x80: {  	[sflag:s1] =	ssyncadd.s32 @!p0 $0xFFFFFF80  }
0x81: {  	v0 =	vld @!p0 [tilespmem:$0x0];
	_ =	sdelay $0x1  }
0x82: {  	v1 =	vld @!p0 [tilespmem:$0x10];
	_ =	sdelay $0x1  }
0x83: {  	v2 =	vld @!p0 [tilespmem:$0x20]  }
0x84: {  	v3 =	vshra.s32 @!p0 v0, $0xD  }
0x85: {  	v0 =	vand.u32 @!p0 $0x1FFF, v0;
	[tilespmem:$0x100] =	vst @!p0 v3;
	v3 =	vld @!p0 [tilespmem:$0x30]  }
0x86: {  	[tilespmem:$0x200] =	vst @!p0 v0;
	v0 =	vshra.s32 @!p0 v1, $0xD  }
0x87: {  	[tilespmem:$0x110] =	vst @!p0 v0;
	v0 =	vand.u32 @!p0 $0x1FFF, v1;
	v1 =	vld @!p0 [tilespmem:$0x40]  }
0x88: {  	[tilespmem:$0x210] =	vst @!p0 v0;
	v0 =	vshra.s32 @!p0 v2, $0xD  }
0x89: {  	[tilespmem:$0x120] =	vst @!p0 v0;
	v0 =	vand.u32 @!p0 $0x1FFF, v2;
	v2 =	vld @!p0 [tilespmem:$0x50]  }
0x8a: {  	[tilespmem:$0x220] =	vst @!p0 v0;
	v0 =	vshra.s32 @!p0 v3, $0xD  }
0x8b: {  	[tilespmem:$0x130] =	vst @!p0 v0;
	v0 =	vand.u32 @!p0 $0x1FFF, v3;
	v3 =	vld @!p0 [tilespmem:$0x60]  }
0x8c: {  	[tilespmem:$0x230] =	vst @!p0 v0;
	v0 =	vshra.s32 @!p0 v1, $0xD  }
0x8d: {  	[tilespmem:$0x140] =	vst @!p0 v0;
	v0 =	vand.u32 @!p0 $0x1FFF, v1;
	v1 =	vld @!p0 [tilespmem:$0x70]  }
0x8e: {  	[tilespmem:$0x240] =	vst @!p0 v0;
	v0 =	vshra.s32 @!p0 v2, $0xD  }
0x8f: {  	[tilespmem:$0x150] =	vst @!p0 v0;
	v0 =	vand.u32 @!p0 $0x1FFF, v2  }
0x90: {  	[tilespmem:$0x250] =	vst @!p0 v0;
	v0 =	vshra.s32 @!p0 v3, $0xD  }
0x91: {  	[tilespmem:$0x160] =	vst @!p0 v0;
	v0 =	vand.u32 @!p0 $0x1FFF, v3  }
0x92: {  	[tilespmem:$0x260] =	vst @!p0 v0;
	v0 =	vshra.s32 @!p0 v1, $0xD  }
0x93: {  	[tilespmem:$0x170] =	vst @!p0 v0;
	v0 =	vand.u32 @!p0 $0x1FFF, v1  }
0x94: {  	s15 =	simm.s32 @!p0 $0x300;
	s9 =	simm.s32 @!p0 $0x100;
	s1 =	simm.s32 @!p0 $0x80;
	[tilespmem:$0x270] =	vst @!p0 v0  }
0x95: {  	[tilespmem:s15], [sflag:$0x1] =	stream.indirect.gather @!p0 [hbm4b:s4+s1], $0x80, s9, s1, $0xb8;
	[tilespmem:$0x12780] =	vst v63  }
.Ltmp7:
0x96: {  	_ = 	snop;
	(pc) =	sbr.rel .LBB2_7-.Ltmp7, $4  }
0x97: {  	[spmem:s2] =	stream.indirect.scatter.add.f32 [tilespmem:s24], [sflag:$0x3], $0x80, s23, s16, $0xb8;
	[tilespmem:$0x12780] =	vst v63  }
0x98: {  	_ =	swait.ge [sflag:s14], $0x4000  }
0x99: {  	[sflag:s14] =	ssyncset.done $0x0  }
0x9a: {  	[sflag:s14] =	ssyncadd.s32 $0xFFFFC000  }
.LBB2_9:
0x9b: {  	_ =	sfence.sel $0x180000  }
0x9c: {  	[bflag:$0x0] =	sbarrier.arrive $0xFFFF  }
0x9d: {  	_ =	strace $0x90000050  }
0x9e: {  	s0 =	stileid.u32;
	[bflag:$0x2] =	sbarrier.arrive $0xFFFF  }
0x9f: {  	p0 =	sne.s32 s0, $0x0;
	s0 =	rddreg [dreg:$0x3]  }
0xa0: {  	s0 =	sadd.s32 @!p0 $0x100000, s0  }
0xa1: {  	[sflag:s0] =	ssyncadd.tile.s32 @!p0 $0x1;
	_ =	shalt  }
.Lfunc_end2:
_tile_overlayer_lowered:
.L_overlay_start_2:
0xa2: {  	(tag) =	ssettag $0x2  }
0xa3: {  	s0 =	rddreg [dreg:$0x0];
	s2 =	stileid.u32  }
0xa4: {  	s1 =	rddreg [dreg:$0x1];
	p0 =	sne.s32 s2, $0x0  }
0xa5: {  	s3 =	rddreg [dreg:$0x2];
	[bflag:$0x3] =	sbarrier.arrive $0xFFFF;
	s2 =	simm.s32 @!p0 $0x1C03  }
0xa6: {  	[timem:s3], [sflag:s2] =	dma.local @!p0 [hbm:s0], s1  }
0xa7: {  	s0 =	simm.s32 @!p0 $0x3  }
0xa8: {  	_ =	swait.ge @!p0 [sflag:s0], s1  }
0xa9: {  	s1 =	ssub.s32 @!p0 $0x0, s1;
	[sflag:s0] =	ssyncset.done @!p0 $0x0  }
0xaa: {  	[sflag:s0] =	ssyncadd.s32 @!p0 s1  }
0xab: {  	[bflag:$0x3] =	sbarrier.arrive $0xFFFF  }
0xac: {  	_ =	shalt  }

</sc_bundles>
